<compile_context>
chip_gen: v7x
topology: tpu7x:2x2x1
jax: 0.10.2.dev20260603
libtpu: 0.0.44.dev20260713+nightly
codegen_flags: <defaults>
</compile_context>

<pallas_src>
import functools

import jax
import jax.numpy as jnp
from jax import lax
from jax.experimental import pallas as pl
from jax.experimental.pallas import tpu as pltpu
from jax.experimental.pallas import tpu_sc as plsc

_K = 16
_QT = 256
_C = 8192
_NS = _C // 128
_CW = _NS * _K

_NEG = float("-inf")
_IMAX = jnp.iinfo(jnp.int32).max


_FBIG = float(2.0**30)


def _extract_topk(vals, keyf, nk):
    out_v, out_i = [], []
    for _ in range(nk):
        m = jnp.max(vals, axis=1, keepdims=True)
        am = jnp.min(jnp.where(vals == m, keyf, _FBIG), axis=1, keepdims=True)
        out_v.append(m)
        out_i.append(am)
        vals = jnp.where(keyf == am, _NEG, vals)
    return jnp.concatenate(out_v, axis=1), jnp.concatenate(out_i, axis=1)


def _fold_best(vals, idx, nslices):
    bm = vals[:, 0:128]
    bi = idx[:, 0:128]
    for s in range(1, nslices):
        v = vals[:, s * 128:(s + 1) * 128]
        gi = idx[:, s * 128:(s + 1) * 128]
        upd = v > bm
        bm = jnp.where(upd, v, bm)
        bi = jnp.where(upd, gi, bi)
    return bm, bi


def _topk_body(n_valid, x_ref, mem_ref, out_ref, vals_s, idx_s):
    j = pl.program_id(1)

    @pl.when(j == 0)
    def _init():
        vals_s[...] = jnp.full(vals_s.shape, _NEG, vals_s.dtype)
        idx_s[...] = jnp.full(idx_s.shape, _IMAX, idx_s.dtype)

    sims = lax.dot_general(x_ref[...], mem_ref[...],
                           (((1,), (1,)), ((), ())),
                           preferred_element_type=jnp.float32)
    lcol = lax.broadcasted_iota(jnp.int32, sims.shape, 1)
    sims = jnp.where(j * _C + lcol < n_valid, sims, _NEG)

    lcolf = lcol.astype(jnp.float32)
    bm, bi = _fold_best(sims, lcolf, _NS)
    _, b1 = _extract_topk(bm, bi, _K)
    lane1 = b1.astype(jnp.int32) & 127
    cvs = []
    for s in range(_NS):
        sl = slice(s * 128, (s + 1) * 128)
        cvs.append(jnp.take_along_axis(sims[:, sl], lane1, axis=1))
    cand_v = jnp.concatenate(cvs, axis=1)
    ccol = lax.broadcasted_iota(jnp.int32, cand_v.shape, 1)
    cand_loc = ((ccol >> 4) << 7) + jnp.tile(lane1, (1, _NS))
    cand_i = j * _C + cand_loc

    fv = jnp.concatenate([vals_s[...], cand_v], axis=1)
    fkey = jnp.concatenate(
        [idx_s[...].astype(jnp.float32), cand_i.astype(jnp.float32)], axis=1)
    nv, nif = _extract_topk(fv, fkey, _K)
    ni = nif.astype(jnp.int32)
    vals_s[...] = nv
    idx_s[...] = ni

    @pl.when(j == pl.num_programs(1) - 1)
    def _emit():
        out_ref[...] = ni


def _topk_indices(x, mem_pad, n_valid):
    q, d = x.shape
    npad = mem_pad.shape[0]
    return pl.pallas_call(
        functools.partial(_topk_body, n_valid),
        grid=(q // _QT, npad // _C),
        in_specs=[pl.BlockSpec((_QT, d), lambda qi, j: (qi, 0)),
                  pl.BlockSpec((_C, d), lambda qi, j: (j, 0))],
        out_specs=pl.BlockSpec((_QT, _K), lambda qi, j: (qi, 0)),
        out_shape=jax.ShapeDtypeStruct((q, _K), jnp.int32),
        scratch_shapes=[pltpu.VMEM((_QT, _K), jnp.float32),
                        pltpu.VMEM((_QT, _K), jnp.int32)],
        compiler_params=pltpu.CompilerParams(
            dimension_semantics=("parallel", "arbitrary")),
    )(x, mem_pad)


def _gather_sum(mem_flat, eidx, d):
    info = plsc.get_sparse_core_info()
    nw = info.num_cores * info.num_subcores
    b = eidx.shape[0]
    epw = b // nw
    qpw = epw // (_K * d)
    mesh = plsc.VectorSubcoreMesh(core_axis_name="c", subcore_axis_name="s")

    @functools.partial(
        pl.kernel, mesh=mesh,
        out_type=jax.ShapeDtypeStruct((b // (_K * d), d), jnp.float32),
        scratch_types=[pltpu.VMEM((epw,), jnp.int32),
                       pltpu.VMEM((epw,), jnp.float32),
                       pltpu.VMEM((qpw, d), jnp.float32),
                       pltpu.SemaphoreType.DMA],
    )
    def gather_kernel(mem_hbm, eidx_hbm, out_hbm, eidx_v, vals_v, acc_v, sem):
        wid = lax.axis_index("s") * info.num_cores + lax.axis_index("c")
        pltpu.sync_copy(eidx_hbm.at[pl.ds(wid * epw, epw)], eidx_v)
        pltpu.async_copy(mem_hbm.at[eidx_v], vals_v, sem).wait()
        for qq in range(qpw):
            q0 = qq * _K * d
            acc = vals_v[pl.ds(q0, d)]
            for jj in range(1, _K):
                acc = acc + vals_v[pl.ds(q0 + jj * d, d)]
            acc_v[qq] = acc
        pltpu.sync_copy(acc_v, out_hbm.at[pl.ds(wid * qpw, qpw)])

    return gather_kernel(mem_flat, eidx)


def kernel(x, memory, k):
    n, d = memory.shape
    npad = ((n + _C - 1) // _C) * _C
    mem_pad = jnp.pad(memory, ((0, npad - n), (0, 0)))
    idx = _topk_indices(x, mem_pad, n)
    eidx = (idx[:, :, None] * d + jnp.arange(d, dtype=jnp.int32)).reshape(-1)
    sums = _gather_sum(memory.reshape(-1), eidx, d)
    return sums / k

# --- scband reference (transcript-rebuilt; emitter-appended) ---
"""Pipeline reference for scband-episodic-memory-18769007083993 (READ-ONLY COPY).

The authoritative reference and input builder live on the scoring server;
editing this copy changes nothing except your own understanding.
"""

import jax, jax.numpy as jnp
import numpy as np


def setup_inputs(seed: int = 0) -> dict:
    key = jax.random.key(seed)
    k1, k2 = jax.random.split(key)
    x = jax.random.normal(k1, (1024, 16), dtype=jnp.float32)
    # Learned/stored buffer: episodic memory table, assume fully populated (ptr == capacity)
    memory = jax.random.normal(k2, (100000, 16), dtype=jnp.float32)
    return {"x": x, "memory": memory, "k": 16}


def reference(x, memory, k):
    # valid_mem = memory[:ptr] with ptr == capacity -> all rows valid
    sim = jnp.matmul(x, memory.T)  # [Q, K]
    _, idx = jax.lax.top_k(sim, 16)  # [Q, k]
    retrieved = jnp.take(memory, idx, axis=0)  # [Q, k, dim]
    return retrieved.sum(axis=1) / k  # [Q, dim]

if __name__ == "__main__":
    import jax
    _d = setup_inputs()
    print(jax.jit(kernel)(*tuple(_d.values())))

</pallas_src>

<mosaic_0001>
#map = affine_map<(d0, d1) -> (0)>
#map1 = affine_map<(d0, d1) -> (0, 0)>
module attributes {stable_mosaic.version = 14 : i64} {
  func.func @gather_kernel(%arg0: i32, %arg1: i32, %arg2: memref<1600000xf32, #tpu.memory_space<hbm>>, %arg3: memref<262144xi32, #tpu.memory_space<hbm>>, %arg4: memref<1024x16xf32, #tpu.memory_space<hbm>>, %arg5: memref<8192xi32, #tpu.memory_space<vmem>>, %arg6: memref<8192xf32, #tpu.memory_space<vmem>>, %arg7: memref<32x16xf32, #tpu.memory_space<vmem>>, %arg8: memref<!tpu.dma_semaphore, #tpu.memory_space<semaphore_mem>>) attributes {dimension_semantics = [#tpu.dimension_semantics<core_parallel>, #tpu.dimension_semantics<subcore_parallel>], iteration_bounds = array<i64: 2, 16>, scalar_prefetch = 0 : i64, scratch_operands = 4 : i64, tpu.core_type = #tpu.core_type<sc_vector_subcore>, window_params = [{transform_indices = #map}, {transform_indices = #map}, {transform_indices = #map1}]} {
    %mul3A = arith.constant 2 : i32
    %mul3A_0 = arith.muli %arg1, %mul3A : i32
    %add3A = arith.addi %mul3A_0, %arg0 : i32
    %mul3A_1 = arith.constant 8192 : i32
    %mul3A_2 = arith.muli %add3A, %mul3A_1 : i32
    "tpu.region"() ({
      %run_scoped3A = tpu.sem_alloc : memref<!tpu.dma_semaphore, #tpu.memory_space<semaphore_mem>>
      %dma_start3A_2213 = tpu.memref_slice %arg3[%mul3A_2] : memref<262144xi32, #tpu.memory_space<hbm>> -> memref<8192xi32, #tpu.memory_space<hbm>>
      %dma_start3A_2214 = tpu.memref_slice %arg3[%mul3A_2] : memref<262144xi32, #tpu.memory_space<hbm>> -> memref<8192xi32, #tpu.memory_space<hbm>>
      tpu.enqueue_dma source(%dma_start3A_2214 : memref<8192xi32, #tpu.memory_space<hbm>>) target(%arg5 : memref<8192xi32, #tpu.memory_space<vmem>>) target_semaphore(%run_scoped3A : memref<!tpu.dma_semaphore, #tpu.memory_space<semaphore_mem>>)
      %dma_wait3A_2215 = tpu.memref_slice %arg3[%mul3A_2] : memref<262144xi32, #tpu.memory_space<hbm>> -> memref<8192xi32, #tpu.memory_space<hbm>>
      %dma_wait3A_2216 = tpu.memref_slice %arg3[%mul3A_2] : memref<262144xi32, #tpu.memory_space<hbm>> -> memref<8192xi32, #tpu.memory_space<hbm>>
      tpu.wait_dma2 semaphore(%run_scoped3A : memref<!tpu.dma_semaphore, #tpu.memory_space<semaphore_mem>>) src(%dma_wait3A_2216 : memref<8192xi32, #tpu.memory_space<hbm>>) dst(%arg5 : memref<8192xi32, #tpu.memory_space<vmem>>)
      tpu.yield
    }) : () -> ()
    %dma_start3A = arith.constant 0 : i32
    %dma_start3A_3 = tpu.memref_slice %arg2[%dma_start3A] : memref<1600000xf32, #tpu.memory_space<hbm>> -> memref<1600000xf32, #tpu.memory_space<hbm>>
    tpu.enqueue_indirect_dma source(%dma_start3A_3 : memref<1600000xf32, #tpu.memory_space<hbm>>) target(%arg6 : memref<8192xf32, #tpu.memory_space<vmem>>) offsets(%arg5 : memref<8192xi32, #tpu.memory_space<vmem>>) semaphore(%arg8 : memref<!tpu.dma_semaphore, #tpu.memory_space<semaphore_mem>>)
    %dma_wait3A = arith.constant 0 : i32
    %dma_wait3A_4 = tpu.memref_slice %arg2[%dma_wait3A] : memref<1600000xf32, #tpu.memory_space<hbm>> -> memref<1600000xf32, #tpu.memory_space<hbm>>
    tpu.wait_indirect_dma semaphore(%arg8 : memref<!tpu.dma_semaphore, #tpu.memory_space<semaphore_mem>>) src(%dma_wait3A_4 : memref<1600000xf32, #tpu.memory_space<hbm>>) dst(%arg6 : memref<8192xf32, #tpu.memory_space<vmem>>)
    %get3A = arith.constant 0 : index
    %get3A_5 = tpu.vector_load %arg6[%get3A] {strides = array<i32>} : memref<8192xf32, #tpu.memory_space<vmem>>, vector<16xf32>,
    %get3A_6 = vector.shape_cast %get3A_5 : vector<16xf32> to vector<16xf32>
    %get3A_7 = arith.constant 16 : index
    %get3A_8 = tpu.vector_load %arg6[%get3A_7] {strides = array<i32>} : memref<8192xf32, #tpu.memory_space<vmem>>, vector<16xf32>,
    %get3A_9 = vector.shape_cast %get3A_8 : vector<16xf32> to vector<16xf32>
    %add3A_10 = arith.addf %get3A_6, %get3A_9 : vector<16xf32>
    %get3A_11 = arith.constant 32 : index
    %get3A_12 = tpu.vector_load %arg6[%get3A_11] {strides = array<i32>} : memref<8192xf32, #tpu.memory_space<vmem>>, vector<16xf32>,
    %get3A_13 = vector.shape_cast %get3A_12 : vector<16xf32> to vector<16xf32>
    %add3A_14 = arith.addf %add3A_10, %get3A_13 : vector<16xf32>
    %get3A_15 = arith.constant 48 : index
    %get3A_16 = tpu.vector_load %arg6[%get3A_15] {strides = array<i32>} : memref<8192xf32, #tpu.memory_space<vmem>>, vector<16xf32>,
    %get3A_17 = vector.shape_cast %get3A_16 : vector<16xf32> to vector<16xf32>
    %add3A_18 = arith.addf %add3A_14, %get3A_17 : vector<16xf32>
    %get3A_19 = arith.constant 64 : index
    %get3A_20 = tpu.vector_load %arg6[%get3A_19] {strides = array<i32>} : memref<8192xf32, #tpu.memory_space<vmem>>, vector<16xf32>,
    %get3A_21 = vector.shape_cast %get3A_20 : vector<16xf32> to vector<16xf32>
    %add3A_22 = arith.addf %add3A_18, %get3A_21 : vector<16xf32>
    %get3A_23 = arith.constant 80 : index
    %get3A_24 = tpu.vector_load %arg6[%get3A_23] {strides = array<i32>} : memref<8192xf32, #tpu.memory_space<vmem>>, vector<16xf32>,
    %get3A_25 = vector.shape_cast %get3A_24 : vector<16xf32> to vector<16xf32>
    %add3A_26 = arith.addf %add3A_22, %get3A_25 : vector<16xf32>
    %get3A_27 = arith.constant 96 : index
    %get3A_28 = tpu.vector_load %arg6[%get3A_27] {strides = array<i32>} : memref<8192xf32, #tpu.memory_space<vmem>>, vector<16xf32>,
    %get3A_29 = vector.shape_cast %get3A_28 : vector<16xf32> to vector<16xf32>
    %add3A_30 = arith.addf %add3A_26, %get3A_29 : vector<16xf32>
    %get3A_31 = arith.constant 112 : index
    %get3A_32 = tpu.vector_load %arg6[%get3A_31] {strides = array<i32>} : memref<8192xf32, #tpu.memory_space<vmem>>, vector<16xf32>,
    %get3A_33 = vector.shape_cast %get3A_32 : vector<16xf32> to vector<16xf32>
    %add3A_34 = arith.addf %add3A_30, %get3A_33 : vector<16xf32>
    %get3A_35 = arith.constant 128 : index
    %get3A_36 = tpu.vector_load %arg6[%get3A_35] {strides = array<i32>} : memref<8192xf32, #tpu.memory_space<vmem>>, vector<16xf32>,
    %get3A_37 = vector.shape_cast %get3A_36 : vector<16xf32> to vector<16xf32>
    %add3A_38 = arith.addf %add3A_34, %get3A_37 : vector<16xf32>
    %get3A_39 = arith.constant 144 : index
    %get3A_40 = tpu.vector_load %arg6[%get3A_39] {strides = array<i32>} : memref<8192xf32, #tpu.memory_space<vmem>>, vector<16xf32>,
    %get3A_41 = vector.shape_cast %get3A_40 : vector<16xf32> to vector<16xf32>
    %add3A_42 = arith.addf %add3A_38, %get3A_41 : vector<16xf32>
    %get3A_43 = arith.constant 160 : index
    %get3A_44 = tpu.vector_load %arg6[%get3A_43] {strides = array<i32>} : memref<8192xf32, #tpu.memory_space<vmem>>, vector<16xf32>,
    %get3A_45 = vector.shape_cast %get3A_44 : vector<16xf32> to vector<16xf32>
    %add3A_46 = arith.addf %add3A_42, %get3A_45 : vector<16xf32>
    %get3A_47 = arith.constant 176 : index
    %get3A_48 = tpu.vector_load %arg6[%get3A_47] {strides = array<i32>} : memref<8192xf32, #tpu.memory_space<vmem>>, vector<16xf32>,
    %get3A_49 = vector.shape_cast %get3A_48 : vector<16xf32> to vector<16xf32>
    %add3A_50 = arith.addf %add3A_46, %get3A_49 : vector<16xf32>
    %get3A_51 = arith.constant 192 : index
    %get3A_52 = tpu.vector_load %arg6[%get3A_51] {strides = array<i32>} : memref<8192xf32, #tpu.memory_space<vmem>>, vector<16xf32>,
    %get3A_53 = vector.shape_cast %get3A_52 : vector<16xf32> to vector<16xf32>
    %add3A_54 = arith.addf %add3A_50, %get3A_53 : vector<16xf32>
    %get3A_55 = arith.constant 208 : index
    %get3A_56 = tpu.vector_load %arg6[%get3A_55] {strides = array<i32>} : memref<8192xf32, #tpu.memory_space<vmem>>, vector<16xf32>,
    %get3A_57 = vector.shape_cast %get3A_56 : vector<16xf32> to vector<16xf32>
    %add3A_58 = arith.addf %add3A_54, %get3A_57 : vector<16xf32>
    %get3A_59 = arith.constant 224 : index
    %get3A_60 = tpu.vector_load %arg6[%get3A_59] {strides = array<i32>} : memref<8192xf32, #tpu.memory_space<vmem>>, vector<16xf32>,
    %get3A_61 = vector.shape_cast %get3A_60 : vector<16xf32> to vector<16xf32>
    %add3A_62 = arith.addf %add3A_58, %get3A_61 : vector<16xf32>
    %get3A_63 = arith.constant 240 : index
    %get3A_64 = tpu.vector_load %arg6[%get3A_63] {strides = array<i32>} : memref<8192xf32, #tpu.memory_space<vmem>>, vector<16xf32>,
    %get3A_65 = vector.shape_cast %get3A_64 : vector<16xf32> to vector<16xf32>
    %add3A_66 = arith.addf %add3A_62, %get3A_65 : vector<16xf32>
    %swap3A = arith.constant 0 : i32
    %swap3A_67 = arith.index_cast %swap3A : i32 to index
    %swap3A_68 = arith.constant 0 : index
    %swap3A_69 = tpu.vector_load %arg7[%swap3A_67, %swap3A_68] {strides = array<i32>} : memref<32x16xf32, #tpu.memory_space<vmem>>, vector<1x16xf32>,
    %swap3A_70 = vector.shape_cast %swap3A_69 : vector<1x16xf32> to vector<16xf32>
    %swap3A_71 = vector.shape_cast %add3A_66 : vector<16xf32> to vector<1x16xf32>
    tpu.vector_store %arg7[%swap3A_67, %swap3A_68], %swap3A_71 {strides = array<i32>} : memref<32x16xf32, #tpu.memory_space<vmem>>, vector<1x16xf32>,
    %get3A_72 = arith.constant 256 : index
    %get3A_73 = tpu.vector_load %arg6[%get3A_72] {strides = array<i32>} : memref<8192xf32, #tpu.memory_space<vmem>>, vector<16xf32>,
    %get3A_74 = vector.shape_cast %get3A_73 : vector<16xf32> to vector<16xf32>
    %get3A_75 = arith.constant 272 : index
    %get3A_76 = tpu.vector_load %arg6[%get3A_75] {strides = array<i32>} : memref<8192xf32, #tpu.memory_space<vmem>>, vector<16xf32>,
    %get3A_77 = vector.shape_cast %get3A_76 : vector<16xf32> to vector<16xf32>
    %add3A_78 = arith.addf %get3A_74, %get3A_77 : vector<16xf32>
    %get3A_79 = arith.constant 288 : index
    %get3A_80 = tpu.vector_load %arg6[%get3A_79] {strides = array<i32>} : memref<8192xf32, #tpu.memory_space<vmem>>, vector<16xf32>,
    %get3A_81 = vector.shape_cast %get3A_80 : vector<16xf32> to vector<16xf32>
    %add3A_82 = arith.addf %add3A_78, %get3A_81 : vector<16xf32>
    %get3A_83 = arith.constant 304 : index
    %get3A_84 = tpu.vector_load %arg6[%get3A_83] {strides = array<i32>} : memref<8192xf32, #tpu.memory_space<vmem>>, vector<16xf32>,
    %get3A_85 = vector.shape_cast %get3A_84 : vector<16xf32> to vector<16xf32>
    %add3A_86 = arith.addf %add3A_82, %get3A_85 : vector<16xf32>
    %get3A_87 = arith.constant 320 : index
    %get3A_88 = tpu.vector_load %arg6[%get3A_87] {strides = array<i32>} : memref<8192xf32, #tpu.memory_space<vmem>>, vector<16xf32>,
    %get3A_89 = vector.shape_cast %get3A_88 : vector<16xf32> to vector<16xf32>
    %add3A_90 = arith.addf %add3A_86, %get3A_89 : vector<16xf32>
    %get3A_91 = arith.constant 336 : index
    %get3A_92 = tpu.vector_load %arg6[%get3A_91] {strides = array<i32>} : memref<8192xf32, #tpu.memory_space<vmem>>, vector<16xf32>,
    %get3A_93 = vector.shape_cast %get3A_92 : vector<16xf32> to vector<16xf32>
    %add3A_94 = arith.addf %add3A_90, %get3A_93 : vector<16xf32>
    %get3A_95 = arith.constant 352 : index
    %get3A_96 = tpu.vector_load %arg6[%get3A_95] {strides = array<i32>} : memref<8192xf32, #tpu.memory_space<vmem>>, vector<16xf32>,
    %get3A_97 = vector.shape_cast %get3A_96 : vector<16xf32> to vector<16xf32>
    %add3A_98 = arith.addf %add3A_94, %get3A_97 : vector<16xf32>
    %get3A_99 = arith.constant 368 : index
    %get3A_100 = tpu.vector_load %arg6[%get3A_99] {strides = array<i32>} : memref<8192xf32, #tpu.memory_space<vmem>>, vector<16xf32>,
    %get3A_101 = vector.shape_cast %get3A_100 : vector<16xf32> to vector<16xf32>
    %add3A_102 = arith.addf %add3A_98, %get3A_101 : vector<16xf32>
    %get3A_103 = arith.constant 384 : index
    %get3A_104 = tpu.vector_load %arg6[%get3A_103] {strides = array<i32>} : memref<8192xf32, #tpu.memory_space<vmem>>, vector<16xf32>,
    %get3A_105 = vector.shape_cast %get3A_104 : vector<16xf32> to vector<16xf32>
    %add3A_106 = arith.addf %add3A_102, %get3A_105 : vector<16xf32>
    %get3A_107 = arith.constant 400 : index
    %get3A_108 = tpu.vector_load %arg6[%get3A_107] {strides = array<i32>} : memref<8192xf32, #tpu.memory_space<vmem>>, vector<16xf32>,
    %get3A_109 = vector.shape_cast %get3A_108 : vector<16xf32> to vector<16xf32>
    %add3A_110 = arith.addf %add3A_106, %get3A_109 : vector<16xf32>
    %get3A_111 = arith.constant 416 : index
    %get3A_112 = tpu.vector_load %arg6[%get3A_111] {strides = array<i32>} : memref<8192xf32, #tpu.memory_space<vmem>>, vector<16xf32>,
    %get3A_113 = vector.shape_cast %get3A_112 : vector<16xf32> to vector<16xf32>
    %add3A_114 = arith.addf %add3A_110, %get3A_113 : vector<16xf32>
    %get3A_115 = arith.constant 432 : index
    %get3A_116 = tpu.vector_load %arg6[%get3A_115] {strides = array<i32>} : memref<8192xf32, #tpu.memory_space<vmem>>, vector<16xf32>,
    %get3A_117 = vector.shape_cast %get3A_116 : vector<16xf32> to vector<16xf32>
    %add3A_118 = arith.addf %add3A_114, %get3A_117 : vector<16xf32>
    %get3A_119 = arith.constant 448 : index
    %get3A_120 = tpu.vector_load %arg6[%get3A_119] {strides = array<i32>} : memref<8192xf32, #tpu.memory_space<vmem>>, vector<16xf32>,
    %get3A_121 = vector.shape_cast %get3A_120 : vector<16xf32> to vector<16xf32>
    %add3A_122 = arith.addf %add3A_118, %get3A_121 : vector<16xf32>
    %get3A_123 = arith.constant 464 : index
    %get3A_124 = tpu.vector_load %arg6[%get3A_123] {strides = array<i32>} : memref<8192xf32, #tpu.memory_space<vmem>>, vector<16xf32>,
    %get3A_125 = vector.shape_cast %get3A_124 : vector<16xf32> to vector<16xf32>
    %add3A_126 = arith.addf %add3A_122, %get3A_125 : vector<16xf32>
    %get3A_127 = arith.constant 480 : index
    %get3A_128 = tpu.vector_load %arg6[%get3A_127] {strides = array<i32>} : memref<8192xf32, #tpu.memory_space<vmem>>, vector<16xf32>,
    %get3A_129 = vector.shape_cast %get3A_128 : vector<16xf32> to vector<16xf32>
    %add3A_130 = arith.addf %add3A_126, %get3A_129 : vector<16xf32>
    %get3A_131 = arith.constant 496 : index
    %get3A_132 = tpu.vector_load %arg6[%get3A_131] {strides = array<i32>} : memref<8192xf32, #tpu.memory_space<vmem>>, vector<16xf32>,
    %get3A_133 = vector.shape_cast %get3A_132 : vector<16xf32> to vector<16xf32>
    %add3A_134 = arith.addf %add3A_130, %get3A_133 : vector<16xf32>
    %swap3A_135 = arith.constant 1 : i32
    %swap3A_136 = arith.index_cast %swap3A_135 : i32 to index
    %swap3A_137 = arith.constant 0 : index
    %swap3A_138 = tpu.vector_load %arg7[%swap3A_136, %swap3A_137] {strides = array<i32>} : memref<32x16xf32, #tpu.memory_space<vmem>>, vector<1x16xf32>,
    %swap3A_139 = vector.shape_cast %swap3A_138 : vector<1x16xf32> to vector<16xf32>
    %swap3A_140 = vector.shape_cast %add3A_134 : vector<16xf32> to vector<1x16xf32>
    tpu.vector_store %arg7[%swap3A_136, %swap3A_137], %swap3A_140 {strides = array<i32>} : memref<32x16xf32, #tpu.memory_space<vmem>>, vector<1x16xf32>,
    %get3A_141 = arith.constant 512 : index
    %get3A_142 = tpu.vector_load %arg6[%get3A_141] {strides = array<i32>} : memref<8192xf32, #tpu.memory_space<vmem>>, vector<16xf32>,
    %get3A_143 = vector.shape_cast %get3A_142 : vector<16xf32> to vector<16xf32>
    %get3A_144 = arith.constant 528 : index
    %get3A_145 = tpu.vector_load %arg6[%get3A_144] {strides = array<i32>} : memref<8192xf32, #tpu.memory_space<vmem>>, vector<16xf32>,
    %get3A_146 = vector.shape_cast %get3A_145 : vector<16xf32> to vector<16xf32>
    %add3A_147 = arith.addf %get3A_143, %get3A_146 : vector<16xf32>
    %get3A_148 = arith.constant 544 : index
    %get3A_149 = tpu.vector_load %arg6[%get3A_148] {strides = array<i32>} : memref<8192xf32, #tpu.memory_space<vmem>>, vector<16xf32>,
    %get3A_150 = vector.shape_cast %get3A_149 : vector<16xf32> to vector<16xf32>
    %add3A_151 = arith.addf %add3A_147, %get3A_150 : vector<16xf32>
    %get3A_152 = arith.constant 560 : index
    %get3A_153 = tpu.vector_load %arg6[%get3A_152] {strides = array<i32>} : memref<8192xf32, #tpu.memory_space<vmem>>, vector<16xf32>,
    %get3A_154 = vector.shape_cast %get3A_153 : vector<16xf32> to vector<16xf32>
    %add3A_155 = arith.addf %add3A_151, %get3A_154 : vector<16xf32>
    %get3A_156 = arith.constant 576 : index
    %get3A_157 = tpu.vector_load %arg6[%get3A_156] {strides = array<i32>} : memref<8192xf32, #tpu.memory_space<vmem>>, vector<16xf32>,
    %get3A_158 = vector.shape_cast %get3A_157 : vector<16xf32> to vector<16xf32>
    %add3A_159 = arith.addf %add3A_155, %get3A_158 : vector<16xf32>
    %get3A_160 = arith.constant 592 : index
    %get3A_161 = tpu.vector_load %arg6[%get3A_160] {strides = array<i32>} : memref<8192xf32, #tpu.memory_space<vmem>>, vector<16xf32>,
    %get3A_162 = vector.shape_cast %get3A_161 : vector<16xf32> to vector<16xf32>
    %add3A_163 = arith.addf %add3A_159, %get3A_162 : vector<16xf32>
    %get3A_164 = arith.constant 608 : index
    %get3A_165 = tpu.vector_load %arg6[%get3A_164] {strides = array<i32>} : memref<8192xf32, #tpu.memory_space<vmem>>, vector<16xf32>,
    %get3A_166 = vector.shape_cast %get3A_165 : vector<16xf32> to vector<16xf32>
    %add3A_167 = arith.addf %add3A_163, %get3A_166 : vector<16xf32>
    %get3A_168 = arith.constant 624 : index
    %get3A_169 = tpu.vector_load %arg6[%get3A_168] {strides = array<i32>} : memref<8192xf32, #tpu.memory_space<vmem>>, vector<16xf32>,
    %get3A_170 = vector.shape_cast %get3A_169 : vector<16xf32> to vector<16xf32>
    %add3A_171 = arith.addf %add3A_167, %get3A_170 : vector<16xf32>
    %get3A_172 = arith.constant 640 : index
    %get3A_173 = tpu.vector_load %arg6[%get3A_172] {strides = array<i32>} : memref<8192xf32, #tpu.memory_space<vmem>>, vector<16xf32>,
    %get3A_174 = vector.shape_cast %get3A_173 : vector<16xf32> to vector<16xf32>
    %add3A_175 = arith.addf %add3A_171, %get3A_174 : vector<16xf32>
    %get3A_176 = arith.constant 656 : index
    %get3A_177 = tpu.vector_load %arg6[%get3A_176] {strides = array<i32>} : memref<8192xf32, #tpu.memory_space<vmem>>, vector<16xf32>,
    %get3A_178 = vector.shape_cast %get3A_177 : vector<16xf32> to vector<16xf32>
    %add3A_179 = arith.addf %add3A_175, %get3A_178 : vector<16xf32>
    %get3A_180 = arith.constant 672 : index
    %get3A_181 = tpu.vector_load %arg6[%get3A_180] {strides = array<i32>} : memref<8192xf32, #tpu.memory_space<vmem>>, vector<16xf32>,
    %get3A_182 = vector.shape_cast %get3A_181 : vector<16xf32> to vector<16xf32>
    %add3A_183 = arith.addf %add3A_179, %get3A_182 : vector<16xf32>
    %get3A_184 = arith.constant 688 : index
    %get3A_185 = tpu.vector_load %arg6[%get3A_184] {strides = array<i32>} : memref<8192xf32, #tpu.memory_space<vmem>>, vector<16xf32>,
    %get3A_186 = vector.shape_cast %get3A_185 : vector<16xf32> to vector<16xf32>
    %add3A_187 = arith.addf %add3A_183, %get3A_186 : vector<16xf32>
    %get3A_188 = arith.constant 704 : index
    %get3A_189 = tpu.vector_load %arg6[%get3A_188] {strides = array<i32>} : memref<8192xf32, #tpu.memory_space<vmem>>, vector<16xf32>,
    %get3A_190 = vector.shape_cast %get3A_189 : vector<16xf32> to vector<16xf32>
    %add3A_191 = arith.addf %add3A_187, %get3A_190 : vector<16xf32>
    %get3A_192 = arith.constant 720 : index
    %get3A_193 = tpu.vector_load %arg6[%get3A_192] {strides = array<i32>} : memref<8192xf32, #tpu.memory_space<vmem>>, vector<16xf32>,
    %get3A_194 = vector.shape_cast %get3A_193 : vector<16xf32> to vector<16xf32>
    %add3A_195 = arith.addf %add3A_191, %get3A_194 : vector<16xf32>
    %get3A_196 = arith.constant 736 : index
    %get3A_197 = tpu.vector_load %arg6[%get3A_196] {strides = array<i32>} : memref<8192xf32, #tpu.memory_space<vmem>>, vector<16xf32>,
    %get3A_198 = vector.shape_cast %get3A_197 : vector<16xf32> to vector<16xf32>
    %add3A_199 = arith.addf %add3A_195, %get3A_198 : vector<16xf32>
    %get3A_200 = arith.constant 752 : index
    %get3A_201 = tpu.vector_load %arg6[%get3A_200] {strides = array<i32>} : memref<8192xf32, #tpu.memory_space<vmem>>, vector<16xf32>,
    %get3A_202 = vector.shape_cast %get3A_201 : vector<16xf32> to vector<16xf32>
    %add3A_203 = arith.addf %add3A_199, %get3A_202 : vector<16xf32>
    %swap3A_204 = arith.constant 2 : i32
    %swap3A_205 = arith.index_cast %swap3A_204 : i32 to index
    %swap3A_206 = arith.constant 0 : index
    %swap3A_207 = tpu.vector_load %arg7[%swap3A_205, %swap3A_206] {strides = array<i32>} : memref<32x16xf32, #tpu.memory_space<vmem>>, vector<1x16xf32>,
    %swap3A_208 = vector.shape_cast %swap3A_207 : vector<1x16xf32> to vector<16xf32>
    %swap3A_209 = vector.shape_cast %add3A_203 : vector<16xf32> to vector<1x16xf32>
    tpu.vector_store %arg7[%swap3A_205, %swap3A_206], %swap3A_209 {strides = array<i32>} : memref<32x16xf32, #tpu.memory_space<vmem>>, vector<1x16xf32>,
    %get3A_210 = arith.constant 768 : index
    %get3A_211 = tpu.vector_load %arg6[%get3A_210] {strides = array<i32>} : memref<8192xf32, #tpu.memory_space<vmem>>, vector<16xf32>,
    %get3A_212 = vector.shape_cast %get3A_211 : vector<16xf32> to vector<16xf32>
    %get3A_213 = arith.constant 784 : index
    %get3A_214 = tpu.vector_load %arg6[%get3A_213] {strides = array<i32>} : memref<8192xf32, #tpu.memory_space<vmem>>, vector<16xf32>,
    %get3A_215 = vector.shape_cast %get3A_214 : vector<16xf32> to vector<16xf32>
    %add3A_216 = arith.addf %get3A_212, %get3A_215 : vector<16xf32>
    %get3A_217 = arith.constant 800 : index
    %get3A_218 = tpu.vector_load %arg6[%get3A_217] {strides = array<i32>} : memref<8192xf32, #tpu.memory_space<vmem>>, vector<16xf32>,
    %get3A_219 = vector.shape_cast %get3A_218 : vector<16xf32> to vector<16xf32>
    %add3A_220 = arith.addf %add3A_216, %get3A_219 : vector<16xf32>
    %get3A_221 = arith.constant 816 : index
    %get3A_222 = tpu.vector_load %arg6[%get3A_221] {strides = array<i32>} : memref<8192xf32, #tpu.memory_space<vmem>>, vector<16xf32>,
    %get3A_223 = vector.shape_cast %get3A_222 : vector<16xf32> to vector<16xf32>
    %add3A_224 = arith.addf %add3A_220, %get3A_223 : vector<16xf32>
    %get3A_225 = arith.constant 832 : index
    %get3A_226 = tpu.vector_load %arg6[%get3A_225] {strides = array<i32>} : memref<8192xf32, #tpu.memory_space<vmem>>, vector<16xf32>,
    %get3A_227 = vector.shape_cast %get3A_226 : vector<16xf32> to vector<16xf32>
    %add3A_228 = arith.addf %add3A_224, %get3A_227 : vector<16xf32>
    %get3A_229 = arith.constant 848 : index
    %get3A_230 = tpu.vector_load %arg6[%get3A_229] {strides = array<i32>} : memref<8192xf32, #tpu.memory_space<vmem>>, vector<16xf32>,
    %get3A_231 = vector.shape_cast %get3A_230 : vector<16xf32> to vector<16xf32>
    %add3A_232 = arith.addf %add3A_228, %get3A_231 : vector<16xf32>
    %get3A_233 = arith.constant 864 : index
    %get3A_234 = tpu.vector_load %arg6[%get3A_233] {strides = array<i32>} : memref<8192xf32, #tpu.memory_space<vmem>>, vector<16xf32>,
    %get3A_235 = vector.shape_cast %get3A_234 : vector<16xf32> to vector<16xf32>
    %add3A_236 = arith.addf %add3A_232, %get3A_235 : vector<16xf32>
    %get3A_237 = arith.constant 880 : index
    %get3A_238 = tpu.vector_load %arg6[%get3A_237] {strides = array<i32>} : memref<8192xf32, #tpu.memory_space<vmem>>, vector<16xf32>,
    %get3A_239 = vector.shape_cast %get3A_238 : vector<16xf32> to vector<16xf32>
    %add3A_240 = arith.addf %add3A_236, %get3A_239 : vector<16xf32>
    %get3A_241 = arith.constant 896 : index
    %get3A_242 = tpu.vector_load %arg6[%get3A_241] {strides = array<i32>} : memref<8192xf32, #tpu.memory_space<vmem>>, vector<16xf32>,
    %get3A_243 = vector.shape_cast %get3A_242 : vector<16xf32> to vector<16xf32>
    %add3A_244 = arith.addf %add3A_240, %get3A_243 : vector<16xf32>
    %get3A_245 = arith.constant 912 : index
    %get3A_246 = tpu.vector_load %arg6[%get3A_245] {strides = array<i32>} : memref<8192xf32, #tpu.memory_space<vmem>>, vector<16xf32>,
    %get3A_247 = vector.shape_cast %get3A_246 : vector<16xf32> to vector<16xf32>
    %add3A_248 = arith.addf %add3A_244, %get3A_247 : vector<16xf32>
    %get3A_249 = arith.constant 928 : index
    %get3A_250 = tpu.vector_load %arg6[%get3A_249] {strides = array<i32>} : memref<8192xf32, #tpu.memory_space<vmem>>, vector<16xf32>,
    %get3A_251 = vector.shape_cast %get3A_250 : vector<16xf32> to vector<16xf32>
    %add3A_252 = arith.addf %add3A_248, %get3A_251 : vector<16xf32>
    %get3A_253 = arith.constant 944 : index
    %get3A_254 = tpu.vector_load %arg6[%get3A_253] {strides = array<i32>} : memref<8192xf32, #tpu.memory_space<vmem>>, vector<16xf32>,
    %get3A_255 = vector.shape_cast %get3A_254 : vector<16xf32> to vector<16xf32>
    %add3A_256 = arith.addf %add3A_252, %get3A_255 : vector<16xf32>
    %get3A_257 = arith.constant 960 : index
    %get3A_258 = tpu.vector_load %arg6[%get3A_257] {strides = array<i32>} : memref<8192xf32, #tpu.memory_space<vmem>>, vector<16xf32>,
    %get3A_259 = vector.shape_cast %get3A_258 : vector<16xf32> to vector<16xf32>
    %add3A_260 = arith.addf %add3A_256, %get3A_259 : vector<16xf32>
    %get3A_261 = arith.constant 976 : index
    %get3A_262 = tpu.vector_load %arg6[%get3A_261] {strides = array<i32>} : memref<8192xf32, #tpu.memory_space<vmem>>, vector<16xf32>,
    %get3A_263 = vector.shape_cast %get3A_262 : vector<16xf32> to vector<16xf32>
    %add3A_264 = arith.addf %add3A_260, %get3A_263 : vector<16xf32>
    %get3A_265 = arith.constant 992 : index
    %get3A_266 = tpu.vector_load %arg6[%get3A_265] {strides = array<i32>} : memref<8192xf32, #tpu.memory_space<vmem>>, vector<16xf32>,
    %get3A_267 = vector.shape_cast %get3A_266 : vector<16xf32> to vector<16xf32>
    %add3A_268 = arith.addf %add3A_264, %get3A_267 : vector<16xf32>
    %get3A_269 = arith.constant 1008 : index
    %get3A_270 = tpu.vector_load %arg6[%get3A_269] {strides = array<i32>} : memref<8192xf32, #tpu.memory_space<vmem>>, vector<16xf32>,
    %get3A_271 = vector.shape_cast %get3A_270 : vector<16xf32> to vector<16xf32>
    %add3A_272 = arith.addf %add3A_268, %get3A_271 : vector<16xf32>
    %swap3A_273 = arith.constant 3 : i32
    %swap3A_274 = arith.index_cast %swap3A_273 : i32 to index
    %swap3A_275 = arith.constant 0 : index
    %swap3A_276 = tpu.vector_load %arg7[%swap3A_274, %swap3A_275] {strides = array<i32>} : memref<32x16xf32, #tpu.memory_space<vmem>>, vector<1x16xf32>,
    %swap3A_277 = vector.shape_cast %swap3A_276 : vector<1x16xf32> to vector<16xf32>
    %swap3A_278 = vector.shape_cast %add3A_272 : vector<16xf32> to vector<1x16xf32>
    tpu.vector_store %arg7[%swap3A_274, %swap3A_275], %swap3A_278 {strides = array<i32>} : memref<32x16xf32, #tpu.memory_space<vmem>>, vector<1x16xf32>,
    %get3A_279 = arith.constant 1024 : index
    %get3A_280 = tpu.vector_load %arg6[%get3A_279] {strides = array<i32>} : memref<8192xf32, #tpu.memory_space<vmem>>, vector<16xf32>,
    %get3A_281 = vector.shape_cast %get3A_280 : vector<16xf32> to vector<16xf32>
    %get3A_282 = arith.constant 1040 : index
    %get3A_283 = tpu.vector_load %arg6[%get3A_282] {strides = array<i32>} : memref<8192xf32, #tpu.memory_space<vmem>>, vector<16xf32>,
    %get3A_284 = vector.shape_cast %get3A_283 : vector<16xf32> to vector<16xf32>
    %add3A_285 = arith.addf %get3A_281, %get3A_284 : vector<16xf32>
    %get3A_286 = arith.constant 1056 : index
    %get3A_287 = tpu.vector_load %arg6[%get3A_286] {strides = array<i32>} : memref<8192xf32, #tpu.memory_space<vmem>>, vector<16xf32>,
    %get3A_288 = vector.shape_cast %get3A_287 : vector<16xf32> to vector<16xf32>
    %add3A_289 = arith.addf %add3A_285, %get3A_288 : vector<16xf32>
    %get3A_290 = arith.constant 1072 : index
    %get3A_291 = tpu.vector_load %arg6[%get3A_290] {strides = array<i32>} : memref<8192xf32, #tpu.memory_space<vmem>>, vector<16xf32>,
    %get3A_292 = vector.shape_cast %get3A_291 : vector<16xf32> to vector<16xf32>
    %add3A_293 = arith.addf %add3A_289, %get3A_292 : vector<16xf32>
    %get3A_294 = arith.constant 1088 : index
    %get3A_295 = tpu.vector_load %arg6[%get3A_294] {strides = array<i32>} : memref<8192xf32, #tpu.memory_space<vmem>>, vector<16xf32>,
    %get3A_296 = vector.shape_cast %get3A_295 : vector<16xf32> to vector<16xf32>
    %add3A_297 = arith.addf %add3A_293, %get3A_296 : vector<16xf32>
    %get3A_298 = arith.constant 1104 : index
    %get3A_299 = tpu.vector_load %arg6[%get3A_298] {strides = array<i32>} : memref<8192xf32, #tpu.memory_space<vmem>>, vector<16xf32>,
    %get3A_300 = vector.shape_cast %get3A_299 : vector<16xf32> to vector<16xf32>
    %add3A_301 = arith.addf %add3A_297, %get3A_300 : vector<16xf32>
    %get3A_302 = arith.constant 1120 : index
    %get3A_303 = tpu.vector_load %arg6[%get3A_302] {strides = array<i32>} : memref<8192xf32, #tpu.memory_space<vmem>>, vector<16xf32>,
    %get3A_304 = vector.shape_cast %get3A_303 : vector<16xf32> to vector<16xf32>
    %add3A_305 = arith.addf %add3A_301, %get3A_304 : vector<16xf32>
    %get3A_306 = arith.constant 1136 : index
    %get3A_307 = tpu.vector_load %arg6[%get3A_306] {strides = array<i32>} : memref<8192xf32, #tpu.memory_space<vmem>>, vector<16xf32>,
    %get3A_308 = vector.shape_cast %get3A_307 : vector<16xf32> to vector<16xf32>
    %add3A_309 = arith.addf %add3A_305, %get3A_308 : vector<16xf32>
    %get3A_310 = arith.constant 1152 : index
    %get3A_311 = tpu.vector_load %arg6[%get3A_310] {strides = array<i32>} : memref<8192xf32, #tpu.memory_space<vmem>>, vector<16xf32>,
    %get3A_312 = vector.shape_cast %get3A_311 : vector<16xf32> to vector<16xf32>
    %add3A_313 = arith.addf %add3A_309, %get3A_312 : vector<16xf32>
    %get3A_314 = arith.constant 1168 : index
    %get3A_315 = tpu.vector_load %arg6[%get3A_314] {strides = array<i32>} : memref<8192xf32, #tpu.memory_space<vmem>>, vector<16xf32>,
    %get3A_316 = vector.shape_cast %get3A_315 : vector<16xf32> to vector<16xf32>
    %add3A_317 = arith.addf %add3A_313, %get3A_316 : vector<16xf32>
    %get3A_318 = arith.constant 1184 : index
    %get3A_319 = tpu.vector_load %arg6[%get3A_318] {strides = array<i32>} : memref<8192xf32, #tpu.memory_space<vmem>>, vector<16xf32>,
    %get3A_320 = vector.shape_cast %get3A_319 : vector<16xf32> to vector<16xf32>
    %add3A_321 = arith.addf %add3A_317, %get3A_320 : vector<16xf32>
    %get3A_322 = arith.constant 1200 : index
    %get3A_323 = tpu.vector_load %arg6[%get3A_322] {strides = array<i32>} : memref<8192xf32, #tpu.memory_space<vmem>>, vector<16xf32>,
    %get3A_324 = vector.shape_cast %get3A_323 : vector<16xf32> to vector<16xf32>
    %add3A_325 = arith.addf %add3A_321, %get3A_324 : vector<16xf32>
    %get3A_326 = arith.constant 1216 : index
    %get3A_327 = tpu.vector_load %arg6[%get3A_326] {strides = array<i32>} : memref<8192xf32, #tpu.memory_space<vmem>>, vector<16xf32>,
    %get3A_328 = vector.shape_cast %get3A_327 : vector<16xf32> to vector<16xf32>
    %add3A_329 = arith.addf %add3A_325, %get3A_328 : vector<16xf32>
    %get3A_330 = arith.constant 1232 : index
    %get3A_331 = tpu.vector_load %arg6[%get3A_330] {strides = array<i32>} : memref<8192xf32, #tpu.memory_space<vmem>>, vector<16xf32>,
    %get3A_332 = vector.shape_cast %get3A_331 : vector<16xf32> to vector<16xf32>
    %add3A_333 = arith.addf %add3A_329, %get3A_332 : vector<16xf32>
    %get3A_334 = arith.constant 1248 : index
    %get3A_335 = tpu.vector_load %arg6[%get3A_334] {strides = array<i32>} : memref<8192xf32, #tpu.memory_space<vmem>>, vector<16xf32>,
    %get3A_336 = vector.shape_cast %get3A_335 : vector<16xf32> to vector<16xf32>
    %add3A_337 = arith.addf %add3A_333, %get3A_336 : vector<16xf32>
    %get3A_338 = arith.constant 1264 : index
    %get3A_339 = tpu.vector_load %arg6[%get3A_338] {strides = array<i32>} : memref<8192xf32, #tpu.memory_space<vmem>>, vector<16xf32>,
    %get3A_340 = vector.shape_cast %get3A_339 : vector<16xf32> to vector<16xf32>
    %add3A_341 = arith.addf %add3A_337, %get3A_340 : vector<16xf32>
    %swap3A_342 = arith.constant 4 : i32
    %swap3A_343 = arith.index_cast %swap3A_342 : i32 to index
    %swap3A_344 = arith.constant 0 : index
    %swap3A_345 = tpu.vector_load %arg7[%swap3A_343, %swap3A_344] {strides = array<i32>} : memref<32x16xf32, #tpu.memory_space<vmem>>, vector<1x16xf32>,
    %swap3A_346 = vector.shape_cast %swap3A_345 : vector<1x16xf32> to vector<16xf32>
    %swap3A_347 = vector.shape_cast %add3A_341 : vector<16xf32> to vector<1x16xf32>
    tpu.vector_store %arg7[%swap3A_343, %swap3A_344], %swap3A_347 {strides = array<i32>} : memref<32x16xf32, #tpu.memory_space<vmem>>, vector<1x16xf32>,
    %get3A_348 = arith.constant 1280 : index
    %get3A_349 = tpu.vector_load %arg6[%get3A_348] {strides = array<i32>} : memref<8192xf32, #tpu.memory_space<vmem>>, vector<16xf32>,
    %get3A_350 = vector.shape_cast %get3A_349 : vector<16xf32> to vector<16xf32>
    %get3A_351 = arith.constant 1296 : index
    %get3A_352 = tpu.vector_load %arg6[%get3A_351] {strides = array<i32>} : memref<8192xf32, #tpu.memory_space<vmem>>, vector<16xf32>,
    %get3A_353 = vector.shape_cast %get3A_352 : vector<16xf32> to vector<16xf32>
    %add3A_354 = arith.addf %get3A_350, %get3A_353 : vector<16xf32>
    %get3A_355 = arith.constant 1312 : index
    %get3A_356 = tpu.vector_load %arg6[%get3A_355] {strides = array<i32>} : memref<8192xf32, #tpu.memory_space<vmem>>, vector<16xf32>,
    %get3A_357 = vector.shape_cast %get3A_356 : vector<16xf32> to vector<16xf32>
    %add3A_358 = arith.addf %add3A_354, %get3A_357 : vector<16xf32>
    %get3A_359 = arith.constant 1328 : index
    %get3A_360 = tpu.vector_load %arg6[%get3A_359] {strides = array<i32>} : memref<8192xf32, #tpu.memory_space<vmem>>, vector<16xf32>,
    %get3A_361 = vector.shape_cast %get3A_360 : vector<16xf32> to vector<16xf32>
    %add3A_362 = arith.addf %add3A_358, %get3A_361 : vector<16xf32>
    %get3A_363 = arith.constant 1344 : index
    %get3A_364 = tpu.vector_load %arg6[%get3A_363] {strides = array<i32>} : memref<8192xf32, #tpu.memory_space<vmem>>, vector<16xf32>,
    %get3A_365 = vector.shape_cast %get3A_364 : vector<16xf32> to vector<16xf32>
    %add3A_366 = arith.addf %add3A_362, %get3A_365 : vector<16xf32>
    %get3A_367 = arith.constant 1360 : index
    %get3A_368 = tpu.vector_load %arg6[%get3A_367] {strides = array<i32>} : memref<8192xf32, #tpu.memory_space<vmem>>, vector<16xf32>,
    %get3A_369 = vector.shape_cast %get3A_368 : vector<16xf32> to vector<16xf32>
    %add3A_370 = arith.addf %add3A_366, %get3A_369 : vector<16xf32>
    %get3A_371 = arith.constant 1376 : index
    %get3A_372 = tpu.vector_load %arg6[%get3A_371] {strides = array<i32>} : memref<8192xf32, #tpu.memory_space<vmem>>, vector<16xf32>,
    %get3A_373 = vector.shape_cast %get3A_372 : vector<16xf32> to vector<16xf32>
    %add3A_374 = arith.addf %add3A_370, %get3A_373 : vector<16xf32>
    %get3A_375 = arith.constant 1392 : index
    %get3A_376 = tpu.vector_load %arg6[%get3A_375] {strides = array<i32>} : memref<8192xf32, #tpu.memory_space<vmem>>, vector<16xf32>,
    %get3A_377 = vector.shape_cast %get3A_376 : vector<16xf32> to vector<16xf32>
    %add3A_378 = arith.addf %add3A_374, %get3A_377 : vector<16xf32>
    %get3A_379 = arith.constant 1408 : index
    %get3A_380 = tpu.vector_load %arg6[%get3A_379] {strides = array<i32>} : memref<8192xf32, #tpu.memory_space<vmem>>, vector<16xf32>,
    %get3A_381 = vector.shape_cast %get3A_380 : vector<16xf32> to vector<16xf32>
    %add3A_382 = arith.addf %add3A_378, %get3A_381 : vector<16xf32>
    %get3A_383 = arith.constant 1424 : index
    %get3A_384 = tpu.vector_load %arg6[%get3A_383] {strides = array<i32>} : memref<8192xf32, #tpu.memory_space<vmem>>, vector<16xf32>,
    %get3A_385 = vector.shape_cast %get3A_384 : vector<16xf32> to vector<16xf32>
    %add3A_386 = arith.addf %add3A_382, %get3A_385 : vector<16xf32>
    %get3A_387 = arith.constant 1440 : index
    %get3A_388 = tpu.vector_load %arg6[%get3A_387] {strides = array<i32>} : memref<8192xf32, #tpu.memory_space<vmem>>, vector<16xf32>,
    %get3A_389 = vector.shape_cast %get3A_388 : vector<16xf32> to vector<16xf32>
    %add3A_390 = arith.addf %add3A_386, %get3A_389 : vector<16xf32>
    %get3A_391 = arith.constant 1456 : index
    %get3A_392 = tpu.vector_load %arg6[%get3A_391] {strides = array<i32>} : memref<8192xf32, #tpu.memory_space<vmem>>, vector<16xf32>,
    %get3A_393 = vector.shape_cast %get3A_392 : vector<16xf32> to vector<16xf32>
    %add3A_394 = arith.addf %add3A_390, %get3A_393 : vector<16xf32>
    %get3A_395 = arith.constant 1472 : index
    %get3A_396 = tpu.vector_load %arg6[%get3A_395] {strides = array<i32>} : memref<8192xf32, #tpu.memory_space<vmem>>, vector<16xf32>,
    %get3A_397 = vector.shape_cast %get3A_396 : vector<16xf32> to vector<16xf32>
    %add3A_398 = arith.addf %add3A_394, %get3A_397 : vector<16xf32>
    %get3A_399 = arith.constant 1488 : index
    %get3A_400 = tpu.vector_load %arg6[%get3A_399] {strides = array<i32>} : memref<8192xf32, #tpu.memory_space<vmem>>, vector<16xf32>,
    %get3A_401 = vector.shape_cast %get3A_400 : vector<16xf32> to vector<16xf32>
    %add3A_402 = arith.addf %add3A_398, %get3A_401 : vector<16xf32>
    %get3A_403 = arith.constant 1504 : index
    %get3A_404 = tpu.vector_load %arg6[%get3A_403] {strides = array<i32>} : memref<8192xf32, #tpu.memory_space<vmem>>, vector<16xf32>,
    %get3A_405 = vector.shape_cast %get3A_404 : vector<16xf32> to vector<16xf32>
    %add3A_406 = arith.addf %add3A_402, %get3A_405 : vector<16xf32>
    %get3A_407 = arith.constant 1520 : index
    %get3A_408 = tpu.vector_load %arg6[%get3A_407] {strides = array<i32>} : memref<8192xf32, #tpu.memory_space<vmem>>, vector<16xf32>,
    %get3A_409 = vector.shape_cast %get3A_408 : vector<16xf32> to vector<16xf32>
    %add3A_410 = arith.addf %add3A_406, %get3A_409 : vector<16xf32>
    %swap3A_411 = arith.constant 5 : i32
    %swap3A_412 = arith.index_cast %swap3A_411 : i32 to index
    %swap3A_413 = arith.constant 0 : index
    %swap3A_414 = tpu.vector_load %arg7[%swap3A_412, %swap3A_413] {strides = array<i32>} : memref<32x16xf32, #tpu.memory_space<vmem>>, vector<1x16xf32>,
    %swap3A_415 = vector.shape_cast %swap3A_414 : vector<1x16xf32> to vector<16xf32>
    %swap3A_416 = vector.shape_cast %add3A_410 : vector<16xf32> to vector<1x16xf32>
    tpu.vector_store %arg7[%swap3A_412, %swap3A_413], %swap3A_416 {strides = array<i32>} : memref<32x16xf32, #tpu.memory_space<vmem>>, vector<1x16xf32>,
    %get3A_417 = arith.constant 1536 : index
    %get3A_418 = tpu.vector_load %arg6[%get3A_417] {strides = array<i32>} : memref<8192xf32, #tpu.memory_space<vmem>>, vector<16xf32>,
    %get3A_419 = vector.shape_cast %get3A_418 : vector<16xf32> to vector<16xf32>
    %get3A_420 = arith.constant 1552 : index
    %get3A_421 = tpu.vector_load %arg6[%get3A_420] {strides = array<i32>} : memref<8192xf32, #tpu.memory_space<vmem>>, vector<16xf32>,
    %get3A_422 = vector.shape_cast %get3A_421 : vector<16xf32> to vector<16xf32>
    %add3A_423 = arith.addf %get3A_419, %get3A_422 : vector<16xf32>
    %get3A_424 = arith.constant 1568 : index
    %get3A_425 = tpu.vector_load %arg6[%get3A_424] {strides = array<i32>} : memref<8192xf32, #tpu.memory_space<vmem>>, vector<16xf32>,
    %get3A_426 = vector.shape_cast %get3A_425 : vector<16xf32> to vector<16xf32>
    %add3A_427 = arith.addf %add3A_423, %get3A_426 : vector<16xf32>
    %get3A_428 = arith.constant 1584 : index
    %get3A_429 = tpu.vector_load %arg6[%get3A_428] {strides = array<i32>} : memref<8192xf32, #tpu.memory_space<vmem>>, vector<16xf32>,
    %get3A_430 = vector.shape_cast %get3A_429 : vector<16xf32> to vector<16xf32>
    %add3A_431 = arith.addf %add3A_427, %get3A_430 : vector<16xf32>
    %get3A_432 = arith.constant 1600 : index
    %get3A_433 = tpu.vector_load %arg6[%get3A_432] {strides = array<i32>} : memref<8192xf32, #tpu.memory_space<vmem>>, vector<16xf32>,
    %get3A_434 = vector.shape_cast %get3A_433 : vector<16xf32> to vector<16xf32>
    %add3A_435 = arith.addf %add3A_431, %get3A_434 : vector<16xf32>
    %get3A_436 = arith.constant 1616 : index
    %get3A_437 = tpu.vector_load %arg6[%get3A_436] {strides = array<i32>} : memref<8192xf32, #tpu.memory_space<vmem>>, vector<16xf32>,
    %get3A_438 = vector.shape_cast %get3A_437 : vector<16xf32> to vector<16xf32>
    %add3A_439 = arith.addf %add3A_435, %get3A_438 : vector<16xf32>
    %get3A_440 = arith.constant 1632 : index
    %get3A_441 = tpu.vector_load %arg6[%get3A_440] {strides = array<i32>} : memref<8192xf32, #tpu.memory_space<vmem>>, vector<16xf32>,
    %get3A_442 = vector.shape_cast %get3A_441 : vector<16xf32> to vector<16xf32>
    %add3A_443 = arith.addf %add3A_439, %get3A_442 : vector<16xf32>
    %get3A_444 = arith.constant 1648 : index
    %get3A_445 = tpu.vector_load %arg6[%get3A_444] {strides = array<i32>} : memref<8192xf32, #tpu.memory_space<vmem>>, vector<16xf32>,
    %get3A_446 = vector.shape_cast %get3A_445 : vector<16xf32> to vector<16xf32>
    %add3A_447 = arith.addf %add3A_443, %get3A_446 : vector<16xf32>
    %get3A_448 = arith.constant 1664 : index
    %get3A_449 = tpu.vector_load %arg6[%get3A_448] {strides = array<i32>} : memref<8192xf32, #tpu.memory_space<vmem>>, vector<16xf32>,
    %get3A_450 = vector.shape_cast %get3A_449 : vector<16xf32> to vector<16xf32>
    %add3A_451 = arith.addf %add3A_447, %get3A_450 : vector<16xf32>
    %get3A_452 = arith.constant 1680 : index
    %get3A_453 = tpu.vector_load %arg6[%get3A_452] {strides = array<i32>} : memref<8192xf32, #tpu.memory_space<vmem>>, vector<16xf32>,
    %get3A_454 = vector.shape_cast %get3A_453 : vector<16xf32> to vector<16xf32>
    %add3A_455 = arith.addf %add3A_451, %get3A_454 : vector<16xf32>
    %get3A_456 = arith.constant 1696 : index
    %get3A_457 = tpu.vector_load %arg6[%get3A_456] {strides = array<i32>} : memref<8192xf32, #tpu.memory_space<vmem>>, vector<16xf32>,
    %get3A_458 = vector.shape_cast %get3A_457 : vector<16xf32> to vector<16xf32>
    %add3A_459 = arith.addf %add3A_455, %get3A_458 : vector<16xf32>
    %get3A_460 = arith.constant 1712 : index
    %get3A_461 = tpu.vector_load %arg6[%get3A_460] {strides = array<i32>} : memref<8192xf32, #tpu.memory_space<vmem>>, vector<16xf32>,
    %get3A_462 = vector.shape_cast %get3A_461 : vector<16xf32> to vector<16xf32>
    %add3A_463 = arith.addf %add3A_459, %get3A_462 : vector<16xf32>
    %get3A_464 = arith.constant 1728 : index
    %get3A_465 = tpu.vector_load %arg6[%get3A_464] {strides = array<i32>} : memref<8192xf32, #tpu.memory_space<vmem>>, vector<16xf32>,
    %get3A_466 = vector.shape_cast %get3A_465 : vector<16xf32> to vector<16xf32>
    %add3A_467 = arith.addf %add3A_463, %get3A_466 : vector<16xf32>
    %get3A_468 = arith.constant 1744 : index
    %get3A_469 = tpu.vector_load %arg6[%get3A_468] {strides = array<i32>} : memref<8192xf32, #tpu.memory_space<vmem>>, vector<16xf32>,
    %get3A_470 = vector.shape_cast %get3A_469 : vector<16xf32> to vector<16xf32>
    %add3A_471 = arith.addf %add3A_467, %get3A_470 : vector<16xf32>
    %get3A_472 = arith.constant 1760 : index
    %get3A_473 = tpu.vector_load %arg6[%get3A_472] {strides = array<i32>} : memref<8192xf32, #tpu.memory_space<vmem>>, vector<16xf32>,
    %get3A_474 = vector.shape_cast %get3A_473 : vector<16xf32> to vector<16xf32>
    %add3A_475 = arith.addf %add3A_471, %get3A_474 : vector<16xf32>
    %get3A_476 = arith.constant 1776 : index
    %get3A_477 = tpu.vector_load %arg6[%get3A_476] {strides = array<i32>} : memref<8192xf32, #tpu.memory_space<vmem>>, vector<16xf32>,
    %get3A_478 = vector.shape_cast %get3A_477 : vector<16xf32> to vector<16xf32>
    %add3A_479 = arith.addf %add3A_475, %get3A_478 : vector<16xf32>
    %swap3A_480 = arith.constant 6 : i32
    %swap3A_481 = arith.index_cast %swap3A_480 : i32 to index
    %swap3A_482 = arith.constant 0 : index
    %swap3A_483 = tpu.vector_load %arg7[%swap3A_481, %swap3A_482] {strides = array<i32>} : memref<32x16xf32, #tpu.memory_space<vmem>>, vector<1x16xf32>,
    %swap3A_484 = vector.shape_cast %swap3A_483 : vector<1x16xf32> to vector<16xf32>
    %swap3A_485 = vector.shape_cast %add3A_479 : vector<16xf32> to vector<1x16xf32>
    tpu.vector_store %arg7[%swap3A_481, %swap3A_482], %swap3A_485 {strides = array<i32>} : memref<32x16xf32, #tpu.memory_space<vmem>>, vector<1x16xf32>,
    %get3A_486 = arith.constant 1792 : index
    %get3A_487 = tpu.vector_load %arg6[%get3A_486] {strides = array<i32>} : memref<8192xf32, #tpu.memory_space<vmem>>, vector<16xf32>,
    %get3A_488 = vector.shape_cast %get3A_487 : vector<16xf32> to vector<16xf32>
    %get3A_489 = arith.constant 1808 : index
    %get3A_490 = tpu.vector_load %arg6[%get3A_489] {strides = array<i32>} : memref<8192xf32, #tpu.memory_space<vmem>>, vector<16xf32>,
    %get3A_491 = vector.shape_cast %get3A_490 : vector<16xf32> to vector<16xf32>
    %add3A_492 = arith.addf %get3A_488, %get3A_491 : vector<16xf32>
    %get3A_493 = arith.constant 1824 : index
    %get3A_494 = tpu.vector_load %arg6[%get3A_493] {strides = array<i32>} : memref<8192xf32, #tpu.memory_space<vmem>>, vector<16xf32>,
    %get3A_495 = vector.shape_cast %get3A_494 : vector<16xf32> to vector<16xf32>
    %add3A_496 = arith.addf %add3A_492, %get3A_495 : vector<16xf32>
    %get3A_497 = arith.constant 1840 : index
    %get3A_498 = tpu.vector_load %arg6[%get3A_497] {strides = array<i32>} : memref<8192xf32, #tpu.memory_space<vmem>>, vector<16xf32>,
    %get3A_499 = vector.shape_cast %get3A_498 : vector<16xf32> to vector<16xf32>
    %add3A_500 = arith.addf %add3A_496, %get3A_499 : vector<16xf32>
    %get3A_501 = arith.constant 1856 : index
    %get3A_502 = tpu.vector_load %arg6[%get3A_501] {strides = array<i32>} : memref<8192xf32, #tpu.memory_space<vmem>>, vector<16xf32>,
    %get3A_503 = vector.shape_cast %get3A_502 : vector<16xf32> to vector<16xf32>
    %add3A_504 = arith.addf %add3A_500, %get3A_503 : vector<16xf32>
    %get3A_505 = arith.constant 1872 : index
    %get3A_506 = tpu.vector_load %arg6[%get3A_505] {strides = array<i32>} : memref<8192xf32, #tpu.memory_space<vmem>>, vector<16xf32>,
    %get3A_507 = vector.shape_cast %get3A_506 : vector<16xf32> to vector<16xf32>
    %add3A_508 = arith.addf %add3A_504, %get3A_507 : vector<16xf32>
    %get3A_509 = arith.constant 1888 : index
    %get3A_510 = tpu.vector_load %arg6[%get3A_509] {strides = array<i32>} : memref<8192xf32, #tpu.memory_space<vmem>>, vector<16xf32>,
    %get3A_511 = vector.shape_cast %get3A_510 : vector<16xf32> to vector<16xf32>
    %add3A_512 = arith.addf %add3A_508, %get3A_511 : vector<16xf32>
    %get3A_513 = arith.constant 1904 : index
    %get3A_514 = tpu.vector_load %arg6[%get3A_513] {strides = array<i32>} : memref<8192xf32, #tpu.memory_space<vmem>>, vector<16xf32>,
    %get3A_515 = vector.shape_cast %get3A_514 : vector<16xf32> to vector<16xf32>
    %add3A_516 = arith.addf %add3A_512, %get3A_515 : vector<16xf32>
    %get3A_517 = arith.constant 1920 : index
    %get3A_518 = tpu.vector_load %arg6[%get3A_517] {strides = array<i32>} : memref<8192xf32, #tpu.memory_space<vmem>>, vector<16xf32>,
    %get3A_519 = vector.shape_cast %get3A_518 : vector<16xf32> to vector<16xf32>
    %add3A_520 = arith.addf %add3A_516, %get3A_519 : vector<16xf32>
    %get3A_521 = arith.constant 1936 : index
    %get3A_522 = tpu.vector_load %arg6[%get3A_521] {strides = array<i32>} : memref<8192xf32, #tpu.memory_space<vmem>>, vector<16xf32>,
    %get3A_523 = vector.shape_cast %get3A_522 : vector<16xf32> to vector<16xf32>
    %add3A_524 = arith.addf %add3A_520, %get3A_523 : vector<16xf32>
    %get3A_525 = arith.constant 1952 : index
    %get3A_526 = tpu.vector_load %arg6[%get3A_525] {strides = array<i32>} : memref<8192xf32, #tpu.memory_space<vmem>>, vector<16xf32>,
    %get3A_527 = vector.shape_cast %get3A_526 : vector<16xf32> to vector<16xf32>
    %add3A_528 = arith.addf %add3A_524, %get3A_527 : vector<16xf32>
    %get3A_529 = arith.constant 1968 : index
    %get3A_530 = tpu.vector_load %arg6[%get3A_529] {strides = array<i32>} : memref<8192xf32, #tpu.memory_space<vmem>>, vector<16xf32>,
    %get3A_531 = vector.shape_cast %get3A_530 : vector<16xf32> to vector<16xf32>
    %add3A_532 = arith.addf %add3A_528, %get3A_531 : vector<16xf32>
    %get3A_533 = arith.constant 1984 : index
    %get3A_534 = tpu.vector_load %arg6[%get3A_533] {strides = array<i32>} : memref<8192xf32, #tpu.memory_space<vmem>>, vector<16xf32>,
    %get3A_535 = vector.shape_cast %get3A_534 : vector<16xf32> to vector<16xf32>
    %add3A_536 = arith.addf %add3A_532, %get3A_535 : vector<16xf32>
    %get3A_537 = arith.constant 2000 : index
    %get3A_538 = tpu.vector_load %arg6[%get3A_537] {strides = array<i32>} : memref<8192xf32, #tpu.memory_space<vmem>>, vector<16xf32>,
    %get3A_539 = vector.shape_cast %get3A_538 : vector<16xf32> to vector<16xf32>
    %add3A_540 = arith.addf %add3A_536, %get3A_539 : vector<16xf32>
    %get3A_541 = arith.constant 2016 : index
    %get3A_542 = tpu.vector_load %arg6[%get3A_541] {strides = array<i32>} : memref<8192xf32, #tpu.memory_space<vmem>>, vector<16xf32>,
    %get3A_543 = vector.shape_cast %get3A_542 : vector<16xf32> to vector<16xf32>
    %add3A_544 = arith.addf %add3A_540, %get3A_543 : vector<16xf32>
    %get3A_545 = arith.constant 2032 : index
    %get3A_546 = tpu.vector_load %arg6[%get3A_545] {strides = array<i32>} : memref<8192xf32, #tpu.memory_space<vmem>>, vector<16xf32>,
    %get3A_547 = vector.shape_cast %get3A_546 : vector<16xf32> to vector<16xf32>
    %add3A_548 = arith.addf %add3A_544, %get3A_547 : vector<16xf32>
    %swap3A_549 = arith.constant 7 : i32
    %swap3A_550 = arith.index_cast %swap3A_549 : i32 to index
    %swap3A_551 = arith.constant 0 : index
    %swap3A_552 = tpu.vector_load %arg7[%swap3A_550, %swap3A_551] {strides = array<i32>} : memref<32x16xf32, #tpu.memory_space<vmem>>, vector<1x16xf32>,
    %swap3A_553 = vector.shape_cast %swap3A_552 : vector<1x16xf32> to vector<16xf32>
    %swap3A_554 = vector.shape_cast %add3A_548 : vector<16xf32> to vector<1x16xf32>
    tpu.vector_store %arg7[%swap3A_550, %swap3A_551], %swap3A_554 {strides = array<i32>} : memref<32x16xf32, #tpu.memory_space<vmem>>, vector<1x16xf32>,
    %get3A_555 = arith.constant 2048 : index
    %get3A_556 = tpu.vector_load %arg6[%get3A_555] {strides = array<i32>} : memref<8192xf32, #tpu.memory_space<vmem>>, vector<16xf32>,
    %get3A_557 = vector.shape_cast %get3A_556 : vector<16xf32> to vector<16xf32>
    %get3A_558 = arith.constant 2064 : index
    %get3A_559 = tpu.vector_load %arg6[%get3A_558] {strides = array<i32>} : memref<8192xf32, #tpu.memory_space<vmem>>, vector<16xf32>,
    %get3A_560 = vector.shape_cast %get3A_559 : vector<16xf32> to vector<16xf32>
    %add3A_561 = arith.addf %get3A_557, %get3A_560 : vector<16xf32>
    %get3A_562 = arith.constant 2080 : index
    %get3A_563 = tpu.vector_load %arg6[%get3A_562] {strides = array<i32>} : memref<8192xf32, #tpu.memory_space<vmem>>, vector<16xf32>,
    %get3A_564 = vector.shape_cast %get3A_563 : vector<16xf32> to vector<16xf32>
    %add3A_565 = arith.addf %add3A_561, %get3A_564 : vector<16xf32>
    %get3A_566 = arith.constant 2096 : index
    %get3A_567 = tpu.vector_load %arg6[%get3A_566] {strides = array<i32>} : memref<8192xf32, #tpu.memory_space<vmem>>, vector<16xf32>,
    %get3A_568 = vector.shape_cast %get3A_567 : vector<16xf32> to vector<16xf32>
    %add3A_569 = arith.addf %add3A_565, %get3A_568 : vector<16xf32>
    %get3A_570 = arith.constant 2112 : index
    %get3A_571 = tpu.vector_load %arg6[%get3A_570] {strides = array<i32>} : memref<8192xf32, #tpu.memory_space<vmem>>, vector<16xf32>,
    %get3A_572 = vector.shape_cast %get3A_571 : vector<16xf32> to vector<16xf32>
    %add3A_573 = arith.addf %add3A_569, %get3A_572 : vector<16xf32>
    %get3A_574 = arith.constant 2128 : index
    %get3A_575 = tpu.vector_load %arg6[%get3A_574] {strides = array<i32>} : memref<8192xf32, #tpu.memory_space<vmem>>, vector<16xf32>,
    %get3A_576 = vector.shape_cast %get3A_575 : vector<16xf32> to vector<16xf32>
    %add3A_577 = arith.addf %add3A_573, %get3A_576 : vector<16xf32>
    %get3A_578 = arith.constant 2144 : index
    %get3A_579 = tpu.vector_load %arg6[%get3A_578] {strides = array<i32>} : memref<8192xf32, #tpu.memory_space<vmem>>, vector<16xf32>,
    %get3A_580 = vector.shape_cast %get3A_579 : vector<16xf32> to vector<16xf32>
    %add3A_581 = arith.addf %add3A_577, %get3A_580 : vector<16xf32>
    %get3A_582 = arith.constant 2160 : index
    %get3A_583 = tpu.vector_load %arg6[%get3A_582] {strides = array<i32>} : memref<8192xf32, #tpu.memory_space<vmem>>, vector<16xf32>,
    %get3A_584 = vector.shape_cast %get3A_583 : vector<16xf32> to vector<16xf32>
    %add3A_585 = arith.addf %add3A_581, %get3A_584 : vector<16xf32>
    %get3A_586 = arith.constant 2176 : index
    %get3A_587 = tpu.vector_load %arg6[%get3A_586] {strides = array<i32>} : memref<8192xf32, #tpu.memory_space<vmem>>, vector<16xf32>,
    %get3A_588 = vector.shape_cast %get3A_587 : vector<16xf32> to vector<16xf32>
    %add3A_589 = arith.addf %add3A_585, %get3A_588 : vector<16xf32>
    %get3A_590 = arith.constant 2192 : index
    %get3A_591 = tpu.vector_load %arg6[%get3A_590] {strides = array<i32>} : memref<8192xf32, #tpu.memory_space<vmem>>, vector<16xf32>,
    %get3A_592 = vector.shape_cast %get3A_591 : vector<16xf32> to vector<16xf32>
    %add3A_593 = arith.addf %add3A_589, %get3A_592 : vector<16xf32>
    %get3A_594 = arith.constant 2208 : index
    %get3A_595 = tpu.vector_load %arg6[%get3A_594] {strides = array<i32>} : memref<8192xf32, #tpu.memory_space<vmem>>, vector<16xf32>,
    %get3A_596 = vector.shape_cast %get3A_595 : vector<16xf32> to vector<16xf32>
    %add3A_597 = arith.addf %add3A_593, %get3A_596 : vector<16xf32>
    %get3A_598 = arith.constant 2224 : index
    %get3A_599 = tpu.vector_load %arg6[%get3A_598] {strides = array<i32>} : memref<8192xf32, #tpu.memory_space<vmem>>, vector<16xf32>,
    %get3A_600 = vector.shape_cast %get3A_599 : vector<16xf32> to vector<16xf32>
    %add3A_601 = arith.addf %add3A_597, %get3A_600 : vector<16xf32>
    %get3A_602 = arith.constant 2240 : index
    %get3A_603 = tpu.vector_load %arg6[%get3A_602] {strides = array<i32>} : memref<8192xf32, #tpu.memory_space<vmem>>, vector<16xf32>,
    %get3A_604 = vector.shape_cast %get3A_603 : vector<16xf32> to vector<16xf32>
    %add3A_605 = arith.addf %add3A_601, %get3A_604 : vector<16xf32>
    %get3A_606 = arith.constant 2256 : index
    %get3A_607 = tpu.vector_load %arg6[%get3A_606] {strides = array<i32>} : memref<8192xf32, #tpu.memory_space<vmem>>, vector<16xf32>,
    %get3A_608 = vector.shape_cast %get3A_607 : vector<16xf32> to vector<16xf32>
    %add3A_609 = arith.addf %add3A_605, %get3A_608 : vector<16xf32>
    %get3A_610 = arith.constant 2272 : index
    %get3A_611 = tpu.vector_load %arg6[%get3A_610] {strides = array<i32>} : memref<8192xf32, #tpu.memory_space<vmem>>, vector<16xf32>,
    %get3A_612 = vector.shape_cast %get3A_611 : vector<16xf32> to vector<16xf32>
    %add3A_613 = arith.addf %add3A_609, %get3A_612 : vector<16xf32>
    %get3A_614 = arith.constant 2288 : index
    %get3A_615 = tpu.vector_load %arg6[%get3A_614] {strides = array<i32>} : memref<8192xf32, #tpu.memory_space<vmem>>, vector<16xf32>,
    %get3A_616 = vector.shape_cast %get3A_615 : vector<16xf32> to vector<16xf32>
    %add3A_617 = arith.addf %add3A_613, %get3A_616 : vector<16xf32>
    %swap3A_618 = arith.constant 8 : i32
    %swap3A_619 = arith.index_cast %swap3A_618 : i32 to index
    %swap3A_620 = arith.constant 0 : index
    %swap3A_621 = tpu.vector_load %arg7[%swap3A_619, %swap3A_620] {strides = array<i32>} : memref<32x16xf32, #tpu.memory_space<vmem>>, vector<1x16xf32>,
    %swap3A_622 = vector.shape_cast %swap3A_621 : vector<1x16xf32> to vector<16xf32>
    %swap3A_623 = vector.shape_cast %add3A_617 : vector<16xf32> to vector<1x16xf32>
    tpu.vector_store %arg7[%swap3A_619, %swap3A_620], %swap3A_623 {strides = array<i32>} : memref<32x16xf32, #tpu.memory_space<vmem>>, vector<1x16xf32>,
    %get3A_624 = arith.constant 2304 : index
    %get3A_625 = tpu.vector_load %arg6[%get3A_624] {strides = array<i32>} : memref<8192xf32, #tpu.memory_space<vmem>>, vector<16xf32>,
    %get3A_626 = vector.shape_cast %get3A_625 : vector<16xf32> to vector<16xf32>
    %get3A_627 = arith.constant 2320 : index
    %get3A_628 = tpu.vector_load %arg6[%get3A_627] {strides = array<i32>} : memref<8192xf32, #tpu.memory_space<vmem>>, vector<16xf32>,
    %get3A_629 = vector.shape_cast %get3A_628 : vector<16xf32> to vector<16xf32>
    %add3A_630 = arith.addf %get3A_626, %get3A_629 : vector<16xf32>
    %get3A_631 = arith.constant 2336 : index
    %get3A_632 = tpu.vector_load %arg6[%get3A_631] {strides = array<i32>} : memref<8192xf32, #tpu.memory_space<vmem>>, vector<16xf32>,
    %get3A_633 = vector.shape_cast %get3A_632 : vector<16xf32> to vector<16xf32>
    %add3A_634 = arith.addf %add3A_630, %get3A_633 : vector<16xf32>
    %get3A_635 = arith.constant 2352 : index
    %get3A_636 = tpu.vector_load %arg6[%get3A_635] {strides = array<i32>} : memref<8192xf32, #tpu.memory_space<vmem>>, vector<16xf32>,
    %get3A_637 = vector.shape_cast %get3A_636 : vector<16xf32> to vector<16xf32>
    %add3A_638 = arith.addf %add3A_634, %get3A_637 : vector<16xf32>
    %get3A_639 = arith.constant 2368 : index
    %get3A_640 = tpu.vector_load %arg6[%get3A_639] {strides = array<i32>} : memref<8192xf32, #tpu.memory_space<vmem>>, vector<16xf32>,
    %get3A_641 = vector.shape_cast %get3A_640 : vector<16xf32> to vector<16xf32>
    %add3A_642 = arith.addf %add3A_638, %get3A_641 : vector<16xf32>
    %get3A_643 = arith.constant 2384 : index
    %get3A_644 = tpu.vector_load %arg6[%get3A_643] {strides = array<i32>} : memref<8192xf32, #tpu.memory_space<vmem>>, vector<16xf32>,
    %get3A_645 = vector.shape_cast %get3A_644 : vector<16xf32> to vector<16xf32>
    %add3A_646 = arith.addf %add3A_642, %get3A_645 : vector<16xf32>
    %get3A_647 = arith.constant 2400 : index
    %get3A_648 = tpu.vector_load %arg6[%get3A_647] {strides = array<i32>} : memref<8192xf32, #tpu.memory_space<vmem>>, vector<16xf32>,
    %get3A_649 = vector.shape_cast %get3A_648 : vector<16xf32> to vector<16xf32>
    %add3A_650 = arith.addf %add3A_646, %get3A_649 : vector<16xf32>
    %get3A_651 = arith.constant 2416 : index
    %get3A_652 = tpu.vector_load %arg6[%get3A_651] {strides = array<i32>} : memref<8192xf32, #tpu.memory_space<vmem>>, vector<16xf32>,
    %get3A_653 = vector.shape_cast %get3A_652 : vector<16xf32> to vector<16xf32>
    %add3A_654 = arith.addf %add3A_650, %get3A_653 : vector<16xf32>
    %get3A_655 = arith.constant 2432 : index
    %get3A_656 = tpu.vector_load %arg6[%get3A_655] {strides = array<i32>} : memref<8192xf32, #tpu.memory_space<vmem>>, vector<16xf32>,
    %get3A_657 = vector.shape_cast %get3A_656 : vector<16xf32> to vector<16xf32>
    %add3A_658 = arith.addf %add3A_654, %get3A_657 : vector<16xf32>
    %get3A_659 = arith.constant 2448 : index
    %get3A_660 = tpu.vector_load %arg6[%get3A_659] {strides = array<i32>} : memref<8192xf32, #tpu.memory_space<vmem>>, vector<16xf32>,
    %get3A_661 = vector.shape_cast %get3A_660 : vector<16xf32> to vector<16xf32>
    %add3A_662 = arith.addf %add3A_658, %get3A_661 : vector<16xf32>
    %get3A_663 = arith.constant 2464 : index
    %get3A_664 = tpu.vector_load %arg6[%get3A_663] {strides = array<i32>} : memref<8192xf32, #tpu.memory_space<vmem>>, vector<16xf32>,
    %get3A_665 = vector.shape_cast %get3A_664 : vector<16xf32> to vector<16xf32>
    %add3A_666 = arith.addf %add3A_662, %get3A_665 : vector<16xf32>
    %get3A_667 = arith.constant 2480 : index
    %get3A_668 = tpu.vector_load %arg6[%get3A_667] {strides = array<i32>} : memref<8192xf32, #tpu.memory_space<vmem>>, vector<16xf32>,
    %get3A_669 = vector.shape_cast %get3A_668 : vector<16xf32> to vector<16xf32>
    %add3A_670 = arith.addf %add3A_666, %get3A_669 : vector<16xf32>
    %get3A_671 = arith.constant 2496 : index
    %get3A_672 = tpu.vector_load %arg6[%get3A_671] {strides = array<i32>} : memref<8192xf32, #tpu.memory_space<vmem>>, vector<16xf32>,
    %get3A_673 = vector.shape_cast %get3A_672 : vector<16xf32> to vector<16xf32>
    %add3A_674 = arith.addf %add3A_670, %get3A_673 : vector<16xf32>
    %get3A_675 = arith.constant 2512 : index
    %get3A_676 = tpu.vector_load %arg6[%get3A_675] {strides = array<i32>} : memref<8192xf32, #tpu.memory_space<vmem>>, vector<16xf32>,
    %get3A_677 = vector.shape_cast %get3A_676 : vector<16xf32> to vector<16xf32>
    %add3A_678 = arith.addf %add3A_674, %get3A_677 : vector<16xf32>
    %get3A_679 = arith.constant 2528 : index
    %get3A_680 = tpu.vector_load %arg6[%get3A_679] {strides = array<i32>} : memref<8192xf32, #tpu.memory_space<vmem>>, vector<16xf32>,
    %get3A_681 = vector.shape_cast %get3A_680 : vector<16xf32> to vector<16xf32>
    %add3A_682 = arith.addf %add3A_678, %get3A_681 : vector<16xf32>
    %get3A_683 = arith.constant 2544 : index
    %get3A_684 = tpu.vector_load %arg6[%get3A_683] {strides = array<i32>} : memref<8192xf32, #tpu.memory_space<vmem>>, vector<16xf32>,
    %get3A_685 = vector.shape_cast %get3A_684 : vector<16xf32> to vector<16xf32>
    %add3A_686 = arith.addf %add3A_682, %get3A_685 : vector<16xf32>
    %swap3A_687 = arith.constant 9 : i32
    %swap3A_688 = arith.index_cast %swap3A_687 : i32 to index
    %swap3A_689 = arith.constant 0 : index
    %swap3A_690 = tpu.vector_load %arg7[%swap3A_688, %swap3A_689] {strides = array<i32>} : memref<32x16xf32, #tpu.memory_space<vmem>>, vector<1x16xf32>,
    %swap3A_691 = vector.shape_cast %swap3A_690 : vector<1x16xf32> to vector<16xf32>
    %swap3A_692 = vector.shape_cast %add3A_686 : vector<16xf32> to vector<1x16xf32>
    tpu.vector_store %arg7[%swap3A_688, %swap3A_689], %swap3A_692 {strides = array<i32>} : memref<32x16xf32, #tpu.memory_space<vmem>>, vector<1x16xf32>,
    %get3A_693 = arith.constant 2560 : index
    %get3A_694 = tpu.vector_load %arg6[%get3A_693] {strides = array<i32>} : memref<8192xf32, #tpu.memory_space<vmem>>, vector<16xf32>,
    %get3A_695 = vector.shape_cast %get3A_694 : vector<16xf32> to vector<16xf32>
    %get3A_696 = arith.constant 2576 : index
    %get3A_697 = tpu.vector_load %arg6[%get3A_696] {strides = array<i32>} : memref<8192xf32, #tpu.memory_space<vmem>>, vector<16xf32>,
    %get3A_698 = vector.shape_cast %get3A_697 : vector<16xf32> to vector<16xf32>
    %add3A_699 = arith.addf %get3A_695, %get3A_698 : vector<16xf32>
    %get3A_700 = arith.constant 2592 : index
    %get3A_701 = tpu.vector_load %arg6[%get3A_700] {strides = array<i32>} : memref<8192xf32, #tpu.memory_space<vmem>>, vector<16xf32>,
    %get3A_702 = vector.shape_cast %get3A_701 : vector<16xf32> to vector<16xf32>
    %add3A_703 = arith.addf %add3A_699, %get3A_702 : vector<16xf32>
    %get3A_704 = arith.constant 2608 : index
    %get3A_705 = tpu.vector_load %arg6[%get3A_704] {strides = array<i32>} : memref<8192xf32, #tpu.memory_space<vmem>>, vector<16xf32>,
    %get3A_706 = vector.shape_cast %get3A_705 : vector<16xf32> to vector<16xf32>
    %add3A_707 = arith.addf %add3A_703, %get3A_706 : vector<16xf32>
    %get3A_708 = arith.constant 2624 : index
    %get3A_709 = tpu.vector_load %arg6[%get3A_708] {strides = array<i32>} : memref<8192xf32, #tpu.memory_space<vmem>>, vector<16xf32>,
    %get3A_710 = vector.shape_cast %get3A_709 : vector<16xf32> to vector<16xf32>
    %add3A_711 = arith.addf %add3A_707, %get3A_710 : vector<16xf32>
    %get3A_712 = arith.constant 2640 : index
    %get3A_713 = tpu.vector_load %arg6[%get3A_712] {strides = array<i32>} : memref<8192xf32, #tpu.memory_space<vmem>>, vector<16xf32>,
    %get3A_714 = vector.shape_cast %get3A_713 : vector<16xf32> to vector<16xf32>
    %add3A_715 = arith.addf %add3A_711, %get3A_714 : vector<16xf32>
    %get3A_716 = arith.constant 2656 : index
    %get3A_717 = tpu.vector_load %arg6[%get3A_716] {strides = array<i32>} : memref<8192xf32, #tpu.memory_space<vmem>>, vector<16xf32>,
    %get3A_718 = vector.shape_cast %get3A_717 : vector<16xf32> to vector<16xf32>
    %add3A_719 = arith.addf %add3A_715, %get3A_718 : vector<16xf32>
    %get3A_720 = arith.constant 2672 : index
    %get3A_721 = tpu.vector_load %arg6[%get3A_720] {strides = array<i32>} : memref<8192xf32, #tpu.memory_space<vmem>>, vector<16xf32>,
    %get3A_722 = vector.shape_cast %get3A_721 : vector<16xf32> to vector<16xf32>
    %add3A_723 = arith.addf %add3A_719, %get3A_722 : vector<16xf32>
    %get3A_724 = arith.constant 2688 : index
    %get3A_725 = tpu.vector_load %arg6[%get3A_724] {strides = array<i32>} : memref<8192xf32, #tpu.memory_space<vmem>>, vector<16xf32>,
    %get3A_726 = vector.shape_cast %get3A_725 : vector<16xf32> to vector<16xf32>
    %add3A_727 = arith.addf %add3A_723, %get3A_726 : vector<16xf32>
    %get3A_728 = arith.constant 2704 : index
    %get3A_729 = tpu.vector_load %arg6[%get3A_728] {strides = array<i32>} : memref<8192xf32, #tpu.memory_space<vmem>>, vector<16xf32>,
    %get3A_730 = vector.shape_cast %get3A_729 : vector<16xf32> to vector<16xf32>
    %add3A_731 = arith.addf %add3A_727, %get3A_730 : vector<16xf32>
    %get3A_732 = arith.constant 2720 : index
    %get3A_733 = tpu.vector_load %arg6[%get3A_732] {strides = array<i32>} : memref<8192xf32, #tpu.memory_space<vmem>>, vector<16xf32>,
    %get3A_734 = vector.shape_cast %get3A_733 : vector<16xf32> to vector<16xf32>
    %add3A_735 = arith.addf %add3A_731, %get3A_734 : vector<16xf32>
    %get3A_736 = arith.constant 2736 : index
    %get3A_737 = tpu.vector_load %arg6[%get3A_736] {strides = array<i32>} : memref<8192xf32, #tpu.memory_space<vmem>>, vector<16xf32>,
    %get3A_738 = vector.shape_cast %get3A_737 : vector<16xf32> to vector<16xf32>
    %add3A_739 = arith.addf %add3A_735, %get3A_738 : vector<16xf32>
    %get3A_740 = arith.constant 2752 : index
    %get3A_741 = tpu.vector_load %arg6[%get3A_740] {strides = array<i32>} : memref<8192xf32, #tpu.memory_space<vmem>>, vector<16xf32>,
    %get3A_742 = vector.shape_cast %get3A_741 : vector<16xf32> to vector<16xf32>
    %add3A_743 = arith.addf %add3A_739, %get3A_742 : vector<16xf32>
    %get3A_744 = arith.constant 2768 : index
    %get3A_745 = tpu.vector_load %arg6[%get3A_744] {strides = array<i32>} : memref<8192xf32, #tpu.memory_space<vmem>>, vector<16xf32>,
    %get3A_746 = vector.shape_cast %get3A_745 : vector<16xf32> to vector<16xf32>
    %add3A_747 = arith.addf %add3A_743, %get3A_746 : vector<16xf32>
    %get3A_748 = arith.constant 2784 : index
    %get3A_749 = tpu.vector_load %arg6[%get3A_748] {strides = array<i32>} : memref<8192xf32, #tpu.memory_space<vmem>>, vector<16xf32>,
    %get3A_750 = vector.shape_cast %get3A_749 : vector<16xf32> to vector<16xf32>
    %add3A_751 = arith.addf %add3A_747, %get3A_750 : vector<16xf32>
    %get3A_752 = arith.constant 2800 : index
    %get3A_753 = tpu.vector_load %arg6[%get3A_752] {strides = array<i32>} : memref<8192xf32, #tpu.memory_space<vmem>>, vector<16xf32>,
    %get3A_754 = vector.shape_cast %get3A_753 : vector<16xf32> to vector<16xf32>
    %add3A_755 = arith.addf %add3A_751, %get3A_754 : vector<16xf32>
    %swap3A_756 = arith.constant 10 : i32
    %swap3A_757 = arith.index_cast %swap3A_756 : i32 to index
    %swap3A_758 = arith.constant 0 : index
    %swap3A_759 = tpu.vector_load %arg7[%swap3A_757, %swap3A_758] {strides = array<i32>} : memref<32x16xf32, #tpu.memory_space<vmem>>, vector<1x16xf32>,
    %swap3A_760 = vector.shape_cast %swap3A_759 : vector<1x16xf32> to vector<16xf32>
    %swap3A_761 = vector.shape_cast %add3A_755 : vector<16xf32> to vector<1x16xf32>
    tpu.vector_store %arg7[%swap3A_757, %swap3A_758], %swap3A_761 {strides = array<i32>} : memref<32x16xf32, #tpu.memory_space<vmem>>, vector<1x16xf32>,
    %get3A_762 = arith.constant 2816 : index
    %get3A_763 = tpu.vector_load %arg6[%get3A_762] {strides = array<i32>} : memref<8192xf32, #tpu.memory_space<vmem>>, vector<16xf32>,
    %get3A_764 = vector.shape_cast %get3A_763 : vector<16xf32> to vector<16xf32>
    %get3A_765 = arith.constant 2832 : index
    %get3A_766 = tpu.vector_load %arg6[%get3A_765] {strides = array<i32>} : memref<8192xf32, #tpu.memory_space<vmem>>, vector<16xf32>,
    %get3A_767 = vector.shape_cast %get3A_766 : vector<16xf32> to vector<16xf32>
    %add3A_768 = arith.addf %get3A_764, %get3A_767 : vector<16xf32>
    %get3A_769 = arith.constant 2848 : index
    %get3A_770 = tpu.vector_load %arg6[%get3A_769] {strides = array<i32>} : memref<8192xf32, #tpu.memory_space<vmem>>, vector<16xf32>,
    %get3A_771 = vector.shape_cast %get3A_770 : vector<16xf32> to vector<16xf32>
    %add3A_772 = arith.addf %add3A_768, %get3A_771 : vector<16xf32>
    %get3A_773 = arith.constant 2864 : index
    %get3A_774 = tpu.vector_load %arg6[%get3A_773] {strides = array<i32>} : memref<8192xf32, #tpu.memory_space<vmem>>, vector<16xf32>,
    %get3A_775 = vector.shape_cast %get3A_774 : vector<16xf32> to vector<16xf32>
    %add3A_776 = arith.addf %add3A_772, %get3A_775 : vector<16xf32>
    %get3A_777 = arith.constant 2880 : index
    %get3A_778 = tpu.vector_load %arg6[%get3A_777] {strides = array<i32>} : memref<8192xf32, #tpu.memory_space<vmem>>, vector<16xf32>,
    %get3A_779 = vector.shape_cast %get3A_778 : vector<16xf32> to vector<16xf32>
    %add3A_780 = arith.addf %add3A_776, %get3A_779 : vector<16xf32>
    %get3A_781 = arith.constant 2896 : index
    %get3A_782 = tpu.vector_load %arg6[%get3A_781] {strides = array<i32>} : memref<8192xf32, #tpu.memory_space<vmem>>, vector<16xf32>,
    %get3A_783 = vector.shape_cast %get3A_782 : vector<16xf32> to vector<16xf32>
    %add3A_784 = arith.addf %add3A_780, %get3A_783 : vector<16xf32>
    %get3A_785 = arith.constant 2912 : index
    %get3A_786 = tpu.vector_load %arg6[%get3A_785] {strides = array<i32>} : memref<8192xf32, #tpu.memory_space<vmem>>, vector<16xf32>,
    %get3A_787 = vector.shape_cast %get3A_786 : vector<16xf32> to vector<16xf32>
    %add3A_788 = arith.addf %add3A_784, %get3A_787 : vector<16xf32>
    %get3A_789 = arith.constant 2928 : index
    %get3A_790 = tpu.vector_load %arg6[%get3A_789] {strides = array<i32>} : memref<8192xf32, #tpu.memory_space<vmem>>, vector<16xf32>,
    %get3A_791 = vector.shape_cast %get3A_790 : vector<16xf32> to vector<16xf32>
    %add3A_792 = arith.addf %add3A_788, %get3A_791 : vector<16xf32>
    %get3A_793 = arith.constant 2944 : index
    %get3A_794 = tpu.vector_load %arg6[%get3A_793] {strides = array<i32>} : memref<8192xf32, #tpu.memory_space<vmem>>, vector<16xf32>,
    %get3A_795 = vector.shape_cast %get3A_794 : vector<16xf32> to vector<16xf32>
    %add3A_796 = arith.addf %add3A_792, %get3A_795 : vector<16xf32>
    %get3A_797 = arith.constant 2960 : index
    %get3A_798 = tpu.vector_load %arg6[%get3A_797] {strides = array<i32>} : memref<8192xf32, #tpu.memory_space<vmem>>, vector<16xf32>,
    %get3A_799 = vector.shape_cast %get3A_798 : vector<16xf32> to vector<16xf32>
    %add3A_800 = arith.addf %add3A_796, %get3A_799 : vector<16xf32>
    %get3A_801 = arith.constant 2976 : index
    %get3A_802 = tpu.vector_load %arg6[%get3A_801] {strides = array<i32>} : memref<8192xf32, #tpu.memory_space<vmem>>, vector<16xf32>,
    %get3A_803 = vector.shape_cast %get3A_802 : vector<16xf32> to vector<16xf32>
    %add3A_804 = arith.addf %add3A_800, %get3A_803 : vector<16xf32>
    %get3A_805 = arith.constant 2992 : index
    %get3A_806 = tpu.vector_load %arg6[%get3A_805] {strides = array<i32>} : memref<8192xf32, #tpu.memory_space<vmem>>, vector<16xf32>,
    %get3A_807 = vector.shape_cast %get3A_806 : vector<16xf32> to vector<16xf32>
    %add3A_808 = arith.addf %add3A_804, %get3A_807 : vector<16xf32>
    %get3A_809 = arith.constant 3008 : index
    %get3A_810 = tpu.vector_load %arg6[%get3A_809] {strides = array<i32>} : memref<8192xf32, #tpu.memory_space<vmem>>, vector<16xf32>,
    %get3A_811 = vector.shape_cast %get3A_810 : vector<16xf32> to vector<16xf32>
    %add3A_812 = arith.addf %add3A_808, %get3A_811 : vector<16xf32>
    %get3A_813 = arith.constant 3024 : index
    %get3A_814 = tpu.vector_load %arg6[%get3A_813] {strides = array<i32>} : memref<8192xf32, #tpu.memory_space<vmem>>, vector<16xf32>,
    %get3A_815 = vector.shape_cast %get3A_814 : vector<16xf32> to vector<16xf32>
    %add3A_816 = arith.addf %add3A_812, %get3A_815 : vector<16xf32>
    %get3A_817 = arith.constant 3040 : index
    %get3A_818 = tpu.vector_load %arg6[%get3A_817] {strides = array<i32>} : memref<8192xf32, #tpu.memory_space<vmem>>, vector<16xf32>,
    %get3A_819 = vector.shape_cast %get3A_818 : vector<16xf32> to vector<16xf32>
    %add3A_820 = arith.addf %add3A_816, %get3A_819 : vector<16xf32>
    %get3A_821 = arith.constant 3056 : index
    %get3A_822 = tpu.vector_load %arg6[%get3A_821] {strides = array<i32>} : memref<8192xf32, #tpu.memory_space<vmem>>, vector<16xf32>,
    %get3A_823 = vector.shape_cast %get3A_822 : vector<16xf32> to vector<16xf32>
    %add3A_824 = arith.addf %add3A_820, %get3A_823 : vector<16xf32>
    %swap3A_825 = arith.constant 11 : i32
    %swap3A_826 = arith.index_cast %swap3A_825 : i32 to index
    %swap3A_827 = arith.constant 0 : index
    %swap3A_828 = tpu.vector_load %arg7[%swap3A_826, %swap3A_827] {strides = array<i32>} : memref<32x16xf32, #tpu.memory_space<vmem>>, vector<1x16xf32>,
    %swap3A_829 = vector.shape_cast %swap3A_828 : vector<1x16xf32> to vector<16xf32>
    %swap3A_830 = vector.shape_cast %add3A_824 : vector<16xf32> to vector<1x16xf32>
    tpu.vector_store %arg7[%swap3A_826, %swap3A_827], %swap3A_830 {strides = array<i32>} : memref<32x16xf32, #tpu.memory_space<vmem>>, vector<1x16xf32>,
    %get3A_831 = arith.constant 3072 : index
    %get3A_832 = tpu.vector_load %arg6[%get3A_831] {strides = array<i32>} : memref<8192xf32, #tpu.memory_space<vmem>>, vector<16xf32>,
    %get3A_833 = vector.shape_cast %get3A_832 : vector<16xf32> to vector<16xf32>
    %get3A_834 = arith.constant 3088 : index
    %get3A_835 = tpu.vector_load %arg6[%get3A_834] {strides = array<i32>} : memref<8192xf32, #tpu.memory_space<vmem>>, vector<16xf32>,
    %get3A_836 = vector.shape_cast %get3A_835 : vector<16xf32> to vector<16xf32>
    %add3A_837 = arith.addf %get3A_833, %get3A_836 : vector<16xf32>
    %get3A_838 = arith.constant 3104 : index
    %get3A_839 = tpu.vector_load %arg6[%get3A_838] {strides = array<i32>} : memref<8192xf32, #tpu.memory_space<vmem>>, vector<16xf32>,
    %get3A_840 = vector.shape_cast %get3A_839 : vector<16xf32> to vector<16xf32>
    %add3A_841 = arith.addf %add3A_837, %get3A_840 : vector<16xf32>
    %get3A_842 = arith.constant 3120 : index
    %get3A_843 = tpu.vector_load %arg6[%get3A_842] {strides = array<i32>} : memref<8192xf32, #tpu.memory_space<vmem>>, vector<16xf32>,
    %get3A_844 = vector.shape_cast %get3A_843 : vector<16xf32> to vector<16xf32>
    %add3A_845 = arith.addf %add3A_841, %get3A_844 : vector<16xf32>
    %get3A_846 = arith.constant 3136 : index
    %get3A_847 = tpu.vector_load %arg6[%get3A_846] {strides = array<i32>} : memref<8192xf32, #tpu.memory_space<vmem>>, vector<16xf32>,
    %get3A_848 = vector.shape_cast %get3A_847 : vector<16xf32> to vector<16xf32>
    %add3A_849 = arith.addf %add3A_845, %get3A_848 : vector<16xf32>
    %get3A_850 = arith.constant 3152 : index
    %get3A_851 = tpu.vector_load %arg6[%get3A_850] {strides = array<i32>} : memref<8192xf32, #tpu.memory_space<vmem>>, vector<16xf32>,
    %get3A_852 = vector.shape_cast %get3A_851 : vector<16xf32> to vector<16xf32>
    %add3A_853 = arith.addf %add3A_849, %get3A_852 : vector<16xf32>
    %get3A_854 = arith.constant 3168 : index
    %get3A_855 = tpu.vector_load %arg6[%get3A_854] {strides = array<i32>} : memref<8192xf32, #tpu.memory_space<vmem>>, vector<16xf32>,
    %get3A_856 = vector.shape_cast %get3A_855 : vector<16xf32> to vector<16xf32>
    %add3A_857 = arith.addf %add3A_853, %get3A_856 : vector<16xf32>
    %get3A_858 = arith.constant 3184 : index
    %get3A_859 = tpu.vector_load %arg6[%get3A_858] {strides = array<i32>} : memref<8192xf32, #tpu.memory_space<vmem>>, vector<16xf32>,
    %get3A_860 = vector.shape_cast %get3A_859 : vector<16xf32> to vector<16xf32>
    %add3A_861 = arith.addf %add3A_857, %get3A_860 : vector<16xf32>
    %get3A_862 = arith.constant 3200 : index
    %get3A_863 = tpu.vector_load %arg6[%get3A_862] {strides = array<i32>} : memref<8192xf32, #tpu.memory_space<vmem>>, vector<16xf32>,
    %get3A_864 = vector.shape_cast %get3A_863 : vector<16xf32> to vector<16xf32>
    %add3A_865 = arith.addf %add3A_861, %get3A_864 : vector<16xf32>
    %get3A_866 = arith.constant 3216 : index
    %get3A_867 = tpu.vector_load %arg6[%get3A_866] {strides = array<i32>} : memref<8192xf32, #tpu.memory_space<vmem>>, vector<16xf32>,
    %get3A_868 = vector.shape_cast %get3A_867 : vector<16xf32> to vector<16xf32>
    %add3A_869 = arith.addf %add3A_865, %get3A_868 : vector<16xf32>
    %get3A_870 = arith.constant 3232 : index
    %get3A_871 = tpu.vector_load %arg6[%get3A_870] {strides = array<i32>} : memref<8192xf32, #tpu.memory_space<vmem>>, vector<16xf32>,
    %get3A_872 = vector.shape_cast %get3A_871 : vector<16xf32> to vector<16xf32>
    %add3A_873 = arith.addf %add3A_869, %get3A_872 : vector<16xf32>
    %get3A_874 = arith.constant 3248 : index
    %get3A_875 = tpu.vector_load %arg6[%get3A_874] {strides = array<i32>} : memref<8192xf32, #tpu.memory_space<vmem>>, vector<16xf32>,
    %get3A_876 = vector.shape_cast %get3A_875 : vector<16xf32> to vector<16xf32>
    %add3A_877 = arith.addf %add3A_873, %get3A_876 : vector<16xf32>
    %get3A_878 = arith.constant 3264 : index
    %get3A_879 = tpu.vector_load %arg6[%get3A_878] {strides = array<i32>} : memref<8192xf32, #tpu.memory_space<vmem>>, vector<16xf32>,
    %get3A_880 = vector.shape_cast %get3A_879 : vector<16xf32> to vector<16xf32>
    %add3A_881 = arith.addf %add3A_877, %get3A_880 : vector<16xf32>
    %get3A_882 = arith.constant 3280 : index
    %get3A_883 = tpu.vector_load %arg6[%get3A_882] {strides = array<i32>} : memref<8192xf32, #tpu.memory_space<vmem>>, vector<16xf32>,
    %get3A_884 = vector.shape_cast %get3A_883 : vector<16xf32> to vector<16xf32>
    %add3A_885 = arith.addf %add3A_881, %get3A_884 : vector<16xf32>
    %get3A_886 = arith.constant 3296 : index
    %get3A_887 = tpu.vector_load %arg6[%get3A_886] {strides = array<i32>} : memref<8192xf32, #tpu.memory_space<vmem>>, vector<16xf32>,
    %get3A_888 = vector.shape_cast %get3A_887 : vector<16xf32> to vector<16xf32>
    %add3A_889 = arith.addf %add3A_885, %get3A_888 : vector<16xf32>
    %get3A_890 = arith.constant 3312 : index
    %get3A_891 = tpu.vector_load %arg6[%get3A_890] {strides = array<i32>} : memref<8192xf32, #tpu.memory_space<vmem>>, vector<16xf32>,
    %get3A_892 = vector.shape_cast %get3A_891 : vector<16xf32> to vector<16xf32>
    %add3A_893 = arith.addf %add3A_889, %get3A_892 : vector<16xf32>
    %swap3A_894 = arith.constant 12 : i32
    %swap3A_895 = arith.index_cast %swap3A_894 : i32 to index
    %swap3A_896 = arith.constant 0 : index
    %swap3A_897 = tpu.vector_load %arg7[%swap3A_895, %swap3A_896] {strides = array<i32>} : memref<32x16xf32, #tpu.memory_space<vmem>>, vector<1x16xf32>,
    %swap3A_898 = vector.shape_cast %swap3A_897 : vector<1x16xf32> to vector<16xf32>
    %swap3A_899 = vector.shape_cast %add3A_893 : vector<16xf32> to vector<1x16xf32>
    tpu.vector_store %arg7[%swap3A_895, %swap3A_896], %swap3A_899 {strides = array<i32>} : memref<32x16xf32, #tpu.memory_space<vmem>>, vector<1x16xf32>,
    %get3A_900 = arith.constant 3328 : index
    %get3A_901 = tpu.vector_load %arg6[%get3A_900] {strides = array<i32>} : memref<8192xf32, #tpu.memory_space<vmem>>, vector<16xf32>,
    %get3A_902 = vector.shape_cast %get3A_901 : vector<16xf32> to vector<16xf32>
    %get3A_903 = arith.constant 3344 : index
    %get3A_904 = tpu.vector_load %arg6[%get3A_903] {strides = array<i32>} : memref<8192xf32, #tpu.memory_space<vmem>>, vector<16xf32>,
    %get3A_905 = vector.shape_cast %get3A_904 : vector<16xf32> to vector<16xf32>
    %add3A_906 = arith.addf %get3A_902, %get3A_905 : vector<16xf32>
    %get3A_907 = arith.constant 3360 : index
    %get3A_908 = tpu.vector_load %arg6[%get3A_907] {strides = array<i32>} : memref<8192xf32, #tpu.memory_space<vmem>>, vector<16xf32>,
    %get3A_909 = vector.shape_cast %get3A_908 : vector<16xf32> to vector<16xf32>
    %add3A_910 = arith.addf %add3A_906, %get3A_909 : vector<16xf32>
    %get3A_911 = arith.constant 3376 : index
    %get3A_912 = tpu.vector_load %arg6[%get3A_911] {strides = array<i32>} : memref<8192xf32, #tpu.memory_space<vmem>>, vector<16xf32>,
    %get3A_913 = vector.shape_cast %get3A_912 : vector<16xf32> to vector<16xf32>
    %add3A_914 = arith.addf %add3A_910, %get3A_913 : vector<16xf32>
    %get3A_915 = arith.constant 3392 : index
    %get3A_916 = tpu.vector_load %arg6[%get3A_915] {strides = array<i32>} : memref<8192xf32, #tpu.memory_space<vmem>>, vector<16xf32>,
    %get3A_917 = vector.shape_cast %get3A_916 : vector<16xf32> to vector<16xf32>
    %add3A_918 = arith.addf %add3A_914, %get3A_917 : vector<16xf32>
    %get3A_919 = arith.constant 3408 : index
    %get3A_920 = tpu.vector_load %arg6[%get3A_919] {strides = array<i32>} : memref<8192xf32, #tpu.memory_space<vmem>>, vector<16xf32>,
    %get3A_921 = vector.shape_cast %get3A_920 : vector<16xf32> to vector<16xf32>
    %add3A_922 = arith.addf %add3A_918, %get3A_921 : vector<16xf32>
    %get3A_923 = arith.constant 3424 : index
    %get3A_924 = tpu.vector_load %arg6[%get3A_923] {strides = array<i32>} : memref<8192xf32, #tpu.memory_space<vmem>>, vector<16xf32>,
    %get3A_925 = vector.shape_cast %get3A_924 : vector<16xf32> to vector<16xf32>
    %add3A_926 = arith.addf %add3A_922, %get3A_925 : vector<16xf32>
    %get3A_927 = arith.constant 3440 : index
    %get3A_928 = tpu.vector_load %arg6[%get3A_927] {strides = array<i32>} : memref<8192xf32, #tpu.memory_space<vmem>>, vector<16xf32>,
    %get3A_929 = vector.shape_cast %get3A_928 : vector<16xf32> to vector<16xf32>
    %add3A_930 = arith.addf %add3A_926, %get3A_929 : vector<16xf32>
    %get3A_931 = arith.constant 3456 : index
    %get3A_932 = tpu.vector_load %arg6[%get3A_931] {strides = array<i32>} : memref<8192xf32, #tpu.memory_space<vmem>>, vector<16xf32>,
    %get3A_933 = vector.shape_cast %get3A_932 : vector<16xf32> to vector<16xf32>
    %add3A_934 = arith.addf %add3A_930, %get3A_933 : vector<16xf32>
    %get3A_935 = arith.constant 3472 : index
    %get3A_936 = tpu.vector_load %arg6[%get3A_935] {strides = array<i32>} : memref<8192xf32, #tpu.memory_space<vmem>>, vector<16xf32>,
    %get3A_937 = vector.shape_cast %get3A_936 : vector<16xf32> to vector<16xf32>
    %add3A_938 = arith.addf %add3A_934, %get3A_937 : vector<16xf32>
    %get3A_939 = arith.constant 3488 : index
    %get3A_940 = tpu.vector_load %arg6[%get3A_939] {strides = array<i32>} : memref<8192xf32, #tpu.memory_space<vmem>>, vector<16xf32>,
    %get3A_941 = vector.shape_cast %get3A_940 : vector<16xf32> to vector<16xf32>
    %add3A_942 = arith.addf %add3A_938, %get3A_941 : vector<16xf32>
    %get3A_943 = arith.constant 3504 : index
    %get3A_944 = tpu.vector_load %arg6[%get3A_943] {strides = array<i32>} : memref<8192xf32, #tpu.memory_space<vmem>>, vector<16xf32>,
    %get3A_945 = vector.shape_cast %get3A_944 : vector<16xf32> to vector<16xf32>
    %add3A_946 = arith.addf %add3A_942, %get3A_945 : vector<16xf32>
    %get3A_947 = arith.constant 3520 : index
    %get3A_948 = tpu.vector_load %arg6[%get3A_947] {strides = array<i32>} : memref<8192xf32, #tpu.memory_space<vmem>>, vector<16xf32>,
    %get3A_949 = vector.shape_cast %get3A_948 : vector<16xf32> to vector<16xf32>
    %add3A_950 = arith.addf %add3A_946, %get3A_949 : vector<16xf32>
    %get3A_951 = arith.constant 3536 : index
    %get3A_952 = tpu.vector_load %arg6[%get3A_951] {strides = array<i32>} : memref<8192xf32, #tpu.memory_space<vmem>>, vector<16xf32>,
    %get3A_953 = vector.shape_cast %get3A_952 : vector<16xf32> to vector<16xf32>
    %add3A_954 = arith.addf %add3A_950, %get3A_953 : vector<16xf32>
    %get3A_955 = arith.constant 3552 : index
    %get3A_956 = tpu.vector_load %arg6[%get3A_955] {strides = array<i32>} : memref<8192xf32, #tpu.memory_space<vmem>>, vector<16xf32>,
    %get3A_957 = vector.shape_cast %get3A_956 : vector<16xf32> to vector<16xf32>
    %add3A_958 = arith.addf %add3A_954, %get3A_957 : vector<16xf32>
    %get3A_959 = arith.constant 3568 : index
    %get3A_960 = tpu.vector_load %arg6[%get3A_959] {strides = array<i32>} : memref<8192xf32, #tpu.memory_space<vmem>>, vector<16xf32>,
    %get3A_961 = vector.shape_cast %get3A_960 : vector<16xf32> to vector<16xf32>
    %add3A_962 = arith.addf %add3A_958, %get3A_961 : vector<16xf32>
    %swap3A_963 = arith.constant 13 : i32
    %swap3A_964 = arith.index_cast %swap3A_963 : i32 to index
    %swap3A_965 = arith.constant 0 : index
    %swap3A_966 = tpu.vector_load %arg7[%swap3A_964, %swap3A_965] {strides = array<i32>} : memref<32x16xf32, #tpu.memory_space<vmem>>, vector<1x16xf32>,
    %swap3A_967 = vector.shape_cast %swap3A_966 : vector<1x16xf32> to vector<16xf32>
    %swap3A_968 = vector.shape_cast %add3A_962 : vector<16xf32> to vector<1x16xf32>
    tpu.vector_store %arg7[%swap3A_964, %swap3A_965], %swap3A_968 {strides = array<i32>} : memref<32x16xf32, #tpu.memory_space<vmem>>, vector<1x16xf32>,
    %get3A_969 = arith.constant 3584 : index
    %get3A_970 = tpu.vector_load %arg6[%get3A_969] {strides = array<i32>} : memref<8192xf32, #tpu.memory_space<vmem>>, vector<16xf32>,
    %get3A_971 = vector.shape_cast %get3A_970 : vector<16xf32> to vector<16xf32>
    %get3A_972 = arith.constant 3600 : index
    %get3A_973 = tpu.vector_load %arg6[%get3A_972] {strides = array<i32>} : memref<8192xf32, #tpu.memory_space<vmem>>, vector<16xf32>,
    %get3A_974 = vector.shape_cast %get3A_973 : vector<16xf32> to vector<16xf32>
    %add3A_975 = arith.addf %get3A_971, %get3A_974 : vector<16xf32>
    %get3A_976 = arith.constant 3616 : index
    %get3A_977 = tpu.vector_load %arg6[%get3A_976] {strides = array<i32>} : memref<8192xf32, #tpu.memory_space<vmem>>, vector<16xf32>,
    %get3A_978 = vector.shape_cast %get3A_977 : vector<16xf32> to vector<16xf32>
    %add3A_979 = arith.addf %add3A_975, %get3A_978 : vector<16xf32>
    %get3A_980 = arith.constant 3632 : index
    %get3A_981 = tpu.vector_load %arg6[%get3A_980] {strides = array<i32>} : memref<8192xf32, #tpu.memory_space<vmem>>, vector<16xf32>,
    %get3A_982 = vector.shape_cast %get3A_981 : vector<16xf32> to vector<16xf32>
    %add3A_983 = arith.addf %add3A_979, %get3A_982 : vector<16xf32>
    %get3A_984 = arith.constant 3648 : index
    %get3A_985 = tpu.vector_load %arg6[%get3A_984] {strides = array<i32>} : memref<8192xf32, #tpu.memory_space<vmem>>, vector<16xf32>,
    %get3A_986 = vector.shape_cast %get3A_985 : vector<16xf32> to vector<16xf32>
    %add3A_987 = arith.addf %add3A_983, %get3A_986 : vector<16xf32>
    %get3A_988 = arith.constant 3664 : index
    %get3A_989 = tpu.vector_load %arg6[%get3A_988] {strides = array<i32>} : memref<8192xf32, #tpu.memory_space<vmem>>, vector<16xf32>,
    %get3A_990 = vector.shape_cast %get3A_989 : vector<16xf32> to vector<16xf32>
    %add3A_991 = arith.addf %add3A_987, %get3A_990 : vector<16xf32>
    %get3A_992 = arith.constant 3680 : index
    %get3A_993 = tpu.vector_load %arg6[%get3A_992] {strides = array<i32>} : memref<8192xf32, #tpu.memory_space<vmem>>, vector<16xf32>,
    %get3A_994 = vector.shape_cast %get3A_993 : vector<16xf32> to vector<16xf32>
    %add3A_995 = arith.addf %add3A_991, %get3A_994 : vector<16xf32>
    %get3A_996 = arith.constant 3696 : index
    %get3A_997 = tpu.vector_load %arg6[%get3A_996] {strides = array<i32>} : memref<8192xf32, #tpu.memory_space<vmem>>, vector<16xf32>,
    %get3A_998 = vector.shape_cast %get3A_997 : vector<16xf32> to vector<16xf32>
    %add3A_999 = arith.addf %add3A_995, %get3A_998 : vector<16xf32>
    %get3A_1000 = arith.constant 3712 : index
    %get3A_1001 = tpu.vector_load %arg6[%get3A_1000] {strides = array<i32>} : memref<8192xf32, #tpu.memory_space<vmem>>, vector<16xf32>,
    %get3A_1002 = vector.shape_cast %get3A_1001 : vector<16xf32> to vector<16xf32>
    %add3A_1003 = arith.addf %add3A_999, %get3A_1002 : vector<16xf32>
    %get3A_1004 = arith.constant 3728 : index
    %get3A_1005 = tpu.vector_load %arg6[%get3A_1004] {strides = array<i32>} : memref<8192xf32, #tpu.memory_space<vmem>>, vector<16xf32>,
    %get3A_1006 = vector.shape_cast %get3A_1005 : vector<16xf32> to vector<16xf32>
    %add3A_1007 = arith.addf %add3A_1003, %get3A_1006 : vector<16xf32>
    %get3A_1008 = arith.constant 3744 : index
    %get3A_1009 = tpu.vector_load %arg6[%get3A_1008] {strides = array<i32>} : memref<8192xf32, #tpu.memory_space<vmem>>, vector<16xf32>,
    %get3A_1010 = vector.shape_cast %get3A_1009 : vector<16xf32> to vector<16xf32>
    %add3A_1011 = arith.addf %add3A_1007, %get3A_1010 : vector<16xf32>
    %get3A_1012 = arith.constant 3760 : index
    %get3A_1013 = tpu.vector_load %arg6[%get3A_1012] {strides = array<i32>} : memref<8192xf32, #tpu.memory_space<vmem>>, vector<16xf32>,
    %get3A_1014 = vector.shape_cast %get3A_1013 : vector<16xf32> to vector<16xf32>
    %add3A_1015 = arith.addf %add3A_1011, %get3A_1014 : vector<16xf32>
    %get3A_1016 = arith.constant 3776 : index
    %get3A_1017 = tpu.vector_load %arg6[%get3A_1016] {strides = array<i32>} : memref<8192xf32, #tpu.memory_space<vmem>>, vector<16xf32>,
    %get3A_1018 = vector.shape_cast %get3A_1017 : vector<16xf32> to vector<16xf32>
    %add3A_1019 = arith.addf %add3A_1015, %get3A_1018 : vector<16xf32>
    %get3A_1020 = arith.constant 3792 : index
    %get3A_1021 = tpu.vector_load %arg6[%get3A_1020] {strides = array<i32>} : memref<8192xf32, #tpu.memory_space<vmem>>, vector<16xf32>,
    %get3A_1022 = vector.shape_cast %get3A_1021 : vector<16xf32> to vector<16xf32>
    %add3A_1023 = arith.addf %add3A_1019, %get3A_1022 : vector<16xf32>
    %get3A_1024 = arith.constant 3808 : index
    %get3A_1025 = tpu.vector_load %arg6[%get3A_1024] {strides = array<i32>} : memref<8192xf32, #tpu.memory_space<vmem>>, vector<16xf32>,
    %get3A_1026 = vector.shape_cast %get3A_1025 : vector<16xf32> to vector<16xf32>
    %add3A_1027 = arith.addf %add3A_1023, %get3A_1026 : vector<16xf32>
    %get3A_1028 = arith.constant 3824 : index
    %get3A_1029 = tpu.vector_load %arg6[%get3A_1028] {strides = array<i32>} : memref<8192xf32, #tpu.memory_space<vmem>>, vector<16xf32>,
    %get3A_1030 = vector.shape_cast %get3A_1029 : vector<16xf32> to vector<16xf32>
    %add3A_1031 = arith.addf %add3A_1027, %get3A_1030 : vector<16xf32>
    %swap3A_1032 = arith.constant 14 : i32
    %swap3A_1033 = arith.index_cast %swap3A_1032 : i32 to index
    %swap3A_1034 = arith.constant 0 : index
    %swap3A_1035 = tpu.vector_load %arg7[%swap3A_1033, %swap3A_1034] {strides = array<i32>} : memref<32x16xf32, #tpu.memory_space<vmem>>, vector<1x16xf32>,
    %swap3A_1036 = vector.shape_cast %swap3A_1035 : vector<1x16xf32> to vector<16xf32>
    %swap3A_1037 = vector.shape_cast %add3A_1031 : vector<16xf32> to vector<1x16xf32>
    tpu.vector_store %arg7[%swap3A_1033, %swap3A_1034], %swap3A_1037 {strides = array<i32>} : memref<32x16xf32, #tpu.memory_space<vmem>>, vector<1x16xf32>,
    %get3A_1038 = arith.constant 3840 : index
    %get3A_1039 = tpu.vector_load %arg6[%get3A_1038] {strides = array<i32>} : memref<8192xf32, #tpu.memory_space<vmem>>, vector<16xf32>,
    %get3A_1040 = vector.shape_cast %get3A_1039 : vector<16xf32> to vector<16xf32>
    %get3A_1041 = arith.constant 3856 : index
    %get3A_1042 = tpu.vector_load %arg6[%get3A_1041] {strides = array<i32>} : memref<8192xf32, #tpu.memory_space<vmem>>, vector<16xf32>,
    %get3A_1043 = vector.shape_cast %get3A_1042 : vector<16xf32> to vector<16xf32>
    %add3A_1044 = arith.addf %get3A_1040, %get3A_1043 : vector<16xf32>
    %get3A_1045 = arith.constant 3872 : index
    %get3A_1046 = tpu.vector_load %arg6[%get3A_1045] {strides = array<i32>} : memref<8192xf32, #tpu.memory_space<vmem>>, vector<16xf32>,
    %get3A_1047 = vector.shape_cast %get3A_1046 : vector<16xf32> to vector<16xf32>
    %add3A_1048 = arith.addf %add3A_1044, %get3A_1047 : vector<16xf32>
    %get3A_1049 = arith.constant 3888 : index
    %get3A_1050 = tpu.vector_load %arg6[%get3A_1049] {strides = array<i32>} : memref<8192xf32, #tpu.memory_space<vmem>>, vector<16xf32>,
    %get3A_1051 = vector.shape_cast %get3A_1050 : vector<16xf32> to vector<16xf32>
    %add3A_1052 = arith.addf %add3A_1048, %get3A_1051 : vector<16xf32>
    %get3A_1053 = arith.constant 3904 : index
    %get3A_1054 = tpu.vector_load %arg6[%get3A_1053] {strides = array<i32>} : memref<8192xf32, #tpu.memory_space<vmem>>, vector<16xf32>,
    %get3A_1055 = vector.shape_cast %get3A_1054 : vector<16xf32> to vector<16xf32>
    %add3A_1056 = arith.addf %add3A_1052, %get3A_1055 : vector<16xf32>
    %get3A_1057 = arith.constant 3920 : index
    %get3A_1058 = tpu.vector_load %arg6[%get3A_1057] {strides = array<i32>} : memref<8192xf32, #tpu.memory_space<vmem>>, vector<16xf32>,
    %get3A_1059 = vector.shape_cast %get3A_1058 : vector<16xf32> to vector<16xf32>
    %add3A_1060 = arith.addf %add3A_1056, %get3A_1059 : vector<16xf32>
    %get3A_1061 = arith.constant 3936 : index
    %get3A_1062 = tpu.vector_load %arg6[%get3A_1061] {strides = array<i32>} : memref<8192xf32, #tpu.memory_space<vmem>>, vector<16xf32>,
    %get3A_1063 = vector.shape_cast %get3A_1062 : vector<16xf32> to vector<16xf32>
    %add3A_1064 = arith.addf %add3A_1060, %get3A_1063 : vector<16xf32>
    %get3A_1065 = arith.constant 3952 : index
    %get3A_1066 = tpu.vector_load %arg6[%get3A_1065] {strides = array<i32>} : memref<8192xf32, #tpu.memory_space<vmem>>, vector<16xf32>,
    %get3A_1067 = vector.shape_cast %get3A_1066 : vector<16xf32> to vector<16xf32>
    %add3A_1068 = arith.addf %add3A_1064, %get3A_1067 : vector<16xf32>
    %get3A_1069 = arith.constant 3968 : index
    %get3A_1070 = tpu.vector_load %arg6[%get3A_1069] {strides = array<i32>} : memref<8192xf32, #tpu.memory_space<vmem>>, vector<16xf32>,
    %get3A_1071 = vector.shape_cast %get3A_1070 : vector<16xf32> to vector<16xf32>
    %add3A_1072 = arith.addf %add3A_1068, %get3A_1071 : vector<16xf32>
    %get3A_1073 = arith.constant 3984 : index
    %get3A_1074 = tpu.vector_load %arg6[%get3A_1073] {strides = array<i32>} : memref<8192xf32, #tpu.memory_space<vmem>>, vector<16xf32>,
    %get3A_1075 = vector.shape_cast %get3A_1074 : vector<16xf32> to vector<16xf32>
    %add3A_1076 = arith.addf %add3A_1072, %get3A_1075 : vector<16xf32>
    %get3A_1077 = arith.constant 4000 : index
    %get3A_1078 = tpu.vector_load %arg6[%get3A_1077] {strides = array<i32>} : memref<8192xf32, #tpu.memory_space<vmem>>, vector<16xf32>,
    %get3A_1079 = vector.shape_cast %get3A_1078 : vector<16xf32> to vector<16xf32>
    %add3A_1080 = arith.addf %add3A_1076, %get3A_1079 : vector<16xf32>
    %get3A_1081 = arith.constant 4016 : index
    %get3A_1082 = tpu.vector_load %arg6[%get3A_1081] {strides = array<i32>} : memref<8192xf32, #tpu.memory_space<vmem>>, vector<16xf32>,
    %get3A_1083 = vector.shape_cast %get3A_1082 : vector<16xf32> to vector<16xf32>
    %add3A_1084 = arith.addf %add3A_1080, %get3A_1083 : vector<16xf32>
    %get3A_1085 = arith.constant 4032 : index
    %get3A_1086 = tpu.vector_load %arg6[%get3A_1085] {strides = array<i32>} : memref<8192xf32, #tpu.memory_space<vmem>>, vector<16xf32>,
    %get3A_1087 = vector.shape_cast %get3A_1086 : vector<16xf32> to vector<16xf32>
    %add3A_1088 = arith.addf %add3A_1084, %get3A_1087 : vector<16xf32>
    %get3A_1089 = arith.constant 4048 : index
    %get3A_1090 = tpu.vector_load %arg6[%get3A_1089] {strides = array<i32>} : memref<8192xf32, #tpu.memory_space<vmem>>, vector<16xf32>,
    %get3A_1091 = vector.shape_cast %get3A_1090 : vector<16xf32> to vector<16xf32>
    %add3A_1092 = arith.addf %add3A_1088, %get3A_1091 : vector<16xf32>
    %get3A_1093 = arith.constant 4064 : index
    %get3A_1094 = tpu.vector_load %arg6[%get3A_1093] {strides = array<i32>} : memref<8192xf32, #tpu.memory_space<vmem>>, vector<16xf32>,
    %get3A_1095 = vector.shape_cast %get3A_1094 : vector<16xf32> to vector<16xf32>
    %add3A_1096 = arith.addf %add3A_1092, %get3A_1095 : vector<16xf32>
    %get3A_1097 = arith.constant 4080 : index
    %get3A_1098 = tpu.vector_load %arg6[%get3A_1097] {strides = array<i32>} : memref<8192xf32, #tpu.memory_space<vmem>>, vector<16xf32>,
    %get3A_1099 = vector.shape_cast %get3A_1098 : vector<16xf32> to vector<16xf32>
    %add3A_1100 = arith.addf %add3A_1096, %get3A_1099 : vector<16xf32>
    %swap3A_1101 = arith.constant 15 : i32
    %swap3A_1102 = arith.index_cast %swap3A_1101 : i32 to index
    %swap3A_1103 = arith.constant 0 : index
    %swap3A_1104 = tpu.vector_load %arg7[%swap3A_1102, %swap3A_1103] {strides = array<i32>} : memref<32x16xf32, #tpu.memory_space<vmem>>, vector<1x16xf32>,
    %swap3A_1105 = vector.shape_cast %swap3A_1104 : vector<1x16xf32> to vector<16xf32>
    %swap3A_1106 = vector.shape_cast %add3A_1100 : vector<16xf32> to vector<1x16xf32>
    tpu.vector_store %arg7[%swap3A_1102, %swap3A_1103], %swap3A_1106 {strides = array<i32>} : memref<32x16xf32, #tpu.memory_space<vmem>>, vector<1x16xf32>,
    %get3A_1107 = arith.constant 4096 : index
    %get3A_1108 = tpu.vector_load %arg6[%get3A_1107] {strides = array<i32>} : memref<8192xf32, #tpu.memory_space<vmem>>, vector<16xf32>,
    %get3A_1109 = vector.shape_cast %get3A_1108 : vector<16xf32> to vector<16xf32>
    %get3A_1110 = arith.constant 4112 : index
    %get3A_1111 = tpu.vector_load %arg6[%get3A_1110] {strides = array<i32>} : memref<8192xf32, #tpu.memory_space<vmem>>, vector<16xf32>,
    %get3A_1112 = vector.shape_cast %get3A_1111 : vector<16xf32> to vector<16xf32>
    %add3A_1113 = arith.addf %get3A_1109, %get3A_1112 : vector<16xf32>
    %get3A_1114 = arith.constant 4128 : index
    %get3A_1115 = tpu.vector_load %arg6[%get3A_1114] {strides = array<i32>} : memref<8192xf32, #tpu.memory_space<vmem>>, vector<16xf32>,
    %get3A_1116 = vector.shape_cast %get3A_1115 : vector<16xf32> to vector<16xf32>
    %add3A_1117 = arith.addf %add3A_1113, %get3A_1116 : vector<16xf32>
    %get3A_1118 = arith.constant 4144 : index
    %get3A_1119 = tpu.vector_load %arg6[%get3A_1118] {strides = array<i32>} : memref<8192xf32, #tpu.memory_space<vmem>>, vector<16xf32>,
    %get3A_1120 = vector.shape_cast %get3A_1119 : vector<16xf32> to vector<16xf32>
    %add3A_1121 = arith.addf %add3A_1117, %get3A_1120 : vector<16xf32>
    %get3A_1122 = arith.constant 4160 : index
    %get3A_1123 = tpu.vector_load %arg6[%get3A_1122] {strides = array<i32>} : memref<8192xf32, #tpu.memory_space<vmem>>, vector<16xf32>,
    %get3A_1124 = vector.shape_cast %get3A_1123 : vector<16xf32> to vector<16xf32>
    %add3A_1125 = arith.addf %add3A_1121, %get3A_1124 : vector<16xf32>
    %get3A_1126 = arith.constant 4176 : index
    %get3A_1127 = tpu.vector_load %arg6[%get3A_1126] {strides = array<i32>} : memref<8192xf32, #tpu.memory_space<vmem>>, vector<16xf32>,
    %get3A_1128 = vector.shape_cast %get3A_1127 : vector<16xf32> to vector<16xf32>
    %add3A_1129 = arith.addf %add3A_1125, %get3A_1128 : vector<16xf32>
    %get3A_1130 = arith.constant 4192 : index
    %get3A_1131 = tpu.vector_load %arg6[%get3A_1130] {strides = array<i32>} : memref<8192xf32, #tpu.memory_space<vmem>>, vector<16xf32>,
    %get3A_1132 = vector.shape_cast %get3A_1131 : vector<16xf32> to vector<16xf32>
    %add3A_1133 = arith.addf %add3A_1129, %get3A_1132 : vector<16xf32>
    %get3A_1134 = arith.constant 4208 : index
    %get3A_1135 = tpu.vector_load %arg6[%get3A_1134] {strides = array<i32>} : memref<8192xf32, #tpu.memory_space<vmem>>, vector<16xf32>,
    %get3A_1136 = vector.shape_cast %get3A_1135 : vector<16xf32> to vector<16xf32>
    %add3A_1137 = arith.addf %add3A_1133, %get3A_1136 : vector<16xf32>
    %get3A_1138 = arith.constant 4224 : index
    %get3A_1139 = tpu.vector_load %arg6[%get3A_1138] {strides = array<i32>} : memref<8192xf32, #tpu.memory_space<vmem>>, vector<16xf32>,
    %get3A_1140 = vector.shape_cast %get3A_1139 : vector<16xf32> to vector<16xf32>
    %add3A_1141 = arith.addf %add3A_1137, %get3A_1140 : vector<16xf32>
    %get3A_1142 = arith.constant 4240 : index
    %get3A_1143 = tpu.vector_load %arg6[%get3A_1142] {strides = array<i32>} : memref<8192xf32, #tpu.memory_space<vmem>>, vector<16xf32>,
    %get3A_1144 = vector.shape_cast %get3A_1143 : vector<16xf32> to vector<16xf32>
    %add3A_1145 = arith.addf %add3A_1141, %get3A_1144 : vector<16xf32>
    %get3A_1146 = arith.constant 4256 : index
    %get3A_1147 = tpu.vector_load %arg6[%get3A_1146] {strides = array<i32>} : memref<8192xf32, #tpu.memory_space<vmem>>, vector<16xf32>,
    %get3A_1148 = vector.shape_cast %get3A_1147 : vector<16xf32> to vector<16xf32>
    %add3A_1149 = arith.addf %add3A_1145, %get3A_1148 : vector<16xf32>
    %get3A_1150 = arith.constant 4272 : index
    %get3A_1151 = tpu.vector_load %arg6[%get3A_1150] {strides = array<i32>} : memref<8192xf32, #tpu.memory_space<vmem>>, vector<16xf32>,
    %get3A_1152 = vector.shape_cast %get3A_1151 : vector<16xf32> to vector<16xf32>
    %add3A_1153 = arith.addf %add3A_1149, %get3A_1152 : vector<16xf32>
    %get3A_1154 = arith.constant 4288 : index
    %get3A_1155 = tpu.vector_load %arg6[%get3A_1154] {strides = array<i32>} : memref<8192xf32, #tpu.memory_space<vmem>>, vector<16xf32>,
    %get3A_1156 = vector.shape_cast %get3A_1155 : vector<16xf32> to vector<16xf32>
    %add3A_1157 = arith.addf %add3A_1153, %get3A_1156 : vector<16xf32>
    %get3A_1158 = arith.constant 4304 : index
    %get3A_1159 = tpu.vector_load %arg6[%get3A_1158] {strides = array<i32>} : memref<8192xf32, #tpu.memory_space<vmem>>, vector<16xf32>,
    %get3A_1160 = vector.shape_cast %get3A_1159 : vector<16xf32> to vector<16xf32>
    %add3A_1161 = arith.addf %add3A_1157, %get3A_1160 : vector<16xf32>
    %get3A_1162 = arith.constant 4320 : index
    %get3A_1163 = tpu.vector_load %arg6[%get3A_1162] {strides = array<i32>} : memref<8192xf32, #tpu.memory_space<vmem>>, vector<16xf32>,
    %get3A_1164 = vector.shape_cast %get3A_1163 : vector<16xf32> to vector<16xf32>
    %add3A_1165 = arith.addf %add3A_1161, %get3A_1164 : vector<16xf32>
    %get3A_1166 = arith.constant 4336 : index
    %get3A_1167 = tpu.vector_load %arg6[%get3A_1166] {strides = array<i32>} : memref<8192xf32, #tpu.memory_space<vmem>>, vector<16xf32>,
    %get3A_1168 = vector.shape_cast %get3A_1167 : vector<16xf32> to vector<16xf32>
    %add3A_1169 = arith.addf %add3A_1165, %get3A_1168 : vector<16xf32>
    %swap3A_1170 = arith.constant 16 : i32
    %swap3A_1171 = arith.index_cast %swap3A_1170 : i32 to index
    %swap3A_1172 = arith.constant 0 : index
    %swap3A_1173 = tpu.vector_load %arg7[%swap3A_1171, %swap3A_1172] {strides = array<i32>} : memref<32x16xf32, #tpu.memory_space<vmem>>, vector<1x16xf32>,
    %swap3A_1174 = vector.shape_cast %swap3A_1173 : vector<1x16xf32> to vector<16xf32>
    %swap3A_1175 = vector.shape_cast %add3A_1169 : vector<16xf32> to vector<1x16xf32>
    tpu.vector_store %arg7[%swap3A_1171, %swap3A_1172], %swap3A_1175 {strides = array<i32>} : memref<32x16xf32, #tpu.memory_space<vmem>>, vector<1x16xf32>,
    %get3A_1176 = arith.constant 4352 : index
    %get3A_1177 = tpu.vector_load %arg6[%get3A_1176] {strides = array<i32>} : memref<8192xf32, #tpu.memory_space<vmem>>, vector<16xf32>,
    %get3A_1178 = vector.shape_cast %get3A_1177 : vector<16xf32> to vector<16xf32>
    %get3A_1179 = arith.constant 4368 : index
    %get3A_1180 = tpu.vector_load %arg6[%get3A_1179] {strides = array<i32>} : memref<8192xf32, #tpu.memory_space<vmem>>, vector<16xf32>,
    %get3A_1181 = vector.shape_cast %get3A_1180 : vector<16xf32> to vector<16xf32>
    %add3A_1182 = arith.addf %get3A_1178, %get3A_1181 : vector<16xf32>
    %get3A_1183 = arith.constant 4384 : index
    %get3A_1184 = tpu.vector_load %arg6[%get3A_1183] {strides = array<i32>} : memref<8192xf32, #tpu.memory_space<vmem>>, vector<16xf32>,
    %get3A_1185 = vector.shape_cast %get3A_1184 : vector<16xf32> to vector<16xf32>
    %add3A_1186 = arith.addf %add3A_1182, %get3A_1185 : vector<16xf32>
    %get3A_1187 = arith.constant 4400 : index
    %get3A_1188 = tpu.vector_load %arg6[%get3A_1187] {strides = array<i32>} : memref<8192xf32, #tpu.memory_space<vmem>>, vector<16xf32>,
    %get3A_1189 = vector.shape_cast %get3A_1188 : vector<16xf32> to vector<16xf32>
    %add3A_1190 = arith.addf %add3A_1186, %get3A_1189 : vector<16xf32>
    %get3A_1191 = arith.constant 4416 : index
    %get3A_1192 = tpu.vector_load %arg6[%get3A_1191] {strides = array<i32>} : memref<8192xf32, #tpu.memory_space<vmem>>, vector<16xf32>,
    %get3A_1193 = vector.shape_cast %get3A_1192 : vector<16xf32> to vector<16xf32>
    %add3A_1194 = arith.addf %add3A_1190, %get3A_1193 : vector<16xf32>
    %get3A_1195 = arith.constant 4432 : index
    %get3A_1196 = tpu.vector_load %arg6[%get3A_1195] {strides = array<i32>} : memref<8192xf32, #tpu.memory_space<vmem>>, vector<16xf32>,
    %get3A_1197 = vector.shape_cast %get3A_1196 : vector<16xf32> to vector<16xf32>
    %add3A_1198 = arith.addf %add3A_1194, %get3A_1197 : vector<16xf32>
    %get3A_1199 = arith.constant 4448 : index
    %get3A_1200 = tpu.vector_load %arg6[%get3A_1199] {strides = array<i32>} : memref<8192xf32, #tpu.memory_space<vmem>>, vector<16xf32>,
    %get3A_1201 = vector.shape_cast %get3A_1200 : vector<16xf32> to vector<16xf32>
    %add3A_1202 = arith.addf %add3A_1198, %get3A_1201 : vector<16xf32>
    %get3A_1203 = arith.constant 4464 : index
    %get3A_1204 = tpu.vector_load %arg6[%get3A_1203] {strides = array<i32>} : memref<8192xf32, #tpu.memory_space<vmem>>, vector<16xf32>,
    %get3A_1205 = vector.shape_cast %get3A_1204 : vector<16xf32> to vector<16xf32>
    %add3A_1206 = arith.addf %add3A_1202, %get3A_1205 : vector<16xf32>
    %get3A_1207 = arith.constant 4480 : index
    %get3A_1208 = tpu.vector_load %arg6[%get3A_1207] {strides = array<i32>} : memref<8192xf32, #tpu.memory_space<vmem>>, vector<16xf32>,
    %get3A_1209 = vector.shape_cast %get3A_1208 : vector<16xf32> to vector<16xf32>
    %add3A_1210 = arith.addf %add3A_1206, %get3A_1209 : vector<16xf32>
    %get3A_1211 = arith.constant 4496 : index
    %get3A_1212 = tpu.vector_load %arg6[%get3A_1211] {strides = array<i32>} : memref<8192xf32, #tpu.memory_space<vmem>>, vector<16xf32>,
    %get3A_1213 = vector.shape_cast %get3A_1212 : vector<16xf32> to vector<16xf32>
    %add3A_1214 = arith.addf %add3A_1210, %get3A_1213 : vector<16xf32>
    %get3A_1215 = arith.constant 4512 : index
    %get3A_1216 = tpu.vector_load %arg6[%get3A_1215] {strides = array<i32>} : memref<8192xf32, #tpu.memory_space<vmem>>, vector<16xf32>,
    %get3A_1217 = vector.shape_cast %get3A_1216 : vector<16xf32> to vector<16xf32>
    %add3A_1218 = arith.addf %add3A_1214, %get3A_1217 : vector<16xf32>
    %get3A_1219 = arith.constant 4528 : index
    %get3A_1220 = tpu.vector_load %arg6[%get3A_1219] {strides = array<i32>} : memref<8192xf32, #tpu.memory_space<vmem>>, vector<16xf32>,
    %get3A_1221 = vector.shape_cast %get3A_1220 : vector<16xf32> to vector<16xf32>
    %add3A_1222 = arith.addf %add3A_1218, %get3A_1221 : vector<16xf32>
    %get3A_1223 = arith.constant 4544 : index
    %get3A_1224 = tpu.vector_load %arg6[%get3A_1223] {strides = array<i32>} : memref<8192xf32, #tpu.memory_space<vmem>>, vector<16xf32>,
    %get3A_1225 = vector.shape_cast %get3A_1224 : vector<16xf32> to vector<16xf32>
    %add3A_1226 = arith.addf %add3A_1222, %get3A_1225 : vector<16xf32>
    %get3A_1227 = arith.constant 4560 : index
    %get3A_1228 = tpu.vector_load %arg6[%get3A_1227] {strides = array<i32>} : memref<8192xf32, #tpu.memory_space<vmem>>, vector<16xf32>,
    %get3A_1229 = vector.shape_cast %get3A_1228 : vector<16xf32> to vector<16xf32>
    %add3A_1230 = arith.addf %add3A_1226, %get3A_1229 : vector<16xf32>
    %get3A_1231 = arith.constant 4576 : index
    %get3A_1232 = tpu.vector_load %arg6[%get3A_1231] {strides = array<i32>} : memref<8192xf32, #tpu.memory_space<vmem>>, vector<16xf32>,
    %get3A_1233 = vector.shape_cast %get3A_1232 : vector<16xf32> to vector<16xf32>
    %add3A_1234 = arith.addf %add3A_1230, %get3A_1233 : vector<16xf32>
    %get3A_1235 = arith.constant 4592 : index
    %get3A_1236 = tpu.vector_load %arg6[%get3A_1235] {strides = array<i32>} : memref<8192xf32, #tpu.memory_space<vmem>>, vector<16xf32>,
    %get3A_1237 = vector.shape_cast %get3A_1236 : vector<16xf32> to vector<16xf32>
    %add3A_1238 = arith.addf %add3A_1234, %get3A_1237 : vector<16xf32>
    %swap3A_1239 = arith.constant 17 : i32
    %swap3A_1240 = arith.index_cast %swap3A_1239 : i32 to index
    %swap3A_1241 = arith.constant 0 : index
    %swap3A_1242 = tpu.vector_load %arg7[%swap3A_1240, %swap3A_1241] {strides = array<i32>} : memref<32x16xf32, #tpu.memory_space<vmem>>, vector<1x16xf32>,
    %swap3A_1243 = vector.shape_cast %swap3A_1242 : vector<1x16xf32> to vector<16xf32>
    %swap3A_1244 = vector.shape_cast %add3A_1238 : vector<16xf32> to vector<1x16xf32>
    tpu.vector_store %arg7[%swap3A_1240, %swap3A_1241], %swap3A_1244 {strides = array<i32>} : memref<32x16xf32, #tpu.memory_space<vmem>>, vector<1x16xf32>,
    %get3A_1245 = arith.constant 4608 : index
    %get3A_1246 = tpu.vector_load %arg6[%get3A_1245] {strides = array<i32>} : memref<8192xf32, #tpu.memory_space<vmem>>, vector<16xf32>,
    %get3A_1247 = vector.shape_cast %get3A_1246 : vector<16xf32> to vector<16xf32>
    %get3A_1248 = arith.constant 4624 : index
    %get3A_1249 = tpu.vector_load %arg6[%get3A_1248] {strides = array<i32>} : memref<8192xf32, #tpu.memory_space<vmem>>, vector<16xf32>,
    %get3A_1250 = vector.shape_cast %get3A_1249 : vector<16xf32> to vector<16xf32>
    %add3A_1251 = arith.addf %get3A_1247, %get3A_1250 : vector<16xf32>
    %get3A_1252 = arith.constant 4640 : index
    %get3A_1253 = tpu.vector_load %arg6[%get3A_1252] {strides = array<i32>} : memref<8192xf32, #tpu.memory_space<vmem>>, vector<16xf32>,
    %get3A_1254 = vector.shape_cast %get3A_1253 : vector<16xf32> to vector<16xf32>
    %add3A_1255 = arith.addf %add3A_1251, %get3A_1254 : vector<16xf32>
    %get3A_1256 = arith.constant 4656 : index
    %get3A_1257 = tpu.vector_load %arg6[%get3A_1256] {strides = array<i32>} : memref<8192xf32, #tpu.memory_space<vmem>>, vector<16xf32>,
    %get3A_1258 = vector.shape_cast %get3A_1257 : vector<16xf32> to vector<16xf32>
    %add3A_1259 = arith.addf %add3A_1255, %get3A_1258 : vector<16xf32>
    %get3A_1260 = arith.constant 4672 : index
    %get3A_1261 = tpu.vector_load %arg6[%get3A_1260] {strides = array<i32>} : memref<8192xf32, #tpu.memory_space<vmem>>, vector<16xf32>,
    %get3A_1262 = vector.shape_cast %get3A_1261 : vector<16xf32> to vector<16xf32>
    %add3A_1263 = arith.addf %add3A_1259, %get3A_1262 : vector<16xf32>
    %get3A_1264 = arith.constant 4688 : index
    %get3A_1265 = tpu.vector_load %arg6[%get3A_1264] {strides = array<i32>} : memref<8192xf32, #tpu.memory_space<vmem>>, vector<16xf32>,
    %get3A_1266 = vector.shape_cast %get3A_1265 : vector<16xf32> to vector<16xf32>
    %add3A_1267 = arith.addf %add3A_1263, %get3A_1266 : vector<16xf32>
    %get3A_1268 = arith.constant 4704 : index
    %get3A_1269 = tpu.vector_load %arg6[%get3A_1268] {strides = array<i32>} : memref<8192xf32, #tpu.memory_space<vmem>>, vector<16xf32>,
    %get3A_1270 = vector.shape_cast %get3A_1269 : vector<16xf32> to vector<16xf32>
    %add3A_1271 = arith.addf %add3A_1267, %get3A_1270 : vector<16xf32>
    %get3A_1272 = arith.constant 4720 : index
    %get3A_1273 = tpu.vector_load %arg6[%get3A_1272] {strides = array<i32>} : memref<8192xf32, #tpu.memory_space<vmem>>, vector<16xf32>,
    %get3A_1274 = vector.shape_cast %get3A_1273 : vector<16xf32> to vector<16xf32>
    %add3A_1275 = arith.addf %add3A_1271, %get3A_1274 : vector<16xf32>
    %get3A_1276 = arith.constant 4736 : index
    %get3A_1277 = tpu.vector_load %arg6[%get3A_1276] {strides = array<i32>} : memref<8192xf32, #tpu.memory_space<vmem>>, vector<16xf32>,
    %get3A_1278 = vector.shape_cast %get3A_1277 : vector<16xf32> to vector<16xf32>
    %add3A_1279 = arith.addf %add3A_1275, %get3A_1278 : vector<16xf32>
    %get3A_1280 = arith.constant 4752 : index
    %get3A_1281 = tpu.vector_load %arg6[%get3A_1280] {strides = array<i32>} : memref<8192xf32, #tpu.memory_space<vmem>>, vector<16xf32>,
    %get3A_1282 = vector.shape_cast %get3A_1281 : vector<16xf32> to vector<16xf32>
    %add3A_1283 = arith.addf %add3A_1279, %get3A_1282 : vector<16xf32>
    %get3A_1284 = arith.constant 4768 : index
    %get3A_1285 = tpu.vector_load %arg6[%get3A_1284] {strides = array<i32>} : memref<8192xf32, #tpu.memory_space<vmem>>, vector<16xf32>,
    %get3A_1286 = vector.shape_cast %get3A_1285 : vector<16xf32> to vector<16xf32>
    %add3A_1287 = arith.addf %add3A_1283, %get3A_1286 : vector<16xf32>
    %get3A_1288 = arith.constant 4784 : index
    %get3A_1289 = tpu.vector_load %arg6[%get3A_1288] {strides = array<i32>} : memref<8192xf32, #tpu.memory_space<vmem>>, vector<16xf32>,
    %get3A_1290 = vector.shape_cast %get3A_1289 : vector<16xf32> to vector<16xf32>
    %add3A_1291 = arith.addf %add3A_1287, %get3A_1290 : vector<16xf32>
    %get3A_1292 = arith.constant 4800 : index
    %get3A_1293 = tpu.vector_load %arg6[%get3A_1292] {strides = array<i32>} : memref<8192xf32, #tpu.memory_space<vmem>>, vector<16xf32>,
    %get3A_1294 = vector.shape_cast %get3A_1293 : vector<16xf32> to vector<16xf32>
    %add3A_1295 = arith.addf %add3A_1291, %get3A_1294 : vector<16xf32>
    %get3A_1296 = arith.constant 4816 : index
    %get3A_1297 = tpu.vector_load %arg6[%get3A_1296] {strides = array<i32>} : memref<8192xf32, #tpu.memory_space<vmem>>, vector<16xf32>,
    %get3A_1298 = vector.shape_cast %get3A_1297 : vector<16xf32> to vector<16xf32>
    %add3A_1299 = arith.addf %add3A_1295, %get3A_1298 : vector<16xf32>
    %get3A_1300 = arith.constant 4832 : index
    %get3A_1301 = tpu.vector_load %arg6[%get3A_1300] {strides = array<i32>} : memref<8192xf32, #tpu.memory_space<vmem>>, vector<16xf32>,
    %get3A_1302 = vector.shape_cast %get3A_1301 : vector<16xf32> to vector<16xf32>
    %add3A_1303 = arith.addf %add3A_1299, %get3A_1302 : vector<16xf32>
    %get3A_1304 = arith.constant 4848 : index
    %get3A_1305 = tpu.vector_load %arg6[%get3A_1304] {strides = array<i32>} : memref<8192xf32, #tpu.memory_space<vmem>>, vector<16xf32>,
    %get3A_1306 = vector.shape_cast %get3A_1305 : vector<16xf32> to vector<16xf32>
    %add3A_1307 = arith.addf %add3A_1303, %get3A_1306 : vector<16xf32>
    %swap3A_1308 = arith.constant 18 : i32
    %swap3A_1309 = arith.index_cast %swap3A_1308 : i32 to index
    %swap3A_1310 = arith.constant 0 : index
    %swap3A_1311 = tpu.vector_load %arg7[%swap3A_1309, %swap3A_1310] {strides = array<i32>} : memref<32x16xf32, #tpu.memory_space<vmem>>, vector<1x16xf32>,
    %swap3A_1312 = vector.shape_cast %swap3A_1311 : vector<1x16xf32> to vector<16xf32>
    %swap3A_1313 = vector.shape_cast %add3A_1307 : vector<16xf32> to vector<1x16xf32>
    tpu.vector_store %arg7[%swap3A_1309, %swap3A_1310], %swap3A_1313 {strides = array<i32>} : memref<32x16xf32, #tpu.memory_space<vmem>>, vector<1x16xf32>,
    %get3A_1314 = arith.constant 4864 : index
    %get3A_1315 = tpu.vector_load %arg6[%get3A_1314] {strides = array<i32>} : memref<8192xf32, #tpu.memory_space<vmem>>, vector<16xf32>,
    %get3A_1316 = vector.shape_cast %get3A_1315 : vector<16xf32> to vector<16xf32>
    %get3A_1317 = arith.constant 4880 : index
    %get3A_1318 = tpu.vector_load %arg6[%get3A_1317] {strides = array<i32>} : memref<8192xf32, #tpu.memory_space<vmem>>, vector<16xf32>,
    %get3A_1319 = vector.shape_cast %get3A_1318 : vector<16xf32> to vector<16xf32>
    %add3A_1320 = arith.addf %get3A_1316, %get3A_1319 : vector<16xf32>
    %get3A_1321 = arith.constant 4896 : index
    %get3A_1322 = tpu.vector_load %arg6[%get3A_1321] {strides = array<i32>} : memref<8192xf32, #tpu.memory_space<vmem>>, vector<16xf32>,
    %get3A_1323 = vector.shape_cast %get3A_1322 : vector<16xf32> to vector<16xf32>
    %add3A_1324 = arith.addf %add3A_1320, %get3A_1323 : vector<16xf32>
    %get3A_1325 = arith.constant 4912 : index
    %get3A_1326 = tpu.vector_load %arg6[%get3A_1325] {strides = array<i32>} : memref<8192xf32, #tpu.memory_space<vmem>>, vector<16xf32>,
    %get3A_1327 = vector.shape_cast %get3A_1326 : vector<16xf32> to vector<16xf32>
    %add3A_1328 = arith.addf %add3A_1324, %get3A_1327 : vector<16xf32>
    %get3A_1329 = arith.constant 4928 : index
    %get3A_1330 = tpu.vector_load %arg6[%get3A_1329] {strides = array<i32>} : memref<8192xf32, #tpu.memory_space<vmem>>, vector<16xf32>,
    %get3A_1331 = vector.shape_cast %get3A_1330 : vector<16xf32> to vector<16xf32>
    %add3A_1332 = arith.addf %add3A_1328, %get3A_1331 : vector<16xf32>
    %get3A_1333 = arith.constant 4944 : index
    %get3A_1334 = tpu.vector_load %arg6[%get3A_1333] {strides = array<i32>} : memref<8192xf32, #tpu.memory_space<vmem>>, vector<16xf32>,
    %get3A_1335 = vector.shape_cast %get3A_1334 : vector<16xf32> to vector<16xf32>
    %add3A_1336 = arith.addf %add3A_1332, %get3A_1335 : vector<16xf32>
    %get3A_1337 = arith.constant 4960 : index
    %get3A_1338 = tpu.vector_load %arg6[%get3A_1337] {strides = array<i32>} : memref<8192xf32, #tpu.memory_space<vmem>>, vector<16xf32>,
    %get3A_1339 = vector.shape_cast %get3A_1338 : vector<16xf32> to vector<16xf32>
    %add3A_1340 = arith.addf %add3A_1336, %get3A_1339 : vector<16xf32>
    %get3A_1341 = arith.constant 4976 : index
    %get3A_1342 = tpu.vector_load %arg6[%get3A_1341] {strides = array<i32>} : memref<8192xf32, #tpu.memory_space<vmem>>, vector<16xf32>,
    %get3A_1343 = vector.shape_cast %get3A_1342 : vector<16xf32> to vector<16xf32>
    %add3A_1344 = arith.addf %add3A_1340, %get3A_1343 : vector<16xf32>
    %get3A_1345 = arith.constant 4992 : index
    %get3A_1346 = tpu.vector_load %arg6[%get3A_1345] {strides = array<i32>} : memref<8192xf32, #tpu.memory_space<vmem>>, vector<16xf32>,
    %get3A_1347 = vector.shape_cast %get3A_1346 : vector<16xf32> to vector<16xf32>
    %add3A_1348 = arith.addf %add3A_1344, %get3A_1347 : vector<16xf32>
    %get3A_1349 = arith.constant 5008 : index
    %get3A_1350 = tpu.vector_load %arg6[%get3A_1349] {strides = array<i32>} : memref<8192xf32, #tpu.memory_space<vmem>>, vector<16xf32>,
    %get3A_1351 = vector.shape_cast %get3A_1350 : vector<16xf32> to vector<16xf32>
    %add3A_1352 = arith.addf %add3A_1348, %get3A_1351 : vector<16xf32>
    %get3A_1353 = arith.constant 5024 : index
    %get3A_1354 = tpu.vector_load %arg6[%get3A_1353] {strides = array<i32>} : memref<8192xf32, #tpu.memory_space<vmem>>, vector<16xf32>,
    %get3A_1355 = vector.shape_cast %get3A_1354 : vector<16xf32> to vector<16xf32>
    %add3A_1356 = arith.addf %add3A_1352, %get3A_1355 : vector<16xf32>
    %get3A_1357 = arith.constant 5040 : index
    %get3A_1358 = tpu.vector_load %arg6[%get3A_1357] {strides = array<i32>} : memref<8192xf32, #tpu.memory_space<vmem>>, vector<16xf32>,
    %get3A_1359 = vector.shape_cast %get3A_1358 : vector<16xf32> to vector<16xf32>
    %add3A_1360 = arith.addf %add3A_1356, %get3A_1359 : vector<16xf32>
    %get3A_1361 = arith.constant 5056 : index
    %get3A_1362 = tpu.vector_load %arg6[%get3A_1361] {strides = array<i32>} : memref<8192xf32, #tpu.memory_space<vmem>>, vector<16xf32>,
    %get3A_1363 = vector.shape_cast %get3A_1362 : vector<16xf32> to vector<16xf32>
    %add3A_1364 = arith.addf %add3A_1360, %get3A_1363 : vector<16xf32>
    %get3A_1365 = arith.constant 5072 : index
    %get3A_1366 = tpu.vector_load %arg6[%get3A_1365] {strides = array<i32>} : memref<8192xf32, #tpu.memory_space<vmem>>, vector<16xf32>,
    %get3A_1367 = vector.shape_cast %get3A_1366 : vector<16xf32> to vector<16xf32>
    %add3A_1368 = arith.addf %add3A_1364, %get3A_1367 : vector<16xf32>
    %get3A_1369 = arith.constant 5088 : index
    %get3A_1370 = tpu.vector_load %arg6[%get3A_1369] {strides = array<i32>} : memref<8192xf32, #tpu.memory_space<vmem>>, vector<16xf32>,
    %get3A_1371 = vector.shape_cast %get3A_1370 : vector<16xf32> to vector<16xf32>
    %add3A_1372 = arith.addf %add3A_1368, %get3A_1371 : vector<16xf32>
    %get3A_1373 = arith.constant 5104 : index
    %get3A_1374 = tpu.vector_load %arg6[%get3A_1373] {strides = array<i32>} : memref<8192xf32, #tpu.memory_space<vmem>>, vector<16xf32>,
    %get3A_1375 = vector.shape_cast %get3A_1374 : vector<16xf32> to vector<16xf32>
    %add3A_1376 = arith.addf %add3A_1372, %get3A_1375 : vector<16xf32>
    %swap3A_1377 = arith.constant 19 : i32
    %swap3A_1378 = arith.index_cast %swap3A_1377 : i32 to index
    %swap3A_1379 = arith.constant 0 : index
    %swap3A_1380 = tpu.vector_load %arg7[%swap3A_1378, %swap3A_1379] {strides = array<i32>} : memref<32x16xf32, #tpu.memory_space<vmem>>, vector<1x16xf32>,
    %swap3A_1381 = vector.shape_cast %swap3A_1380 : vector<1x16xf32> to vector<16xf32>
    %swap3A_1382 = vector.shape_cast %add3A_1376 : vector<16xf32> to vector<1x16xf32>
    tpu.vector_store %arg7[%swap3A_1378, %swap3A_1379], %swap3A_1382 {strides = array<i32>} : memref<32x16xf32, #tpu.memory_space<vmem>>, vector<1x16xf32>,
    %get3A_1383 = arith.constant 5120 : index
    %get3A_1384 = tpu.vector_load %arg6[%get3A_1383] {strides = array<i32>} : memref<8192xf32, #tpu.memory_space<vmem>>, vector<16xf32>,
    %get3A_1385 = vector.shape_cast %get3A_1384 : vector<16xf32> to vector<16xf32>
    %get3A_1386 = arith.constant 5136 : index
    %get3A_1387 = tpu.vector_load %arg6[%get3A_1386] {strides = array<i32>} : memref<8192xf32, #tpu.memory_space<vmem>>, vector<16xf32>,
    %get3A_1388 = vector.shape_cast %get3A_1387 : vector<16xf32> to vector<16xf32>
    %add3A_1389 = arith.addf %get3A_1385, %get3A_1388 : vector<16xf32>
    %get3A_1390 = arith.constant 5152 : index
    %get3A_1391 = tpu.vector_load %arg6[%get3A_1390] {strides = array<i32>} : memref<8192xf32, #tpu.memory_space<vmem>>, vector<16xf32>,
    %get3A_1392 = vector.shape_cast %get3A_1391 : vector<16xf32> to vector<16xf32>
    %add3A_1393 = arith.addf %add3A_1389, %get3A_1392 : vector<16xf32>
    %get3A_1394 = arith.constant 5168 : index
    %get3A_1395 = tpu.vector_load %arg6[%get3A_1394] {strides = array<i32>} : memref<8192xf32, #tpu.memory_space<vmem>>, vector<16xf32>,
    %get3A_1396 = vector.shape_cast %get3A_1395 : vector<16xf32> to vector<16xf32>
    %add3A_1397 = arith.addf %add3A_1393, %get3A_1396 : vector<16xf32>
    %get3A_1398 = arith.constant 5184 : index
    %get3A_1399 = tpu.vector_load %arg6[%get3A_1398] {strides = array<i32>} : memref<8192xf32, #tpu.memory_space<vmem>>, vector<16xf32>,
    %get3A_1400 = vector.shape_cast %get3A_1399 : vector<16xf32> to vector<16xf32>
    %add3A_1401 = arith.addf %add3A_1397, %get3A_1400 : vector<16xf32>
    %get3A_1402 = arith.constant 5200 : index
    %get3A_1403 = tpu.vector_load %arg6[%get3A_1402] {strides = array<i32>} : memref<8192xf32, #tpu.memory_space<vmem>>, vector<16xf32>,
    %get3A_1404 = vector.shape_cast %get3A_1403 : vector<16xf32> to vector<16xf32>
    %add3A_1405 = arith.addf %add3A_1401, %get3A_1404 : vector<16xf32>
    %get3A_1406 = arith.constant 5216 : index
    %get3A_1407 = tpu.vector_load %arg6[%get3A_1406] {strides = array<i32>} : memref<8192xf32, #tpu.memory_space<vmem>>, vector<16xf32>,
    %get3A_1408 = vector.shape_cast %get3A_1407 : vector<16xf32> to vector<16xf32>
    %add3A_1409 = arith.addf %add3A_1405, %get3A_1408 : vector<16xf32>
    %get3A_1410 = arith.constant 5232 : index
    %get3A_1411 = tpu.vector_load %arg6[%get3A_1410] {strides = array<i32>} : memref<8192xf32, #tpu.memory_space<vmem>>, vector<16xf32>,
    %get3A_1412 = vector.shape_cast %get3A_1411 : vector<16xf32> to vector<16xf32>
    %add3A_1413 = arith.addf %add3A_1409, %get3A_1412 : vector<16xf32>
    %get3A_1414 = arith.constant 5248 : index
    %get3A_1415 = tpu.vector_load %arg6[%get3A_1414] {strides = array<i32>} : memref<8192xf32, #tpu.memory_space<vmem>>, vector<16xf32>,
    %get3A_1416 = vector.shape_cast %get3A_1415 : vector<16xf32> to vector<16xf32>
    %add3A_1417 = arith.addf %add3A_1413, %get3A_1416 : vector<16xf32>
    %get3A_1418 = arith.constant 5264 : index
    %get3A_1419 = tpu.vector_load %arg6[%get3A_1418] {strides = array<i32>} : memref<8192xf32, #tpu.memory_space<vmem>>, vector<16xf32>,
    %get3A_1420 = vector.shape_cast %get3A_1419 : vector<16xf32> to vector<16xf32>
    %add3A_1421 = arith.addf %add3A_1417, %get3A_1420 : vector<16xf32>
    %get3A_1422 = arith.constant 5280 : index
    %get3A_1423 = tpu.vector_load %arg6[%get3A_1422] {strides = array<i32>} : memref<8192xf32, #tpu.memory_space<vmem>>, vector<16xf32>,
    %get3A_1424 = vector.shape_cast %get3A_1423 : vector<16xf32> to vector<16xf32>
    %add3A_1425 = arith.addf %add3A_1421, %get3A_1424 : vector<16xf32>
    %get3A_1426 = arith.constant 5296 : index
    %get3A_1427 = tpu.vector_load %arg6[%get3A_1426] {strides = array<i32>} : memref<8192xf32, #tpu.memory_space<vmem>>, vector<16xf32>,
    %get3A_1428 = vector.shape_cast %get3A_1427 : vector<16xf32> to vector<16xf32>
    %add3A_1429 = arith.addf %add3A_1425, %get3A_1428 : vector<16xf32>
    %get3A_1430 = arith.constant 5312 : index
    %get3A_1431 = tpu.vector_load %arg6[%get3A_1430] {strides = array<i32>} : memref<8192xf32, #tpu.memory_space<vmem>>, vector<16xf32>,
    %get3A_1432 = vector.shape_cast %get3A_1431 : vector<16xf32> to vector<16xf32>
    %add3A_1433 = arith.addf %add3A_1429, %get3A_1432 : vector<16xf32>
    %get3A_1434 = arith.constant 5328 : index
    %get3A_1435 = tpu.vector_load %arg6[%get3A_1434] {strides = array<i32>} : memref<8192xf32, #tpu.memory_space<vmem>>, vector<16xf32>,
    %get3A_1436 = vector.shape_cast %get3A_1435 : vector<16xf32> to vector<16xf32>
    %add3A_1437 = arith.addf %add3A_1433, %get3A_1436 : vector<16xf32>
    %get3A_1438 = arith.constant 5344 : index
    %get3A_1439 = tpu.vector_load %arg6[%get3A_1438] {strides = array<i32>} : memref<8192xf32, #tpu.memory_space<vmem>>, vector<16xf32>,
    %get3A_1440 = vector.shape_cast %get3A_1439 : vector<16xf32> to vector<16xf32>
    %add3A_1441 = arith.addf %add3A_1437, %get3A_1440 : vector<16xf32>
    %get3A_1442 = arith.constant 5360 : index
    %get3A_1443 = tpu.vector_load %arg6[%get3A_1442] {strides = array<i32>} : memref<8192xf32, #tpu.memory_space<vmem>>, vector<16xf32>,
    %get3A_1444 = vector.shape_cast %get3A_1443 : vector<16xf32> to vector<16xf32>
    %add3A_1445 = arith.addf %add3A_1441, %get3A_1444 : vector<16xf32>
    %swap3A_1446 = arith.constant 20 : i32
    %swap3A_1447 = arith.index_cast %swap3A_1446 : i32 to index
    %swap3A_1448 = arith.constant 0 : index
    %swap3A_1449 = tpu.vector_load %arg7[%swap3A_1447, %swap3A_1448] {strides = array<i32>} : memref<32x16xf32, #tpu.memory_space<vmem>>, vector<1x16xf32>,
    %swap3A_1450 = vector.shape_cast %swap3A_1449 : vector<1x16xf32> to vector<16xf32>
    %swap3A_1451 = vector.shape_cast %add3A_1445 : vector<16xf32> to vector<1x16xf32>
    tpu.vector_store %arg7[%swap3A_1447, %swap3A_1448], %swap3A_1451 {strides = array<i32>} : memref<32x16xf32, #tpu.memory_space<vmem>>, vector<1x16xf32>,
    %get3A_1452 = arith.constant 5376 : index
    %get3A_1453 = tpu.vector_load %arg6[%get3A_1452] {strides = array<i32>} : memref<8192xf32, #tpu.memory_space<vmem>>, vector<16xf32>,
    %get3A_1454 = vector.shape_cast %get3A_1453 : vector<16xf32> to vector<16xf32>
    %get3A_1455 = arith.constant 5392 : index
    %get3A_1456 = tpu.vector_load %arg6[%get3A_1455] {strides = array<i32>} : memref<8192xf32, #tpu.memory_space<vmem>>, vector<16xf32>,
    %get3A_1457 = vector.shape_cast %get3A_1456 : vector<16xf32> to vector<16xf32>
    %add3A_1458 = arith.addf %get3A_1454, %get3A_1457 : vector<16xf32>
    %get3A_1459 = arith.constant 5408 : index
    %get3A_1460 = tpu.vector_load %arg6[%get3A_1459] {strides = array<i32>} : memref<8192xf32, #tpu.memory_space<vmem>>, vector<16xf32>,
    %get3A_1461 = vector.shape_cast %get3A_1460 : vector<16xf32> to vector<16xf32>
    %add3A_1462 = arith.addf %add3A_1458, %get3A_1461 : vector<16xf32>
    %get3A_1463 = arith.constant 5424 : index
    %get3A_1464 = tpu.vector_load %arg6[%get3A_1463] {strides = array<i32>} : memref<8192xf32, #tpu.memory_space<vmem>>, vector<16xf32>,
    %get3A_1465 = vector.shape_cast %get3A_1464 : vector<16xf32> to vector<16xf32>
    %add3A_1466 = arith.addf %add3A_1462, %get3A_1465 : vector<16xf32>
    %get3A_1467 = arith.constant 5440 : index
    %get3A_1468 = tpu.vector_load %arg6[%get3A_1467] {strides = array<i32>} : memref<8192xf32, #tpu.memory_space<vmem>>, vector<16xf32>,
    %get3A_1469 = vector.shape_cast %get3A_1468 : vector<16xf32> to vector<16xf32>
    %add3A_1470 = arith.addf %add3A_1466, %get3A_1469 : vector<16xf32>
    %get3A_1471 = arith.constant 5456 : index
    %get3A_1472 = tpu.vector_load %arg6[%get3A_1471] {strides = array<i32>} : memref<8192xf32, #tpu.memory_space<vmem>>, vector<16xf32>,
    %get3A_1473 = vector.shape_cast %get3A_1472 : vector<16xf32> to vector<16xf32>
    %add3A_1474 = arith.addf %add3A_1470, %get3A_1473 : vector<16xf32>
    %get3A_1475 = arith.constant 5472 : index
    %get3A_1476 = tpu.vector_load %arg6[%get3A_1475] {strides = array<i32>} : memref<8192xf32, #tpu.memory_space<vmem>>, vector<16xf32>,
    %get3A_1477 = vector.shape_cast %get3A_1476 : vector<16xf32> to vector<16xf32>
    %add3A_1478 = arith.addf %add3A_1474, %get3A_1477 : vector<16xf32>
    %get3A_1479 = arith.constant 5488 : index
    %get3A_1480 = tpu.vector_load %arg6[%get3A_1479] {strides = array<i32>} : memref<8192xf32, #tpu.memory_space<vmem>>, vector<16xf32>,
    %get3A_1481 = vector.shape_cast %get3A_1480 : vector<16xf32> to vector<16xf32>
    %add3A_1482 = arith.addf %add3A_1478, %get3A_1481 : vector<16xf32>
    %get3A_1483 = arith.constant 5504 : index
    %get3A_1484 = tpu.vector_load %arg6[%get3A_1483] {strides = array<i32>} : memref<8192xf32, #tpu.memory_space<vmem>>, vector<16xf32>,
    %get3A_1485 = vector.shape_cast %get3A_1484 : vector<16xf32> to vector<16xf32>
    %add3A_1486 = arith.addf %add3A_1482, %get3A_1485 : vector<16xf32>
    %get3A_1487 = arith.constant 5520 : index
    %get3A_1488 = tpu.vector_load %arg6[%get3A_1487] {strides = array<i32>} : memref<8192xf32, #tpu.memory_space<vmem>>, vector<16xf32>,
    %get3A_1489 = vector.shape_cast %get3A_1488 : vector<16xf32> to vector<16xf32>
    %add3A_1490 = arith.addf %add3A_1486, %get3A_1489 : vector<16xf32>
    %get3A_1491 = arith.constant 5536 : index
    %get3A_1492 = tpu.vector_load %arg6[%get3A_1491] {strides = array<i32>} : memref<8192xf32, #tpu.memory_space<vmem>>, vector<16xf32>,
    %get3A_1493 = vector.shape_cast %get3A_1492 : vector<16xf32> to vector<16xf32>
    %add3A_1494 = arith.addf %add3A_1490, %get3A_1493 : vector<16xf32>
    %get3A_1495 = arith.constant 5552 : index
    %get3A_1496 = tpu.vector_load %arg6[%get3A_1495] {strides = array<i32>} : memref<8192xf32, #tpu.memory_space<vmem>>, vector<16xf32>,
    %get3A_1497 = vector.shape_cast %get3A_1496 : vector<16xf32> to vector<16xf32>
    %add3A_1498 = arith.addf %add3A_1494, %get3A_1497 : vector<16xf32>
    %get3A_1499 = arith.constant 5568 : index
    %get3A_1500 = tpu.vector_load %arg6[%get3A_1499] {strides = array<i32>} : memref<8192xf32, #tpu.memory_space<vmem>>, vector<16xf32>,
    %get3A_1501 = vector.shape_cast %get3A_1500 : vector<16xf32> to vector<16xf32>
    %add3A_1502 = arith.addf %add3A_1498, %get3A_1501 : vector<16xf32>
    %get3A_1503 = arith.constant 5584 : index
    %get3A_1504 = tpu.vector_load %arg6[%get3A_1503] {strides = array<i32>} : memref<8192xf32, #tpu.memory_space<vmem>>, vector<16xf32>,
    %get3A_1505 = vector.shape_cast %get3A_1504 : vector<16xf32> to vector<16xf32>
    %add3A_1506 = arith.addf %add3A_1502, %get3A_1505 : vector<16xf32>
    %get3A_1507 = arith.constant 5600 : index
    %get3A_1508 = tpu.vector_load %arg6[%get3A_1507] {strides = array<i32>} : memref<8192xf32, #tpu.memory_space<vmem>>, vector<16xf32>,
    %get3A_1509 = vector.shape_cast %get3A_1508 : vector<16xf32> to vector<16xf32>
    %add3A_1510 = arith.addf %add3A_1506, %get3A_1509 : vector<16xf32>
    %get3A_1511 = arith.constant 5616 : index
    %get3A_1512 = tpu.vector_load %arg6[%get3A_1511] {strides = array<i32>} : memref<8192xf32, #tpu.memory_space<vmem>>, vector<16xf32>,
    %get3A_1513 = vector.shape_cast %get3A_1512 : vector<16xf32> to vector<16xf32>
    %add3A_1514 = arith.addf %add3A_1510, %get3A_1513 : vector<16xf32>
    %swap3A_1515 = arith.constant 21 : i32
    %swap3A_1516 = arith.index_cast %swap3A_1515 : i32 to index
    %swap3A_1517 = arith.constant 0 : index
    %swap3A_1518 = tpu.vector_load %arg7[%swap3A_1516, %swap3A_1517] {strides = array<i32>} : memref<32x16xf32, #tpu.memory_space<vmem>>, vector<1x16xf32>,
    %swap3A_1519 = vector.shape_cast %swap3A_1518 : vector<1x16xf32> to vector<16xf32>
    %swap3A_1520 = vector.shape_cast %add3A_1514 : vector<16xf32> to vector<1x16xf32>
    tpu.vector_store %arg7[%swap3A_1516, %swap3A_1517], %swap3A_1520 {strides = array<i32>} : memref<32x16xf32, #tpu.memory_space<vmem>>, vector<1x16xf32>,
    %get3A_1521 = arith.constant 5632 : index
    %get3A_1522 = tpu.vector_load %arg6[%get3A_1521] {strides = array<i32>} : memref<8192xf32, #tpu.memory_space<vmem>>, vector<16xf32>,
    %get3A_1523 = vector.shape_cast %get3A_1522 : vector<16xf32> to vector<16xf32>
    %get3A_1524 = arith.constant 5648 : index
    %get3A_1525 = tpu.vector_load %arg6[%get3A_1524] {strides = array<i32>} : memref<8192xf32, #tpu.memory_space<vmem>>, vector<16xf32>,
    %get3A_1526 = vector.shape_cast %get3A_1525 : vector<16xf32> to vector<16xf32>
    %add3A_1527 = arith.addf %get3A_1523, %get3A_1526 : vector<16xf32>
    %get3A_1528 = arith.constant 5664 : index
    %get3A_1529 = tpu.vector_load %arg6[%get3A_1528] {strides = array<i32>} : memref<8192xf32, #tpu.memory_space<vmem>>, vector<16xf32>,
    %get3A_1530 = vector.shape_cast %get3A_1529 : vector<16xf32> to vector<16xf32>
    %add3A_1531 = arith.addf %add3A_1527, %get3A_1530 : vector<16xf32>
    %get3A_1532 = arith.constant 5680 : index
    %get3A_1533 = tpu.vector_load %arg6[%get3A_1532] {strides = array<i32>} : memref<8192xf32, #tpu.memory_space<vmem>>, vector<16xf32>,
    %get3A_1534 = vector.shape_cast %get3A_1533 : vector<16xf32> to vector<16xf32>
    %add3A_1535 = arith.addf %add3A_1531, %get3A_1534 : vector<16xf32>
    %get3A_1536 = arith.constant 5696 : index
    %get3A_1537 = tpu.vector_load %arg6[%get3A_1536] {strides = array<i32>} : memref<8192xf32, #tpu.memory_space<vmem>>, vector<16xf32>,
    %get3A_1538 = vector.shape_cast %get3A_1537 : vector<16xf32> to vector<16xf32>
    %add3A_1539 = arith.addf %add3A_1535, %get3A_1538 : vector<16xf32>
    %get3A_1540 = arith.constant 5712 : index
    %get3A_1541 = tpu.vector_load %arg6[%get3A_1540] {strides = array<i32>} : memref<8192xf32, #tpu.memory_space<vmem>>, vector<16xf32>,
    %get3A_1542 = vector.shape_cast %get3A_1541 : vector<16xf32> to vector<16xf32>
    %add3A_1543 = arith.addf %add3A_1539, %get3A_1542 : vector<16xf32>
    %get3A_1544 = arith.constant 5728 : index
    %get3A_1545 = tpu.vector_load %arg6[%get3A_1544] {strides = array<i32>} : memref<8192xf32, #tpu.memory_space<vmem>>, vector<16xf32>,
    %get3A_1546 = vector.shape_cast %get3A_1545 : vector<16xf32> to vector<16xf32>
    %add3A_1547 = arith.addf %add3A_1543, %get3A_1546 : vector<16xf32>
    %get3A_1548 = arith.constant 5744 : index
    %get3A_1549 = tpu.vector_load %arg6[%get3A_1548] {strides = array<i32>} : memref<8192xf32, #tpu.memory_space<vmem>>, vector<16xf32>,
    %get3A_1550 = vector.shape_cast %get3A_1549 : vector<16xf32> to vector<16xf32>
    %add3A_1551 = arith.addf %add3A_1547, %get3A_1550 : vector<16xf32>
    %get3A_1552 = arith.constant 5760 : index
    %get3A_1553 = tpu.vector_load %arg6[%get3A_1552] {strides = array<i32>} : memref<8192xf32, #tpu.memory_space<vmem>>, vector<16xf32>,
    %get3A_1554 = vector.shape_cast %get3A_1553 : vector<16xf32> to vector<16xf32>
    %add3A_1555 = arith.addf %add3A_1551, %get3A_1554 : vector<16xf32>
    %get3A_1556 = arith.constant 5776 : index
    %get3A_1557 = tpu.vector_load %arg6[%get3A_1556] {strides = array<i32>} : memref<8192xf32, #tpu.memory_space<vmem>>, vector<16xf32>,
    %get3A_1558 = vector.shape_cast %get3A_1557 : vector<16xf32> to vector<16xf32>
    %add3A_1559 = arith.addf %add3A_1555, %get3A_1558 : vector<16xf32>
    %get3A_1560 = arith.constant 5792 : index
    %get3A_1561 = tpu.vector_load %arg6[%get3A_1560] {strides = array<i32>} : memref<8192xf32, #tpu.memory_space<vmem>>, vector<16xf32>,
    %get3A_1562 = vector.shape_cast %get3A_1561 : vector<16xf32> to vector<16xf32>
    %add3A_1563 = arith.addf %add3A_1559, %get3A_1562 : vector<16xf32>
    %get3A_1564 = arith.constant 5808 : index
    %get3A_1565 = tpu.vector_load %arg6[%get3A_1564] {strides = array<i32>} : memref<8192xf32, #tpu.memory_space<vmem>>, vector<16xf32>,
    %get3A_1566 = vector.shape_cast %get3A_1565 : vector<16xf32> to vector<16xf32>
    %add3A_1567 = arith.addf %add3A_1563, %get3A_1566 : vector<16xf32>
    %get3A_1568 = arith.constant 5824 : index
    %get3A_1569 = tpu.vector_load %arg6[%get3A_1568] {strides = array<i32>} : memref<8192xf32, #tpu.memory_space<vmem>>, vector<16xf32>,
    %get3A_1570 = vector.shape_cast %get3A_1569 : vector<16xf32> to vector<16xf32>
    %add3A_1571 = arith.addf %add3A_1567, %get3A_1570 : vector<16xf32>
    %get3A_1572 = arith.constant 5840 : index
    %get3A_1573 = tpu.vector_load %arg6[%get3A_1572] {strides = array<i32>} : memref<8192xf32, #tpu.memory_space<vmem>>, vector<16xf32>,
    %get3A_1574 = vector.shape_cast %get3A_1573 : vector<16xf32> to vector<16xf32>
    %add3A_1575 = arith.addf %add3A_1571, %get3A_1574 : vector<16xf32>
    %get3A_1576 = arith.constant 5856 : index
    %get3A_1577 = tpu.vector_load %arg6[%get3A_1576] {strides = array<i32>} : memref<8192xf32, #tpu.memory_space<vmem>>, vector<16xf32>,
    %get3A_1578 = vector.shape_cast %get3A_1577 : vector<16xf32> to vector<16xf32>
    %add3A_1579 = arith.addf %add3A_1575, %get3A_1578 : vector<16xf32>
    %get3A_1580 = arith.constant 5872 : index
    %get3A_1581 = tpu.vector_load %arg6[%get3A_1580] {strides = array<i32>} : memref<8192xf32, #tpu.memory_space<vmem>>, vector<16xf32>,
    %get3A_1582 = vector.shape_cast %get3A_1581 : vector<16xf32> to vector<16xf32>
    %add3A_1583 = arith.addf %add3A_1579, %get3A_1582 : vector<16xf32>
    %swap3A_1584 = arith.constant 22 : i32
    %swap3A_1585 = arith.index_cast %swap3A_1584 : i32 to index
    %swap3A_1586 = arith.constant 0 : index
    %swap3A_1587 = tpu.vector_load %arg7[%swap3A_1585, %swap3A_1586] {strides = array<i32>} : memref<32x16xf32, #tpu.memory_space<vmem>>, vector<1x16xf32>,
    %swap3A_1588 = vector.shape_cast %swap3A_1587 : vector<1x16xf32> to vector<16xf32>
    %swap3A_1589 = vector.shape_cast %add3A_1583 : vector<16xf32> to vector<1x16xf32>
    tpu.vector_store %arg7[%swap3A_1585, %swap3A_1586], %swap3A_1589 {strides = array<i32>} : memref<32x16xf32, #tpu.memory_space<vmem>>, vector<1x16xf32>,
    %get3A_1590 = arith.constant 5888 : index
    %get3A_1591 = tpu.vector_load %arg6[%get3A_1590] {strides = array<i32>} : memref<8192xf32, #tpu.memory_space<vmem>>, vector<16xf32>,
    %get3A_1592 = vector.shape_cast %get3A_1591 : vector<16xf32> to vector<16xf32>
    %get3A_1593 = arith.constant 5904 : index
    %get3A_1594 = tpu.vector_load %arg6[%get3A_1593] {strides = array<i32>} : memref<8192xf32, #tpu.memory_space<vmem>>, vector<16xf32>,
    %get3A_1595 = vector.shape_cast %get3A_1594 : vector<16xf32> to vector<16xf32>
    %add3A_1596 = arith.addf %get3A_1592, %get3A_1595 : vector<16xf32>
    %get3A_1597 = arith.constant 5920 : index
    %get3A_1598 = tpu.vector_load %arg6[%get3A_1597] {strides = array<i32>} : memref<8192xf32, #tpu.memory_space<vmem>>, vector<16xf32>,
    %get3A_1599 = vector.shape_cast %get3A_1598 : vector<16xf32> to vector<16xf32>
    %add3A_1600 = arith.addf %add3A_1596, %get3A_1599 : vector<16xf32>
    %get3A_1601 = arith.constant 5936 : index
    %get3A_1602 = tpu.vector_load %arg6[%get3A_1601] {strides = array<i32>} : memref<8192xf32, #tpu.memory_space<vmem>>, vector<16xf32>,
    %get3A_1603 = vector.shape_cast %get3A_1602 : vector<16xf32> to vector<16xf32>
    %add3A_1604 = arith.addf %add3A_1600, %get3A_1603 : vector<16xf32>
    %get3A_1605 = arith.constant 5952 : index
    %get3A_1606 = tpu.vector_load %arg6[%get3A_1605] {strides = array<i32>} : memref<8192xf32, #tpu.memory_space<vmem>>, vector<16xf32>,
    %get3A_1607 = vector.shape_cast %get3A_1606 : vector<16xf32> to vector<16xf32>
    %add3A_1608 = arith.addf %add3A_1604, %get3A_1607 : vector<16xf32>
    %get3A_1609 = arith.constant 5968 : index
    %get3A_1610 = tpu.vector_load %arg6[%get3A_1609] {strides = array<i32>} : memref<8192xf32, #tpu.memory_space<vmem>>, vector<16xf32>,
    %get3A_1611 = vector.shape_cast %get3A_1610 : vector<16xf32> to vector<16xf32>
    %add3A_1612 = arith.addf %add3A_1608, %get3A_1611 : vector<16xf32>
    %get3A_1613 = arith.constant 5984 : index
    %get3A_1614 = tpu.vector_load %arg6[%get3A_1613] {strides = array<i32>} : memref<8192xf32, #tpu.memory_space<vmem>>, vector<16xf32>,
    %get3A_1615 = vector.shape_cast %get3A_1614 : vector<16xf32> to vector<16xf32>
    %add3A_1616 = arith.addf %add3A_1612, %get3A_1615 : vector<16xf32>
    %get3A_1617 = arith.constant 6000 : index
    %get3A_1618 = tpu.vector_load %arg6[%get3A_1617] {strides = array<i32>} : memref<8192xf32, #tpu.memory_space<vmem>>, vector<16xf32>,
    %get3A_1619 = vector.shape_cast %get3A_1618 : vector<16xf32> to vector<16xf32>
    %add3A_1620 = arith.addf %add3A_1616, %get3A_1619 : vector<16xf32>
    %get3A_1621 = arith.constant 6016 : index
    %get3A_1622 = tpu.vector_load %arg6[%get3A_1621] {strides = array<i32>} : memref<8192xf32, #tpu.memory_space<vmem>>, vector<16xf32>,
    %get3A_1623 = vector.shape_cast %get3A_1622 : vector<16xf32> to vector<16xf32>
    %add3A_1624 = arith.addf %add3A_1620, %get3A_1623 : vector<16xf32>
    %get3A_1625 = arith.constant 6032 : index
    %get3A_1626 = tpu.vector_load %arg6[%get3A_1625] {strides = array<i32>} : memref<8192xf32, #tpu.memory_space<vmem>>, vector<16xf32>,
    %get3A_1627 = vector.shape_cast %get3A_1626 : vector<16xf32> to vector<16xf32>
    %add3A_1628 = arith.addf %add3A_1624, %get3A_1627 : vector<16xf32>
    %get3A_1629 = arith.constant 6048 : index
    %get3A_1630 = tpu.vector_load %arg6[%get3A_1629] {strides = array<i32>} : memref<8192xf32, #tpu.memory_space<vmem>>, vector<16xf32>,
    %get3A_1631 = vector.shape_cast %get3A_1630 : vector<16xf32> to vector<16xf32>
    %add3A_1632 = arith.addf %add3A_1628, %get3A_1631 : vector<16xf32>
    %get3A_1633 = arith.constant 6064 : index
    %get3A_1634 = tpu.vector_load %arg6[%get3A_1633] {strides = array<i32>} : memref<8192xf32, #tpu.memory_space<vmem>>, vector<16xf32>,
    %get3A_1635 = vector.shape_cast %get3A_1634 : vector<16xf32> to vector<16xf32>
    %add3A_1636 = arith.addf %add3A_1632, %get3A_1635 : vector<16xf32>
    %get3A_1637 = arith.constant 6080 : index
    %get3A_1638 = tpu.vector_load %arg6[%get3A_1637] {strides = array<i32>} : memref<8192xf32, #tpu.memory_space<vmem>>, vector<16xf32>,
    %get3A_1639 = vector.shape_cast %get3A_1638 : vector<16xf32> to vector<16xf32>
    %add3A_1640 = arith.addf %add3A_1636, %get3A_1639 : vector<16xf32>
    %get3A_1641 = arith.constant 6096 : index
    %get3A_1642 = tpu.vector_load %arg6[%get3A_1641] {strides = array<i32>} : memref<8192xf32, #tpu.memory_space<vmem>>, vector<16xf32>,
    %get3A_1643 = vector.shape_cast %get3A_1642 : vector<16xf32> to vector<16xf32>
    %add3A_1644 = arith.addf %add3A_1640, %get3A_1643 : vector<16xf32>
    %get3A_1645 = arith.constant 6112 : index
    %get3A_1646 = tpu.vector_load %arg6[%get3A_1645] {strides = array<i32>} : memref<8192xf32, #tpu.memory_space<vmem>>, vector<16xf32>,
    %get3A_1647 = vector.shape_cast %get3A_1646 : vector<16xf32> to vector<16xf32>
    %add3A_1648 = arith.addf %add3A_1644, %get3A_1647 : vector<16xf32>
    %get3A_1649 = arith.constant 6128 : index
    %get3A_1650 = tpu.vector_load %arg6[%get3A_1649] {strides = array<i32>} : memref<8192xf32, #tpu.memory_space<vmem>>, vector<16xf32>,
    %get3A_1651 = vector.shape_cast %get3A_1650 : vector<16xf32> to vector<16xf32>
    %add3A_1652 = arith.addf %add3A_1648, %get3A_1651 : vector<16xf32>
    %swap3A_1653 = arith.constant 23 : i32
    %swap3A_1654 = arith.index_cast %swap3A_1653 : i32 to index
    %swap3A_1655 = arith.constant 0 : index
    %swap3A_1656 = tpu.vector_load %arg7[%swap3A_1654, %swap3A_1655] {strides = array<i32>} : memref<32x16xf32, #tpu.memory_space<vmem>>, vector<1x16xf32>,
    %swap3A_1657 = vector.shape_cast %swap3A_1656 : vector<1x16xf32> to vector<16xf32>
    %swap3A_1658 = vector.shape_cast %add3A_1652 : vector<16xf32> to vector<1x16xf32>
    tpu.vector_store %arg7[%swap3A_1654, %swap3A_1655], %swap3A_1658 {strides = array<i32>} : memref<32x16xf32, #tpu.memory_space<vmem>>, vector<1x16xf32>,
    %get3A_1659 = arith.constant 6144 : index
    %get3A_1660 = tpu.vector_load %arg6[%get3A_1659] {strides = array<i32>} : memref<8192xf32, #tpu.memory_space<vmem>>, vector<16xf32>,
    %get3A_1661 = vector.shape_cast %get3A_1660 : vector<16xf32> to vector<16xf32>
    %get3A_1662 = arith.constant 6160 : index
    %get3A_1663 = tpu.vector_load %arg6[%get3A_1662] {strides = array<i32>} : memref<8192xf32, #tpu.memory_space<vmem>>, vector<16xf32>,
    %get3A_1664 = vector.shape_cast %get3A_1663 : vector<16xf32> to vector<16xf32>
    %add3A_1665 = arith.addf %get3A_1661, %get3A_1664 : vector<16xf32>
    %get3A_1666 = arith.constant 6176 : index
    %get3A_1667 = tpu.vector_load %arg6[%get3A_1666] {strides = array<i32>} : memref<8192xf32, #tpu.memory_space<vmem>>, vector<16xf32>,
    %get3A_1668 = vector.shape_cast %get3A_1667 : vector<16xf32> to vector<16xf32>
    %add3A_1669 = arith.addf %add3A_1665, %get3A_1668 : vector<16xf32>
    %get3A_1670 = arith.constant 6192 : index
    %get3A_1671 = tpu.vector_load %arg6[%get3A_1670] {strides = array<i32>} : memref<8192xf32, #tpu.memory_space<vmem>>, vector<16xf32>,
    %get3A_1672 = vector.shape_cast %get3A_1671 : vector<16xf32> to vector<16xf32>
    %add3A_1673 = arith.addf %add3A_1669, %get3A_1672 : vector<16xf32>
    %get3A_1674 = arith.constant 6208 : index
    %get3A_1675 = tpu.vector_load %arg6[%get3A_1674] {strides = array<i32>} : memref<8192xf32, #tpu.memory_space<vmem>>, vector<16xf32>,
    %get3A_1676 = vector.shape_cast %get3A_1675 : vector<16xf32> to vector<16xf32>
    %add3A_1677 = arith.addf %add3A_1673, %get3A_1676 : vector<16xf32>
    %get3A_1678 = arith.constant 6224 : index
    %get3A_1679 = tpu.vector_load %arg6[%get3A_1678] {strides = array<i32>} : memref<8192xf32, #tpu.memory_space<vmem>>, vector<16xf32>,
    %get3A_1680 = vector.shape_cast %get3A_1679 : vector<16xf32> to vector<16xf32>
    %add3A_1681 = arith.addf %add3A_1677, %get3A_1680 : vector<16xf32>
    %get3A_1682 = arith.constant 6240 : index
    %get3A_1683 = tpu.vector_load %arg6[%get3A_1682] {strides = array<i32>} : memref<8192xf32, #tpu.memory_space<vmem>>, vector<16xf32>,
    %get3A_1684 = vector.shape_cast %get3A_1683 : vector<16xf32> to vector<16xf32>
    %add3A_1685 = arith.addf %add3A_1681, %get3A_1684 : vector<16xf32>
    %get3A_1686 = arith.constant 6256 : index
    %get3A_1687 = tpu.vector_load %arg6[%get3A_1686] {strides = array<i32>} : memref<8192xf32, #tpu.memory_space<vmem>>, vector<16xf32>,
    %get3A_1688 = vector.shape_cast %get3A_1687 : vector<16xf32> to vector<16xf32>
    %add3A_1689 = arith.addf %add3A_1685, %get3A_1688 : vector<16xf32>
    %get3A_1690 = arith.constant 6272 : index
    %get3A_1691 = tpu.vector_load %arg6[%get3A_1690] {strides = array<i32>} : memref<8192xf32, #tpu.memory_space<vmem>>, vector<16xf32>,
    %get3A_1692 = vector.shape_cast %get3A_1691 : vector<16xf32> to vector<16xf32>
    %add3A_1693 = arith.addf %add3A_1689, %get3A_1692 : vector<16xf32>
    %get3A_1694 = arith.constant 6288 : index
    %get3A_1695 = tpu.vector_load %arg6[%get3A_1694] {strides = array<i32>} : memref<8192xf32, #tpu.memory_space<vmem>>, vector<16xf32>,
    %get3A_1696 = vector.shape_cast %get3A_1695 : vector<16xf32> to vector<16xf32>
    %add3A_1697 = arith.addf %add3A_1693, %get3A_1696 : vector<16xf32>
    %get3A_1698 = arith.constant 6304 : index
    %get3A_1699 = tpu.vector_load %arg6[%get3A_1698] {strides = array<i32>} : memref<8192xf32, #tpu.memory_space<vmem>>, vector<16xf32>,
    %get3A_1700 = vector.shape_cast %get3A_1699 : vector<16xf32> to vector<16xf32>
    %add3A_1701 = arith.addf %add3A_1697, %get3A_1700 : vector<16xf32>
    %get3A_1702 = arith.constant 6320 : index
    %get3A_1703 = tpu.vector_load %arg6[%get3A_1702] {strides = array<i32>} : memref<8192xf32, #tpu.memory_space<vmem>>, vector<16xf32>,
    %get3A_1704 = vector.shape_cast %get3A_1703 : vector<16xf32> to vector<16xf32>
    %add3A_1705 = arith.addf %add3A_1701, %get3A_1704 : vector<16xf32>
    %get3A_1706 = arith.constant 6336 : index
    %get3A_1707 = tpu.vector_load %arg6[%get3A_1706] {strides = array<i32>} : memref<8192xf32, #tpu.memory_space<vmem>>, vector<16xf32>,
    %get3A_1708 = vector.shape_cast %get3A_1707 : vector<16xf32> to vector<16xf32>
    %add3A_1709 = arith.addf %add3A_1705, %get3A_1708 : vector<16xf32>
    %get3A_1710 = arith.constant 6352 : index
    %get3A_1711 = tpu.vector_load %arg6[%get3A_1710] {strides = array<i32>} : memref<8192xf32, #tpu.memory_space<vmem>>, vector<16xf32>,
    %get3A_1712 = vector.shape_cast %get3A_1711 : vector<16xf32> to vector<16xf32>
    %add3A_1713 = arith.addf %add3A_1709, %get3A_1712 : vector<16xf32>
    %get3A_1714 = arith.constant 6368 : index
    %get3A_1715 = tpu.vector_load %arg6[%get3A_1714] {strides = array<i32>} : memref<8192xf32, #tpu.memory_space<vmem>>, vector<16xf32>,
    %get3A_1716 = vector.shape_cast %get3A_1715 : vector<16xf32> to vector<16xf32>
    %add3A_1717 = arith.addf %add3A_1713, %get3A_1716 : vector<16xf32>
    %get3A_1718 = arith.constant 6384 : index
    %get3A_1719 = tpu.vector_load %arg6[%get3A_1718] {strides = array<i32>} : memref<8192xf32, #tpu.memory_space<vmem>>, vector<16xf32>,
    %get3A_1720 = vector.shape_cast %get3A_1719 : vector<16xf32> to vector<16xf32>
    %add3A_1721 = arith.addf %add3A_1717, %get3A_1720 : vector<16xf32>
    %swap3A_1722 = arith.constant 24 : i32
    %swap3A_1723 = arith.index_cast %swap3A_1722 : i32 to index
    %swap3A_1724 = arith.constant 0 : index
    %swap3A_1725 = tpu.vector_load %arg7[%swap3A_1723, %swap3A_1724] {strides = array<i32>} : memref<32x16xf32, #tpu.memory_space<vmem>>, vector<1x16xf32>,
    %swap3A_1726 = vector.shape_cast %swap3A_1725 : vector<1x16xf32> to vector<16xf32>
    %swap3A_1727 = vector.shape_cast %add3A_1721 : vector<16xf32> to vector<1x16xf32>
    tpu.vector_store %arg7[%swap3A_1723, %swap3A_1724], %swap3A_1727 {strides = array<i32>} : memref<32x16xf32, #tpu.memory_space<vmem>>, vector<1x16xf32>,
    %get3A_1728 = arith.constant 6400 : index
    %get3A_1729 = tpu.vector_load %arg6[%get3A_1728] {strides = array<i32>} : memref<8192xf32, #tpu.memory_space<vmem>>, vector<16xf32>,
    %get3A_1730 = vector.shape_cast %get3A_1729 : vector<16xf32> to vector<16xf32>
    %get3A_1731 = arith.constant 6416 : index
    %get3A_1732 = tpu.vector_load %arg6[%get3A_1731] {strides = array<i32>} : memref<8192xf32, #tpu.memory_space<vmem>>, vector<16xf32>,
    %get3A_1733 = vector.shape_cast %get3A_1732 : vector<16xf32> to vector<16xf32>
    %add3A_1734 = arith.addf %get3A_1730, %get3A_1733 : vector<16xf32>
    %get3A_1735 = arith.constant 6432 : index
    %get3A_1736 = tpu.vector_load %arg6[%get3A_1735] {strides = array<i32>} : memref<8192xf32, #tpu.memory_space<vmem>>, vector<16xf32>,
    %get3A_1737 = vector.shape_cast %get3A_1736 : vector<16xf32> to vector<16xf32>
    %add3A_1738 = arith.addf %add3A_1734, %get3A_1737 : vector<16xf32>
    %get3A_1739 = arith.constant 6448 : index
    %get3A_1740 = tpu.vector_load %arg6[%get3A_1739] {strides = array<i32>} : memref<8192xf32, #tpu.memory_space<vmem>>, vector<16xf32>,
    %get3A_1741 = vector.shape_cast %get3A_1740 : vector<16xf32> to vector<16xf32>
    %add3A_1742 = arith.addf %add3A_1738, %get3A_1741 : vector<16xf32>
    %get3A_1743 = arith.constant 6464 : index
    %get3A_1744 = tpu.vector_load %arg6[%get3A_1743] {strides = array<i32>} : memref<8192xf32, #tpu.memory_space<vmem>>, vector<16xf32>,
    %get3A_1745 = vector.shape_cast %get3A_1744 : vector<16xf32> to vector<16xf32>
    %add3A_1746 = arith.addf %add3A_1742, %get3A_1745 : vector<16xf32>
    %get3A_1747 = arith.constant 6480 : index
    %get3A_1748 = tpu.vector_load %arg6[%get3A_1747] {strides = array<i32>} : memref<8192xf32, #tpu.memory_space<vmem>>, vector<16xf32>,
    %get3A_1749 = vector.shape_cast %get3A_1748 : vector<16xf32> to vector<16xf32>
    %add3A_1750 = arith.addf %add3A_1746, %get3A_1749 : vector<16xf32>
    %get3A_1751 = arith.constant 6496 : index
    %get3A_1752 = tpu.vector_load %arg6[%get3A_1751] {strides = array<i32>} : memref<8192xf32, #tpu.memory_space<vmem>>, vector<16xf32>,
    %get3A_1753 = vector.shape_cast %get3A_1752 : vector<16xf32> to vector<16xf32>
    %add3A_1754 = arith.addf %add3A_1750, %get3A_1753 : vector<16xf32>
    %get3A_1755 = arith.constant 6512 : index
    %get3A_1756 = tpu.vector_load %arg6[%get3A_1755] {strides = array<i32>} : memref<8192xf32, #tpu.memory_space<vmem>>, vector<16xf32>,
    %get3A_1757 = vector.shape_cast %get3A_1756 : vector<16xf32> to vector<16xf32>
    %add3A_1758 = arith.addf %add3A_1754, %get3A_1757 : vector<16xf32>
    %get3A_1759 = arith.constant 6528 : index
    %get3A_1760 = tpu.vector_load %arg6[%get3A_1759] {strides = array<i32>} : memref<8192xf32, #tpu.memory_space<vmem>>, vector<16xf32>,
    %get3A_1761 = vector.shape_cast %get3A_1760 : vector<16xf32> to vector<16xf32>
    %add3A_1762 = arith.addf %add3A_1758, %get3A_1761 : vector<16xf32>
    %get3A_1763 = arith.constant 6544 : index
    %get3A_1764 = tpu.vector_load %arg6[%get3A_1763] {strides = array<i32>} : memref<8192xf32, #tpu.memory_space<vmem>>, vector<16xf32>,
    %get3A_1765 = vector.shape_cast %get3A_1764 : vector<16xf32> to vector<16xf32>
    %add3A_1766 = arith.addf %add3A_1762, %get3A_1765 : vector<16xf32>
    %get3A_1767 = arith.constant 6560 : index
    %get3A_1768 = tpu.vector_load %arg6[%get3A_1767] {strides = array<i32>} : memref<8192xf32, #tpu.memory_space<vmem>>, vector<16xf32>,
    %get3A_1769 = vector.shape_cast %get3A_1768 : vector<16xf32> to vector<16xf32>
    %add3A_1770 = arith.addf %add3A_1766, %get3A_1769 : vector<16xf32>
    %get3A_1771 = arith.constant 6576 : index
    %get3A_1772 = tpu.vector_load %arg6[%get3A_1771] {strides = array<i32>} : memref<8192xf32, #tpu.memory_space<vmem>>, vector<16xf32>,
    %get3A_1773 = vector.shape_cast %get3A_1772 : vector<16xf32> to vector<16xf32>
    %add3A_1774 = arith.addf %add3A_1770, %get3A_1773 : vector<16xf32>
    %get3A_1775 = arith.constant 6592 : index
    %get3A_1776 = tpu.vector_load %arg6[%get3A_1775] {strides = array<i32>} : memref<8192xf32, #tpu.memory_space<vmem>>, vector<16xf32>,
    %get3A_1777 = vector.shape_cast %get3A_1776 : vector<16xf32> to vector<16xf32>
    %add3A_1778 = arith.addf %add3A_1774, %get3A_1777 : vector<16xf32>
    %get3A_1779 = arith.constant 6608 : index
    %get3A_1780 = tpu.vector_load %arg6[%get3A_1779] {strides = array<i32>} : memref<8192xf32, #tpu.memory_space<vmem>>, vector<16xf32>,
    %get3A_1781 = vector.shape_cast %get3A_1780 : vector<16xf32> to vector<16xf32>
    %add3A_1782 = arith.addf %add3A_1778, %get3A_1781 : vector<16xf32>
    %get3A_1783 = arith.constant 6624 : index
    %get3A_1784 = tpu.vector_load %arg6[%get3A_1783] {strides = array<i32>} : memref<8192xf32, #tpu.memory_space<vmem>>, vector<16xf32>,
    %get3A_1785 = vector.shape_cast %get3A_1784 : vector<16xf32> to vector<16xf32>
    %add3A_1786 = arith.addf %add3A_1782, %get3A_1785 : vector<16xf32>
    %get3A_1787 = arith.constant 6640 : index
    %get3A_1788 = tpu.vector_load %arg6[%get3A_1787] {strides = array<i32>} : memref<8192xf32, #tpu.memory_space<vmem>>, vector<16xf32>,
    %get3A_1789 = vector.shape_cast %get3A_1788 : vector<16xf32> to vector<16xf32>
    %add3A_1790 = arith.addf %add3A_1786, %get3A_1789 : vector<16xf32>
    %swap3A_1791 = arith.constant 25 : i32
    %swap3A_1792 = arith.index_cast %swap3A_1791 : i32 to index
    %swap3A_1793 = arith.constant 0 : index
    %swap3A_1794 = tpu.vector_load %arg7[%swap3A_1792, %swap3A_1793] {strides = array<i32>} : memref<32x16xf32, #tpu.memory_space<vmem>>, vector<1x16xf32>,
    %swap3A_1795 = vector.shape_cast %swap3A_1794 : vector<1x16xf32> to vector<16xf32>
    %swap3A_1796 = vector.shape_cast %add3A_1790 : vector<16xf32> to vector<1x16xf32>
    tpu.vector_store %arg7[%swap3A_1792, %swap3A_1793], %swap3A_1796 {strides = array<i32>} : memref<32x16xf32, #tpu.memory_space<vmem>>, vector<1x16xf32>,
    %get3A_1797 = arith.constant 6656 : index
    %get3A_1798 = tpu.vector_load %arg6[%get3A_1797] {strides = array<i32>} : memref<8192xf32, #tpu.memory_space<vmem>>, vector<16xf32>,
    %get3A_1799 = vector.shape_cast %get3A_1798 : vector<16xf32> to vector<16xf32>
    %get3A_1800 = arith.constant 6672 : index
    %get3A_1801 = tpu.vector_load %arg6[%get3A_1800] {strides = array<i32>} : memref<8192xf32, #tpu.memory_space<vmem>>, vector<16xf32>,
    %get3A_1802 = vector.shape_cast %get3A_1801 : vector<16xf32> to vector<16xf32>
    %add3A_1803 = arith.addf %get3A_1799, %get3A_1802 : vector<16xf32>
    %get3A_1804 = arith.constant 6688 : index
    %get3A_1805 = tpu.vector_load %arg6[%get3A_1804] {strides = array<i32>} : memref<8192xf32, #tpu.memory_space<vmem>>, vector<16xf32>,
    %get3A_1806 = vector.shape_cast %get3A_1805 : vector<16xf32> to vector<16xf32>
    %add3A_1807 = arith.addf %add3A_1803, %get3A_1806 : vector<16xf32>
    %get3A_1808 = arith.constant 6704 : index
    %get3A_1809 = tpu.vector_load %arg6[%get3A_1808] {strides = array<i32>} : memref<8192xf32, #tpu.memory_space<vmem>>, vector<16xf32>,
    %get3A_1810 = vector.shape_cast %get3A_1809 : vector<16xf32> to vector<16xf32>
    %add3A_1811 = arith.addf %add3A_1807, %get3A_1810 : vector<16xf32>
    %get3A_1812 = arith.constant 6720 : index
    %get3A_1813 = tpu.vector_load %arg6[%get3A_1812] {strides = array<i32>} : memref<8192xf32, #tpu.memory_space<vmem>>, vector<16xf32>,
    %get3A_1814 = vector.shape_cast %get3A_1813 : vector<16xf32> to vector<16xf32>
    %add3A_1815 = arith.addf %add3A_1811, %get3A_1814 : vector<16xf32>
    %get3A_1816 = arith.constant 6736 : index
    %get3A_1817 = tpu.vector_load %arg6[%get3A_1816] {strides = array<i32>} : memref<8192xf32, #tpu.memory_space<vmem>>, vector<16xf32>,
    %get3A_1818 = vector.shape_cast %get3A_1817 : vector<16xf32> to vector<16xf32>
    %add3A_1819 = arith.addf %add3A_1815, %get3A_1818 : vector<16xf32>
    %get3A_1820 = arith.constant 6752 : index
    %get3A_1821 = tpu.vector_load %arg6[%get3A_1820] {strides = array<i32>} : memref<8192xf32, #tpu.memory_space<vmem>>, vector<16xf32>,
    %get3A_1822 = vector.shape_cast %get3A_1821 : vector<16xf32> to vector<16xf32>
    %add3A_1823 = arith.addf %add3A_1819, %get3A_1822 : vector<16xf32>
    %get3A_1824 = arith.constant 6768 : index
    %get3A_1825 = tpu.vector_load %arg6[%get3A_1824] {strides = array<i32>} : memref<8192xf32, #tpu.memory_space<vmem>>, vector<16xf32>,
    %get3A_1826 = vector.shape_cast %get3A_1825 : vector<16xf32> to vector<16xf32>
    %add3A_1827 = arith.addf %add3A_1823, %get3A_1826 : vector<16xf32>
    %get3A_1828 = arith.constant 6784 : index
    %get3A_1829 = tpu.vector_load %arg6[%get3A_1828] {strides = array<i32>} : memref<8192xf32, #tpu.memory_space<vmem>>, vector<16xf32>,
    %get3A_1830 = vector.shape_cast %get3A_1829 : vector<16xf32> to vector<16xf32>
    %add3A_1831 = arith.addf %add3A_1827, %get3A_1830 : vector<16xf32>
    %get3A_1832 = arith.constant 6800 : index
    %get3A_1833 = tpu.vector_load %arg6[%get3A_1832] {strides = array<i32>} : memref<8192xf32, #tpu.memory_space<vmem>>, vector<16xf32>,
    %get3A_1834 = vector.shape_cast %get3A_1833 : vector<16xf32> to vector<16xf32>
    %add3A_1835 = arith.addf %add3A_1831, %get3A_1834 : vector<16xf32>
    %get3A_1836 = arith.constant 6816 : index
    %get3A_1837 = tpu.vector_load %arg6[%get3A_1836] {strides = array<i32>} : memref<8192xf32, #tpu.memory_space<vmem>>, vector<16xf32>,
    %get3A_1838 = vector.shape_cast %get3A_1837 : vector<16xf32> to vector<16xf32>
    %add3A_1839 = arith.addf %add3A_1835, %get3A_1838 : vector<16xf32>
    %get3A_1840 = arith.constant 6832 : index
    %get3A_1841 = tpu.vector_load %arg6[%get3A_1840] {strides = array<i32>} : memref<8192xf32, #tpu.memory_space<vmem>>, vector<16xf32>,
    %get3A_1842 = vector.shape_cast %get3A_1841 : vector<16xf32> to vector<16xf32>
    %add3A_1843 = arith.addf %add3A_1839, %get3A_1842 : vector<16xf32>
    %get3A_1844 = arith.constant 6848 : index
    %get3A_1845 = tpu.vector_load %arg6[%get3A_1844] {strides = array<i32>} : memref<8192xf32, #tpu.memory_space<vmem>>, vector<16xf32>,
    %get3A_1846 = vector.shape_cast %get3A_1845 : vector<16xf32> to vector<16xf32>
    %add3A_1847 = arith.addf %add3A_1843, %get3A_1846 : vector<16xf32>
    %get3A_1848 = arith.constant 6864 : index
    %get3A_1849 = tpu.vector_load %arg6[%get3A_1848] {strides = array<i32>} : memref<8192xf32, #tpu.memory_space<vmem>>, vector<16xf32>,
    %get3A_1850 = vector.shape_cast %get3A_1849 : vector<16xf32> to vector<16xf32>
    %add3A_1851 = arith.addf %add3A_1847, %get3A_1850 : vector<16xf32>
    %get3A_1852 = arith.constant 6880 : index
    %get3A_1853 = tpu.vector_load %arg6[%get3A_1852] {strides = array<i32>} : memref<8192xf32, #tpu.memory_space<vmem>>, vector<16xf32>,
    %get3A_1854 = vector.shape_cast %get3A_1853 : vector<16xf32> to vector<16xf32>
    %add3A_1855 = arith.addf %add3A_1851, %get3A_1854 : vector<16xf32>
    %get3A_1856 = arith.constant 6896 : index
    %get3A_1857 = tpu.vector_load %arg6[%get3A_1856] {strides = array<i32>} : memref<8192xf32, #tpu.memory_space<vmem>>, vector<16xf32>,
    %get3A_1858 = vector.shape_cast %get3A_1857 : vector<16xf32> to vector<16xf32>
    %add3A_1859 = arith.addf %add3A_1855, %get3A_1858 : vector<16xf32>
    %swap3A_1860 = arith.constant 26 : i32
    %swap3A_1861 = arith.index_cast %swap3A_1860 : i32 to index
    %swap3A_1862 = arith.constant 0 : index
    %swap3A_1863 = tpu.vector_load %arg7[%swap3A_1861, %swap3A_1862] {strides = array<i32>} : memref<32x16xf32, #tpu.memory_space<vmem>>, vector<1x16xf32>,
    %swap3A_1864 = vector.shape_cast %swap3A_1863 : vector<1x16xf32> to vector<16xf32>
    %swap3A_1865 = vector.shape_cast %add3A_1859 : vector<16xf32> to vector<1x16xf32>
    tpu.vector_store %arg7[%swap3A_1861, %swap3A_1862], %swap3A_1865 {strides = array<i32>} : memref<32x16xf32, #tpu.memory_space<vmem>>, vector<1x16xf32>,
    %get3A_1866 = arith.constant 6912 : index
    %get3A_1867 = tpu.vector_load %arg6[%get3A_1866] {strides = array<i32>} : memref<8192xf32, #tpu.memory_space<vmem>>, vector<16xf32>,
    %get3A_1868 = vector.shape_cast %get3A_1867 : vector<16xf32> to vector<16xf32>
    %get3A_1869 = arith.constant 6928 : index
    %get3A_1870 = tpu.vector_load %arg6[%get3A_1869] {strides = array<i32>} : memref<8192xf32, #tpu.memory_space<vmem>>, vector<16xf32>,
    %get3A_1871 = vector.shape_cast %get3A_1870 : vector<16xf32> to vector<16xf32>
    %add3A_1872 = arith.addf %get3A_1868, %get3A_1871 : vector<16xf32>
    %get3A_1873 = arith.constant 6944 : index
    %get3A_1874 = tpu.vector_load %arg6[%get3A_1873] {strides = array<i32>} : memref<8192xf32, #tpu.memory_space<vmem>>, vector<16xf32>,
    %get3A_1875 = vector.shape_cast %get3A_1874 : vector<16xf32> to vector<16xf32>
    %add3A_1876 = arith.addf %add3A_1872, %get3A_1875 : vector<16xf32>
    %get3A_1877 = arith.constant 6960 : index
    %get3A_1878 = tpu.vector_load %arg6[%get3A_1877] {strides = array<i32>} : memref<8192xf32, #tpu.memory_space<vmem>>, vector<16xf32>,
    %get3A_1879 = vector.shape_cast %get3A_1878 : vector<16xf32> to vector<16xf32>
    %add3A_1880 = arith.addf %add3A_1876, %get3A_1879 : vector<16xf32>
    %get3A_1881 = arith.constant 6976 : index
    %get3A_1882 = tpu.vector_load %arg6[%get3A_1881] {strides = array<i32>} : memref<8192xf32, #tpu.memory_space<vmem>>, vector<16xf32>,
    %get3A_1883 = vector.shape_cast %get3A_1882 : vector<16xf32> to vector<16xf32>
    %add3A_1884 = arith.addf %add3A_1880, %get3A_1883 : vector<16xf32>
    %get3A_1885 = arith.constant 6992 : index
    %get3A_1886 = tpu.vector_load %arg6[%get3A_1885] {strides = array<i32>} : memref<8192xf32, #tpu.memory_space<vmem>>, vector<16xf32>,
    %get3A_1887 = vector.shape_cast %get3A_1886 : vector<16xf32> to vector<16xf32>
    %add3A_1888 = arith.addf %add3A_1884, %get3A_1887 : vector<16xf32>
    %get3A_1889 = arith.constant 7008 : index
    %get3A_1890 = tpu.vector_load %arg6[%get3A_1889] {strides = array<i32>} : memref<8192xf32, #tpu.memory_space<vmem>>, vector<16xf32>,
    %get3A_1891 = vector.shape_cast %get3A_1890 : vector<16xf32> to vector<16xf32>
    %add3A_1892 = arith.addf %add3A_1888, %get3A_1891 : vector<16xf32>
    %get3A_1893 = arith.constant 7024 : index
    %get3A_1894 = tpu.vector_load %arg6[%get3A_1893] {strides = array<i32>} : memref<8192xf32, #tpu.memory_space<vmem>>, vector<16xf32>,
    %get3A_1895 = vector.shape_cast %get3A_1894 : vector<16xf32> to vector<16xf32>
    %add3A_1896 = arith.addf %add3A_1892, %get3A_1895 : vector<16xf32>
    %get3A_1897 = arith.constant 7040 : index
    %get3A_1898 = tpu.vector_load %arg6[%get3A_1897] {strides = array<i32>} : memref<8192xf32, #tpu.memory_space<vmem>>, vector<16xf32>,
    %get3A_1899 = vector.shape_cast %get3A_1898 : vector<16xf32> to vector<16xf32>
    %add3A_1900 = arith.addf %add3A_1896, %get3A_1899 : vector<16xf32>
    %get3A_1901 = arith.constant 7056 : index
    %get3A_1902 = tpu.vector_load %arg6[%get3A_1901] {strides = array<i32>} : memref<8192xf32, #tpu.memory_space<vmem>>, vector<16xf32>,
    %get3A_1903 = vector.shape_cast %get3A_1902 : vector<16xf32> to vector<16xf32>
    %add3A_1904 = arith.addf %add3A_1900, %get3A_1903 : vector<16xf32>
    %get3A_1905 = arith.constant 7072 : index
    %get3A_1906 = tpu.vector_load %arg6[%get3A_1905] {strides = array<i32>} : memref<8192xf32, #tpu.memory_space<vmem>>, vector<16xf32>,
    %get3A_1907 = vector.shape_cast %get3A_1906 : vector<16xf32> to vector<16xf32>
    %add3A_1908 = arith.addf %add3A_1904, %get3A_1907 : vector<16xf32>
    %get3A_1909 = arith.constant 7088 : index
    %get3A_1910 = tpu.vector_load %arg6[%get3A_1909] {strides = array<i32>} : memref<8192xf32, #tpu.memory_space<vmem>>, vector<16xf32>,
    %get3A_1911 = vector.shape_cast %get3A_1910 : vector<16xf32> to vector<16xf32>
    %add3A_1912 = arith.addf %add3A_1908, %get3A_1911 : vector<16xf32>
    %get3A_1913 = arith.constant 7104 : index
    %get3A_1914 = tpu.vector_load %arg6[%get3A_1913] {strides = array<i32>} : memref<8192xf32, #tpu.memory_space<vmem>>, vector<16xf32>,
    %get3A_1915 = vector.shape_cast %get3A_1914 : vector<16xf32> to vector<16xf32>
    %add3A_1916 = arith.addf %add3A_1912, %get3A_1915 : vector<16xf32>
    %get3A_1917 = arith.constant 7120 : index
    %get3A_1918 = tpu.vector_load %arg6[%get3A_1917] {strides = array<i32>} : memref<8192xf32, #tpu.memory_space<vmem>>, vector<16xf32>,
    %get3A_1919 = vector.shape_cast %get3A_1918 : vector<16xf32> to vector<16xf32>
    %add3A_1920 = arith.addf %add3A_1916, %get3A_1919 : vector<16xf32>
    %get3A_1921 = arith.constant 7136 : index
    %get3A_1922 = tpu.vector_load %arg6[%get3A_1921] {strides = array<i32>} : memref<8192xf32, #tpu.memory_space<vmem>>, vector<16xf32>,
    %get3A_1923 = vector.shape_cast %get3A_1922 : vector<16xf32> to vector<16xf32>
    %add3A_1924 = arith.addf %add3A_1920, %get3A_1923 : vector<16xf32>
    %get3A_1925 = arith.constant 7152 : index
    %get3A_1926 = tpu.vector_load %arg6[%get3A_1925] {strides = array<i32>} : memref<8192xf32, #tpu.memory_space<vmem>>, vector<16xf32>,
    %get3A_1927 = vector.shape_cast %get3A_1926 : vector<16xf32> to vector<16xf32>
    %add3A_1928 = arith.addf %add3A_1924, %get3A_1927 : vector<16xf32>
    %swap3A_1929 = arith.constant 27 : i32
    %swap3A_1930 = arith.index_cast %swap3A_1929 : i32 to index
    %swap3A_1931 = arith.constant 0 : index
    %swap3A_1932 = tpu.vector_load %arg7[%swap3A_1930, %swap3A_1931] {strides = array<i32>} : memref<32x16xf32, #tpu.memory_space<vmem>>, vector<1x16xf32>,
    %swap3A_1933 = vector.shape_cast %swap3A_1932 : vector<1x16xf32> to vector<16xf32>
    %swap3A_1934 = vector.shape_cast %add3A_1928 : vector<16xf32> to vector<1x16xf32>
    tpu.vector_store %arg7[%swap3A_1930, %swap3A_1931], %swap3A_1934 {strides = array<i32>} : memref<32x16xf32, #tpu.memory_space<vmem>>, vector<1x16xf32>,
    %get3A_1935 = arith.constant 7168 : index
    %get3A_1936 = tpu.vector_load %arg6[%get3A_1935] {strides = array<i32>} : memref<8192xf32, #tpu.memory_space<vmem>>, vector<16xf32>,
    %get3A_1937 = vector.shape_cast %get3A_1936 : vector<16xf32> to vector<16xf32>
    %get3A_1938 = arith.constant 7184 : index
    %get3A_1939 = tpu.vector_load %arg6[%get3A_1938] {strides = array<i32>} : memref<8192xf32, #tpu.memory_space<vmem>>, vector<16xf32>,
    %get3A_1940 = vector.shape_cast %get3A_1939 : vector<16xf32> to vector<16xf32>
    %add3A_1941 = arith.addf %get3A_1937, %get3A_1940 : vector<16xf32>
    %get3A_1942 = arith.constant 7200 : index
    %get3A_1943 = tpu.vector_load %arg6[%get3A_1942] {strides = array<i32>} : memref<8192xf32, #tpu.memory_space<vmem>>, vector<16xf32>,
    %get3A_1944 = vector.shape_cast %get3A_1943 : vector<16xf32> to vector<16xf32>
    %add3A_1945 = arith.addf %add3A_1941, %get3A_1944 : vector<16xf32>
    %get3A_1946 = arith.constant 7216 : index
    %get3A_1947 = tpu.vector_load %arg6[%get3A_1946] {strides = array<i32>} : memref<8192xf32, #tpu.memory_space<vmem>>, vector<16xf32>,
    %get3A_1948 = vector.shape_cast %get3A_1947 : vector<16xf32> to vector<16xf32>
    %add3A_1949 = arith.addf %add3A_1945, %get3A_1948 : vector<16xf32>
    %get3A_1950 = arith.constant 7232 : index
    %get3A_1951 = tpu.vector_load %arg6[%get3A_1950] {strides = array<i32>} : memref<8192xf32, #tpu.memory_space<vmem>>, vector<16xf32>,
    %get3A_1952 = vector.shape_cast %get3A_1951 : vector<16xf32> to vector<16xf32>
    %add3A_1953 = arith.addf %add3A_1949, %get3A_1952 : vector<16xf32>
    %get3A_1954 = arith.constant 7248 : index
    %get3A_1955 = tpu.vector_load %arg6[%get3A_1954] {strides = array<i32>} : memref<8192xf32, #tpu.memory_space<vmem>>, vector<16xf32>,
    %get3A_1956 = vector.shape_cast %get3A_1955 : vector<16xf32> to vector<16xf32>
    %add3A_1957 = arith.addf %add3A_1953, %get3A_1956 : vector<16xf32>
    %get3A_1958 = arith.constant 7264 : index
    %get3A_1959 = tpu.vector_load %arg6[%get3A_1958] {strides = array<i32>} : memref<8192xf32, #tpu.memory_space<vmem>>, vector<16xf32>,
    %get3A_1960 = vector.shape_cast %get3A_1959 : vector<16xf32> to vector<16xf32>
    %add3A_1961 = arith.addf %add3A_1957, %get3A_1960 : vector<16xf32>
    %get3A_1962 = arith.constant 7280 : index
    %get3A_1963 = tpu.vector_load %arg6[%get3A_1962] {strides = array<i32>} : memref<8192xf32, #tpu.memory_space<vmem>>, vector<16xf32>,
    %get3A_1964 = vector.shape_cast %get3A_1963 : vector<16xf32> to vector<16xf32>
    %add3A_1965 = arith.addf %add3A_1961, %get3A_1964 : vector<16xf32>
    %get3A_1966 = arith.constant 7296 : index
    %get3A_1967 = tpu.vector_load %arg6[%get3A_1966] {strides = array<i32>} : memref<8192xf32, #tpu.memory_space<vmem>>, vector<16xf32>,
    %get3A_1968 = vector.shape_cast %get3A_1967 : vector<16xf32> to vector<16xf32>
    %add3A_1969 = arith.addf %add3A_1965, %get3A_1968 : vector<16xf32>
    %get3A_1970 = arith.constant 7312 : index
    %get3A_1971 = tpu.vector_load %arg6[%get3A_1970] {strides = array<i32>} : memref<8192xf32, #tpu.memory_space<vmem>>, vector<16xf32>,
    %get3A_1972 = vector.shape_cast %get3A_1971 : vector<16xf32> to vector<16xf32>
    %add3A_1973 = arith.addf %add3A_1969, %get3A_1972 : vector<16xf32>
    %get3A_1974 = arith.constant 7328 : index
    %get3A_1975 = tpu.vector_load %arg6[%get3A_1974] {strides = array<i32>} : memref<8192xf32, #tpu.memory_space<vmem>>, vector<16xf32>,
    %get3A_1976 = vector.shape_cast %get3A_1975 : vector<16xf32> to vector<16xf32>
    %add3A_1977 = arith.addf %add3A_1973, %get3A_1976 : vector<16xf32>
    %get3A_1978 = arith.constant 7344 : index
    %get3A_1979 = tpu.vector_load %arg6[%get3A_1978] {strides = array<i32>} : memref<8192xf32, #tpu.memory_space<vmem>>, vector<16xf32>,
    %get3A_1980 = vector.shape_cast %get3A_1979 : vector<16xf32> to vector<16xf32>
    %add3A_1981 = arith.addf %add3A_1977, %get3A_1980 : vector<16xf32>
    %get3A_1982 = arith.constant 7360 : index
    %get3A_1983 = tpu.vector_load %arg6[%get3A_1982] {strides = array<i32>} : memref<8192xf32, #tpu.memory_space<vmem>>, vector<16xf32>,
    %get3A_1984 = vector.shape_cast %get3A_1983 : vector<16xf32> to vector<16xf32>
    %add3A_1985 = arith.addf %add3A_1981, %get3A_1984 : vector<16xf32>
    %get3A_1986 = arith.constant 7376 : index
    %get3A_1987 = tpu.vector_load %arg6[%get3A_1986] {strides = array<i32>} : memref<8192xf32, #tpu.memory_space<vmem>>, vector<16xf32>,
    %get3A_1988 = vector.shape_cast %get3A_1987 : vector<16xf32> to vector<16xf32>
    %add3A_1989 = arith.addf %add3A_1985, %get3A_1988 : vector<16xf32>
    %get3A_1990 = arith.constant 7392 : index
    %get3A_1991 = tpu.vector_load %arg6[%get3A_1990] {strides = array<i32>} : memref<8192xf32, #tpu.memory_space<vmem>>, vector<16xf32>,
    %get3A_1992 = vector.shape_cast %get3A_1991 : vector<16xf32> to vector<16xf32>
    %add3A_1993 = arith.addf %add3A_1989, %get3A_1992 : vector<16xf32>
    %get3A_1994 = arith.constant 7408 : index
    %get3A_1995 = tpu.vector_load %arg6[%get3A_1994] {strides = array<i32>} : memref<8192xf32, #tpu.memory_space<vmem>>, vector<16xf32>,
    %get3A_1996 = vector.shape_cast %get3A_1995 : vector<16xf32> to vector<16xf32>
    %add3A_1997 = arith.addf %add3A_1993, %get3A_1996 : vector<16xf32>
    %swap3A_1998 = arith.constant 28 : i32
    %swap3A_1999 = arith.index_cast %swap3A_1998 : i32 to index
    %swap3A_2000 = arith.constant 0 : index
    %swap3A_2001 = tpu.vector_load %arg7[%swap3A_1999, %swap3A_2000] {strides = array<i32>} : memref<32x16xf32, #tpu.memory_space<vmem>>, vector<1x16xf32>,
    %swap3A_2002 = vector.shape_cast %swap3A_2001 : vector<1x16xf32> to vector<16xf32>
    %swap3A_2003 = vector.shape_cast %add3A_1997 : vector<16xf32> to vector<1x16xf32>
    tpu.vector_store %arg7[%swap3A_1999, %swap3A_2000], %swap3A_2003 {strides = array<i32>} : memref<32x16xf32, #tpu.memory_space<vmem>>, vector<1x16xf32>,
    %get3A_2004 = arith.constant 7424 : index
    %get3A_2005 = tpu.vector_load %arg6[%get3A_2004] {strides = array<i32>} : memref<8192xf32, #tpu.memory_space<vmem>>, vector<16xf32>,
    %get3A_2006 = vector.shape_cast %get3A_2005 : vector<16xf32> to vector<16xf32>
    %get3A_2007 = arith.constant 7440 : index
    %get3A_2008 = tpu.vector_load %arg6[%get3A_2007] {strides = array<i32>} : memref<8192xf32, #tpu.memory_space<vmem>>, vector<16xf32>,
    %get3A_2009 = vector.shape_cast %get3A_2008 : vector<16xf32> to vector<16xf32>
    %add3A_2010 = arith.addf %get3A_2006, %get3A_2009 : vector<16xf32>
    %get3A_2011 = arith.constant 7456 : index
    %get3A_2012 = tpu.vector_load %arg6[%get3A_2011] {strides = array<i32>} : memref<8192xf32, #tpu.memory_space<vmem>>, vector<16xf32>,
    %get3A_2013 = vector.shape_cast %get3A_2012 : vector<16xf32> to vector<16xf32>
    %add3A_2014 = arith.addf %add3A_2010, %get3A_2013 : vector<16xf32>
    %get3A_2015 = arith.constant 7472 : index
    %get3A_2016 = tpu.vector_load %arg6[%get3A_2015] {strides = array<i32>} : memref<8192xf32, #tpu.memory_space<vmem>>, vector<16xf32>,
    %get3A_2017 = vector.shape_cast %get3A_2016 : vector<16xf32> to vector<16xf32>
    %add3A_2018 = arith.addf %add3A_2014, %get3A_2017 : vector<16xf32>
    %get3A_2019 = arith.constant 7488 : index
    %get3A_2020 = tpu.vector_load %arg6[%get3A_2019] {strides = array<i32>} : memref<8192xf32, #tpu.memory_space<vmem>>, vector<16xf32>,
    %get3A_2021 = vector.shape_cast %get3A_2020 : vector<16xf32> to vector<16xf32>
    %add3A_2022 = arith.addf %add3A_2018, %get3A_2021 : vector<16xf32>
    %get3A_2023 = arith.constant 7504 : index
    %get3A_2024 = tpu.vector_load %arg6[%get3A_2023] {strides = array<i32>} : memref<8192xf32, #tpu.memory_space<vmem>>, vector<16xf32>,
    %get3A_2025 = vector.shape_cast %get3A_2024 : vector<16xf32> to vector<16xf32>
    %add3A_2026 = arith.addf %add3A_2022, %get3A_2025 : vector<16xf32>
    %get3A_2027 = arith.constant 7520 : index
    %get3A_2028 = tpu.vector_load %arg6[%get3A_2027] {strides = array<i32>} : memref<8192xf32, #tpu.memory_space<vmem>>, vector<16xf32>,
    %get3A_2029 = vector.shape_cast %get3A_2028 : vector<16xf32> to vector<16xf32>
    %add3A_2030 = arith.addf %add3A_2026, %get3A_2029 : vector<16xf32>
    %get3A_2031 = arith.constant 7536 : index
    %get3A_2032 = tpu.vector_load %arg6[%get3A_2031] {strides = array<i32>} : memref<8192xf32, #tpu.memory_space<vmem>>, vector<16xf32>,
    %get3A_2033 = vector.shape_cast %get3A_2032 : vector<16xf32> to vector<16xf32>
    %add3A_2034 = arith.addf %add3A_2030, %get3A_2033 : vector<16xf32>
    %get3A_2035 = arith.constant 7552 : index
    %get3A_2036 = tpu.vector_load %arg6[%get3A_2035] {strides = array<i32>} : memref<8192xf32, #tpu.memory_space<vmem>>, vector<16xf32>,
    %get3A_2037 = vector.shape_cast %get3A_2036 : vector<16xf32> to vector<16xf32>
    %add3A_2038 = arith.addf %add3A_2034, %get3A_2037 : vector<16xf32>
    %get3A_2039 = arith.constant 7568 : index
    %get3A_2040 = tpu.vector_load %arg6[%get3A_2039] {strides = array<i32>} : memref<8192xf32, #tpu.memory_space<vmem>>, vector<16xf32>,
    %get3A_2041 = vector.shape_cast %get3A_2040 : vector<16xf32> to vector<16xf32>
    %add3A_2042 = arith.addf %add3A_2038, %get3A_2041 : vector<16xf32>
    %get3A_2043 = arith.constant 7584 : index
    %get3A_2044 = tpu.vector_load %arg6[%get3A_2043] {strides = array<i32>} : memref<8192xf32, #tpu.memory_space<vmem>>, vector<16xf32>,
    %get3A_2045 = vector.shape_cast %get3A_2044 : vector<16xf32> to vector<16xf32>
    %add3A_2046 = arith.addf %add3A_2042, %get3A_2045 : vector<16xf32>
    %get3A_2047 = arith.constant 7600 : index
    %get3A_2048 = tpu.vector_load %arg6[%get3A_2047] {strides = array<i32>} : memref<8192xf32, #tpu.memory_space<vmem>>, vector<16xf32>,
    %get3A_2049 = vector.shape_cast %get3A_2048 : vector<16xf32> to vector<16xf32>
    %add3A_2050 = arith.addf %add3A_2046, %get3A_2049 : vector<16xf32>
    %get3A_2051 = arith.constant 7616 : index
    %get3A_2052 = tpu.vector_load %arg6[%get3A_2051] {strides = array<i32>} : memref<8192xf32, #tpu.memory_space<vmem>>, vector<16xf32>,
    %get3A_2053 = vector.shape_cast %get3A_2052 : vector<16xf32> to vector<16xf32>
    %add3A_2054 = arith.addf %add3A_2050, %get3A_2053 : vector<16xf32>
    %get3A_2055 = arith.constant 7632 : index
    %get3A_2056 = tpu.vector_load %arg6[%get3A_2055] {strides = array<i32>} : memref<8192xf32, #tpu.memory_space<vmem>>, vector<16xf32>,
    %get3A_2057 = vector.shape_cast %get3A_2056 : vector<16xf32> to vector<16xf32>
    %add3A_2058 = arith.addf %add3A_2054, %get3A_2057 : vector<16xf32>
    %get3A_2059 = arith.constant 7648 : index
    %get3A_2060 = tpu.vector_load %arg6[%get3A_2059] {strides = array<i32>} : memref<8192xf32, #tpu.memory_space<vmem>>, vector<16xf32>,
    %get3A_2061 = vector.shape_cast %get3A_2060 : vector<16xf32> to vector<16xf32>
    %add3A_2062 = arith.addf %add3A_2058, %get3A_2061 : vector<16xf32>
    %get3A_2063 = arith.constant 7664 : index
    %get3A_2064 = tpu.vector_load %arg6[%get3A_2063] {strides = array<i32>} : memref<8192xf32, #tpu.memory_space<vmem>>, vector<16xf32>,
    %get3A_2065 = vector.shape_cast %get3A_2064 : vector<16xf32> to vector<16xf32>
    %add3A_2066 = arith.addf %add3A_2062, %get3A_2065 : vector<16xf32>
    %swap3A_2067 = arith.constant 29 : i32
    %swap3A_2068 = arith.index_cast %swap3A_2067 : i32 to index
    %swap3A_2069 = arith.constant 0 : index
    %swap3A_2070 = tpu.vector_load %arg7[%swap3A_2068, %swap3A_2069] {strides = array<i32>} : memref<32x16xf32, #tpu.memory_space<vmem>>, vector<1x16xf32>,
    %swap3A_2071 = vector.shape_cast %swap3A_2070 : vector<1x16xf32> to vector<16xf32>
    %swap3A_2072 = vector.shape_cast %add3A_2066 : vector<16xf32> to vector<1x16xf32>
    tpu.vector_store %arg7[%swap3A_2068, %swap3A_2069], %swap3A_2072 {strides = array<i32>} : memref<32x16xf32, #tpu.memory_space<vmem>>, vector<1x16xf32>,
    %get3A_2073 = arith.constant 7680 : index
    %get3A_2074 = tpu.vector_load %arg6[%get3A_2073] {strides = array<i32>} : memref<8192xf32, #tpu.memory_space<vmem>>, vector<16xf32>,
    %get3A_2075 = vector.shape_cast %get3A_2074 : vector<16xf32> to vector<16xf32>
    %get3A_2076 = arith.constant 7696 : index
    %get3A_2077 = tpu.vector_load %arg6[%get3A_2076] {strides = array<i32>} : memref<8192xf32, #tpu.memory_space<vmem>>, vector<16xf32>,
    %get3A_2078 = vector.shape_cast %get3A_2077 : vector<16xf32> to vector<16xf32>
    %add3A_2079 = arith.addf %get3A_2075, %get3A_2078 : vector<16xf32>
    %get3A_2080 = arith.constant 7712 : index
    %get3A_2081 = tpu.vector_load %arg6[%get3A_2080] {strides = array<i32>} : memref<8192xf32, #tpu.memory_space<vmem>>, vector<16xf32>,
    %get3A_2082 = vector.shape_cast %get3A_2081 : vector<16xf32> to vector<16xf32>
    %add3A_2083 = arith.addf %add3A_2079, %get3A_2082 : vector<16xf32>
    %get3A_2084 = arith.constant 7728 : index
    %get3A_2085 = tpu.vector_load %arg6[%get3A_2084] {strides = array<i32>} : memref<8192xf32, #tpu.memory_space<vmem>>, vector<16xf32>,
    %get3A_2086 = vector.shape_cast %get3A_2085 : vector<16xf32> to vector<16xf32>
    %add3A_2087 = arith.addf %add3A_2083, %get3A_2086 : vector<16xf32>
    %get3A_2088 = arith.constant 7744 : index
    %get3A_2089 = tpu.vector_load %arg6[%get3A_2088] {strides = array<i32>} : memref<8192xf32, #tpu.memory_space<vmem>>, vector<16xf32>,
    %get3A_2090 = vector.shape_cast %get3A_2089 : vector<16xf32> to vector<16xf32>
    %add3A_2091 = arith.addf %add3A_2087, %get3A_2090 : vector<16xf32>
    %get3A_2092 = arith.constant 7760 : index
    %get3A_2093 = tpu.vector_load %arg6[%get3A_2092] {strides = array<i32>} : memref<8192xf32, #tpu.memory_space<vmem>>, vector<16xf32>,
    %get3A_2094 = vector.shape_cast %get3A_2093 : vector<16xf32> to vector<16xf32>
    %add3A_2095 = arith.addf %add3A_2091, %get3A_2094 : vector<16xf32>
    %get3A_2096 = arith.constant 7776 : index
    %get3A_2097 = tpu.vector_load %arg6[%get3A_2096] {strides = array<i32>} : memref<8192xf32, #tpu.memory_space<vmem>>, vector<16xf32>,
    %get3A_2098 = vector.shape_cast %get3A_2097 : vector<16xf32> to vector<16xf32>
    %add3A_2099 = arith.addf %add3A_2095, %get3A_2098 : vector<16xf32>
    %get3A_2100 = arith.constant 7792 : index
    %get3A_2101 = tpu.vector_load %arg6[%get3A_2100] {strides = array<i32>} : memref<8192xf32, #tpu.memory_space<vmem>>, vector<16xf32>,
    %get3A_2102 = vector.shape_cast %get3A_2101 : vector<16xf32> to vector<16xf32>
    %add3A_2103 = arith.addf %add3A_2099, %get3A_2102 : vector<16xf32>
    %get3A_2104 = arith.constant 7808 : index
    %get3A_2105 = tpu.vector_load %arg6[%get3A_2104] {strides = array<i32>} : memref<8192xf32, #tpu.memory_space<vmem>>, vector<16xf32>,
    %get3A_2106 = vector.shape_cast %get3A_2105 : vector<16xf32> to vector<16xf32>
    %add3A_2107 = arith.addf %add3A_2103, %get3A_2106 : vector<16xf32>
    %get3A_2108 = arith.constant 7824 : index
    %get3A_2109 = tpu.vector_load %arg6[%get3A_2108] {strides = array<i32>} : memref<8192xf32, #tpu.memory_space<vmem>>, vector<16xf32>,
    %get3A_2110 = vector.shape_cast %get3A_2109 : vector<16xf32> to vector<16xf32>
    %add3A_2111 = arith.addf %add3A_2107, %get3A_2110 : vector<16xf32>
    %get3A_2112 = arith.constant 7840 : index
    %get3A_2113 = tpu.vector_load %arg6[%get3A_2112] {strides = array<i32>} : memref<8192xf32, #tpu.memory_space<vmem>>, vector<16xf32>,
    %get3A_2114 = vector.shape_cast %get3A_2113 : vector<16xf32> to vector<16xf32>
    %add3A_2115 = arith.addf %add3A_2111, %get3A_2114 : vector<16xf32>
    %get3A_2116 = arith.constant 7856 : index
    %get3A_2117 = tpu.vector_load %arg6[%get3A_2116] {strides = array<i32>} : memref<8192xf32, #tpu.memory_space<vmem>>, vector<16xf32>,
    %get3A_2118 = vector.shape_cast %get3A_2117 : vector<16xf32> to vector<16xf32>
    %add3A_2119 = arith.addf %add3A_2115, %get3A_2118 : vector<16xf32>
    %get3A_2120 = arith.constant 7872 : index
    %get3A_2121 = tpu.vector_load %arg6[%get3A_2120] {strides = array<i32>} : memref<8192xf32, #tpu.memory_space<vmem>>, vector<16xf32>,
    %get3A_2122 = vector.shape_cast %get3A_2121 : vector<16xf32> to vector<16xf32>
    %add3A_2123 = arith.addf %add3A_2119, %get3A_2122 : vector<16xf32>
    %get3A_2124 = arith.constant 7888 : index
    %get3A_2125 = tpu.vector_load %arg6[%get3A_2124] {strides = array<i32>} : memref<8192xf32, #tpu.memory_space<vmem>>, vector<16xf32>,
    %get3A_2126 = vector.shape_cast %get3A_2125 : vector<16xf32> to vector<16xf32>
    %add3A_2127 = arith.addf %add3A_2123, %get3A_2126 : vector<16xf32>
    %get3A_2128 = arith.constant 7904 : index
    %get3A_2129 = tpu.vector_load %arg6[%get3A_2128] {strides = array<i32>} : memref<8192xf32, #tpu.memory_space<vmem>>, vector<16xf32>,
    %get3A_2130 = vector.shape_cast %get3A_2129 : vector<16xf32> to vector<16xf32>
    %add3A_2131 = arith.addf %add3A_2127, %get3A_2130 : vector<16xf32>
    %get3A_2132 = arith.constant 7920 : index
    %get3A_2133 = tpu.vector_load %arg6[%get3A_2132] {strides = array<i32>} : memref<8192xf32, #tpu.memory_space<vmem>>, vector<16xf32>,
    %get3A_2134 = vector.shape_cast %get3A_2133 : vector<16xf32> to vector<16xf32>
    %add3A_2135 = arith.addf %add3A_2131, %get3A_2134 : vector<16xf32>
    %swap3A_2136 = arith.constant 30 : i32
    %swap3A_2137 = arith.index_cast %swap3A_2136 : i32 to index
    %swap3A_2138 = arith.constant 0 : index
    %swap3A_2139 = tpu.vector_load %arg7[%swap3A_2137, %swap3A_2138] {strides = array<i32>} : memref<32x16xf32, #tpu.memory_space<vmem>>, vector<1x16xf32>,
    %swap3A_2140 = vector.shape_cast %swap3A_2139 : vector<1x16xf32> to vector<16xf32>
    %swap3A_2141 = vector.shape_cast %add3A_2135 : vector<16xf32> to vector<1x16xf32>
    tpu.vector_store %arg7[%swap3A_2137, %swap3A_2138], %swap3A_2141 {strides = array<i32>} : memref<32x16xf32, #tpu.memory_space<vmem>>, vector<1x16xf32>,
    %get3A_2142 = arith.constant 7936 : index
    %get3A_2143 = tpu.vector_load %arg6[%get3A_2142] {strides = array<i32>} : memref<8192xf32, #tpu.memory_space<vmem>>, vector<16xf32>,
    %get3A_2144 = vector.shape_cast %get3A_2143 : vector<16xf32> to vector<16xf32>
    %get3A_2145 = arith.constant 7952 : index
    %get3A_2146 = tpu.vector_load %arg6[%get3A_2145] {strides = array<i32>} : memref<8192xf32, #tpu.memory_space<vmem>>, vector<16xf32>,
    %get3A_2147 = vector.shape_cast %get3A_2146 : vector<16xf32> to vector<16xf32>
    %add3A_2148 = arith.addf %get3A_2144, %get3A_2147 : vector<16xf32>
    %get3A_2149 = arith.constant 7968 : index
    %get3A_2150 = tpu.vector_load %arg6[%get3A_2149] {strides = array<i32>} : memref<8192xf32, #tpu.memory_space<vmem>>, vector<16xf32>,
    %get3A_2151 = vector.shape_cast %get3A_2150 : vector<16xf32> to vector<16xf32>
    %add3A_2152 = arith.addf %add3A_2148, %get3A_2151 : vector<16xf32>
    %get3A_2153 = arith.constant 7984 : index
    %get3A_2154 = tpu.vector_load %arg6[%get3A_2153] {strides = array<i32>} : memref<8192xf32, #tpu.memory_space<vmem>>, vector<16xf32>,
    %get3A_2155 = vector.shape_cast %get3A_2154 : vector<16xf32> to vector<16xf32>
    %add3A_2156 = arith.addf %add3A_2152, %get3A_2155 : vector<16xf32>
    %get3A_2157 = arith.constant 8000 : index
    %get3A_2158 = tpu.vector_load %arg6[%get3A_2157] {strides = array<i32>} : memref<8192xf32, #tpu.memory_space<vmem>>, vector<16xf32>,
    %get3A_2159 = vector.shape_cast %get3A_2158 : vector<16xf32> to vector<16xf32>
    %add3A_2160 = arith.addf %add3A_2156, %get3A_2159 : vector<16xf32>
    %get3A_2161 = arith.constant 8016 : index
    %get3A_2162 = tpu.vector_load %arg6[%get3A_2161] {strides = array<i32>} : memref<8192xf32, #tpu.memory_space<vmem>>, vector<16xf32>,
    %get3A_2163 = vector.shape_cast %get3A_2162 : vector<16xf32> to vector<16xf32>
    %add3A_2164 = arith.addf %add3A_2160, %get3A_2163 : vector<16xf32>
    %get3A_2165 = arith.constant 8032 : index
    %get3A_2166 = tpu.vector_load %arg6[%get3A_2165] {strides = array<i32>} : memref<8192xf32, #tpu.memory_space<vmem>>, vector<16xf32>,
    %get3A_2167 = vector.shape_cast %get3A_2166 : vector<16xf32> to vector<16xf32>
    %add3A_2168 = arith.addf %add3A_2164, %get3A_2167 : vector<16xf32>
    %get3A_2169 = arith.constant 8048 : index
    %get3A_2170 = tpu.vector_load %arg6[%get3A_2169] {strides = array<i32>} : memref<8192xf32, #tpu.memory_space<vmem>>, vector<16xf32>,
    %get3A_2171 = vector.shape_cast %get3A_2170 : vector<16xf32> to vector<16xf32>
    %add3A_2172 = arith.addf %add3A_2168, %get3A_2171 : vector<16xf32>
    %get3A_2173 = arith.constant 8064 : index
    %get3A_2174 = tpu.vector_load %arg6[%get3A_2173] {strides = array<i32>} : memref<8192xf32, #tpu.memory_space<vmem>>, vector<16xf32>,
    %get3A_2175 = vector.shape_cast %get3A_2174 : vector<16xf32> to vector<16xf32>
    %add3A_2176 = arith.addf %add3A_2172, %get3A_2175 : vector<16xf32>
    %get3A_2177 = arith.constant 8080 : index
    %get3A_2178 = tpu.vector_load %arg6[%get3A_2177] {strides = array<i32>} : memref<8192xf32, #tpu.memory_space<vmem>>, vector<16xf32>,
    %get3A_2179 = vector.shape_cast %get3A_2178 : vector<16xf32> to vector<16xf32>
    %add3A_2180 = arith.addf %add3A_2176, %get3A_2179 : vector<16xf32>
    %get3A_2181 = arith.constant 8096 : index
    %get3A_2182 = tpu.vector_load %arg6[%get3A_2181] {strides = array<i32>} : memref<8192xf32, #tpu.memory_space<vmem>>, vector<16xf32>,
    %get3A_2183 = vector.shape_cast %get3A_2182 : vector<16xf32> to vector<16xf32>
    %add3A_2184 = arith.addf %add3A_2180, %get3A_2183 : vector<16xf32>
    %get3A_2185 = arith.constant 8112 : index
    %get3A_2186 = tpu.vector_load %arg6[%get3A_2185] {strides = array<i32>} : memref<8192xf32, #tpu.memory_space<vmem>>, vector<16xf32>,
    %get3A_2187 = vector.shape_cast %get3A_2186 : vector<16xf32> to vector<16xf32>
    %add3A_2188 = arith.addf %add3A_2184, %get3A_2187 : vector<16xf32>
    %get3A_2189 = arith.constant 8128 : index
    %get3A_2190 = tpu.vector_load %arg6[%get3A_2189] {strides = array<i32>} : memref<8192xf32, #tpu.memory_space<vmem>>, vector<16xf32>,
    %get3A_2191 = vector.shape_cast %get3A_2190 : vector<16xf32> to vector<16xf32>
    %add3A_2192 = arith.addf %add3A_2188, %get3A_2191 : vector<16xf32>
    %get3A_2193 = arith.constant 8144 : index
    %get3A_2194 = tpu.vector_load %arg6[%get3A_2193] {strides = array<i32>} : memref<8192xf32, #tpu.memory_space<vmem>>, vector<16xf32>,
    %get3A_2195 = vector.shape_cast %get3A_2194 : vector<16xf32> to vector<16xf32>
    %add3A_2196 = arith.addf %add3A_2192, %get3A_2195 : vector<16xf32>
    %get3A_2197 = arith.constant 8160 : index
    %get3A_2198 = tpu.vector_load %arg6[%get3A_2197] {strides = array<i32>} : memref<8192xf32, #tpu.memory_space<vmem>>, vector<16xf32>,
    %get3A_2199 = vector.shape_cast %get3A_2198 : vector<16xf32> to vector<16xf32>
    %add3A_2200 = arith.addf %add3A_2196, %get3A_2199 : vector<16xf32>
    %get3A_2201 = arith.constant 8176 : index
    %get3A_2202 = tpu.vector_load %arg6[%get3A_2201] {strides = array<i32>} : memref<8192xf32, #tpu.memory_space<vmem>>, vector<16xf32>,
    %get3A_2203 = vector.shape_cast %get3A_2202 : vector<16xf32> to vector<16xf32>
    %add3A_2204 = arith.addf %add3A_2200, %get3A_2203 : vector<16xf32>
    %swap3A_2205 = arith.constant 31 : i32
    %swap3A_2206 = arith.index_cast %swap3A_2205 : i32 to index
    %swap3A_2207 = arith.constant 0 : index
    %swap3A_2208 = tpu.vector_load %arg7[%swap3A_2206, %swap3A_2207] {strides = array<i32>} : memref<32x16xf32, #tpu.memory_space<vmem>>, vector<1x16xf32>,
    %swap3A_2209 = vector.shape_cast %swap3A_2208 : vector<1x16xf32> to vector<16xf32>
    %swap3A_2210 = vector.shape_cast %add3A_2204 : vector<16xf32> to vector<1x16xf32>
    tpu.vector_store %arg7[%swap3A_2206, %swap3A_2207], %swap3A_2210 {strides = array<i32>} : memref<32x16xf32, #tpu.memory_space<vmem>>, vector<1x16xf32>,
    %mul3A_2211 = arith.constant 32 : i32
    %mul3A_2212 = arith.muli %add3A, %mul3A_2211 : i32
    "tpu.region"() ({
      %run_scoped3A = tpu.sem_alloc : memref<!tpu.dma_semaphore, #tpu.memory_space<semaphore_mem>>
      %dma_start3A_2213 = arith.constant 0 : i32
      %dma_start3A_2214 = tpu.memref_slice %arg4[%mul3A_2212, %dma_start3A_2213] : memref<1024x16xf32, #tpu.memory_space<hbm>> -> memref<32x16xf32, #tpu.memory_space<hbm>>
      %dma_start3A_2215 = arith.constant 0 : i32
      %dma_start3A_2216 = tpu.memref_slice %arg4[%mul3A_2212, %dma_start3A_2215] : memref<1024x16xf32, #tpu.memory_space<hbm>> -> memref<32x16xf32, #tpu.memory_space<hbm>>
      tpu.enqueue_dma source(%arg7 : memref<32x16xf32, #tpu.memory_space<vmem>>) target(%dma_start3A_2216 : memref<32x16xf32, #tpu.memory_space<hbm>>) target_semaphore(%run_scoped3A : memref<!tpu.dma_semaphore, #tpu.memory_space<semaphore_mem>>)
      %dma_wait3A_2217 = arith.constant 0 : i32
      %dma_wait3A_2218 = tpu.memref_slice %arg4[%mul3A_2212, %dma_wait3A_2217] : memref<1024x16xf32, #tpu.memory_space<hbm>> -> memref<32x16xf32, #tpu.memory_space<hbm>>
      %dma_wait3A_2219 = arith.constant 0 : i32
      %dma_wait3A_2220 = tpu.memref_slice %arg4[%mul3A_2212, %dma_wait3A_2219] : memref<1024x16xf32, #tpu.memory_space<hbm>> -> memref<32x16xf32, #tpu.memory_space<hbm>>
      tpu.wait_dma2 semaphore(%run_scoped3A : memref<!tpu.dma_semaphore, #tpu.memory_space<semaphore_mem>>) src(%arg7 : memref<32x16xf32, #tpu.memory_space<vmem>>) dst(%dma_wait3A_2220 : memref<32x16xf32, #tpu.memory_space<hbm>>)
      tpu.yield
    }) : () -> ()
    return
  }
}

module attributes {stable_mosaic.version = 14 : i64} {
  func.func @_topk_body(%arg0: i32, %arg1: i32, %arg2: memref<256x16xf32, #tpu.memory_space<vmem>>, %arg3: memref<8192x16xf32, #tpu.memory_space<vmem>>, %arg4: memref<256x16xi32, #tpu.memory_space<vmem>>, %arg5: memref<256x16xf32, #tpu.memory_space<vmem>>, %arg6: memref<256x16xi32, #tpu.memory_space<vmem>>) attributes {dimension_semantics = [#tpu.dimension_semantics<parallel>, #tpu.dimension_semantics<arbitrary>], iteration_bounds = array<i64: 4, 13>, scalar_prefetch = 0 : i64, scratch_operands = 2 : i64, tpu.core_type = #tpu.core_type<tc>, window_params = [{transform_indices = @transform_0, window_bounds = array<i64: 256, 16>}, {transform_indices = @transform_1, window_bounds = array<i64: 8192, 16>}, {transform_indices = @transform_2, window_bounds = array<i64: 256, 16>}]} {
    %eq3A = arith.constant 0 : i32
    %eq3A_0 = arith.cmpi eq, %arg1, %eq3A : i32
    %convert_element_type3A = arith.extui %eq3A_0 : i1 to i32
    %cond3A = arith.constant 0 : i32
    %cond3A_1 = arith.cmpi ne, %convert_element_type3A, %cond3A : i32
    scf.if %cond3A_1 {
      %broadcast_in_dim3A_1567 = arith.constant 0xFF800000 : f32
      %broadcast_in_dim3A_1568 = vector.broadcast %broadcast_in_dim3A_1567 : f32 to vector<256x16xf32>
      %swap3A_1569 = arith.constant 0 : index
      %swap3A_1570 = arith.constant 0 : index
      %swap3A_1571 = vector.load %arg5[%swap3A_1569, %swap3A_1570] : memref<256x16xf32, #tpu.memory_space<vmem>>, vector<256x16xf32>
      tpu.vector_store %arg5[%swap3A_1569, %swap3A_1570], %broadcast_in_dim3A_1568 {strides = array<i32>} : memref<256x16xf32, #tpu.memory_space<vmem>>, vector<256x16xf32>,
      %broadcast_in_dim3A_1572 = arith.constant 2147483647 : i32
      %broadcast_in_dim3A_1573 = vector.broadcast %broadcast_in_dim3A_1572 : i32 to vector<256x16xi32>
      %swap3A_1574 = arith.constant 0 : index
      %swap3A_1575 = arith.constant 0 : index
      %swap3A_1576 = vector.load %arg6[%swap3A_1574, %swap3A_1575] : memref<256x16xi32, #tpu.memory_space<vmem>>, vector<256x16xi32>
      tpu.vector_store %arg6[%swap3A_1574, %swap3A_1575], %broadcast_in_dim3A_1573 {strides = array<i32>} : memref<256x16xi32, #tpu.memory_space<vmem>>, vector<256x16xi32>,
    } else {
    }
    %get3A = arith.constant 0 : index
    %get3A_2 = arith.constant 0 : index
    %get3A_3 = vector.load %arg2[%get3A, %get3A_2] : memref<256x16xf32, #tpu.memory_space<vmem>>, vector<256x16xf32>
    %get3A_4 = arith.constant 0 : index
    %get3A_5 = arith.constant 0 : index
    %get3A_6 = vector.load %arg3[%get3A_4, %get3A_5] : memref<8192x16xf32, #tpu.memory_space<vmem>>, vector<8192x16xf32>
    %dot_general3A = arith.constant dense<0.000000e+00> : vector<256x8192xf32>
    %dot_general3A_7 = tpu.matmul %get3A_3, %get3A_6, %dot_general3A {dimension_numbers = #tpu.dot_dimension_numbers<[1], [1], [0], [0], [0, 0, 1, 0], [], []>, transpose_lhs_hint = false} : vector<256x16xf32>, vector<8192x16xf32>, vector<256x8192xf32> -> vector<256x8192xf32>
    %iota3A = tpu.iota {dimensions = array<i32: 1>} : vector<256x8192xi32>
    %mul3A = arith.constant 8192 : i32
    %mul3A_8 = arith.muli %arg1, %mul3A : i32
    %add3A = vector.broadcast %mul3A_8 : i32 to vector<256x8192xi32>
    %add3A_9 = arith.addi %add3A, %iota3A : vector<256x8192xi32>
    %lt3A = arith.constant 100000 : i32
    %lt3A_10 = vector.broadcast %lt3A : i32 to vector<256x8192xi32>
    %lt3A_11 = arith.cmpi slt, %add3A_9, %lt3A_10 : vector<256x8192xi32>
    %jit3A = arith.constant 0xFF800000 : f32
    %broadcast_in_dim3A = vector.broadcast %jit3A : f32 to vector<256x8192xf32>
    %select_n3A = arith.select %lt3A_11, %dot_general3A_7, %broadcast_in_dim3A : vector<256x8192xi1>, vector<256x8192xf32>
    %convert_element_type3A_12 = arith.sitofp %iota3A : vector<256x8192xi32> to vector<256x8192xf32>
    %slice3A = vector.extract_strided_slice %select_n3A {offsets = [0, 0], sizes = [256, 128], strides = [1, 1]} : vector<256x8192xf32> to vector<256x128xf32>
    %slice3A_13 = vector.extract_strided_slice %convert_element_type3A_12 {offsets = [0, 0], sizes = [256, 128], strides = [1, 1]} : vector<256x8192xf32> to vector<256x128xf32>
    %slice3A_14 = vector.extract_strided_slice %select_n3A {offsets = [0, 128], sizes = [256, 128], strides = [1, 1]} : vector<256x8192xf32> to vector<256x128xf32>
    %slice3A_15 = vector.extract_strided_slice %convert_element_type3A_12 {offsets = [0, 128], sizes = [256, 128], strides = [1, 1]} : vector<256x8192xf32> to vector<256x128xf32>
    %gt3A = arith.cmpf ogt, %slice3A_14, %slice3A : vector<256x128xf32>
    %select_n3A_16 = arith.select %gt3A, %slice3A_14, %slice3A : vector<256x128xi1>, vector<256x128xf32>
    %select_n3A_17 = arith.select %gt3A, %slice3A_15, %slice3A_13 : vector<256x128xi1>, vector<256x128xf32>
    %slice3A_18 = vector.extract_strided_slice %select_n3A {offsets = [0, 256], sizes = [256, 128], strides = [1, 1]} : vector<256x8192xf32> to vector<256x128xf32>
    %slice3A_19 = vector.extract_strided_slice %convert_element_type3A_12 {offsets = [0, 256], sizes = [256, 128], strides = [1, 1]} : vector<256x8192xf32> to vector<256x128xf32>
    %gt3A_20 = arith.cmpf ogt, %slice3A_18, %select_n3A_16 : vector<256x128xf32>
    %select_n3A_21 = arith.select %gt3A_20, %slice3A_18, %select_n3A_16 : vector<256x128xi1>, vector<256x128xf32>
    %select_n3A_22 = arith.select %gt3A_20, %slice3A_19, %select_n3A_17 : vector<256x128xi1>, vector<256x128xf32>
    %slice3A_23 = vector.extract_strided_slice %select_n3A {offsets = [0, 384], sizes = [256, 128], strides = [1, 1]} : vector<256x8192xf32> to vector<256x128xf32>
    %slice3A_24 = vector.extract_strided_slice %convert_element_type3A_12 {offsets = [0, 384], sizes = [256, 128], strides = [1, 1]} : vector<256x8192xf32> to vector<256x128xf32>
    %gt3A_25 = arith.cmpf ogt, %slice3A_23, %select_n3A_21 : vector<256x128xf32>
    %select_n3A_26 = arith.select %gt3A_25, %slice3A_23, %select_n3A_21 : vector<256x128xi1>, vector<256x128xf32>
    %select_n3A_27 = arith.select %gt3A_25, %slice3A_24, %select_n3A_22 : vector<256x128xi1>, vector<256x128xf32>
    %slice3A_28 = vector.extract_strided_slice %select_n3A {offsets = [0, 512], sizes = [256, 128], strides = [1, 1]} : vector<256x8192xf32> to vector<256x128xf32>
    %slice3A_29 = vector.extract_strided_slice %convert_element_type3A_12 {offsets = [0, 512], sizes = [256, 128], strides = [1, 1]} : vector<256x8192xf32> to vector<256x128xf32>
    %gt3A_30 = arith.cmpf ogt, %slice3A_28, %select_n3A_26 : vector<256x128xf32>
    %select_n3A_31 = arith.select %gt3A_30, %slice3A_28, %select_n3A_26 : vector<256x128xi1>, vector<256x128xf32>
    %select_n3A_32 = arith.select %gt3A_30, %slice3A_29, %select_n3A_27 : vector<256x128xi1>, vector<256x128xf32>
    %slice3A_33 = vector.extract_strided_slice %select_n3A {offsets = [0, 640], sizes = [256, 128], strides = [1, 1]} : vector<256x8192xf32> to vector<256x128xf32>
    %slice3A_34 = vector.extract_strided_slice %convert_element_type3A_12 {offsets = [0, 640], sizes = [256, 128], strides = [1, 1]} : vector<256x8192xf32> to vector<256x128xf32>
    %gt3A_35 = arith.cmpf ogt, %slice3A_33, %select_n3A_31 : vector<256x128xf32>
    %select_n3A_36 = arith.select %gt3A_35, %slice3A_33, %select_n3A_31 : vector<256x128xi1>, vector<256x128xf32>
    %select_n3A_37 = arith.select %gt3A_35, %slice3A_34, %select_n3A_32 : vector<256x128xi1>, vector<256x128xf32>
    %slice3A_38 = vector.extract_strided_slice %select_n3A {offsets = [0, 768], sizes = [256, 128], strides = [1, 1]} : vector<256x8192xf32> to vector<256x128xf32>
    %slice3A_39 = vector.extract_strided_slice %convert_element_type3A_12 {offsets = [0, 768], sizes = [256, 128], strides = [1, 1]} : vector<256x8192xf32> to vector<256x128xf32>
    %gt3A_40 = arith.cmpf ogt, %slice3A_38, %select_n3A_36 : vector<256x128xf32>
    %select_n3A_41 = arith.select %gt3A_40, %slice3A_38, %select_n3A_36 : vector<256x128xi1>, vector<256x128xf32>
    %select_n3A_42 = arith.select %gt3A_40, %slice3A_39, %select_n3A_37 : vector<256x128xi1>, vector<256x128xf32>
    %slice3A_43 = vector.extract_strided_slice %select_n3A {offsets = [0, 896], sizes = [256, 128], strides = [1, 1]} : vector<256x8192xf32> to vector<256x128xf32>
    %slice3A_44 = vector.extract_strided_slice %convert_element_type3A_12 {offsets = [0, 896], sizes = [256, 128], strides = [1, 1]} : vector<256x8192xf32> to vector<256x128xf32>
    %gt3A_45 = arith.cmpf ogt, %slice3A_43, %select_n3A_41 : vector<256x128xf32>
    %select_n3A_46 = arith.select %gt3A_45, %slice3A_43, %select_n3A_41 : vector<256x128xi1>, vector<256x128xf32>
    %select_n3A_47 = arith.select %gt3A_45, %slice3A_44, %select_n3A_42 : vector<256x128xi1>, vector<256x128xf32>
    %slice3A_48 = vector.extract_strided_slice %select_n3A {offsets = [0, 1024], sizes = [256, 128], strides = [1, 1]} : vector<256x8192xf32> to vector<256x128xf32>
    %slice3A_49 = vector.extract_strided_slice %convert_element_type3A_12 {offsets = [0, 1024], sizes = [256, 128], strides = [1, 1]} : vector<256x8192xf32> to vector<256x128xf32>
    %gt3A_50 = arith.cmpf ogt, %slice3A_48, %select_n3A_46 : vector<256x128xf32>
    %select_n3A_51 = arith.select %gt3A_50, %slice3A_48, %select_n3A_46 : vector<256x128xi1>, vector<256x128xf32>
    %select_n3A_52 = arith.select %gt3A_50, %slice3A_49, %select_n3A_47 : vector<256x128xi1>, vector<256x128xf32>
    %slice3A_53 = vector.extract_strided_slice %select_n3A {offsets = [0, 1152], sizes = [256, 128], strides = [1, 1]} : vector<256x8192xf32> to vector<256x128xf32>
    %slice3A_54 = vector.extract_strided_slice %convert_element_type3A_12 {offsets = [0, 1152], sizes = [256, 128], strides = [1, 1]} : vector<256x8192xf32> to vector<256x128xf32>
    %gt3A_55 = arith.cmpf ogt, %slice3A_53, %select_n3A_51 : vector<256x128xf32>
    %select_n3A_56 = arith.select %gt3A_55, %slice3A_53, %select_n3A_51 : vector<256x128xi1>, vector<256x128xf32>
    %select_n3A_57 = arith.select %gt3A_55, %slice3A_54, %select_n3A_52 : vector<256x128xi1>, vector<256x128xf32>
    %slice3A_58 = vector.extract_strided_slice %select_n3A {offsets = [0, 1280], sizes = [256, 128], strides = [1, 1]} : vector<256x8192xf32> to vector<256x128xf32>
    %slice3A_59 = vector.extract_strided_slice %convert_element_type3A_12 {offsets = [0, 1280], sizes = [256, 128], strides = [1, 1]} : vector<256x8192xf32> to vector<256x128xf32>
    %gt3A_60 = arith.cmpf ogt, %slice3A_58, %select_n3A_56 : vector<256x128xf32>
    %select_n3A_61 = arith.select %gt3A_60, %slice3A_58, %select_n3A_56 : vector<256x128xi1>, vector<256x128xf32>
    %select_n3A_62 = arith.select %gt3A_60, %slice3A_59, %select_n3A_57 : vector<256x128xi1>, vector<256x128xf32>
    %slice3A_63 = vector.extract_strided_slice %select_n3A {offsets = [0, 1408], sizes = [256, 128], strides = [1, 1]} : vector<256x8192xf32> to vector<256x128xf32>
    %slice3A_64 = vector.extract_strided_slice %convert_element_type3A_12 {offsets = [0, 1408], sizes = [256, 128], strides = [1, 1]} : vector<256x8192xf32> to vector<256x128xf32>
    %gt3A_65 = arith.cmpf ogt, %slice3A_63, %select_n3A_61 : vector<256x128xf32>
    %select_n3A_66 = arith.select %gt3A_65, %slice3A_63, %select_n3A_61 : vector<256x128xi1>, vector<256x128xf32>
    %select_n3A_67 = arith.select %gt3A_65, %slice3A_64, %select_n3A_62 : vector<256x128xi1>, vector<256x128xf32>
    %slice3A_68 = vector.extract_strided_slice %select_n3A {offsets = [0, 1536], sizes = [256, 128], strides = [1, 1]} : vector<256x8192xf32> to vector<256x128xf32>
    %slice3A_69 = vector.extract_strided_slice %convert_element_type3A_12 {offsets = [0, 1536], sizes = [256, 128], strides = [1, 1]} : vector<256x8192xf32> to vector<256x128xf32>
    %gt3A_70 = arith.cmpf ogt, %slice3A_68, %select_n3A_66 : vector<256x128xf32>
    %select_n3A_71 = arith.select %gt3A_70, %slice3A_68, %select_n3A_66 : vector<256x128xi1>, vector<256x128xf32>
    %select_n3A_72 = arith.select %gt3A_70, %slice3A_69, %select_n3A_67 : vector<256x128xi1>, vector<256x128xf32>
    %slice3A_73 = vector.extract_strided_slice %select_n3A {offsets = [0, 1664], sizes = [256, 128], strides = [1, 1]} : vector<256x8192xf32> to vector<256x128xf32>
    %slice3A_74 = vector.extract_strided_slice %convert_element_type3A_12 {offsets = [0, 1664], sizes = [256, 128], strides = [1, 1]} : vector<256x8192xf32> to vector<256x128xf32>
    %gt3A_75 = arith.cmpf ogt, %slice3A_73, %select_n3A_71 : vector<256x128xf32>
    %select_n3A_76 = arith.select %gt3A_75, %slice3A_73, %select_n3A_71 : vector<256x128xi1>, vector<256x128xf32>
    %select_n3A_77 = arith.select %gt3A_75, %slice3A_74, %select_n3A_72 : vector<256x128xi1>, vector<256x128xf32>
    %slice3A_78 = vector.extract_strided_slice %select_n3A {offsets = [0, 1792], sizes = [256, 128], strides = [1, 1]} : vector<256x8192xf32> to vector<256x128xf32>
    %slice3A_79 = vector.extract_strided_slice %convert_element_type3A_12 {offsets = [0, 1792], sizes = [256, 128], strides = [1, 1]} : vector<256x8192xf32> to vector<256x128xf32>
    %gt3A_80 = arith.cmpf ogt, %slice3A_78, %select_n3A_76 : vector<256x128xf32>
    %select_n3A_81 = arith.select %gt3A_80, %slice3A_78, %select_n3A_76 : vector<256x128xi1>, vector<256x128xf32>
    %select_n3A_82 = arith.select %gt3A_80, %slice3A_79, %select_n3A_77 : vector<256x128xi1>, vector<256x128xf32>
    %slice3A_83 = vector.extract_strided_slice %select_n3A {offsets = [0, 1920], sizes = [256, 128], strides = [1, 1]} : vector<256x8192xf32> to vector<256x128xf32>
    %slice3A_84 = vector.extract_strided_slice %convert_element_type3A_12 {offsets = [0, 1920], sizes = [256, 128], strides = [1, 1]} : vector<256x8192xf32> to vector<256x128xf32>
    %gt3A_85 = arith.cmpf ogt, %slice3A_83, %select_n3A_81 : vector<256x128xf32>
    %select_n3A_86 = arith.select %gt3A_85, %slice3A_83, %select_n3A_81 : vector<256x128xi1>, vector<256x128xf32>
    %select_n3A_87 = arith.select %gt3A_85, %slice3A_84, %select_n3A_82 : vector<256x128xi1>, vector<256x128xf32>
    %slice3A_88 = vector.extract_strided_slice %select_n3A {offsets = [0, 2048], sizes = [256, 128], strides = [1, 1]} : vector<256x8192xf32> to vector<256x128xf32>
    %slice3A_89 = vector.extract_strided_slice %convert_element_type3A_12 {offsets = [0, 2048], sizes = [256, 128], strides = [1, 1]} : vector<256x8192xf32> to vector<256x128xf32>
    %gt3A_90 = arith.cmpf ogt, %slice3A_88, %select_n3A_86 : vector<256x128xf32>
    %select_n3A_91 = arith.select %gt3A_90, %slice3A_88, %select_n3A_86 : vector<256x128xi1>, vector<256x128xf32>
    %select_n3A_92 = arith.select %gt3A_90, %slice3A_89, %select_n3A_87 : vector<256x128xi1>, vector<256x128xf32>
    %slice3A_93 = vector.extract_strided_slice %select_n3A {offsets = [0, 2176], sizes = [256, 128], strides = [1, 1]} : vector<256x8192xf32> to vector<256x128xf32>
    %slice3A_94 = vector.extract_strided_slice %convert_element_type3A_12 {offsets = [0, 2176], sizes = [256, 128], strides = [1, 1]} : vector<256x8192xf32> to vector<256x128xf32>
    %gt3A_95 = arith.cmpf ogt, %slice3A_93, %select_n3A_91 : vector<256x128xf32>
    %select_n3A_96 = arith.select %gt3A_95, %slice3A_93, %select_n3A_91 : vector<256x128xi1>, vector<256x128xf32>
    %select_n3A_97 = arith.select %gt3A_95, %slice3A_94, %select_n3A_92 : vector<256x128xi1>, vector<256x128xf32>
    %slice3A_98 = vector.extract_strided_slice %select_n3A {offsets = [0, 2304], sizes = [256, 128], strides = [1, 1]} : vector<256x8192xf32> to vector<256x128xf32>
    %slice3A_99 = vector.extract_strided_slice %convert_element_type3A_12 {offsets = [0, 2304], sizes = [256, 128], strides = [1, 1]} : vector<256x8192xf32> to vector<256x128xf32>
    %gt3A_100 = arith.cmpf ogt, %slice3A_98, %select_n3A_96 : vector<256x128xf32>
    %select_n3A_101 = arith.select %gt3A_100, %slice3A_98, %select_n3A_96 : vector<256x128xi1>, vector<256x128xf32>
    %select_n3A_102 = arith.select %gt3A_100, %slice3A_99, %select_n3A_97 : vector<256x128xi1>, vector<256x128xf32>
    %slice3A_103 = vector.extract_strided_slice %select_n3A {offsets = [0, 2432], sizes = [256, 128], strides = [1, 1]} : vector<256x8192xf32> to vector<256x128xf32>
    %slice3A_104 = vector.extract_strided_slice %convert_element_type3A_12 {offsets = [0, 2432], sizes = [256, 128], strides = [1, 1]} : vector<256x8192xf32> to vector<256x128xf32>
    %gt3A_105 = arith.cmpf ogt, %slice3A_103, %select_n3A_101 : vector<256x128xf32>
    %select_n3A_106 = arith.select %gt3A_105, %slice3A_103, %select_n3A_101 : vector<256x128xi1>, vector<256x128xf32>
    %select_n3A_107 = arith.select %gt3A_105, %slice3A_104, %select_n3A_102 : vector<256x128xi1>, vector<256x128xf32>
    %slice3A_108 = vector.extract_strided_slice %select_n3A {offsets = [0, 2560], sizes = [256, 128], strides = [1, 1]} : vector<256x8192xf32> to vector<256x128xf32>
    %slice3A_109 = vector.extract_strided_slice %convert_element_type3A_12 {offsets = [0, 2560], sizes = [256, 128], strides = [1, 1]} : vector<256x8192xf32> to vector<256x128xf32>
    %gt3A_110 = arith.cmpf ogt, %slice3A_108, %select_n3A_106 : vector<256x128xf32>
    %select_n3A_111 = arith.select %gt3A_110, %slice3A_108, %select_n3A_106 : vector<256x128xi1>, vector<256x128xf32>
    %select_n3A_112 = arith.select %gt3A_110, %slice3A_109, %select_n3A_107 : vector<256x128xi1>, vector<256x128xf32>
    %slice3A_113 = vector.extract_strided_slice %select_n3A {offsets = [0, 2688], sizes = [256, 128], strides = [1, 1]} : vector<256x8192xf32> to vector<256x128xf32>
    %slice3A_114 = vector.extract_strided_slice %convert_element_type3A_12 {offsets = [0, 2688], sizes = [256, 128], strides = [1, 1]} : vector<256x8192xf32> to vector<256x128xf32>
    %gt3A_115 = arith.cmpf ogt, %slice3A_113, %select_n3A_111 : vector<256x128xf32>
    %select_n3A_116 = arith.select %gt3A_115, %slice3A_113, %select_n3A_111 : vector<256x128xi1>, vector<256x128xf32>
    %select_n3A_117 = arith.select %gt3A_115, %slice3A_114, %select_n3A_112 : vector<256x128xi1>, vector<256x128xf32>
    %slice3A_118 = vector.extract_strided_slice %select_n3A {offsets = [0, 2816], sizes = [256, 128], strides = [1, 1]} : vector<256x8192xf32> to vector<256x128xf32>
    %slice3A_119 = vector.extract_strided_slice %convert_element_type3A_12 {offsets = [0, 2816], sizes = [256, 128], strides = [1, 1]} : vector<256x8192xf32> to vector<256x128xf32>
    %gt3A_120 = arith.cmpf ogt, %slice3A_118, %select_n3A_116 : vector<256x128xf32>
    %select_n3A_121 = arith.select %gt3A_120, %slice3A_118, %select_n3A_116 : vector<256x128xi1>, vector<256x128xf32>
    %select_n3A_122 = arith.select %gt3A_120, %slice3A_119, %select_n3A_117 : vector<256x128xi1>, vector<256x128xf32>
    %slice3A_123 = vector.extract_strided_slice %select_n3A {offsets = [0, 2944], sizes = [256, 128], strides = [1, 1]} : vector<256x8192xf32> to vector<256x128xf32>
    %slice3A_124 = vector.extract_strided_slice %convert_element_type3A_12 {offsets = [0, 2944], sizes = [256, 128], strides = [1, 1]} : vector<256x8192xf32> to vector<256x128xf32>
    %gt3A_125 = arith.cmpf ogt, %slice3A_123, %select_n3A_121 : vector<256x128xf32>
    %select_n3A_126 = arith.select %gt3A_125, %slice3A_123, %select_n3A_121 : vector<256x128xi1>, vector<256x128xf32>
    %select_n3A_127 = arith.select %gt3A_125, %slice3A_124, %select_n3A_122 : vector<256x128xi1>, vector<256x128xf32>
    %slice3A_128 = vector.extract_strided_slice %select_n3A {offsets = [0, 3072], sizes = [256, 128], strides = [1, 1]} : vector<256x8192xf32> to vector<256x128xf32>
    %slice3A_129 = vector.extract_strided_slice %convert_element_type3A_12 {offsets = [0, 3072], sizes = [256, 128], strides = [1, 1]} : vector<256x8192xf32> to vector<256x128xf32>
    %gt3A_130 = arith.cmpf ogt, %slice3A_128, %select_n3A_126 : vector<256x128xf32>
    %select_n3A_131 = arith.select %gt3A_130, %slice3A_128, %select_n3A_126 : vector<256x128xi1>, vector<256x128xf32>
    %select_n3A_132 = arith.select %gt3A_130, %slice3A_129, %select_n3A_127 : vector<256x128xi1>, vector<256x128xf32>
    %slice3A_133 = vector.extract_strided_slice %select_n3A {offsets = [0, 3200], sizes = [256, 128], strides = [1, 1]} : vector<256x8192xf32> to vector<256x128xf32>
    %slice3A_134 = vector.extract_strided_slice %convert_element_type3A_12 {offsets = [0, 3200], sizes = [256, 128], strides = [1, 1]} : vector<256x8192xf32> to vector<256x128xf32>
    %gt3A_135 = arith.cmpf ogt, %slice3A_133, %select_n3A_131 : vector<256x128xf32>
    %select_n3A_136 = arith.select %gt3A_135, %slice3A_133, %select_n3A_131 : vector<256x128xi1>, vector<256x128xf32>
    %select_n3A_137 = arith.select %gt3A_135, %slice3A_134, %select_n3A_132 : vector<256x128xi1>, vector<256x128xf32>
    %slice3A_138 = vector.extract_strided_slice %select_n3A {offsets = [0, 3328], sizes = [256, 128], strides = [1, 1]} : vector<256x8192xf32> to vector<256x128xf32>
    %slice3A_139 = vector.extract_strided_slice %convert_element_type3A_12 {offsets = [0, 3328], sizes = [256, 128], strides = [1, 1]} : vector<256x8192xf32> to vector<256x128xf32>
    %gt3A_140 = arith.cmpf ogt, %slice3A_138, %select_n3A_136 : vector<256x128xf32>
    %select_n3A_141 = arith.select %gt3A_140, %slice3A_138, %select_n3A_136 : vector<256x128xi1>, vector<256x128xf32>
    %select_n3A_142 = arith.select %gt3A_140, %slice3A_139, %select_n3A_137 : vector<256x128xi1>, vector<256x128xf32>
    %slice3A_143 = vector.extract_strided_slice %select_n3A {offsets = [0, 3456], sizes = [256, 128], strides = [1, 1]} : vector<256x8192xf32> to vector<256x128xf32>
    %slice3A_144 = vector.extract_strided_slice %convert_element_type3A_12 {offsets = [0, 3456], sizes = [256, 128], strides = [1, 1]} : vector<256x8192xf32> to vector<256x128xf32>
    %gt3A_145 = arith.cmpf ogt, %slice3A_143, %select_n3A_141 : vector<256x128xf32>
    %select_n3A_146 = arith.select %gt3A_145, %slice3A_143, %select_n3A_141 : vector<256x128xi1>, vector<256x128xf32>
    %select_n3A_147 = arith.select %gt3A_145, %slice3A_144, %select_n3A_142 : vector<256x128xi1>, vector<256x128xf32>
    %slice3A_148 = vector.extract_strided_slice %select_n3A {offsets = [0, 3584], sizes = [256, 128], strides = [1, 1]} : vector<256x8192xf32> to vector<256x128xf32>
    %slice3A_149 = vector.extract_strided_slice %convert_element_type3A_12 {offsets = [0, 3584], sizes = [256, 128], strides = [1, 1]} : vector<256x8192xf32> to vector<256x128xf32>
    %gt3A_150 = arith.cmpf ogt, %slice3A_148, %select_n3A_146 : vector<256x128xf32>
    %select_n3A_151 = arith.select %gt3A_150, %slice3A_148, %select_n3A_146 : vector<256x128xi1>, vector<256x128xf32>
    %select_n3A_152 = arith.select %gt3A_150, %slice3A_149, %select_n3A_147 : vector<256x128xi1>, vector<256x128xf32>
    %slice3A_153 = vector.extract_strided_slice %select_n3A {offsets = [0, 3712], sizes = [256, 128], strides = [1, 1]} : vector<256x8192xf32> to vector<256x128xf32>
    %slice3A_154 = vector.extract_strided_slice %convert_element_type3A_12 {offsets = [0, 3712], sizes = [256, 128], strides = [1, 1]} : vector<256x8192xf32> to vector<256x128xf32>
    %gt3A_155 = arith.cmpf ogt, %slice3A_153, %select_n3A_151 : vector<256x128xf32>
    %select_n3A_156 = arith.select %gt3A_155, %slice3A_153, %select_n3A_151 : vector<256x128xi1>, vector<256x128xf32>
    %select_n3A_157 = arith.select %gt3A_155, %slice3A_154, %select_n3A_152 : vector<256x128xi1>, vector<256x128xf32>
    %slice3A_158 = vector.extract_strided_slice %select_n3A {offsets = [0, 3840], sizes = [256, 128], strides = [1, 1]} : vector<256x8192xf32> to vector<256x128xf32>
    %slice3A_159 = vector.extract_strided_slice %convert_element_type3A_12 {offsets = [0, 3840], sizes = [256, 128], strides = [1, 1]} : vector<256x8192xf32> to vector<256x128xf32>
    %gt3A_160 = arith.cmpf ogt, %slice3A_158, %select_n3A_156 : vector<256x128xf32>
    %select_n3A_161 = arith.select %gt3A_160, %slice3A_158, %select_n3A_156 : vector<256x128xi1>, vector<256x128xf32>
    %select_n3A_162 = arith.select %gt3A_160, %slice3A_159, %select_n3A_157 : vector<256x128xi1>, vector<256x128xf32>
    %slice3A_163 = vector.extract_strided_slice %select_n3A {offsets = [0, 3968], sizes = [256, 128], strides = [1, 1]} : vector<256x8192xf32> to vector<256x128xf32>
    %slice3A_164 = vector.extract_strided_slice %convert_element_type3A_12 {offsets = [0, 3968], sizes = [256, 128], strides = [1, 1]} : vector<256x8192xf32> to vector<256x128xf32>
    %gt3A_165 = arith.cmpf ogt, %slice3A_163, %select_n3A_161 : vector<256x128xf32>
    %select_n3A_166 = arith.select %gt3A_165, %slice3A_163, %select_n3A_161 : vector<256x128xi1>, vector<256x128xf32>
    %select_n3A_167 = arith.select %gt3A_165, %slice3A_164, %select_n3A_162 : vector<256x128xi1>, vector<256x128xf32>
    %slice3A_168 = vector.extract_strided_slice %select_n3A {offsets = [0, 4096], sizes = [256, 128], strides = [1, 1]} : vector<256x8192xf32> to vector<256x128xf32>
    %slice3A_169 = vector.extract_strided_slice %convert_element_type3A_12 {offsets = [0, 4096], sizes = [256, 128], strides = [1, 1]} : vector<256x8192xf32> to vector<256x128xf32>
    %gt3A_170 = arith.cmpf ogt, %slice3A_168, %select_n3A_166 : vector<256x128xf32>
    %select_n3A_171 = arith.select %gt3A_170, %slice3A_168, %select_n3A_166 : vector<256x128xi1>, vector<256x128xf32>
    %select_n3A_172 = arith.select %gt3A_170, %slice3A_169, %select_n3A_167 : vector<256x128xi1>, vector<256x128xf32>
    %slice3A_173 = vector.extract_strided_slice %select_n3A {offsets = [0, 4224], sizes = [256, 128], strides = [1, 1]} : vector<256x8192xf32> to vector<256x128xf32>
    %slice3A_174 = vector.extract_strided_slice %convert_element_type3A_12 {offsets = [0, 4224], sizes = [256, 128], strides = [1, 1]} : vector<256x8192xf32> to vector<256x128xf32>
    %gt3A_175 = arith.cmpf ogt, %slice3A_173, %select_n3A_171 : vector<256x128xf32>
    %select_n3A_176 = arith.select %gt3A_175, %slice3A_173, %select_n3A_171 : vector<256x128xi1>, vector<256x128xf32>
    %select_n3A_177 = arith.select %gt3A_175, %slice3A_174, %select_n3A_172 : vector<256x128xi1>, vector<256x128xf32>
    %slice3A_178 = vector.extract_strided_slice %select_n3A {offsets = [0, 4352], sizes = [256, 128], strides = [1, 1]} : vector<256x8192xf32> to vector<256x128xf32>
    %slice3A_179 = vector.extract_strided_slice %convert_element_type3A_12 {offsets = [0, 4352], sizes = [256, 128], strides = [1, 1]} : vector<256x8192xf32> to vector<256x128xf32>
    %gt3A_180 = arith.cmpf ogt, %slice3A_178, %select_n3A_176 : vector<256x128xf32>
    %select_n3A_181 = arith.select %gt3A_180, %slice3A_178, %select_n3A_176 : vector<256x128xi1>, vector<256x128xf32>
    %select_n3A_182 = arith.select %gt3A_180, %slice3A_179, %select_n3A_177 : vector<256x128xi1>, vector<256x128xf32>
    %slice3A_183 = vector.extract_strided_slice %select_n3A {offsets = [0, 4480], sizes = [256, 128], strides = [1, 1]} : vector<256x8192xf32> to vector<256x128xf32>
    %slice3A_184 = vector.extract_strided_slice %convert_element_type3A_12 {offsets = [0, 4480], sizes = [256, 128], strides = [1, 1]} : vector<256x8192xf32> to vector<256x128xf32>
    %gt3A_185 = arith.cmpf ogt, %slice3A_183, %select_n3A_181 : vector<256x128xf32>
    %select_n3A_186 = arith.select %gt3A_185, %slice3A_183, %select_n3A_181 : vector<256x128xi1>, vector<256x128xf32>
    %select_n3A_187 = arith.select %gt3A_185, %slice3A_184, %select_n3A_182 : vector<256x128xi1>, vector<256x128xf32>
    %slice3A_188 = vector.extract_strided_slice %select_n3A {offsets = [0, 4608], sizes = [256, 128], strides = [1, 1]} : vector<256x8192xf32> to vector<256x128xf32>
    %slice3A_189 = vector.extract_strided_slice %convert_element_type3A_12 {offsets = [0, 4608], sizes = [256, 128], strides = [1, 1]} : vector<256x8192xf32> to vector<256x128xf32>
    %gt3A_190 = arith.cmpf ogt, %slice3A_188, %select_n3A_186 : vector<256x128xf32>
    %select_n3A_191 = arith.select %gt3A_190, %slice3A_188, %select_n3A_186 : vector<256x128xi1>, vector<256x128xf32>
    %select_n3A_192 = arith.select %gt3A_190, %slice3A_189, %select_n3A_187 : vector<256x128xi1>, vector<256x128xf32>
    %slice3A_193 = vector.extract_strided_slice %select_n3A {offsets = [0, 4736], sizes = [256, 128], strides = [1, 1]} : vector<256x8192xf32> to vector<256x128xf32>
    %slice3A_194 = vector.extract_strided_slice %convert_element_type3A_12 {offsets = [0, 4736], sizes = [256, 128], strides = [1, 1]} : vector<256x8192xf32> to vector<256x128xf32>
    %gt3A_195 = arith.cmpf ogt, %slice3A_193, %select_n3A_191 : vector<256x128xf32>
    %select_n3A_196 = arith.select %gt3A_195, %slice3A_193, %select_n3A_191 : vector<256x128xi1>, vector<256x128xf32>
    %select_n3A_197 = arith.select %gt3A_195, %slice3A_194, %select_n3A_192 : vector<256x128xi1>, vector<256x128xf32>
    %slice3A_198 = vector.extract_strided_slice %select_n3A {offsets = [0, 4864], sizes = [256, 128], strides = [1, 1]} : vector<256x8192xf32> to vector<256x128xf32>
    %slice3A_199 = vector.extract_strided_slice %convert_element_type3A_12 {offsets = [0, 4864], sizes = [256, 128], strides = [1, 1]} : vector<256x8192xf32> to vector<256x128xf32>
    %gt3A_200 = arith.cmpf ogt, %slice3A_198, %select_n3A_196 : vector<256x128xf32>
    %select_n3A_201 = arith.select %gt3A_200, %slice3A_198, %select_n3A_196 : vector<256x128xi1>, vector<256x128xf32>
    %select_n3A_202 = arith.select %gt3A_200, %slice3A_199, %select_n3A_197 : vector<256x128xi1>, vector<256x128xf32>
    %slice3A_203 = vector.extract_strided_slice %select_n3A {offsets = [0, 4992], sizes = [256, 128], strides = [1, 1]} : vector<256x8192xf32> to vector<256x128xf32>
    %slice3A_204 = vector.extract_strided_slice %convert_element_type3A_12 {offsets = [0, 4992], sizes = [256, 128], strides = [1, 1]} : vector<256x8192xf32> to vector<256x128xf32>
    %gt3A_205 = arith.cmpf ogt, %slice3A_203, %select_n3A_201 : vector<256x128xf32>
    %select_n3A_206 = arith.select %gt3A_205, %slice3A_203, %select_n3A_201 : vector<256x128xi1>, vector<256x128xf32>
    %select_n3A_207 = arith.select %gt3A_205, %slice3A_204, %select_n3A_202 : vector<256x128xi1>, vector<256x128xf32>
    %slice3A_208 = vector.extract_strided_slice %select_n3A {offsets = [0, 5120], sizes = [256, 128], strides = [1, 1]} : vector<256x8192xf32> to vector<256x128xf32>
    %slice3A_209 = vector.extract_strided_slice %convert_element_type3A_12 {offsets = [0, 5120], sizes = [256, 128], strides = [1, 1]} : vector<256x8192xf32> to vector<256x128xf32>
    %gt3A_210 = arith.cmpf ogt, %slice3A_208, %select_n3A_206 : vector<256x128xf32>
    %select_n3A_211 = arith.select %gt3A_210, %slice3A_208, %select_n3A_206 : vector<256x128xi1>, vector<256x128xf32>
    %select_n3A_212 = arith.select %gt3A_210, %slice3A_209, %select_n3A_207 : vector<256x128xi1>, vector<256x128xf32>
    %slice3A_213 = vector.extract_strided_slice %select_n3A {offsets = [0, 5248], sizes = [256, 128], strides = [1, 1]} : vector<256x8192xf32> to vector<256x128xf32>
    %slice3A_214 = vector.extract_strided_slice %convert_element_type3A_12 {offsets = [0, 5248], sizes = [256, 128], strides = [1, 1]} : vector<256x8192xf32> to vector<256x128xf32>
    %gt3A_215 = arith.cmpf ogt, %slice3A_213, %select_n3A_211 : vector<256x128xf32>
    %select_n3A_216 = arith.select %gt3A_215, %slice3A_213, %select_n3A_211 : vector<256x128xi1>, vector<256x128xf32>
    %select_n3A_217 = arith.select %gt3A_215, %slice3A_214, %select_n3A_212 : vector<256x128xi1>, vector<256x128xf32>
    %slice3A_218 = vector.extract_strided_slice %select_n3A {offsets = [0, 5376], sizes = [256, 128], strides = [1, 1]} : vector<256x8192xf32> to vector<256x128xf32>
    %slice3A_219 = vector.extract_strided_slice %convert_element_type3A_12 {offsets = [0, 5376], sizes = [256, 128], strides = [1, 1]} : vector<256x8192xf32> to vector<256x128xf32>
    %gt3A_220 = arith.cmpf ogt, %slice3A_218, %select_n3A_216 : vector<256x128xf32>
    %select_n3A_221 = arith.select %gt3A_220, %slice3A_218, %select_n3A_216 : vector<256x128xi1>, vector<256x128xf32>
    %select_n3A_222 = arith.select %gt3A_220, %slice3A_219, %select_n3A_217 : vector<256x128xi1>, vector<256x128xf32>
    %slice3A_223 = vector.extract_strided_slice %select_n3A {offsets = [0, 5504], sizes = [256, 128], strides = [1, 1]} : vector<256x8192xf32> to vector<256x128xf32>
    %slice3A_224 = vector.extract_strided_slice %convert_element_type3A_12 {offsets = [0, 5504], sizes = [256, 128], strides = [1, 1]} : vector<256x8192xf32> to vector<256x128xf32>
    %gt3A_225 = arith.cmpf ogt, %slice3A_223, %select_n3A_221 : vector<256x128xf32>
    %select_n3A_226 = arith.select %gt3A_225, %slice3A_223, %select_n3A_221 : vector<256x128xi1>, vector<256x128xf32>
    %select_n3A_227 = arith.select %gt3A_225, %slice3A_224, %select_n3A_222 : vector<256x128xi1>, vector<256x128xf32>
    %slice3A_228 = vector.extract_strided_slice %select_n3A {offsets = [0, 5632], sizes = [256, 128], strides = [1, 1]} : vector<256x8192xf32> to vector<256x128xf32>
    %slice3A_229 = vector.extract_strided_slice %convert_element_type3A_12 {offsets = [0, 5632], sizes = [256, 128], strides = [1, 1]} : vector<256x8192xf32> to vector<256x128xf32>
    %gt3A_230 = arith.cmpf ogt, %slice3A_228, %select_n3A_226 : vector<256x128xf32>
    %select_n3A_231 = arith.select %gt3A_230, %slice3A_228, %select_n3A_226 : vector<256x128xi1>, vector<256x128xf32>
    %select_n3A_232 = arith.select %gt3A_230, %slice3A_229, %select_n3A_227 : vector<256x128xi1>, vector<256x128xf32>
    %slice3A_233 = vector.extract_strided_slice %select_n3A {offsets = [0, 5760], sizes = [256, 128], strides = [1, 1]} : vector<256x8192xf32> to vector<256x128xf32>
    %slice3A_234 = vector.extract_strided_slice %convert_element_type3A_12 {offsets = [0, 5760], sizes = [256, 128], strides = [1, 1]} : vector<256x8192xf32> to vector<256x128xf32>
    %gt3A_235 = arith.cmpf ogt, %slice3A_233, %select_n3A_231 : vector<256x128xf32>
    %select_n3A_236 = arith.select %gt3A_235, %slice3A_233, %select_n3A_231 : vector<256x128xi1>, vector<256x128xf32>
    %select_n3A_237 = arith.select %gt3A_235, %slice3A_234, %select_n3A_232 : vector<256x128xi1>, vector<256x128xf32>
    %slice3A_238 = vector.extract_strided_slice %select_n3A {offsets = [0, 5888], sizes = [256, 128], strides = [1, 1]} : vector<256x8192xf32> to vector<256x128xf32>
    %slice3A_239 = vector.extract_strided_slice %convert_element_type3A_12 {offsets = [0, 5888], sizes = [256, 128], strides = [1, 1]} : vector<256x8192xf32> to vector<256x128xf32>
    %gt3A_240 = arith.cmpf ogt, %slice3A_238, %select_n3A_236 : vector<256x128xf32>
    %select_n3A_241 = arith.select %gt3A_240, %slice3A_238, %select_n3A_236 : vector<256x128xi1>, vector<256x128xf32>
    %select_n3A_242 = arith.select %gt3A_240, %slice3A_239, %select_n3A_237 : vector<256x128xi1>, vector<256x128xf32>
    %slice3A_243 = vector.extract_strided_slice %select_n3A {offsets = [0, 6016], sizes = [256, 128], strides = [1, 1]} : vector<256x8192xf32> to vector<256x128xf32>
    %slice3A_244 = vector.extract_strided_slice %convert_element_type3A_12 {offsets = [0, 6016], sizes = [256, 128], strides = [1, 1]} : vector<256x8192xf32> to vector<256x128xf32>
    %gt3A_245 = arith.cmpf ogt, %slice3A_243, %select_n3A_241 : vector<256x128xf32>
    %select_n3A_246 = arith.select %gt3A_245, %slice3A_243, %select_n3A_241 : vector<256x128xi1>, vector<256x128xf32>
    %select_n3A_247 = arith.select %gt3A_245, %slice3A_244, %select_n3A_242 : vector<256x128xi1>, vector<256x128xf32>
    %slice3A_248 = vector.extract_strided_slice %select_n3A {offsets = [0, 6144], sizes = [256, 128], strides = [1, 1]} : vector<256x8192xf32> to vector<256x128xf32>
    %slice3A_249 = vector.extract_strided_slice %convert_element_type3A_12 {offsets = [0, 6144], sizes = [256, 128], strides = [1, 1]} : vector<256x8192xf32> to vector<256x128xf32>
    %gt3A_250 = arith.cmpf ogt, %slice3A_248, %select_n3A_246 : vector<256x128xf32>
    %select_n3A_251 = arith.select %gt3A_250, %slice3A_248, %select_n3A_246 : vector<256x128xi1>, vector<256x128xf32>
    %select_n3A_252 = arith.select %gt3A_250, %slice3A_249, %select_n3A_247 : vector<256x128xi1>, vector<256x128xf32>
    %slice3A_253 = vector.extract_strided_slice %select_n3A {offsets = [0, 6272], sizes = [256, 128], strides = [1, 1]} : vector<256x8192xf32> to vector<256x128xf32>
    %slice3A_254 = vector.extract_strided_slice %convert_element_type3A_12 {offsets = [0, 6272], sizes = [256, 128], strides = [1, 1]} : vector<256x8192xf32> to vector<256x128xf32>
    %gt3A_255 = arith.cmpf ogt, %slice3A_253, %select_n3A_251 : vector<256x128xf32>
    %select_n3A_256 = arith.select %gt3A_255, %slice3A_253, %select_n3A_251 : vector<256x128xi1>, vector<256x128xf32>
    %select_n3A_257 = arith.select %gt3A_255, %slice3A_254, %select_n3A_252 : vector<256x128xi1>, vector<256x128xf32>
    %slice3A_258 = vector.extract_strided_slice %select_n3A {offsets = [0, 6400], sizes = [256, 128], strides = [1, 1]} : vector<256x8192xf32> to vector<256x128xf32>
    %slice3A_259 = vector.extract_strided_slice %convert_element_type3A_12 {offsets = [0, 6400], sizes = [256, 128], strides = [1, 1]} : vector<256x8192xf32> to vector<256x128xf32>
    %gt3A_260 = arith.cmpf ogt, %slice3A_258, %select_n3A_256 : vector<256x128xf32>
    %select_n3A_261 = arith.select %gt3A_260, %slice3A_258, %select_n3A_256 : vector<256x128xi1>, vector<256x128xf32>
    %select_n3A_262 = arith.select %gt3A_260, %slice3A_259, %select_n3A_257 : vector<256x128xi1>, vector<256x128xf32>
    %slice3A_263 = vector.extract_strided_slice %select_n3A {offsets = [0, 6528], sizes = [256, 128], strides = [1, 1]} : vector<256x8192xf32> to vector<256x128xf32>
    %slice3A_264 = vector.extract_strided_slice %convert_element_type3A_12 {offsets = [0, 6528], sizes = [256, 128], strides = [1, 1]} : vector<256x8192xf32> to vector<256x128xf32>
    %gt3A_265 = arith.cmpf ogt, %slice3A_263, %select_n3A_261 : vector<256x128xf32>
    %select_n3A_266 = arith.select %gt3A_265, %slice3A_263, %select_n3A_261 : vector<256x128xi1>, vector<256x128xf32>
    %select_n3A_267 = arith.select %gt3A_265, %slice3A_264, %select_n3A_262 : vector<256x128xi1>, vector<256x128xf32>
    %slice3A_268 = vector.extract_strided_slice %select_n3A {offsets = [0, 6656], sizes = [256, 128], strides = [1, 1]} : vector<256x8192xf32> to vector<256x128xf32>
    %slice3A_269 = vector.extract_strided_slice %convert_element_type3A_12 {offsets = [0, 6656], sizes = [256, 128], strides = [1, 1]} : vector<256x8192xf32> to vector<256x128xf32>
    %gt3A_270 = arith.cmpf ogt, %slice3A_268, %select_n3A_266 : vector<256x128xf32>
    %select_n3A_271 = arith.select %gt3A_270, %slice3A_268, %select_n3A_266 : vector<256x128xi1>, vector<256x128xf32>
    %select_n3A_272 = arith.select %gt3A_270, %slice3A_269, %select_n3A_267 : vector<256x128xi1>, vector<256x128xf32>
    %slice3A_273 = vector.extract_strided_slice %select_n3A {offsets = [0, 6784], sizes = [256, 128], strides = [1, 1]} : vector<256x8192xf32> to vector<256x128xf32>
    %slice3A_274 = vector.extract_strided_slice %convert_element_type3A_12 {offsets = [0, 6784], sizes = [256, 128], strides = [1, 1]} : vector<256x8192xf32> to vector<256x128xf32>
    %gt3A_275 = arith.cmpf ogt, %slice3A_273, %select_n3A_271 : vector<256x128xf32>
    %select_n3A_276 = arith.select %gt3A_275, %slice3A_273, %select_n3A_271 : vector<256x128xi1>, vector<256x128xf32>
    %select_n3A_277 = arith.select %gt3A_275, %slice3A_274, %select_n3A_272 : vector<256x128xi1>, vector<256x128xf32>
    %slice3A_278 = vector.extract_strided_slice %select_n3A {offsets = [0, 6912], sizes = [256, 128], strides = [1, 1]} : vector<256x8192xf32> to vector<256x128xf32>
    %slice3A_279 = vector.extract_strided_slice %convert_element_type3A_12 {offsets = [0, 6912], sizes = [256, 128], strides = [1, 1]} : vector<256x8192xf32> to vector<256x128xf32>
    %gt3A_280 = arith.cmpf ogt, %slice3A_278, %select_n3A_276 : vector<256x128xf32>
    %select_n3A_281 = arith.select %gt3A_280, %slice3A_278, %select_n3A_276 : vector<256x128xi1>, vector<256x128xf32>
    %select_n3A_282 = arith.select %gt3A_280, %slice3A_279, %select_n3A_277 : vector<256x128xi1>, vector<256x128xf32>
    %slice3A_283 = vector.extract_strided_slice %select_n3A {offsets = [0, 7040], sizes = [256, 128], strides = [1, 1]} : vector<256x8192xf32> to vector<256x128xf32>
    %slice3A_284 = vector.extract_strided_slice %convert_element_type3A_12 {offsets = [0, 7040], sizes = [256, 128], strides = [1, 1]} : vector<256x8192xf32> to vector<256x128xf32>
    %gt3A_285 = arith.cmpf ogt, %slice3A_283, %select_n3A_281 : vector<256x128xf32>
    %select_n3A_286 = arith.select %gt3A_285, %slice3A_283, %select_n3A_281 : vector<256x128xi1>, vector<256x128xf32>
    %select_n3A_287 = arith.select %gt3A_285, %slice3A_284, %select_n3A_282 : vector<256x128xi1>, vector<256x128xf32>
    %slice3A_288 = vector.extract_strided_slice %select_n3A {offsets = [0, 7168], sizes = [256, 128], strides = [1, 1]} : vector<256x8192xf32> to vector<256x128xf32>
    %slice3A_289 = vector.extract_strided_slice %convert_element_type3A_12 {offsets = [0, 7168], sizes = [256, 128], strides = [1, 1]} : vector<256x8192xf32> to vector<256x128xf32>
    %gt3A_290 = arith.cmpf ogt, %slice3A_288, %select_n3A_286 : vector<256x128xf32>
    %select_n3A_291 = arith.select %gt3A_290, %slice3A_288, %select_n3A_286 : vector<256x128xi1>, vector<256x128xf32>
    %select_n3A_292 = arith.select %gt3A_290, %slice3A_289, %select_n3A_287 : vector<256x128xi1>, vector<256x128xf32>
    %slice3A_293 = vector.extract_strided_slice %select_n3A {offsets = [0, 7296], sizes = [256, 128], strides = [1, 1]} : vector<256x8192xf32> to vector<256x128xf32>
    %slice3A_294 = vector.extract_strided_slice %convert_element_type3A_12 {offsets = [0, 7296], sizes = [256, 128], strides = [1, 1]} : vector<256x8192xf32> to vector<256x128xf32>
    %gt3A_295 = arith.cmpf ogt, %slice3A_293, %select_n3A_291 : vector<256x128xf32>
    %select_n3A_296 = arith.select %gt3A_295, %slice3A_293, %select_n3A_291 : vector<256x128xi1>, vector<256x128xf32>
    %select_n3A_297 = arith.select %gt3A_295, %slice3A_294, %select_n3A_292 : vector<256x128xi1>, vector<256x128xf32>
    %slice3A_298 = vector.extract_strided_slice %select_n3A {offsets = [0, 7424], sizes = [256, 128], strides = [1, 1]} : vector<256x8192xf32> to vector<256x128xf32>
    %slice3A_299 = vector.extract_strided_slice %convert_element_type3A_12 {offsets = [0, 7424], sizes = [256, 128], strides = [1, 1]} : vector<256x8192xf32> to vector<256x128xf32>
    %gt3A_300 = arith.cmpf ogt, %slice3A_298, %select_n3A_296 : vector<256x128xf32>
    %select_n3A_301 = arith.select %gt3A_300, %slice3A_298, %select_n3A_296 : vector<256x128xi1>, vector<256x128xf32>
    %select_n3A_302 = arith.select %gt3A_300, %slice3A_299, %select_n3A_297 : vector<256x128xi1>, vector<256x128xf32>
    %slice3A_303 = vector.extract_strided_slice %select_n3A {offsets = [0, 7552], sizes = [256, 128], strides = [1, 1]} : vector<256x8192xf32> to vector<256x128xf32>
    %slice3A_304 = vector.extract_strided_slice %convert_element_type3A_12 {offsets = [0, 7552], sizes = [256, 128], strides = [1, 1]} : vector<256x8192xf32> to vector<256x128xf32>
    %gt3A_305 = arith.cmpf ogt, %slice3A_303, %select_n3A_301 : vector<256x128xf32>
    %select_n3A_306 = arith.select %gt3A_305, %slice3A_303, %select_n3A_301 : vector<256x128xi1>, vector<256x128xf32>
    %select_n3A_307 = arith.select %gt3A_305, %slice3A_304, %select_n3A_302 : vector<256x128xi1>, vector<256x128xf32>
    %slice3A_308 = vector.extract_strided_slice %select_n3A {offsets = [0, 7680], sizes = [256, 128], strides = [1, 1]} : vector<256x8192xf32> to vector<256x128xf32>
    %slice3A_309 = vector.extract_strided_slice %convert_element_type3A_12 {offsets = [0, 7680], sizes = [256, 128], strides = [1, 1]} : vector<256x8192xf32> to vector<256x128xf32>
    %gt3A_310 = arith.cmpf ogt, %slice3A_308, %select_n3A_306 : vector<256x128xf32>
    %select_n3A_311 = arith.select %gt3A_310, %slice3A_308, %select_n3A_306 : vector<256x128xi1>, vector<256x128xf32>
    %select_n3A_312 = arith.select %gt3A_310, %slice3A_309, %select_n3A_307 : vector<256x128xi1>, vector<256x128xf32>
    %slice3A_313 = vector.extract_strided_slice %select_n3A {offsets = [0, 7808], sizes = [256, 128], strides = [1, 1]} : vector<256x8192xf32> to vector<256x128xf32>
    %slice3A_314 = vector.extract_strided_slice %convert_element_type3A_12 {offsets = [0, 7808], sizes = [256, 128], strides = [1, 1]} : vector<256x8192xf32> to vector<256x128xf32>
    %gt3A_315 = arith.cmpf ogt, %slice3A_313, %select_n3A_311 : vector<256x128xf32>
    %select_n3A_316 = arith.select %gt3A_315, %slice3A_313, %select_n3A_311 : vector<256x128xi1>, vector<256x128xf32>
    %select_n3A_317 = arith.select %gt3A_315, %slice3A_314, %select_n3A_312 : vector<256x128xi1>, vector<256x128xf32>
    %slice3A_318 = vector.extract_strided_slice %select_n3A {offsets = [0, 7936], sizes = [256, 128], strides = [1, 1]} : vector<256x8192xf32> to vector<256x128xf32>
    %slice3A_319 = vector.extract_strided_slice %convert_element_type3A_12 {offsets = [0, 7936], sizes = [256, 128], strides = [1, 1]} : vector<256x8192xf32> to vector<256x128xf32>
    %gt3A_320 = arith.cmpf ogt, %slice3A_318, %select_n3A_316 : vector<256x128xf32>
    %select_n3A_321 = arith.select %gt3A_320, %slice3A_318, %select_n3A_316 : vector<256x128xi1>, vector<256x128xf32>
    %select_n3A_322 = arith.select %gt3A_320, %slice3A_319, %select_n3A_317 : vector<256x128xi1>, vector<256x128xf32>
    %slice3A_323 = vector.extract_strided_slice %select_n3A {offsets = [0, 8064], sizes = [256, 128], strides = [1, 1]} : vector<256x8192xf32> to vector<256x128xf32>
    %slice3A_324 = vector.extract_strided_slice %convert_element_type3A_12 {offsets = [0, 8064], sizes = [256, 128], strides = [1, 1]} : vector<256x8192xf32> to vector<256x128xf32>
    %gt3A_325 = arith.cmpf ogt, %slice3A_323, %select_n3A_321 : vector<256x128xf32>
    %select_n3A_326 = arith.select %gt3A_325, %slice3A_323, %select_n3A_321 : vector<256x128xi1>, vector<256x128xf32>
    %select_n3A_327 = arith.select %gt3A_325, %slice3A_324, %select_n3A_322 : vector<256x128xi1>, vector<256x128xf32>
    %reduce_max3A = arith.constant dense<0xFF800000> : vector<256xf32>
    %reduce_max3A_328 = vector.multi_reduction <maximumf>, %select_n3A_326, %reduce_max3A [1] : vector<256x128xf32> to vector<256xf32>
    %broadcast_in_dim3A_329 = vector.shape_cast %reduce_max3A_328 : vector<256xf32> to vector<256x1xf32>
    %eq3A_330 = vector.broadcast %broadcast_in_dim3A_329 : vector<256x1xf32> to vector<256x128xf32>
    %eq3A_331 = arith.cmpf oeq, %select_n3A_326, %eq3A_330 : vector<256x128xf32>
    %jit3A_332 = arith.constant 1.07374182E+9 : f32
    %broadcast_in_dim3A_333 = vector.broadcast %jit3A_332 : f32 to vector<256x128xf32>
    %select_n3A_334 = arith.select %eq3A_331, %select_n3A_327, %broadcast_in_dim3A_333 : vector<256x128xi1>, vector<256x128xf32>
    %reduce_min3A = arith.constant dense<0x7F800000> : vector<256xf32>
    %reduce_min3A_335 = vector.multi_reduction <minimumf>, %select_n3A_334, %reduce_min3A [1] : vector<256x128xf32> to vector<256xf32>
    %broadcast_in_dim3A_336 = vector.shape_cast %reduce_min3A_335 : vector<256xf32> to vector<256x1xf32>
    %eq3A_337 = vector.broadcast %broadcast_in_dim3A_336 : vector<256x1xf32> to vector<256x128xf32>
    %eq3A_338 = arith.cmpf oeq, %select_n3A_327, %eq3A_337 : vector<256x128xf32>
    %jit3A_339 = arith.constant 0xFF800000 : f32
    %broadcast_in_dim3A_340 = vector.broadcast %jit3A_339 : f32 to vector<256x128xf32>
    %select_n3A_341 = arith.select %eq3A_338, %broadcast_in_dim3A_340, %select_n3A_326 : vector<256x128xi1>, vector<256x128xf32>
    %reduce_max3A_342 = arith.constant dense<0xFF800000> : vector<256xf32>
    %reduce_max3A_343 = vector.multi_reduction <maximumf>, %select_n3A_341, %reduce_max3A_342 [1] : vector<256x128xf32> to vector<256xf32>
    %broadcast_in_dim3A_344 = vector.shape_cast %reduce_max3A_343 : vector<256xf32> to vector<256x1xf32>
    %eq3A_345 = vector.broadcast %broadcast_in_dim3A_344 : vector<256x1xf32> to vector<256x128xf32>
    %eq3A_346 = arith.cmpf oeq, %select_n3A_341, %eq3A_345 : vector<256x128xf32>
    %jit3A_347 = arith.constant 1.07374182E+9 : f32
    %broadcast_in_dim3A_348 = vector.broadcast %jit3A_347 : f32 to vector<256x128xf32>
    %select_n3A_349 = arith.select %eq3A_346, %select_n3A_327, %broadcast_in_dim3A_348 : vector<256x128xi1>, vector<256x128xf32>
    %reduce_min3A_350 = arith.constant dense<0x7F800000> : vector<256xf32>
    %reduce_min3A_351 = vector.multi_reduction <minimumf>, %select_n3A_349, %reduce_min3A_350 [1] : vector<256x128xf32> to vector<256xf32>
    %broadcast_in_dim3A_352 = vector.shape_cast %reduce_min3A_351 : vector<256xf32> to vector<256x1xf32>
    %eq3A_353 = vector.broadcast %broadcast_in_dim3A_352 : vector<256x1xf32> to vector<256x128xf32>
    %eq3A_354 = arith.cmpf oeq, %select_n3A_327, %eq3A_353 : vector<256x128xf32>
    %jit3A_355 = arith.constant 0xFF800000 : f32
    %broadcast_in_dim3A_356 = vector.broadcast %jit3A_355 : f32 to vector<256x128xf32>
    %select_n3A_357 = arith.select %eq3A_354, %broadcast_in_dim3A_356, %select_n3A_341 : vector<256x128xi1>, vector<256x128xf32>
    %reduce_max3A_358 = arith.constant dense<0xFF800000> : vector<256xf32>
    %reduce_max3A_359 = vector.multi_reduction <maximumf>, %select_n3A_357, %reduce_max3A_358 [1] : vector<256x128xf32> to vector<256xf32>
    %broadcast_in_dim3A_360 = vector.shape_cast %reduce_max3A_359 : vector<256xf32> to vector<256x1xf32>
    %eq3A_361 = vector.broadcast %broadcast_in_dim3A_360 : vector<256x1xf32> to vector<256x128xf32>
    %eq3A_362 = arith.cmpf oeq, %select_n3A_357, %eq3A_361 : vector<256x128xf32>
    %jit3A_363 = arith.constant 1.07374182E+9 : f32
    %broadcast_in_dim3A_364 = vector.broadcast %jit3A_363 : f32 to vector<256x128xf32>
    %select_n3A_365 = arith.select %eq3A_362, %select_n3A_327, %broadcast_in_dim3A_364 : vector<256x128xi1>, vector<256x128xf32>
    %reduce_min3A_366 = arith.constant dense<0x7F800000> : vector<256xf32>
    %reduce_min3A_367 = vector.multi_reduction <minimumf>, %select_n3A_365, %reduce_min3A_366 [1] : vector<256x128xf32> to vector<256xf32>
    %broadcast_in_dim3A_368 = vector.shape_cast %reduce_min3A_367 : vector<256xf32> to vector<256x1xf32>
    %eq3A_369 = vector.broadcast %broadcast_in_dim3A_368 : vector<256x1xf32> to vector<256x128xf32>
    %eq3A_370 = arith.cmpf oeq, %select_n3A_327, %eq3A_369 : vector<256x128xf32>
    %jit3A_371 = arith.constant 0xFF800000 : f32
    %broadcast_in_dim3A_372 = vector.broadcast %jit3A_371 : f32 to vector<256x128xf32>
    %select_n3A_373 = arith.select %eq3A_370, %broadcast_in_dim3A_372, %select_n3A_357 : vector<256x128xi1>, vector<256x128xf32>
    %reduce_max3A_374 = arith.constant dense<0xFF800000> : vector<256xf32>
    %reduce_max3A_375 = vector.multi_reduction <maximumf>, %select_n3A_373, %reduce_max3A_374 [1] : vector<256x128xf32> to vector<256xf32>
    %broadcast_in_dim3A_376 = vector.shape_cast %reduce_max3A_375 : vector<256xf32> to vector<256x1xf32>
    %eq3A_377 = vector.broadcast %broadcast_in_dim3A_376 : vector<256x1xf32> to vector<256x128xf32>
    %eq3A_378 = arith.cmpf oeq, %select_n3A_373, %eq3A_377 : vector<256x128xf32>
    %jit3A_379 = arith.constant 1.07374182E+9 : f32
    %broadcast_in_dim3A_380 = vector.broadcast %jit3A_379 : f32 to vector<256x128xf32>
    %select_n3A_381 = arith.select %eq3A_378, %select_n3A_327, %broadcast_in_dim3A_380 : vector<256x128xi1>, vector<256x128xf32>
    %reduce_min3A_382 = arith.constant dense<0x7F800000> : vector<256xf32>
    %reduce_min3A_383 = vector.multi_reduction <minimumf>, %select_n3A_381, %reduce_min3A_382 [1] : vector<256x128xf32> to vector<256xf32>
    %broadcast_in_dim3A_384 = vector.shape_cast %reduce_min3A_383 : vector<256xf32> to vector<256x1xf32>
    %eq3A_385 = vector.broadcast %broadcast_in_dim3A_384 : vector<256x1xf32> to vector<256x128xf32>
    %eq3A_386 = arith.cmpf oeq, %select_n3A_327, %eq3A_385 : vector<256x128xf32>
    %jit3A_387 = arith.constant 0xFF800000 : f32
    %broadcast_in_dim3A_388 = vector.broadcast %jit3A_387 : f32 to vector<256x128xf32>
    %select_n3A_389 = arith.select %eq3A_386, %broadcast_in_dim3A_388, %select_n3A_373 : vector<256x128xi1>, vector<256x128xf32>
    %reduce_max3A_390 = arith.constant dense<0xFF800000> : vector<256xf32>
    %reduce_max3A_391 = vector.multi_reduction <maximumf>, %select_n3A_389, %reduce_max3A_390 [1] : vector<256x128xf32> to vector<256xf32>
    %broadcast_in_dim3A_392 = vector.shape_cast %reduce_max3A_391 : vector<256xf32> to vector<256x1xf32>
    %eq3A_393 = vector.broadcast %broadcast_in_dim3A_392 : vector<256x1xf32> to vector<256x128xf32>
    %eq3A_394 = arith.cmpf oeq, %select_n3A_389, %eq3A_393 : vector<256x128xf32>
    %jit3A_395 = arith.constant 1.07374182E+9 : f32
    %broadcast_in_dim3A_396 = vector.broadcast %jit3A_395 : f32 to vector<256x128xf32>
    %select_n3A_397 = arith.select %eq3A_394, %select_n3A_327, %broadcast_in_dim3A_396 : vector<256x128xi1>, vector<256x128xf32>
    %reduce_min3A_398 = arith.constant dense<0x7F800000> : vector<256xf32>
    %reduce_min3A_399 = vector.multi_reduction <minimumf>, %select_n3A_397, %reduce_min3A_398 [1] : vector<256x128xf32> to vector<256xf32>
    %broadcast_in_dim3A_400 = vector.shape_cast %reduce_min3A_399 : vector<256xf32> to vector<256x1xf32>
    %eq3A_401 = vector.broadcast %broadcast_in_dim3A_400 : vector<256x1xf32> to vector<256x128xf32>
    %eq3A_402 = arith.cmpf oeq, %select_n3A_327, %eq3A_401 : vector<256x128xf32>
    %jit3A_403 = arith.constant 0xFF800000 : f32
    %broadcast_in_dim3A_404 = vector.broadcast %jit3A_403 : f32 to vector<256x128xf32>
    %select_n3A_405 = arith.select %eq3A_402, %broadcast_in_dim3A_404, %select_n3A_389 : vector<256x128xi1>, vector<256x128xf32>
    %reduce_max3A_406 = arith.constant dense<0xFF800000> : vector<256xf32>
    %reduce_max3A_407 = vector.multi_reduction <maximumf>, %select_n3A_405, %reduce_max3A_406 [1] : vector<256x128xf32> to vector<256xf32>
    %broadcast_in_dim3A_408 = vector.shape_cast %reduce_max3A_407 : vector<256xf32> to vector<256x1xf32>
    %eq3A_409 = vector.broadcast %broadcast_in_dim3A_408 : vector<256x1xf32> to vector<256x128xf32>
    %eq3A_410 = arith.cmpf oeq, %select_n3A_405, %eq3A_409 : vector<256x128xf32>
    %jit3A_411 = arith.constant 1.07374182E+9 : f32
    %broadcast_in_dim3A_412 = vector.broadcast %jit3A_411 : f32 to vector<256x128xf32>
    %select_n3A_413 = arith.select %eq3A_410, %select_n3A_327, %broadcast_in_dim3A_412 : vector<256x128xi1>, vector<256x128xf32>
    %reduce_min3A_414 = arith.constant dense<0x7F800000> : vector<256xf32>
    %reduce_min3A_415 = vector.multi_reduction <minimumf>, %select_n3A_413, %reduce_min3A_414 [1] : vector<256x128xf32> to vector<256xf32>
    %broadcast_in_dim3A_416 = vector.shape_cast %reduce_min3A_415 : vector<256xf32> to vector<256x1xf32>
    %eq3A_417 = vector.broadcast %broadcast_in_dim3A_416 : vector<256x1xf32> to vector<256x128xf32>
    %eq3A_418 = arith.cmpf oeq, %select_n3A_327, %eq3A_417 : vector<256x128xf32>
    %jit3A_419 = arith.constant 0xFF800000 : f32
    %broadcast_in_dim3A_420 = vector.broadcast %jit3A_419 : f32 to vector<256x128xf32>
    %select_n3A_421 = arith.select %eq3A_418, %broadcast_in_dim3A_420, %select_n3A_405 : vector<256x128xi1>, vector<256x128xf32>
    %reduce_max3A_422 = arith.constant dense<0xFF800000> : vector<256xf32>
    %reduce_max3A_423 = vector.multi_reduction <maximumf>, %select_n3A_421, %reduce_max3A_422 [1] : vector<256x128xf32> to vector<256xf32>
    %broadcast_in_dim3A_424 = vector.shape_cast %reduce_max3A_423 : vector<256xf32> to vector<256x1xf32>
    %eq3A_425 = vector.broadcast %broadcast_in_dim3A_424 : vector<256x1xf32> to vector<256x128xf32>
    %eq3A_426 = arith.cmpf oeq, %select_n3A_421, %eq3A_425 : vector<256x128xf32>
    %jit3A_427 = arith.constant 1.07374182E+9 : f32
    %broadcast_in_dim3A_428 = vector.broadcast %jit3A_427 : f32 to vector<256x128xf32>
    %select_n3A_429 = arith.select %eq3A_426, %select_n3A_327, %broadcast_in_dim3A_428 : vector<256x128xi1>, vector<256x128xf32>
    %reduce_min3A_430 = arith.constant dense<0x7F800000> : vector<256xf32>
    %reduce_min3A_431 = vector.multi_reduction <minimumf>, %select_n3A_429, %reduce_min3A_430 [1] : vector<256x128xf32> to vector<256xf32>
    %broadcast_in_dim3A_432 = vector.shape_cast %reduce_min3A_431 : vector<256xf32> to vector<256x1xf32>
    %eq3A_433 = vector.broadcast %broadcast_in_dim3A_432 : vector<256x1xf32> to vector<256x128xf32>
    %eq3A_434 = arith.cmpf oeq, %select_n3A_327, %eq3A_433 : vector<256x128xf32>
    %jit3A_435 = arith.constant 0xFF800000 : f32
    %broadcast_in_dim3A_436 = vector.broadcast %jit3A_435 : f32 to vector<256x128xf32>
    %select_n3A_437 = arith.select %eq3A_434, %broadcast_in_dim3A_436, %select_n3A_421 : vector<256x128xi1>, vector<256x128xf32>
    %reduce_max3A_438 = arith.constant dense<0xFF800000> : vector<256xf32>
    %reduce_max3A_439 = vector.multi_reduction <maximumf>, %select_n3A_437, %reduce_max3A_438 [1] : vector<256x128xf32> to vector<256xf32>
    %broadcast_in_dim3A_440 = vector.shape_cast %reduce_max3A_439 : vector<256xf32> to vector<256x1xf32>
    %eq3A_441 = vector.broadcast %broadcast_in_dim3A_440 : vector<256x1xf32> to vector<256x128xf32>
    %eq3A_442 = arith.cmpf oeq, %select_n3A_437, %eq3A_441 : vector<256x128xf32>
    %jit3A_443 = arith.constant 1.07374182E+9 : f32
    %broadcast_in_dim3A_444 = vector.broadcast %jit3A_443 : f32 to vector<256x128xf32>
    %select_n3A_445 = arith.select %eq3A_442, %select_n3A_327, %broadcast_in_dim3A_444 : vector<256x128xi1>, vector<256x128xf32>
    %reduce_min3A_446 = arith.constant dense<0x7F800000> : vector<256xf32>
    %reduce_min3A_447 = vector.multi_reduction <minimumf>, %select_n3A_445, %reduce_min3A_446 [1] : vector<256x128xf32> to vector<256xf32>
    %broadcast_in_dim3A_448 = vector.shape_cast %reduce_min3A_447 : vector<256xf32> to vector<256x1xf32>
    %eq3A_449 = vector.broadcast %broadcast_in_dim3A_448 : vector<256x1xf32> to vector<256x128xf32>
    %eq3A_450 = arith.cmpf oeq, %select_n3A_327, %eq3A_449 : vector<256x128xf32>
    %jit3A_451 = arith.constant 0xFF800000 : f32
    %broadcast_in_dim3A_452 = vector.broadcast %jit3A_451 : f32 to vector<256x128xf32>
    %select_n3A_453 = arith.select %eq3A_450, %broadcast_in_dim3A_452, %select_n3A_437 : vector<256x128xi1>, vector<256x128xf32>
    %reduce_max3A_454 = arith.constant dense<0xFF800000> : vector<256xf32>
    %reduce_max3A_455 = vector.multi_reduction <maximumf>, %select_n3A_453, %reduce_max3A_454 [1] : vector<256x128xf32> to vector<256xf32>
    %broadcast_in_dim3A_456 = vector.shape_cast %reduce_max3A_455 : vector<256xf32> to vector<256x1xf32>
    %eq3A_457 = vector.broadcast %broadcast_in_dim3A_456 : vector<256x1xf32> to vector<256x128xf32>
    %eq3A_458 = arith.cmpf oeq, %select_n3A_453, %eq3A_457 : vector<256x128xf32>
    %jit3A_459 = arith.constant 1.07374182E+9 : f32
    %broadcast_in_dim3A_460 = vector.broadcast %jit3A_459 : f32 to vector<256x128xf32>
    %select_n3A_461 = arith.select %eq3A_458, %select_n3A_327, %broadcast_in_dim3A_460 : vector<256x128xi1>, vector<256x128xf32>
    %reduce_min3A_462 = arith.constant dense<0x7F800000> : vector<256xf32>
    %reduce_min3A_463 = vector.multi_reduction <minimumf>, %select_n3A_461, %reduce_min3A_462 [1] : vector<256x128xf32> to vector<256xf32>
    %broadcast_in_dim3A_464 = vector.shape_cast %reduce_min3A_463 : vector<256xf32> to vector<256x1xf32>
    %eq3A_465 = vector.broadcast %broadcast_in_dim3A_464 : vector<256x1xf32> to vector<256x128xf32>
    %eq3A_466 = arith.cmpf oeq, %select_n3A_327, %eq3A_465 : vector<256x128xf32>
    %jit3A_467 = arith.constant 0xFF800000 : f32
    %broadcast_in_dim3A_468 = vector.broadcast %jit3A_467 : f32 to vector<256x128xf32>
    %select_n3A_469 = arith.select %eq3A_466, %broadcast_in_dim3A_468, %select_n3A_453 : vector<256x128xi1>, vector<256x128xf32>
    %reduce_max3A_470 = arith.constant dense<0xFF800000> : vector<256xf32>
    %reduce_max3A_471 = vector.multi_reduction <maximumf>, %select_n3A_469, %reduce_max3A_470 [1] : vector<256x128xf32> to vector<256xf32>
    %broadcast_in_dim3A_472 = vector.shape_cast %reduce_max3A_471 : vector<256xf32> to vector<256x1xf32>
    %eq3A_473 = vector.broadcast %broadcast_in_dim3A_472 : vector<256x1xf32> to vector<256x128xf32>
    %eq3A_474 = arith.cmpf oeq, %select_n3A_469, %eq3A_473 : vector<256x128xf32>
    %jit3A_475 = arith.constant 1.07374182E+9 : f32
    %broadcast_in_dim3A_476 = vector.broadcast %jit3A_475 : f32 to vector<256x128xf32>
    %select_n3A_477 = arith.select %eq3A_474, %select_n3A_327, %broadcast_in_dim3A_476 : vector<256x128xi1>, vector<256x128xf32>
    %reduce_min3A_478 = arith.constant dense<0x7F800000> : vector<256xf32>
    %reduce_min3A_479 = vector.multi_reduction <minimumf>, %select_n3A_477, %reduce_min3A_478 [1] : vector<256x128xf32> to vector<256xf32>
    %broadcast_in_dim3A_480 = vector.shape_cast %reduce_min3A_479 : vector<256xf32> to vector<256x1xf32>
    %eq3A_481 = vector.broadcast %broadcast_in_dim3A_480 : vector<256x1xf32> to vector<256x128xf32>
    %eq3A_482 = arith.cmpf oeq, %select_n3A_327, %eq3A_481 : vector<256x128xf32>
    %jit3A_483 = arith.constant 0xFF800000 : f32
    %broadcast_in_dim3A_484 = vector.broadcast %jit3A_483 : f32 to vector<256x128xf32>
    %select_n3A_485 = arith.select %eq3A_482, %broadcast_in_dim3A_484, %select_n3A_469 : vector<256x128xi1>, vector<256x128xf32>
    %reduce_max3A_486 = arith.constant dense<0xFF800000> : vector<256xf32>
    %reduce_max3A_487 = vector.multi_reduction <maximumf>, %select_n3A_485, %reduce_max3A_486 [1] : vector<256x128xf32> to vector<256xf32>
    %broadcast_in_dim3A_488 = vector.shape_cast %reduce_max3A_487 : vector<256xf32> to vector<256x1xf32>
    %eq3A_489 = vector.broadcast %broadcast_in_dim3A_488 : vector<256x1xf32> to vector<256x128xf32>
    %eq3A_490 = arith.cmpf oeq, %select_n3A_485, %eq3A_489 : vector<256x128xf32>
    %jit3A_491 = arith.constant 1.07374182E+9 : f32
    %broadcast_in_dim3A_492 = vector.broadcast %jit3A_491 : f32 to vector<256x128xf32>
    %select_n3A_493 = arith.select %eq3A_490, %select_n3A_327, %broadcast_in_dim3A_492 : vector<256x128xi1>, vector<256x128xf32>
    %reduce_min3A_494 = arith.constant dense<0x7F800000> : vector<256xf32>
    %reduce_min3A_495 = vector.multi_reduction <minimumf>, %select_n3A_493, %reduce_min3A_494 [1] : vector<256x128xf32> to vector<256xf32>
    %broadcast_in_dim3A_496 = vector.shape_cast %reduce_min3A_495 : vector<256xf32> to vector<256x1xf32>
    %eq3A_497 = vector.broadcast %broadcast_in_dim3A_496 : vector<256x1xf32> to vector<256x128xf32>
    %eq3A_498 = arith.cmpf oeq, %select_n3A_327, %eq3A_497 : vector<256x128xf32>
    %jit3A_499 = arith.constant 0xFF800000 : f32
    %broadcast_in_dim3A_500 = vector.broadcast %jit3A_499 : f32 to vector<256x128xf32>
    %select_n3A_501 = arith.select %eq3A_498, %broadcast_in_dim3A_500, %select_n3A_485 : vector<256x128xi1>, vector<256x128xf32>
    %reduce_max3A_502 = arith.constant dense<0xFF800000> : vector<256xf32>
    %reduce_max3A_503 = vector.multi_reduction <maximumf>, %select_n3A_501, %reduce_max3A_502 [1] : vector<256x128xf32> to vector<256xf32>
    %broadcast_in_dim3A_504 = vector.shape_cast %reduce_max3A_503 : vector<256xf32> to vector<256x1xf32>
    %eq3A_505 = vector.broadcast %broadcast_in_dim3A_504 : vector<256x1xf32> to vector<256x128xf32>
    %eq3A_506 = arith.cmpf oeq, %select_n3A_501, %eq3A_505 : vector<256x128xf32>
    %jit3A_507 = arith.constant 1.07374182E+9 : f32
    %broadcast_in_dim3A_508 = vector.broadcast %jit3A_507 : f32 to vector<256x128xf32>
    %select_n3A_509 = arith.select %eq3A_506, %select_n3A_327, %broadcast_in_dim3A_508 : vector<256x128xi1>, vector<256x128xf32>
    %reduce_min3A_510 = arith.constant dense<0x7F800000> : vector<256xf32>
    %reduce_min3A_511 = vector.multi_reduction <minimumf>, %select_n3A_509, %reduce_min3A_510 [1] : vector<256x128xf32> to vector<256xf32>
    %broadcast_in_dim3A_512 = vector.shape_cast %reduce_min3A_511 : vector<256xf32> to vector<256x1xf32>
    %eq3A_513 = vector.broadcast %broadcast_in_dim3A_512 : vector<256x1xf32> to vector<256x128xf32>
    %eq3A_514 = arith.cmpf oeq, %select_n3A_327, %eq3A_513 : vector<256x128xf32>
    %jit3A_515 = arith.constant 0xFF800000 : f32
    %broadcast_in_dim3A_516 = vector.broadcast %jit3A_515 : f32 to vector<256x128xf32>
    %select_n3A_517 = arith.select %eq3A_514, %broadcast_in_dim3A_516, %select_n3A_501 : vector<256x128xi1>, vector<256x128xf32>
    %reduce_max3A_518 = arith.constant dense<0xFF800000> : vector<256xf32>
    %reduce_max3A_519 = vector.multi_reduction <maximumf>, %select_n3A_517, %reduce_max3A_518 [1] : vector<256x128xf32> to vector<256xf32>
    %broadcast_in_dim3A_520 = vector.shape_cast %reduce_max3A_519 : vector<256xf32> to vector<256x1xf32>
    %eq3A_521 = vector.broadcast %broadcast_in_dim3A_520 : vector<256x1xf32> to vector<256x128xf32>
    %eq3A_522 = arith.cmpf oeq, %select_n3A_517, %eq3A_521 : vector<256x128xf32>
    %jit3A_523 = arith.constant 1.07374182E+9 : f32
    %broadcast_in_dim3A_524 = vector.broadcast %jit3A_523 : f32 to vector<256x128xf32>
    %select_n3A_525 = arith.select %eq3A_522, %select_n3A_327, %broadcast_in_dim3A_524 : vector<256x128xi1>, vector<256x128xf32>
    %reduce_min3A_526 = arith.constant dense<0x7F800000> : vector<256xf32>
    %reduce_min3A_527 = vector.multi_reduction <minimumf>, %select_n3A_525, %reduce_min3A_526 [1] : vector<256x128xf32> to vector<256xf32>
    %broadcast_in_dim3A_528 = vector.shape_cast %reduce_min3A_527 : vector<256xf32> to vector<256x1xf32>
    %eq3A_529 = vector.broadcast %broadcast_in_dim3A_528 : vector<256x1xf32> to vector<256x128xf32>
    %eq3A_530 = arith.cmpf oeq, %select_n3A_327, %eq3A_529 : vector<256x128xf32>
    %jit3A_531 = arith.constant 0xFF800000 : f32
    %broadcast_in_dim3A_532 = vector.broadcast %jit3A_531 : f32 to vector<256x128xf32>
    %select_n3A_533 = arith.select %eq3A_530, %broadcast_in_dim3A_532, %select_n3A_517 : vector<256x128xi1>, vector<256x128xf32>
    %reduce_max3A_534 = arith.constant dense<0xFF800000> : vector<256xf32>
    %reduce_max3A_535 = vector.multi_reduction <maximumf>, %select_n3A_533, %reduce_max3A_534 [1] : vector<256x128xf32> to vector<256xf32>
    %broadcast_in_dim3A_536 = vector.shape_cast %reduce_max3A_535 : vector<256xf32> to vector<256x1xf32>
    %eq3A_537 = vector.broadcast %broadcast_in_dim3A_536 : vector<256x1xf32> to vector<256x128xf32>
    %eq3A_538 = arith.cmpf oeq, %select_n3A_533, %eq3A_537 : vector<256x128xf32>
    %jit3A_539 = arith.constant 1.07374182E+9 : f32
    %broadcast_in_dim3A_540 = vector.broadcast %jit3A_539 : f32 to vector<256x128xf32>
    %select_n3A_541 = arith.select %eq3A_538, %select_n3A_327, %broadcast_in_dim3A_540 : vector<256x128xi1>, vector<256x128xf32>
    %reduce_min3A_542 = arith.constant dense<0x7F800000> : vector<256xf32>
    %reduce_min3A_543 = vector.multi_reduction <minimumf>, %select_n3A_541, %reduce_min3A_542 [1] : vector<256x128xf32> to vector<256xf32>
    %broadcast_in_dim3A_544 = vector.shape_cast %reduce_min3A_543 : vector<256xf32> to vector<256x1xf32>
    %eq3A_545 = vector.broadcast %broadcast_in_dim3A_544 : vector<256x1xf32> to vector<256x128xf32>
    %eq3A_546 = arith.cmpf oeq, %select_n3A_327, %eq3A_545 : vector<256x128xf32>
    %jit3A_547 = arith.constant 0xFF800000 : f32
    %broadcast_in_dim3A_548 = vector.broadcast %jit3A_547 : f32 to vector<256x128xf32>
    %select_n3A_549 = arith.select %eq3A_546, %broadcast_in_dim3A_548, %select_n3A_533 : vector<256x128xi1>, vector<256x128xf32>
    %reduce_max3A_550 = arith.constant dense<0xFF800000> : vector<256xf32>
    %reduce_max3A_551 = vector.multi_reduction <maximumf>, %select_n3A_549, %reduce_max3A_550 [1] : vector<256x128xf32> to vector<256xf32>
    %broadcast_in_dim3A_552 = vector.shape_cast %reduce_max3A_551 : vector<256xf32> to vector<256x1xf32>
    %eq3A_553 = vector.broadcast %broadcast_in_dim3A_552 : vector<256x1xf32> to vector<256x128xf32>
    %eq3A_554 = arith.cmpf oeq, %select_n3A_549, %eq3A_553 : vector<256x128xf32>
    %jit3A_555 = arith.constant 1.07374182E+9 : f32
    %broadcast_in_dim3A_556 = vector.broadcast %jit3A_555 : f32 to vector<256x128xf32>
    %select_n3A_557 = arith.select %eq3A_554, %select_n3A_327, %broadcast_in_dim3A_556 : vector<256x128xi1>, vector<256x128xf32>
    %reduce_min3A_558 = arith.constant dense<0x7F800000> : vector<256xf32>
    %reduce_min3A_559 = vector.multi_reduction <minimumf>, %select_n3A_557, %reduce_min3A_558 [1] : vector<256x128xf32> to vector<256xf32>
    %broadcast_in_dim3A_560 = vector.shape_cast %reduce_min3A_559 : vector<256xf32> to vector<256x1xf32>
    %eq3A_561 = vector.broadcast %broadcast_in_dim3A_560 : vector<256x1xf32> to vector<256x128xf32>
    %eq3A_562 = arith.cmpf oeq, %select_n3A_327, %eq3A_561 : vector<256x128xf32>
    %jit3A_563 = arith.constant 0xFF800000 : f32
    %broadcast_in_dim3A_564 = vector.broadcast %jit3A_563 : f32 to vector<256x128xf32>
    %select_n3A_565 = arith.select %eq3A_562, %broadcast_in_dim3A_564, %select_n3A_549 : vector<256x128xi1>, vector<256x128xf32>
    %reduce_max3A_566 = arith.constant dense<0xFF800000> : vector<256xf32>
    %reduce_max3A_567 = vector.multi_reduction <maximumf>, %select_n3A_565, %reduce_max3A_566 [1] : vector<256x128xf32> to vector<256xf32>
    %broadcast_in_dim3A_568 = vector.shape_cast %reduce_max3A_567 : vector<256xf32> to vector<256x1xf32>
    %eq3A_569 = vector.broadcast %broadcast_in_dim3A_568 : vector<256x1xf32> to vector<256x128xf32>
    %eq3A_570 = arith.cmpf oeq, %select_n3A_565, %eq3A_569 : vector<256x128xf32>
    %jit3A_571 = arith.constant 1.07374182E+9 : f32
    %broadcast_in_dim3A_572 = vector.broadcast %jit3A_571 : f32 to vector<256x128xf32>
    %select_n3A_573 = arith.select %eq3A_570, %select_n3A_327, %broadcast_in_dim3A_572 : vector<256x128xi1>, vector<256x128xf32>
    %reduce_min3A_574 = arith.constant dense<0x7F800000> : vector<256xf32>
    %reduce_min3A_575 = vector.multi_reduction <minimumf>, %select_n3A_573, %reduce_min3A_574 [1] : vector<256x128xf32> to vector<256xf32>
    %broadcast_in_dim3A_576 = vector.shape_cast %reduce_min3A_575 : vector<256xf32> to vector<256x1xf32>
    %concatenate3A = tpu.concatenate %broadcast_in_dim3A_336, %broadcast_in_dim3A_352, %broadcast_in_dim3A_368, %broadcast_in_dim3A_384, %broadcast_in_dim3A_400, %broadcast_in_dim3A_416, %broadcast_in_dim3A_432, %broadcast_in_dim3A_448, %broadcast_in_dim3A_464, %broadcast_in_dim3A_480, %broadcast_in_dim3A_496, %broadcast_in_dim3A_512, %broadcast_in_dim3A_528, %broadcast_in_dim3A_544, %broadcast_in_dim3A_560, %broadcast_in_dim3A_576 in 1 : vector<256x1xf32>, vector<256x1xf32>, vector<256x1xf32>, vector<256x1xf32>, vector<256x1xf32>, vector<256x1xf32>, vector<256x1xf32>, vector<256x1xf32>, vector<256x1xf32>, vector<256x1xf32>, vector<256x1xf32>, vector<256x1xf32>, vector<256x1xf32>, vector<256x1xf32>, vector<256x1xf32>, vector<256x1xf32> -> vector<256x16xf32>
    %convert_element_type3A_577 = arith.fptosi %concatenate3A : vector<256x16xf32> to vector<256x16xi32>
    %and3A = arith.constant 127 : i32
    %and3A_578 = vector.broadcast %and3A : i32 to vector<256x16xi32>
    %and3A_579 = arith.andi %convert_element_type3A_577, %and3A_578 : vector<256x16xi32>
    %slice3A_580 = vector.extract_strided_slice %select_n3A {offsets = [0, 0], sizes = [256, 128], strides = [1, 1]} : vector<256x8192xf32> to vector<256x128xf32>
    %lt3A_581 = arith.constant 0 : i32
    %lt3A_582 = vector.broadcast %lt3A_581 : i32 to vector<256x16xi32>
    %lt3A_583 = arith.cmpi slt, %and3A_579, %lt3A_582 : vector<256x16xi32>
    %add3A_584 = arith.constant 128 : i32
    %add3A_585 = vector.broadcast %add3A_584 : i32 to vector<256x16xi32>
    %add3A_586 = arith.addi %and3A_579, %add3A_585 : vector<256x16xi32>
    %select_n3A_587 = arith.select %lt3A_583, %add3A_586, %and3A_579 : vector<256x16xi1>, vector<256x16xi32>
    %reshape3A = vector.shape_cast %select_n3A_587 : vector<256x16xi32> to vector<256x16x1xi32>
    %gather3A = vector.shape_cast %reshape3A : vector<256x16x1xi32> to vector<256x16xi32>
    %gather3A_588 = tpu.dynamic_gather %slice3A_580[%gather3A] in [1] : vector<256x128xf32>, vector<256x16xi32> -> vector<256x16xf32>
    %slice3A_589 = vector.extract_strided_slice %select_n3A {offsets = [0, 128], sizes = [256, 128], strides = [1, 1]} : vector<256x8192xf32> to vector<256x128xf32>
    %lt3A_590 = arith.constant 0 : i32
    %lt3A_591 = vector.broadcast %lt3A_590 : i32 to vector<256x16xi32>
    %lt3A_592 = arith.cmpi slt, %and3A_579, %lt3A_591 : vector<256x16xi32>
    %add3A_593 = arith.constant 128 : i32
    %add3A_594 = vector.broadcast %add3A_593 : i32 to vector<256x16xi32>
    %add3A_595 = arith.addi %and3A_579, %add3A_594 : vector<256x16xi32>
    %select_n3A_596 = arith.select %lt3A_592, %add3A_595, %and3A_579 : vector<256x16xi1>, vector<256x16xi32>
    %reshape3A_597 = vector.shape_cast %select_n3A_596 : vector<256x16xi32> to vector<256x16x1xi32>
    %gather3A_598 = vector.shape_cast %reshape3A_597 : vector<256x16x1xi32> to vector<256x16xi32>
    %gather3A_599 = tpu.dynamic_gather %slice3A_589[%gather3A_598] in [1] : vector<256x128xf32>, vector<256x16xi32> -> vector<256x16xf32>
    %slice3A_600 = vector.extract_strided_slice %select_n3A {offsets = [0, 256], sizes = [256, 128], strides = [1, 1]} : vector<256x8192xf32> to vector<256x128xf32>
    %lt3A_601 = arith.constant 0 : i32
    %lt3A_602 = vector.broadcast %lt3A_601 : i32 to vector<256x16xi32>
    %lt3A_603 = arith.cmpi slt, %and3A_579, %lt3A_602 : vector<256x16xi32>
    %add3A_604 = arith.constant 128 : i32
    %add3A_605 = vector.broadcast %add3A_604 : i32 to vector<256x16xi32>
    %add3A_606 = arith.addi %and3A_579, %add3A_605 : vector<256x16xi32>
    %select_n3A_607 = arith.select %lt3A_603, %add3A_606, %and3A_579 : vector<256x16xi1>, vector<256x16xi32>
    %reshape3A_608 = vector.shape_cast %select_n3A_607 : vector<256x16xi32> to vector<256x16x1xi32>
    %gather3A_609 = vector.shape_cast %reshape3A_608 : vector<256x16x1xi32> to vector<256x16xi32>
    %gather3A_610 = tpu.dynamic_gather %slice3A_600[%gather3A_609] in [1] : vector<256x128xf32>, vector<256x16xi32> -> vector<256x16xf32>
    %slice3A_611 = vector.extract_strided_slice %select_n3A {offsets = [0, 384], sizes = [256, 128], strides = [1, 1]} : vector<256x8192xf32> to vector<256x128xf32>
    %lt3A_612 = arith.constant 0 : i32
    %lt3A_613 = vector.broadcast %lt3A_612 : i32 to vector<256x16xi32>
    %lt3A_614 = arith.cmpi slt, %and3A_579, %lt3A_613 : vector<256x16xi32>
    %add3A_615 = arith.constant 128 : i32
    %add3A_616 = vector.broadcast %add3A_615 : i32 to vector<256x16xi32>
    %add3A_617 = arith.addi %and3A_579, %add3A_616 : vector<256x16xi32>
    %select_n3A_618 = arith.select %lt3A_614, %add3A_617, %and3A_579 : vector<256x16xi1>, vector<256x16xi32>
    %reshape3A_619 = vector.shape_cast %select_n3A_618 : vector<256x16xi32> to vector<256x16x1xi32>
    %gather3A_620 = vector.shape_cast %reshape3A_619 : vector<256x16x1xi32> to vector<256x16xi32>
    %gather3A_621 = tpu.dynamic_gather %slice3A_611[%gather3A_620] in [1] : vector<256x128xf32>, vector<256x16xi32> -> vector<256x16xf32>
    %slice3A_622 = vector.extract_strided_slice %select_n3A {offsets = [0, 512], sizes = [256, 128], strides = [1, 1]} : vector<256x8192xf32> to vector<256x128xf32>
    %lt3A_623 = arith.constant 0 : i32
    %lt3A_624 = vector.broadcast %lt3A_623 : i32 to vector<256x16xi32>
    %lt3A_625 = arith.cmpi slt, %and3A_579, %lt3A_624 : vector<256x16xi32>
    %add3A_626 = arith.constant 128 : i32
    %add3A_627 = vector.broadcast %add3A_626 : i32 to vector<256x16xi32>
    %add3A_628 = arith.addi %and3A_579, %add3A_627 : vector<256x16xi32>
    %select_n3A_629 = arith.select %lt3A_625, %add3A_628, %and3A_579 : vector<256x16xi1>, vector<256x16xi32>
    %reshape3A_630 = vector.shape_cast %select_n3A_629 : vector<256x16xi32> to vector<256x16x1xi32>
    %gather3A_631 = vector.shape_cast %reshape3A_630 : vector<256x16x1xi32> to vector<256x16xi32>
    %gather3A_632 = tpu.dynamic_gather %slice3A_622[%gather3A_631] in [1] : vector<256x128xf32>, vector<256x16xi32> -> vector<256x16xf32>
    %slice3A_633 = vector.extract_strided_slice %select_n3A {offsets = [0, 640], sizes = [256, 128], strides = [1, 1]} : vector<256x8192xf32> to vector<256x128xf32>
    %lt3A_634 = arith.constant 0 : i32
    %lt3A_635 = vector.broadcast %lt3A_634 : i32 to vector<256x16xi32>
    %lt3A_636 = arith.cmpi slt, %and3A_579, %lt3A_635 : vector<256x16xi32>
    %add3A_637 = arith.constant 128 : i32
    %add3A_638 = vector.broadcast %add3A_637 : i32 to vector<256x16xi32>
    %add3A_639 = arith.addi %and3A_579, %add3A_638 : vector<256x16xi32>
    %select_n3A_640 = arith.select %lt3A_636, %add3A_639, %and3A_579 : vector<256x16xi1>, vector<256x16xi32>
    %reshape3A_641 = vector.shape_cast %select_n3A_640 : vector<256x16xi32> to vector<256x16x1xi32>
    %gather3A_642 = vector.shape_cast %reshape3A_641 : vector<256x16x1xi32> to vector<256x16xi32>
    %gather3A_643 = tpu.dynamic_gather %slice3A_633[%gather3A_642] in [1] : vector<256x128xf32>, vector<256x16xi32> -> vector<256x16xf32>
    %slice3A_644 = vector.extract_strided_slice %select_n3A {offsets = [0, 768], sizes = [256, 128], strides = [1, 1]} : vector<256x8192xf32> to vector<256x128xf32>
    %lt3A_645 = arith.constant 0 : i32
    %lt3A_646 = vector.broadcast %lt3A_645 : i32 to vector<256x16xi32>
    %lt3A_647 = arith.cmpi slt, %and3A_579, %lt3A_646 : vector<256x16xi32>
    %add3A_648 = arith.constant 128 : i32
    %add3A_649 = vector.broadcast %add3A_648 : i32 to vector<256x16xi32>
    %add3A_650 = arith.addi %and3A_579, %add3A_649 : vector<256x16xi32>
    %select_n3A_651 = arith.select %lt3A_647, %add3A_650, %and3A_579 : vector<256x16xi1>, vector<256x16xi32>
    %reshape3A_652 = vector.shape_cast %select_n3A_651 : vector<256x16xi32> to vector<256x16x1xi32>
    %gather3A_653 = vector.shape_cast %reshape3A_652 : vector<256x16x1xi32> to vector<256x16xi32>
    %gather3A_654 = tpu.dynamic_gather %slice3A_644[%gather3A_653] in [1] : vector<256x128xf32>, vector<256x16xi32> -> vector<256x16xf32>
    %slice3A_655 = vector.extract_strided_slice %select_n3A {offsets = [0, 896], sizes = [256, 128], strides = [1, 1]} : vector<256x8192xf32> to vector<256x128xf32>
    %lt3A_656 = arith.constant 0 : i32
    %lt3A_657 = vector.broadcast %lt3A_656 : i32 to vector<256x16xi32>
    %lt3A_658 = arith.cmpi slt, %and3A_579, %lt3A_657 : vector<256x16xi32>
    %add3A_659 = arith.constant 128 : i32
    %add3A_660 = vector.broadcast %add3A_659 : i32 to vector<256x16xi32>
    %add3A_661 = arith.addi %and3A_579, %add3A_660 : vector<256x16xi32>
    %select_n3A_662 = arith.select %lt3A_658, %add3A_661, %and3A_579 : vector<256x16xi1>, vector<256x16xi32>
    %reshape3A_663 = vector.shape_cast %select_n3A_662 : vector<256x16xi32> to vector<256x16x1xi32>
    %gather3A_664 = vector.shape_cast %reshape3A_663 : vector<256x16x1xi32> to vector<256x16xi32>
    %gather3A_665 = tpu.dynamic_gather %slice3A_655[%gather3A_664] in [1] : vector<256x128xf32>, vector<256x16xi32> -> vector<256x16xf32>
    %slice3A_666 = vector.extract_strided_slice %select_n3A {offsets = [0, 1024], sizes = [256, 128], strides = [1, 1]} : vector<256x8192xf32> to vector<256x128xf32>
    %lt3A_667 = arith.constant 0 : i32
    %lt3A_668 = vector.broadcast %lt3A_667 : i32 to vector<256x16xi32>
    %lt3A_669 = arith.cmpi slt, %and3A_579, %lt3A_668 : vector<256x16xi32>
    %add3A_670 = arith.constant 128 : i32
    %add3A_671 = vector.broadcast %add3A_670 : i32 to vector<256x16xi32>
    %add3A_672 = arith.addi %and3A_579, %add3A_671 : vector<256x16xi32>
    %select_n3A_673 = arith.select %lt3A_669, %add3A_672, %and3A_579 : vector<256x16xi1>, vector<256x16xi32>
    %reshape3A_674 = vector.shape_cast %select_n3A_673 : vector<256x16xi32> to vector<256x16x1xi32>
    %gather3A_675 = vector.shape_cast %reshape3A_674 : vector<256x16x1xi32> to vector<256x16xi32>
    %gather3A_676 = tpu.dynamic_gather %slice3A_666[%gather3A_675] in [1] : vector<256x128xf32>, vector<256x16xi32> -> vector<256x16xf32>
    %slice3A_677 = vector.extract_strided_slice %select_n3A {offsets = [0, 1152], sizes = [256, 128], strides = [1, 1]} : vector<256x8192xf32> to vector<256x128xf32>
    %lt3A_678 = arith.constant 0 : i32
    %lt3A_679 = vector.broadcast %lt3A_678 : i32 to vector<256x16xi32>
    %lt3A_680 = arith.cmpi slt, %and3A_579, %lt3A_679 : vector<256x16xi32>
    %add3A_681 = arith.constant 128 : i32
    %add3A_682 = vector.broadcast %add3A_681 : i32 to vector<256x16xi32>
    %add3A_683 = arith.addi %and3A_579, %add3A_682 : vector<256x16xi32>
    %select_n3A_684 = arith.select %lt3A_680, %add3A_683, %and3A_579 : vector<256x16xi1>, vector<256x16xi32>
    %reshape3A_685 = vector.shape_cast %select_n3A_684 : vector<256x16xi32> to vector<256x16x1xi32>
    %gather3A_686 = vector.shape_cast %reshape3A_685 : vector<256x16x1xi32> to vector<256x16xi32>
    %gather3A_687 = tpu.dynamic_gather %slice3A_677[%gather3A_686] in [1] : vector<256x128xf32>, vector<256x16xi32> -> vector<256x16xf32>
    %slice3A_688 = vector.extract_strided_slice %select_n3A {offsets = [0, 1280], sizes = [256, 128], strides = [1, 1]} : vector<256x8192xf32> to vector<256x128xf32>
    %lt3A_689 = arith.constant 0 : i32
    %lt3A_690 = vector.broadcast %lt3A_689 : i32 to vector<256x16xi32>
    %lt3A_691 = arith.cmpi slt, %and3A_579, %lt3A_690 : vector<256x16xi32>
    %add3A_692 = arith.constant 128 : i32
    %add3A_693 = vector.broadcast %add3A_692 : i32 to vector<256x16xi32>
    %add3A_694 = arith.addi %and3A_579, %add3A_693 : vector<256x16xi32>
    %select_n3A_695 = arith.select %lt3A_691, %add3A_694, %and3A_579 : vector<256x16xi1>, vector<256x16xi32>
    %reshape3A_696 = vector.shape_cast %select_n3A_695 : vector<256x16xi32> to vector<256x16x1xi32>
    %gather3A_697 = vector.shape_cast %reshape3A_696 : vector<256x16x1xi32> to vector<256x16xi32>
    %gather3A_698 = tpu.dynamic_gather %slice3A_688[%gather3A_697] in [1] : vector<256x128xf32>, vector<256x16xi32> -> vector<256x16xf32>
    %slice3A_699 = vector.extract_strided_slice %select_n3A {offsets = [0, 1408], sizes = [256, 128], strides = [1, 1]} : vector<256x8192xf32> to vector<256x128xf32>
    %lt3A_700 = arith.constant 0 : i32
    %lt3A_701 = vector.broadcast %lt3A_700 : i32 to vector<256x16xi32>
    %lt3A_702 = arith.cmpi slt, %and3A_579, %lt3A_701 : vector<256x16xi32>
    %add3A_703 = arith.constant 128 : i32
    %add3A_704 = vector.broadcast %add3A_703 : i32 to vector<256x16xi32>
    %add3A_705 = arith.addi %and3A_579, %add3A_704 : vector<256x16xi32>
    %select_n3A_706 = arith.select %lt3A_702, %add3A_705, %and3A_579 : vector<256x16xi1>, vector<256x16xi32>
    %reshape3A_707 = vector.shape_cast %select_n3A_706 : vector<256x16xi32> to vector<256x16x1xi32>
    %gather3A_708 = vector.shape_cast %reshape3A_707 : vector<256x16x1xi32> to vector<256x16xi32>
    %gather3A_709 = tpu.dynamic_gather %slice3A_699[%gather3A_708] in [1] : vector<256x128xf32>, vector<256x16xi32> -> vector<256x16xf32>
    %slice3A_710 = vector.extract_strided_slice %select_n3A {offsets = [0, 1536], sizes = [256, 128], strides = [1, 1]} : vector<256x8192xf32> to vector<256x128xf32>
    %lt3A_711 = arith.constant 0 : i32
    %lt3A_712 = vector.broadcast %lt3A_711 : i32 to vector<256x16xi32>
    %lt3A_713 = arith.cmpi slt, %and3A_579, %lt3A_712 : vector<256x16xi32>
    %add3A_714 = arith.constant 128 : i32
    %add3A_715 = vector.broadcast %add3A_714 : i32 to vector<256x16xi32>
    %add3A_716 = arith.addi %and3A_579, %add3A_715 : vector<256x16xi32>
    %select_n3A_717 = arith.select %lt3A_713, %add3A_716, %and3A_579 : vector<256x16xi1>, vector<256x16xi32>
    %reshape3A_718 = vector.shape_cast %select_n3A_717 : vector<256x16xi32> to vector<256x16x1xi32>
    %gather3A_719 = vector.shape_cast %reshape3A_718 : vector<256x16x1xi32> to vector<256x16xi32>
    %gather3A_720 = tpu.dynamic_gather %slice3A_710[%gather3A_719] in [1] : vector<256x128xf32>, vector<256x16xi32> -> vector<256x16xf32>
    %slice3A_721 = vector.extract_strided_slice %select_n3A {offsets = [0, 1664], sizes = [256, 128], strides = [1, 1]} : vector<256x8192xf32> to vector<256x128xf32>
    %lt3A_722 = arith.constant 0 : i32
    %lt3A_723 = vector.broadcast %lt3A_722 : i32 to vector<256x16xi32>
    %lt3A_724 = arith.cmpi slt, %and3A_579, %lt3A_723 : vector<256x16xi32>
    %add3A_725 = arith.constant 128 : i32
    %add3A_726 = vector.broadcast %add3A_725 : i32 to vector<256x16xi32>
    %add3A_727 = arith.addi %and3A_579, %add3A_726 : vector<256x16xi32>
    %select_n3A_728 = arith.select %lt3A_724, %add3A_727, %and3A_579 : vector<256x16xi1>, vector<256x16xi32>
    %reshape3A_729 = vector.shape_cast %select_n3A_728 : vector<256x16xi32> to vector<256x16x1xi32>
    %gather3A_730 = vector.shape_cast %reshape3A_729 : vector<256x16x1xi32> to vector<256x16xi32>
    %gather3A_731 = tpu.dynamic_gather %slice3A_721[%gather3A_730] in [1] : vector<256x128xf32>, vector<256x16xi32> -> vector<256x16xf32>
    %slice3A_732 = vector.extract_strided_slice %select_n3A {offsets = [0, 1792], sizes = [256, 128], strides = [1, 1]} : vector<256x8192xf32> to vector<256x128xf32>
    %lt3A_733 = arith.constant 0 : i32
    %lt3A_734 = vector.broadcast %lt3A_733 : i32 to vector<256x16xi32>
    %lt3A_735 = arith.cmpi slt, %and3A_579, %lt3A_734 : vector<256x16xi32>
    %add3A_736 = arith.constant 128 : i32
    %add3A_737 = vector.broadcast %add3A_736 : i32 to vector<256x16xi32>
    %add3A_738 = arith.addi %and3A_579, %add3A_737 : vector<256x16xi32>
    %select_n3A_739 = arith.select %lt3A_735, %add3A_738, %and3A_579 : vector<256x16xi1>, vector<256x16xi32>
    %reshape3A_740 = vector.shape_cast %select_n3A_739 : vector<256x16xi32> to vector<256x16x1xi32>
    %gather3A_741 = vector.shape_cast %reshape3A_740 : vector<256x16x1xi32> to vector<256x16xi32>
    %gather3A_742 = tpu.dynamic_gather %slice3A_732[%gather3A_741] in [1] : vector<256x128xf32>, vector<256x16xi32> -> vector<256x16xf32>
    %slice3A_743 = vector.extract_strided_slice %select_n3A {offsets = [0, 1920], sizes = [256, 128], strides = [1, 1]} : vector<256x8192xf32> to vector<256x128xf32>
    %lt3A_744 = arith.constant 0 : i32
    %lt3A_745 = vector.broadcast %lt3A_744 : i32 to vector<256x16xi32>
    %lt3A_746 = arith.cmpi slt, %and3A_579, %lt3A_745 : vector<256x16xi32>
    %add3A_747 = arith.constant 128 : i32
    %add3A_748 = vector.broadcast %add3A_747 : i32 to vector<256x16xi32>
    %add3A_749 = arith.addi %and3A_579, %add3A_748 : vector<256x16xi32>
    %select_n3A_750 = arith.select %lt3A_746, %add3A_749, %and3A_579 : vector<256x16xi1>, vector<256x16xi32>
    %reshape3A_751 = vector.shape_cast %select_n3A_750 : vector<256x16xi32> to vector<256x16x1xi32>
    %gather3A_752 = vector.shape_cast %reshape3A_751 : vector<256x16x1xi32> to vector<256x16xi32>
    %gather3A_753 = tpu.dynamic_gather %slice3A_743[%gather3A_752] in [1] : vector<256x128xf32>, vector<256x16xi32> -> vector<256x16xf32>
    %slice3A_754 = vector.extract_strided_slice %select_n3A {offsets = [0, 2048], sizes = [256, 128], strides = [1, 1]} : vector<256x8192xf32> to vector<256x128xf32>
    %lt3A_755 = arith.constant 0 : i32
    %lt3A_756 = vector.broadcast %lt3A_755 : i32 to vector<256x16xi32>
    %lt3A_757 = arith.cmpi slt, %and3A_579, %lt3A_756 : vector<256x16xi32>
    %add3A_758 = arith.constant 128 : i32
    %add3A_759 = vector.broadcast %add3A_758 : i32 to vector<256x16xi32>
    %add3A_760 = arith.addi %and3A_579, %add3A_759 : vector<256x16xi32>
    %select_n3A_761 = arith.select %lt3A_757, %add3A_760, %and3A_579 : vector<256x16xi1>, vector<256x16xi32>
    %reshape3A_762 = vector.shape_cast %select_n3A_761 : vector<256x16xi32> to vector<256x16x1xi32>
    %gather3A_763 = vector.shape_cast %reshape3A_762 : vector<256x16x1xi32> to vector<256x16xi32>
    %gather3A_764 = tpu.dynamic_gather %slice3A_754[%gather3A_763] in [1] : vector<256x128xf32>, vector<256x16xi32> -> vector<256x16xf32>
    %slice3A_765 = vector.extract_strided_slice %select_n3A {offsets = [0, 2176], sizes = [256, 128], strides = [1, 1]} : vector<256x8192xf32> to vector<256x128xf32>
    %lt3A_766 = arith.constant 0 : i32
    %lt3A_767 = vector.broadcast %lt3A_766 : i32 to vector<256x16xi32>
    %lt3A_768 = arith.cmpi slt, %and3A_579, %lt3A_767 : vector<256x16xi32>
    %add3A_769 = arith.constant 128 : i32
    %add3A_770 = vector.broadcast %add3A_769 : i32 to vector<256x16xi32>
    %add3A_771 = arith.addi %and3A_579, %add3A_770 : vector<256x16xi32>
    %select_n3A_772 = arith.select %lt3A_768, %add3A_771, %and3A_579 : vector<256x16xi1>, vector<256x16xi32>
    %reshape3A_773 = vector.shape_cast %select_n3A_772 : vector<256x16xi32> to vector<256x16x1xi32>
    %gather3A_774 = vector.shape_cast %reshape3A_773 : vector<256x16x1xi32> to vector<256x16xi32>
    %gather3A_775 = tpu.dynamic_gather %slice3A_765[%gather3A_774] in [1] : vector<256x128xf32>, vector<256x16xi32> -> vector<256x16xf32>
    %slice3A_776 = vector.extract_strided_slice %select_n3A {offsets = [0, 2304], sizes = [256, 128], strides = [1, 1]} : vector<256x8192xf32> to vector<256x128xf32>
    %lt3A_777 = arith.constant 0 : i32
    %lt3A_778 = vector.broadcast %lt3A_777 : i32 to vector<256x16xi32>
    %lt3A_779 = arith.cmpi slt, %and3A_579, %lt3A_778 : vector<256x16xi32>
    %add3A_780 = arith.constant 128 : i32
    %add3A_781 = vector.broadcast %add3A_780 : i32 to vector<256x16xi32>
    %add3A_782 = arith.addi %and3A_579, %add3A_781 : vector<256x16xi32>
    %select_n3A_783 = arith.select %lt3A_779, %add3A_782, %and3A_579 : vector<256x16xi1>, vector<256x16xi32>
    %reshape3A_784 = vector.shape_cast %select_n3A_783 : vector<256x16xi32> to vector<256x16x1xi32>
    %gather3A_785 = vector.shape_cast %reshape3A_784 : vector<256x16x1xi32> to vector<256x16xi32>
    %gather3A_786 = tpu.dynamic_gather %slice3A_776[%gather3A_785] in [1] : vector<256x128xf32>, vector<256x16xi32> -> vector<256x16xf32>
    %slice3A_787 = vector.extract_strided_slice %select_n3A {offsets = [0, 2432], sizes = [256, 128], strides = [1, 1]} : vector<256x8192xf32> to vector<256x128xf32>
    %lt3A_788 = arith.constant 0 : i32
    %lt3A_789 = vector.broadcast %lt3A_788 : i32 to vector<256x16xi32>
    %lt3A_790 = arith.cmpi slt, %and3A_579, %lt3A_789 : vector<256x16xi32>
    %add3A_791 = arith.constant 128 : i32
    %add3A_792 = vector.broadcast %add3A_791 : i32 to vector<256x16xi32>
    %add3A_793 = arith.addi %and3A_579, %add3A_792 : vector<256x16xi32>
    %select_n3A_794 = arith.select %lt3A_790, %add3A_793, %and3A_579 : vector<256x16xi1>, vector<256x16xi32>
    %reshape3A_795 = vector.shape_cast %select_n3A_794 : vector<256x16xi32> to vector<256x16x1xi32>
    %gather3A_796 = vector.shape_cast %reshape3A_795 : vector<256x16x1xi32> to vector<256x16xi32>
    %gather3A_797 = tpu.dynamic_gather %slice3A_787[%gather3A_796] in [1] : vector<256x128xf32>, vector<256x16xi32> -> vector<256x16xf32>
    %slice3A_798 = vector.extract_strided_slice %select_n3A {offsets = [0, 2560], sizes = [256, 128], strides = [1, 1]} : vector<256x8192xf32> to vector<256x128xf32>
    %lt3A_799 = arith.constant 0 : i32
    %lt3A_800 = vector.broadcast %lt3A_799 : i32 to vector<256x16xi32>
    %lt3A_801 = arith.cmpi slt, %and3A_579, %lt3A_800 : vector<256x16xi32>
    %add3A_802 = arith.constant 128 : i32
    %add3A_803 = vector.broadcast %add3A_802 : i32 to vector<256x16xi32>
    %add3A_804 = arith.addi %and3A_579, %add3A_803 : vector<256x16xi32>
    %select_n3A_805 = arith.select %lt3A_801, %add3A_804, %and3A_579 : vector<256x16xi1>, vector<256x16xi32>
    %reshape3A_806 = vector.shape_cast %select_n3A_805 : vector<256x16xi32> to vector<256x16x1xi32>
    %gather3A_807 = vector.shape_cast %reshape3A_806 : vector<256x16x1xi32> to vector<256x16xi32>
    %gather3A_808 = tpu.dynamic_gather %slice3A_798[%gather3A_807] in [1] : vector<256x128xf32>, vector<256x16xi32> -> vector<256x16xf32>
    %slice3A_809 = vector.extract_strided_slice %select_n3A {offsets = [0, 2688], sizes = [256, 128], strides = [1, 1]} : vector<256x8192xf32> to vector<256x128xf32>
    %lt3A_810 = arith.constant 0 : i32
    %lt3A_811 = vector.broadcast %lt3A_810 : i32 to vector<256x16xi32>
    %lt3A_812 = arith.cmpi slt, %and3A_579, %lt3A_811 : vector<256x16xi32>
    %add3A_813 = arith.constant 128 : i32
    %add3A_814 = vector.broadcast %add3A_813 : i32 to vector<256x16xi32>
    %add3A_815 = arith.addi %and3A_579, %add3A_814 : vector<256x16xi32>
    %select_n3A_816 = arith.select %lt3A_812, %add3A_815, %and3A_579 : vector<256x16xi1>, vector<256x16xi32>
    %reshape3A_817 = vector.shape_cast %select_n3A_816 : vector<256x16xi32> to vector<256x16x1xi32>
    %gather3A_818 = vector.shape_cast %reshape3A_817 : vector<256x16x1xi32> to vector<256x16xi32>
    %gather3A_819 = tpu.dynamic_gather %slice3A_809[%gather3A_818] in [1] : vector<256x128xf32>, vector<256x16xi32> -> vector<256x16xf32>
    %slice3A_820 = vector.extract_strided_slice %select_n3A {offsets = [0, 2816], sizes = [256, 128], strides = [1, 1]} : vector<256x8192xf32> to vector<256x128xf32>
    %lt3A_821 = arith.constant 0 : i32
    %lt3A_822 = vector.broadcast %lt3A_821 : i32 to vector<256x16xi32>
    %lt3A_823 = arith.cmpi slt, %and3A_579, %lt3A_822 : vector<256x16xi32>
    %add3A_824 = arith.constant 128 : i32
    %add3A_825 = vector.broadcast %add3A_824 : i32 to vector<256x16xi32>
    %add3A_826 = arith.addi %and3A_579, %add3A_825 : vector<256x16xi32>
    %select_n3A_827 = arith.select %lt3A_823, %add3A_826, %and3A_579 : vector<256x16xi1>, vector<256x16xi32>
    %reshape3A_828 = vector.shape_cast %select_n3A_827 : vector<256x16xi32> to vector<256x16x1xi32>
    %gather3A_829 = vector.shape_cast %reshape3A_828 : vector<256x16x1xi32> to vector<256x16xi32>
    %gather3A_830 = tpu.dynamic_gather %slice3A_820[%gather3A_829] in [1] : vector<256x128xf32>, vector<256x16xi32> -> vector<256x16xf32>
    %slice3A_831 = vector.extract_strided_slice %select_n3A {offsets = [0, 2944], sizes = [256, 128], strides = [1, 1]} : vector<256x8192xf32> to vector<256x128xf32>
    %lt3A_832 = arith.constant 0 : i32
    %lt3A_833 = vector.broadcast %lt3A_832 : i32 to vector<256x16xi32>
    %lt3A_834 = arith.cmpi slt, %and3A_579, %lt3A_833 : vector<256x16xi32>
    %add3A_835 = arith.constant 128 : i32
    %add3A_836 = vector.broadcast %add3A_835 : i32 to vector<256x16xi32>
    %add3A_837 = arith.addi %and3A_579, %add3A_836 : vector<256x16xi32>
    %select_n3A_838 = arith.select %lt3A_834, %add3A_837, %and3A_579 : vector<256x16xi1>, vector<256x16xi32>
    %reshape3A_839 = vector.shape_cast %select_n3A_838 : vector<256x16xi32> to vector<256x16x1xi32>
    %gather3A_840 = vector.shape_cast %reshape3A_839 : vector<256x16x1xi32> to vector<256x16xi32>
    %gather3A_841 = tpu.dynamic_gather %slice3A_831[%gather3A_840] in [1] : vector<256x128xf32>, vector<256x16xi32> -> vector<256x16xf32>
    %slice3A_842 = vector.extract_strided_slice %select_n3A {offsets = [0, 3072], sizes = [256, 128], strides = [1, 1]} : vector<256x8192xf32> to vector<256x128xf32>
    %lt3A_843 = arith.constant 0 : i32
    %lt3A_844 = vector.broadcast %lt3A_843 : i32 to vector<256x16xi32>
    %lt3A_845 = arith.cmpi slt, %and3A_579, %lt3A_844 : vector<256x16xi32>
    %add3A_846 = arith.constant 128 : i32
    %add3A_847 = vector.broadcast %add3A_846 : i32 to vector<256x16xi32>
    %add3A_848 = arith.addi %and3A_579, %add3A_847 : vector<256x16xi32>
    %select_n3A_849 = arith.select %lt3A_845, %add3A_848, %and3A_579 : vector<256x16xi1>, vector<256x16xi32>
    %reshape3A_850 = vector.shape_cast %select_n3A_849 : vector<256x16xi32> to vector<256x16x1xi32>
    %gather3A_851 = vector.shape_cast %reshape3A_850 : vector<256x16x1xi32> to vector<256x16xi32>
    %gather3A_852 = tpu.dynamic_gather %slice3A_842[%gather3A_851] in [1] : vector<256x128xf32>, vector<256x16xi32> -> vector<256x16xf32>
    %slice3A_853 = vector.extract_strided_slice %select_n3A {offsets = [0, 3200], sizes = [256, 128], strides = [1, 1]} : vector<256x8192xf32> to vector<256x128xf32>
    %lt3A_854 = arith.constant 0 : i32
    %lt3A_855 = vector.broadcast %lt3A_854 : i32 to vector<256x16xi32>
    %lt3A_856 = arith.cmpi slt, %and3A_579, %lt3A_855 : vector<256x16xi32>
    %add3A_857 = arith.constant 128 : i32
    %add3A_858 = vector.broadcast %add3A_857 : i32 to vector<256x16xi32>
    %add3A_859 = arith.addi %and3A_579, %add3A_858 : vector<256x16xi32>
    %select_n3A_860 = arith.select %lt3A_856, %add3A_859, %and3A_579 : vector<256x16xi1>, vector<256x16xi32>
    %reshape3A_861 = vector.shape_cast %select_n3A_860 : vector<256x16xi32> to vector<256x16x1xi32>
    %gather3A_862 = vector.shape_cast %reshape3A_861 : vector<256x16x1xi32> to vector<256x16xi32>
    %gather3A_863 = tpu.dynamic_gather %slice3A_853[%gather3A_862] in [1] : vector<256x128xf32>, vector<256x16xi32> -> vector<256x16xf32>
    %slice3A_864 = vector.extract_strided_slice %select_n3A {offsets = [0, 3328], sizes = [256, 128], strides = [1, 1]} : vector<256x8192xf32> to vector<256x128xf32>
    %lt3A_865 = arith.constant 0 : i32
    %lt3A_866 = vector.broadcast %lt3A_865 : i32 to vector<256x16xi32>
    %lt3A_867 = arith.cmpi slt, %and3A_579, %lt3A_866 : vector<256x16xi32>
    %add3A_868 = arith.constant 128 : i32
    %add3A_869 = vector.broadcast %add3A_868 : i32 to vector<256x16xi32>
    %add3A_870 = arith.addi %and3A_579, %add3A_869 : vector<256x16xi32>
    %select_n3A_871 = arith.select %lt3A_867, %add3A_870, %and3A_579 : vector<256x16xi1>, vector<256x16xi32>
    %reshape3A_872 = vector.shape_cast %select_n3A_871 : vector<256x16xi32> to vector<256x16x1xi32>
    %gather3A_873 = vector.shape_cast %reshape3A_872 : vector<256x16x1xi32> to vector<256x16xi32>
    %gather3A_874 = tpu.dynamic_gather %slice3A_864[%gather3A_873] in [1] : vector<256x128xf32>, vector<256x16xi32> -> vector<256x16xf32>
    %slice3A_875 = vector.extract_strided_slice %select_n3A {offsets = [0, 3456], sizes = [256, 128], strides = [1, 1]} : vector<256x8192xf32> to vector<256x128xf32>
    %lt3A_876 = arith.constant 0 : i32
    %lt3A_877 = vector.broadcast %lt3A_876 : i32 to vector<256x16xi32>
    %lt3A_878 = arith.cmpi slt, %and3A_579, %lt3A_877 : vector<256x16xi32>
    %add3A_879 = arith.constant 128 : i32
    %add3A_880 = vector.broadcast %add3A_879 : i32 to vector<256x16xi32>
    %add3A_881 = arith.addi %and3A_579, %add3A_880 : vector<256x16xi32>
    %select_n3A_882 = arith.select %lt3A_878, %add3A_881, %and3A_579 : vector<256x16xi1>, vector<256x16xi32>
    %reshape3A_883 = vector.shape_cast %select_n3A_882 : vector<256x16xi32> to vector<256x16x1xi32>
    %gather3A_884 = vector.shape_cast %reshape3A_883 : vector<256x16x1xi32> to vector<256x16xi32>
    %gather3A_885 = tpu.dynamic_gather %slice3A_875[%gather3A_884] in [1] : vector<256x128xf32>, vector<256x16xi32> -> vector<256x16xf32>
    %slice3A_886 = vector.extract_strided_slice %select_n3A {offsets = [0, 3584], sizes = [256, 128], strides = [1, 1]} : vector<256x8192xf32> to vector<256x128xf32>
    %lt3A_887 = arith.constant 0 : i32
    %lt3A_888 = vector.broadcast %lt3A_887 : i32 to vector<256x16xi32>
    %lt3A_889 = arith.cmpi slt, %and3A_579, %lt3A_888 : vector<256x16xi32>
    %add3A_890 = arith.constant 128 : i32
    %add3A_891 = vector.broadcast %add3A_890 : i32 to vector<256x16xi32>
    %add3A_892 = arith.addi %and3A_579, %add3A_891 : vector<256x16xi32>
    %select_n3A_893 = arith.select %lt3A_889, %add3A_892, %and3A_579 : vector<256x16xi1>, vector<256x16xi32>
    %reshape3A_894 = vector.shape_cast %select_n3A_893 : vector<256x16xi32> to vector<256x16x1xi32>
    %gather3A_895 = vector.shape_cast %reshape3A_894 : vector<256x16x1xi32> to vector<256x16xi32>
    %gather3A_896 = tpu.dynamic_gather %slice3A_886[%gather3A_895] in [1] : vector<256x128xf32>, vector<256x16xi32> -> vector<256x16xf32>
    %slice3A_897 = vector.extract_strided_slice %select_n3A {offsets = [0, 3712], sizes = [256, 128], strides = [1, 1]} : vector<256x8192xf32> to vector<256x128xf32>
    %lt3A_898 = arith.constant 0 : i32
    %lt3A_899 = vector.broadcast %lt3A_898 : i32 to vector<256x16xi32>
    %lt3A_900 = arith.cmpi slt, %and3A_579, %lt3A_899 : vector<256x16xi32>
    %add3A_901 = arith.constant 128 : i32
    %add3A_902 = vector.broadcast %add3A_901 : i32 to vector<256x16xi32>
    %add3A_903 = arith.addi %and3A_579, %add3A_902 : vector<256x16xi32>
    %select_n3A_904 = arith.select %lt3A_900, %add3A_903, %and3A_579 : vector<256x16xi1>, vector<256x16xi32>
    %reshape3A_905 = vector.shape_cast %select_n3A_904 : vector<256x16xi32> to vector<256x16x1xi32>
    %gather3A_906 = vector.shape_cast %reshape3A_905 : vector<256x16x1xi32> to vector<256x16xi32>
    %gather3A_907 = tpu.dynamic_gather %slice3A_897[%gather3A_906] in [1] : vector<256x128xf32>, vector<256x16xi32> -> vector<256x16xf32>
    %slice3A_908 = vector.extract_strided_slice %select_n3A {offsets = [0, 3840], sizes = [256, 128], strides = [1, 1]} : vector<256x8192xf32> to vector<256x128xf32>
    %lt3A_909 = arith.constant 0 : i32
    %lt3A_910 = vector.broadcast %lt3A_909 : i32 to vector<256x16xi32>
    %lt3A_911 = arith.cmpi slt, %and3A_579, %lt3A_910 : vector<256x16xi32>
    %add3A_912 = arith.constant 128 : i32
    %add3A_913 = vector.broadcast %add3A_912 : i32 to vector<256x16xi32>
    %add3A_914 = arith.addi %and3A_579, %add3A_913 : vector<256x16xi32>
    %select_n3A_915 = arith.select %lt3A_911, %add3A_914, %and3A_579 : vector<256x16xi1>, vector<256x16xi32>
    %reshape3A_916 = vector.shape_cast %select_n3A_915 : vector<256x16xi32> to vector<256x16x1xi32>
    %gather3A_917 = vector.shape_cast %reshape3A_916 : vector<256x16x1xi32> to vector<256x16xi32>
    %gather3A_918 = tpu.dynamic_gather %slice3A_908[%gather3A_917] in [1] : vector<256x128xf32>, vector<256x16xi32> -> vector<256x16xf32>
    %slice3A_919 = vector.extract_strided_slice %select_n3A {offsets = [0, 3968], sizes = [256, 128], strides = [1, 1]} : vector<256x8192xf32> to vector<256x128xf32>
    %lt3A_920 = arith.constant 0 : i32
    %lt3A_921 = vector.broadcast %lt3A_920 : i32 to vector<256x16xi32>
    %lt3A_922 = arith.cmpi slt, %and3A_579, %lt3A_921 : vector<256x16xi32>
    %add3A_923 = arith.constant 128 : i32
    %add3A_924 = vector.broadcast %add3A_923 : i32 to vector<256x16xi32>
    %add3A_925 = arith.addi %and3A_579, %add3A_924 : vector<256x16xi32>
    %select_n3A_926 = arith.select %lt3A_922, %add3A_925, %and3A_579 : vector<256x16xi1>, vector<256x16xi32>
    %reshape3A_927 = vector.shape_cast %select_n3A_926 : vector<256x16xi32> to vector<256x16x1xi32>
    %gather3A_928 = vector.shape_cast %reshape3A_927 : vector<256x16x1xi32> to vector<256x16xi32>
    %gather3A_929 = tpu.dynamic_gather %slice3A_919[%gather3A_928] in [1] : vector<256x128xf32>, vector<256x16xi32> -> vector<256x16xf32>
    %slice3A_930 = vector.extract_strided_slice %select_n3A {offsets = [0, 4096], sizes = [256, 128], strides = [1, 1]} : vector<256x8192xf32> to vector<256x128xf32>
    %lt3A_931 = arith.constant 0 : i32
    %lt3A_932 = vector.broadcast %lt3A_931 : i32 to vector<256x16xi32>
    %lt3A_933 = arith.cmpi slt, %and3A_579, %lt3A_932 : vector<256x16xi32>
    %add3A_934 = arith.constant 128 : i32
    %add3A_935 = vector.broadcast %add3A_934 : i32 to vector<256x16xi32>
    %add3A_936 = arith.addi %and3A_579, %add3A_935 : vector<256x16xi32>
    %select_n3A_937 = arith.select %lt3A_933, %add3A_936, %and3A_579 : vector<256x16xi1>, vector<256x16xi32>
    %reshape3A_938 = vector.shape_cast %select_n3A_937 : vector<256x16xi32> to vector<256x16x1xi32>
    %gather3A_939 = vector.shape_cast %reshape3A_938 : vector<256x16x1xi32> to vector<256x16xi32>
    %gather3A_940 = tpu.dynamic_gather %slice3A_930[%gather3A_939] in [1] : vector<256x128xf32>, vector<256x16xi32> -> vector<256x16xf32>
    %slice3A_941 = vector.extract_strided_slice %select_n3A {offsets = [0, 4224], sizes = [256, 128], strides = [1, 1]} : vector<256x8192xf32> to vector<256x128xf32>
    %lt3A_942 = arith.constant 0 : i32
    %lt3A_943 = vector.broadcast %lt3A_942 : i32 to vector<256x16xi32>
    %lt3A_944 = arith.cmpi slt, %and3A_579, %lt3A_943 : vector<256x16xi32>
    %add3A_945 = arith.constant 128 : i32
    %add3A_946 = vector.broadcast %add3A_945 : i32 to vector<256x16xi32>
    %add3A_947 = arith.addi %and3A_579, %add3A_946 : vector<256x16xi32>
    %select_n3A_948 = arith.select %lt3A_944, %add3A_947, %and3A_579 : vector<256x16xi1>, vector<256x16xi32>
    %reshape3A_949 = vector.shape_cast %select_n3A_948 : vector<256x16xi32> to vector<256x16x1xi32>
    %gather3A_950 = vector.shape_cast %reshape3A_949 : vector<256x16x1xi32> to vector<256x16xi32>
    %gather3A_951 = tpu.dynamic_gather %slice3A_941[%gather3A_950] in [1] : vector<256x128xf32>, vector<256x16xi32> -> vector<256x16xf32>
    %slice3A_952 = vector.extract_strided_slice %select_n3A {offsets = [0, 4352], sizes = [256, 128], strides = [1, 1]} : vector<256x8192xf32> to vector<256x128xf32>
    %lt3A_953 = arith.constant 0 : i32
    %lt3A_954 = vector.broadcast %lt3A_953 : i32 to vector<256x16xi32>
    %lt3A_955 = arith.cmpi slt, %and3A_579, %lt3A_954 : vector<256x16xi32>
    %add3A_956 = arith.constant 128 : i32
    %add3A_957 = vector.broadcast %add3A_956 : i32 to vector<256x16xi32>
    %add3A_958 = arith.addi %and3A_579, %add3A_957 : vector<256x16xi32>
    %select_n3A_959 = arith.select %lt3A_955, %add3A_958, %and3A_579 : vector<256x16xi1>, vector<256x16xi32>
    %reshape3A_960 = vector.shape_cast %select_n3A_959 : vector<256x16xi32> to vector<256x16x1xi32>
    %gather3A_961 = vector.shape_cast %reshape3A_960 : vector<256x16x1xi32> to vector<256x16xi32>
    %gather3A_962 = tpu.dynamic_gather %slice3A_952[%gather3A_961] in [1] : vector<256x128xf32>, vector<256x16xi32> -> vector<256x16xf32>
    %slice3A_963 = vector.extract_strided_slice %select_n3A {offsets = [0, 4480], sizes = [256, 128], strides = [1, 1]} : vector<256x8192xf32> to vector<256x128xf32>
    %lt3A_964 = arith.constant 0 : i32
    %lt3A_965 = vector.broadcast %lt3A_964 : i32 to vector<256x16xi32>
    %lt3A_966 = arith.cmpi slt, %and3A_579, %lt3A_965 : vector<256x16xi32>
    %add3A_967 = arith.constant 128 : i32
    %add3A_968 = vector.broadcast %add3A_967 : i32 to vector<256x16xi32>
    %add3A_969 = arith.addi %and3A_579, %add3A_968 : vector<256x16xi32>
    %select_n3A_970 = arith.select %lt3A_966, %add3A_969, %and3A_579 : vector<256x16xi1>, vector<256x16xi32>
    %reshape3A_971 = vector.shape_cast %select_n3A_970 : vector<256x16xi32> to vector<256x16x1xi32>
    %gather3A_972 = vector.shape_cast %reshape3A_971 : vector<256x16x1xi32> to vector<256x16xi32>
    %gather3A_973 = tpu.dynamic_gather %slice3A_963[%gather3A_972] in [1] : vector<256x128xf32>, vector<256x16xi32> -> vector<256x16xf32>
    %slice3A_974 = vector.extract_strided_slice %select_n3A {offsets = [0, 4608], sizes = [256, 128], strides = [1, 1]} : vector<256x8192xf32> to vector<256x128xf32>
    %lt3A_975 = arith.constant 0 : i32
    %lt3A_976 = vector.broadcast %lt3A_975 : i32 to vector<256x16xi32>
    %lt3A_977 = arith.cmpi slt, %and3A_579, %lt3A_976 : vector<256x16xi32>
    %add3A_978 = arith.constant 128 : i32
    %add3A_979 = vector.broadcast %add3A_978 : i32 to vector<256x16xi32>
    %add3A_980 = arith.addi %and3A_579, %add3A_979 : vector<256x16xi32>
    %select_n3A_981 = arith.select %lt3A_977, %add3A_980, %and3A_579 : vector<256x16xi1>, vector<256x16xi32>
    %reshape3A_982 = vector.shape_cast %select_n3A_981 : vector<256x16xi32> to vector<256x16x1xi32>
    %gather3A_983 = vector.shape_cast %reshape3A_982 : vector<256x16x1xi32> to vector<256x16xi32>
    %gather3A_984 = tpu.dynamic_gather %slice3A_974[%gather3A_983] in [1] : vector<256x128xf32>, vector<256x16xi32> -> vector<256x16xf32>
    %slice3A_985 = vector.extract_strided_slice %select_n3A {offsets = [0, 4736], sizes = [256, 128], strides = [1, 1]} : vector<256x8192xf32> to vector<256x128xf32>
    %lt3A_986 = arith.constant 0 : i32
    %lt3A_987 = vector.broadcast %lt3A_986 : i32 to vector<256x16xi32>
    %lt3A_988 = arith.cmpi slt, %and3A_579, %lt3A_987 : vector<256x16xi32>
    %add3A_989 = arith.constant 128 : i32
    %add3A_990 = vector.broadcast %add3A_989 : i32 to vector<256x16xi32>
    %add3A_991 = arith.addi %and3A_579, %add3A_990 : vector<256x16xi32>
    %select_n3A_992 = arith.select %lt3A_988, %add3A_991, %and3A_579 : vector<256x16xi1>, vector<256x16xi32>
    %reshape3A_993 = vector.shape_cast %select_n3A_992 : vector<256x16xi32> to vector<256x16x1xi32>
    %gather3A_994 = vector.shape_cast %reshape3A_993 : vector<256x16x1xi32> to vector<256x16xi32>
    %gather3A_995 = tpu.dynamic_gather %slice3A_985[%gather3A_994] in [1] : vector<256x128xf32>, vector<256x16xi32> -> vector<256x16xf32>
    %slice3A_996 = vector.extract_strided_slice %select_n3A {offsets = [0, 4864], sizes = [256, 128], strides = [1, 1]} : vector<256x8192xf32> to vector<256x128xf32>
    %lt3A_997 = arith.constant 0 : i32
    %lt3A_998 = vector.broadcast %lt3A_997 : i32 to vector<256x16xi32>
    %lt3A_999 = arith.cmpi slt, %and3A_579, %lt3A_998 : vector<256x16xi32>
    %add3A_1000 = arith.constant 128 : i32
    %add3A_1001 = vector.broadcast %add3A_1000 : i32 to vector<256x16xi32>
    %add3A_1002 = arith.addi %and3A_579, %add3A_1001 : vector<256x16xi32>
    %select_n3A_1003 = arith.select %lt3A_999, %add3A_1002, %and3A_579 : vector<256x16xi1>, vector<256x16xi32>
    %reshape3A_1004 = vector.shape_cast %select_n3A_1003 : vector<256x16xi32> to vector<256x16x1xi32>
    %gather3A_1005 = vector.shape_cast %reshape3A_1004 : vector<256x16x1xi32> to vector<256x16xi32>
    %gather3A_1006 = tpu.dynamic_gather %slice3A_996[%gather3A_1005] in [1] : vector<256x128xf32>, vector<256x16xi32> -> vector<256x16xf32>
    %slice3A_1007 = vector.extract_strided_slice %select_n3A {offsets = [0, 4992], sizes = [256, 128], strides = [1, 1]} : vector<256x8192xf32> to vector<256x128xf32>
    %lt3A_1008 = arith.constant 0 : i32
    %lt3A_1009 = vector.broadcast %lt3A_1008 : i32 to vector<256x16xi32>
    %lt3A_1010 = arith.cmpi slt, %and3A_579, %lt3A_1009 : vector<256x16xi32>
    %add3A_1011 = arith.constant 128 : i32
    %add3A_1012 = vector.broadcast %add3A_1011 : i32 to vector<256x16xi32>
    %add3A_1013 = arith.addi %and3A_579, %add3A_1012 : vector<256x16xi32>
    %select_n3A_1014 = arith.select %lt3A_1010, %add3A_1013, %and3A_579 : vector<256x16xi1>, vector<256x16xi32>
    %reshape3A_1015 = vector.shape_cast %select_n3A_1014 : vector<256x16xi32> to vector<256x16x1xi32>
    %gather3A_1016 = vector.shape_cast %reshape3A_1015 : vector<256x16x1xi32> to vector<256x16xi32>
    %gather3A_1017 = tpu.dynamic_gather %slice3A_1007[%gather3A_1016] in [1] : vector<256x128xf32>, vector<256x16xi32> -> vector<256x16xf32>
    %slice3A_1018 = vector.extract_strided_slice %select_n3A {offsets = [0, 5120], sizes = [256, 128], strides = [1, 1]} : vector<256x8192xf32> to vector<256x128xf32>
    %lt3A_1019 = arith.constant 0 : i32
    %lt3A_1020 = vector.broadcast %lt3A_1019 : i32 to vector<256x16xi32>
    %lt3A_1021 = arith.cmpi slt, %and3A_579, %lt3A_1020 : vector<256x16xi32>
    %add3A_1022 = arith.constant 128 : i32
    %add3A_1023 = vector.broadcast %add3A_1022 : i32 to vector<256x16xi32>
    %add3A_1024 = arith.addi %and3A_579, %add3A_1023 : vector<256x16xi32>
    %select_n3A_1025 = arith.select %lt3A_1021, %add3A_1024, %and3A_579 : vector<256x16xi1>, vector<256x16xi32>
    %reshape3A_1026 = vector.shape_cast %select_n3A_1025 : vector<256x16xi32> to vector<256x16x1xi32>
    %gather3A_1027 = vector.shape_cast %reshape3A_1026 : vector<256x16x1xi32> to vector<256x16xi32>
    %gather3A_1028 = tpu.dynamic_gather %slice3A_1018[%gather3A_1027] in [1] : vector<256x128xf32>, vector<256x16xi32> -> vector<256x16xf32>
    %slice3A_1029 = vector.extract_strided_slice %select_n3A {offsets = [0, 5248], sizes = [256, 128], strides = [1, 1]} : vector<256x8192xf32> to vector<256x128xf32>
    %lt3A_1030 = arith.constant 0 : i32
    %lt3A_1031 = vector.broadcast %lt3A_1030 : i32 to vector<256x16xi32>
    %lt3A_1032 = arith.cmpi slt, %and3A_579, %lt3A_1031 : vector<256x16xi32>
    %add3A_1033 = arith.constant 128 : i32
    %add3A_1034 = vector.broadcast %add3A_1033 : i32 to vector<256x16xi32>
    %add3A_1035 = arith.addi %and3A_579, %add3A_1034 : vector<256x16xi32>
    %select_n3A_1036 = arith.select %lt3A_1032, %add3A_1035, %and3A_579 : vector<256x16xi1>, vector<256x16xi32>
    %reshape3A_1037 = vector.shape_cast %select_n3A_1036 : vector<256x16xi32> to vector<256x16x1xi32>
    %gather3A_1038 = vector.shape_cast %reshape3A_1037 : vector<256x16x1xi32> to vector<256x16xi32>
    %gather3A_1039 = tpu.dynamic_gather %slice3A_1029[%gather3A_1038] in [1] : vector<256x128xf32>, vector<256x16xi32> -> vector<256x16xf32>
    %slice3A_1040 = vector.extract_strided_slice %select_n3A {offsets = [0, 5376], sizes = [256, 128], strides = [1, 1]} : vector<256x8192xf32> to vector<256x128xf32>
    %lt3A_1041 = arith.constant 0 : i32
    %lt3A_1042 = vector.broadcast %lt3A_1041 : i32 to vector<256x16xi32>
    %lt3A_1043 = arith.cmpi slt, %and3A_579, %lt3A_1042 : vector<256x16xi32>
    %add3A_1044 = arith.constant 128 : i32
    %add3A_1045 = vector.broadcast %add3A_1044 : i32 to vector<256x16xi32>
    %add3A_1046 = arith.addi %and3A_579, %add3A_1045 : vector<256x16xi32>
    %select_n3A_1047 = arith.select %lt3A_1043, %add3A_1046, %and3A_579 : vector<256x16xi1>, vector<256x16xi32>
    %reshape3A_1048 = vector.shape_cast %select_n3A_1047 : vector<256x16xi32> to vector<256x16x1xi32>
    %gather3A_1049 = vector.shape_cast %reshape3A_1048 : vector<256x16x1xi32> to vector<256x16xi32>
    %gather3A_1050 = tpu.dynamic_gather %slice3A_1040[%gather3A_1049] in [1] : vector<256x128xf32>, vector<256x16xi32> -> vector<256x16xf32>
    %slice3A_1051 = vector.extract_strided_slice %select_n3A {offsets = [0, 5504], sizes = [256, 128], strides = [1, 1]} : vector<256x8192xf32> to vector<256x128xf32>
    %lt3A_1052 = arith.constant 0 : i32
    %lt3A_1053 = vector.broadcast %lt3A_1052 : i32 to vector<256x16xi32>
    %lt3A_1054 = arith.cmpi slt, %and3A_579, %lt3A_1053 : vector<256x16xi32>
    %add3A_1055 = arith.constant 128 : i32
    %add3A_1056 = vector.broadcast %add3A_1055 : i32 to vector<256x16xi32>
    %add3A_1057 = arith.addi %and3A_579, %add3A_1056 : vector<256x16xi32>
    %select_n3A_1058 = arith.select %lt3A_1054, %add3A_1057, %and3A_579 : vector<256x16xi1>, vector<256x16xi32>
    %reshape3A_1059 = vector.shape_cast %select_n3A_1058 : vector<256x16xi32> to vector<256x16x1xi32>
    %gather3A_1060 = vector.shape_cast %reshape3A_1059 : vector<256x16x1xi32> to vector<256x16xi32>
    %gather3A_1061 = tpu.dynamic_gather %slice3A_1051[%gather3A_1060] in [1] : vector<256x128xf32>, vector<256x16xi32> -> vector<256x16xf32>
    %slice3A_1062 = vector.extract_strided_slice %select_n3A {offsets = [0, 5632], sizes = [256, 128], strides = [1, 1]} : vector<256x8192xf32> to vector<256x128xf32>
    %lt3A_1063 = arith.constant 0 : i32
    %lt3A_1064 = vector.broadcast %lt3A_1063 : i32 to vector<256x16xi32>
    %lt3A_1065 = arith.cmpi slt, %and3A_579, %lt3A_1064 : vector<256x16xi32>
    %add3A_1066 = arith.constant 128 : i32
    %add3A_1067 = vector.broadcast %add3A_1066 : i32 to vector<256x16xi32>
    %add3A_1068 = arith.addi %and3A_579, %add3A_1067 : vector<256x16xi32>
    %select_n3A_1069 = arith.select %lt3A_1065, %add3A_1068, %and3A_579 : vector<256x16xi1>, vector<256x16xi32>
    %reshape3A_1070 = vector.shape_cast %select_n3A_1069 : vector<256x16xi32> to vector<256x16x1xi32>
    %gather3A_1071 = vector.shape_cast %reshape3A_1070 : vector<256x16x1xi32> to vector<256x16xi32>
    %gather3A_1072 = tpu.dynamic_gather %slice3A_1062[%gather3A_1071] in [1] : vector<256x128xf32>, vector<256x16xi32> -> vector<256x16xf32>
    %slice3A_1073 = vector.extract_strided_slice %select_n3A {offsets = [0, 5760], sizes = [256, 128], strides = [1, 1]} : vector<256x8192xf32> to vector<256x128xf32>
    %lt3A_1074 = arith.constant 0 : i32
    %lt3A_1075 = vector.broadcast %lt3A_1074 : i32 to vector<256x16xi32>
    %lt3A_1076 = arith.cmpi slt, %and3A_579, %lt3A_1075 : vector<256x16xi32>
    %add3A_1077 = arith.constant 128 : i32
    %add3A_1078 = vector.broadcast %add3A_1077 : i32 to vector<256x16xi32>
    %add3A_1079 = arith.addi %and3A_579, %add3A_1078 : vector<256x16xi32>
    %select_n3A_1080 = arith.select %lt3A_1076, %add3A_1079, %and3A_579 : vector<256x16xi1>, vector<256x16xi32>
    %reshape3A_1081 = vector.shape_cast %select_n3A_1080 : vector<256x16xi32> to vector<256x16x1xi32>
    %gather3A_1082 = vector.shape_cast %reshape3A_1081 : vector<256x16x1xi32> to vector<256x16xi32>
    %gather3A_1083 = tpu.dynamic_gather %slice3A_1073[%gather3A_1082] in [1] : vector<256x128xf32>, vector<256x16xi32> -> vector<256x16xf32>
    %slice3A_1084 = vector.extract_strided_slice %select_n3A {offsets = [0, 5888], sizes = [256, 128], strides = [1, 1]} : vector<256x8192xf32> to vector<256x128xf32>
    %lt3A_1085 = arith.constant 0 : i32
    %lt3A_1086 = vector.broadcast %lt3A_1085 : i32 to vector<256x16xi32>
    %lt3A_1087 = arith.cmpi slt, %and3A_579, %lt3A_1086 : vector<256x16xi32>
    %add3A_1088 = arith.constant 128 : i32
    %add3A_1089 = vector.broadcast %add3A_1088 : i32 to vector<256x16xi32>
    %add3A_1090 = arith.addi %and3A_579, %add3A_1089 : vector<256x16xi32>
    %select_n3A_1091 = arith.select %lt3A_1087, %add3A_1090, %and3A_579 : vector<256x16xi1>, vector<256x16xi32>
    %reshape3A_1092 = vector.shape_cast %select_n3A_1091 : vector<256x16xi32> to vector<256x16x1xi32>
    %gather3A_1093 = vector.shape_cast %reshape3A_1092 : vector<256x16x1xi32> to vector<256x16xi32>
    %gather3A_1094 = tpu.dynamic_gather %slice3A_1084[%gather3A_1093] in [1] : vector<256x128xf32>, vector<256x16xi32> -> vector<256x16xf32>
    %slice3A_1095 = vector.extract_strided_slice %select_n3A {offsets = [0, 6016], sizes = [256, 128], strides = [1, 1]} : vector<256x8192xf32> to vector<256x128xf32>
    %lt3A_1096 = arith.constant 0 : i32
    %lt3A_1097 = vector.broadcast %lt3A_1096 : i32 to vector<256x16xi32>
    %lt3A_1098 = arith.cmpi slt, %and3A_579, %lt3A_1097 : vector<256x16xi32>
    %add3A_1099 = arith.constant 128 : i32
    %add3A_1100 = vector.broadcast %add3A_1099 : i32 to vector<256x16xi32>
    %add3A_1101 = arith.addi %and3A_579, %add3A_1100 : vector<256x16xi32>
    %select_n3A_1102 = arith.select %lt3A_1098, %add3A_1101, %and3A_579 : vector<256x16xi1>, vector<256x16xi32>
    %reshape3A_1103 = vector.shape_cast %select_n3A_1102 : vector<256x16xi32> to vector<256x16x1xi32>
    %gather3A_1104 = vector.shape_cast %reshape3A_1103 : vector<256x16x1xi32> to vector<256x16xi32>
    %gather3A_1105 = tpu.dynamic_gather %slice3A_1095[%gather3A_1104] in [1] : vector<256x128xf32>, vector<256x16xi32> -> vector<256x16xf32>
    %slice3A_1106 = vector.extract_strided_slice %select_n3A {offsets = [0, 6144], sizes = [256, 128], strides = [1, 1]} : vector<256x8192xf32> to vector<256x128xf32>
    %lt3A_1107 = arith.constant 0 : i32
    %lt3A_1108 = vector.broadcast %lt3A_1107 : i32 to vector<256x16xi32>
    %lt3A_1109 = arith.cmpi slt, %and3A_579, %lt3A_1108 : vector<256x16xi32>
    %add3A_1110 = arith.constant 128 : i32
    %add3A_1111 = vector.broadcast %add3A_1110 : i32 to vector<256x16xi32>
    %add3A_1112 = arith.addi %and3A_579, %add3A_1111 : vector<256x16xi32>
    %select_n3A_1113 = arith.select %lt3A_1109, %add3A_1112, %and3A_579 : vector<256x16xi1>, vector<256x16xi32>
    %reshape3A_1114 = vector.shape_cast %select_n3A_1113 : vector<256x16xi32> to vector<256x16x1xi32>
    %gather3A_1115 = vector.shape_cast %reshape3A_1114 : vector<256x16x1xi32> to vector<256x16xi32>
    %gather3A_1116 = tpu.dynamic_gather %slice3A_1106[%gather3A_1115] in [1] : vector<256x128xf32>, vector<256x16xi32> -> vector<256x16xf32>
    %slice3A_1117 = vector.extract_strided_slice %select_n3A {offsets = [0, 6272], sizes = [256, 128], strides = [1, 1]} : vector<256x8192xf32> to vector<256x128xf32>
    %lt3A_1118 = arith.constant 0 : i32
    %lt3A_1119 = vector.broadcast %lt3A_1118 : i32 to vector<256x16xi32>
    %lt3A_1120 = arith.cmpi slt, %and3A_579, %lt3A_1119 : vector<256x16xi32>
    %add3A_1121 = arith.constant 128 : i32
    %add3A_1122 = vector.broadcast %add3A_1121 : i32 to vector<256x16xi32>
    %add3A_1123 = arith.addi %and3A_579, %add3A_1122 : vector<256x16xi32>
    %select_n3A_1124 = arith.select %lt3A_1120, %add3A_1123, %and3A_579 : vector<256x16xi1>, vector<256x16xi32>
    %reshape3A_1125 = vector.shape_cast %select_n3A_1124 : vector<256x16xi32> to vector<256x16x1xi32>
    %gather3A_1126 = vector.shape_cast %reshape3A_1125 : vector<256x16x1xi32> to vector<256x16xi32>
    %gather3A_1127 = tpu.dynamic_gather %slice3A_1117[%gather3A_1126] in [1] : vector<256x128xf32>, vector<256x16xi32> -> vector<256x16xf32>
    %slice3A_1128 = vector.extract_strided_slice %select_n3A {offsets = [0, 6400], sizes = [256, 128], strides = [1, 1]} : vector<256x8192xf32> to vector<256x128xf32>
    %lt3A_1129 = arith.constant 0 : i32
    %lt3A_1130 = vector.broadcast %lt3A_1129 : i32 to vector<256x16xi32>
    %lt3A_1131 = arith.cmpi slt, %and3A_579, %lt3A_1130 : vector<256x16xi32>
    %add3A_1132 = arith.constant 128 : i32
    %add3A_1133 = vector.broadcast %add3A_1132 : i32 to vector<256x16xi32>
    %add3A_1134 = arith.addi %and3A_579, %add3A_1133 : vector<256x16xi32>
    %select_n3A_1135 = arith.select %lt3A_1131, %add3A_1134, %and3A_579 : vector<256x16xi1>, vector<256x16xi32>
    %reshape3A_1136 = vector.shape_cast %select_n3A_1135 : vector<256x16xi32> to vector<256x16x1xi32>
    %gather3A_1137 = vector.shape_cast %reshape3A_1136 : vector<256x16x1xi32> to vector<256x16xi32>
    %gather3A_1138 = tpu.dynamic_gather %slice3A_1128[%gather3A_1137] in [1] : vector<256x128xf32>, vector<256x16xi32> -> vector<256x16xf32>
    %slice3A_1139 = vector.extract_strided_slice %select_n3A {offsets = [0, 6528], sizes = [256, 128], strides = [1, 1]} : vector<256x8192xf32> to vector<256x128xf32>
    %lt3A_1140 = arith.constant 0 : i32
    %lt3A_1141 = vector.broadcast %lt3A_1140 : i32 to vector<256x16xi32>
    %lt3A_1142 = arith.cmpi slt, %and3A_579, %lt3A_1141 : vector<256x16xi32>
    %add3A_1143 = arith.constant 128 : i32
    %add3A_1144 = vector.broadcast %add3A_1143 : i32 to vector<256x16xi32>
    %add3A_1145 = arith.addi %and3A_579, %add3A_1144 : vector<256x16xi32>
    %select_n3A_1146 = arith.select %lt3A_1142, %add3A_1145, %and3A_579 : vector<256x16xi1>, vector<256x16xi32>
    %reshape3A_1147 = vector.shape_cast %select_n3A_1146 : vector<256x16xi32> to vector<256x16x1xi32>
    %gather3A_1148 = vector.shape_cast %reshape3A_1147 : vector<256x16x1xi32> to vector<256x16xi32>
    %gather3A_1149 = tpu.dynamic_gather %slice3A_1139[%gather3A_1148] in [1] : vector<256x128xf32>, vector<256x16xi32> -> vector<256x16xf32>
    %slice3A_1150 = vector.extract_strided_slice %select_n3A {offsets = [0, 6656], sizes = [256, 128], strides = [1, 1]} : vector<256x8192xf32> to vector<256x128xf32>
    %lt3A_1151 = arith.constant 0 : i32
    %lt3A_1152 = vector.broadcast %lt3A_1151 : i32 to vector<256x16xi32>
    %lt3A_1153 = arith.cmpi slt, %and3A_579, %lt3A_1152 : vector<256x16xi32>
    %add3A_1154 = arith.constant 128 : i32
    %add3A_1155 = vector.broadcast %add3A_1154 : i32 to vector<256x16xi32>
    %add3A_1156 = arith.addi %and3A_579, %add3A_1155 : vector<256x16xi32>
    %select_n3A_1157 = arith.select %lt3A_1153, %add3A_1156, %and3A_579 : vector<256x16xi1>, vector<256x16xi32>
    %reshape3A_1158 = vector.shape_cast %select_n3A_1157 : vector<256x16xi32> to vector<256x16x1xi32>
    %gather3A_1159 = vector.shape_cast %reshape3A_1158 : vector<256x16x1xi32> to vector<256x16xi32>
    %gather3A_1160 = tpu.dynamic_gather %slice3A_1150[%gather3A_1159] in [1] : vector<256x128xf32>, vector<256x16xi32> -> vector<256x16xf32>
    %slice3A_1161 = vector.extract_strided_slice %select_n3A {offsets = [0, 6784], sizes = [256, 128], strides = [1, 1]} : vector<256x8192xf32> to vector<256x128xf32>
    %lt3A_1162 = arith.constant 0 : i32
    %lt3A_1163 = vector.broadcast %lt3A_1162 : i32 to vector<256x16xi32>
    %lt3A_1164 = arith.cmpi slt, %and3A_579, %lt3A_1163 : vector<256x16xi32>
    %add3A_1165 = arith.constant 128 : i32
    %add3A_1166 = vector.broadcast %add3A_1165 : i32 to vector<256x16xi32>
    %add3A_1167 = arith.addi %and3A_579, %add3A_1166 : vector<256x16xi32>
    %select_n3A_1168 = arith.select %lt3A_1164, %add3A_1167, %and3A_579 : vector<256x16xi1>, vector<256x16xi32>
    %reshape3A_1169 = vector.shape_cast %select_n3A_1168 : vector<256x16xi32> to vector<256x16x1xi32>
    %gather3A_1170 = vector.shape_cast %reshape3A_1169 : vector<256x16x1xi32> to vector<256x16xi32>
    %gather3A_1171 = tpu.dynamic_gather %slice3A_1161[%gather3A_1170] in [1] : vector<256x128xf32>, vector<256x16xi32> -> vector<256x16xf32>
    %slice3A_1172 = vector.extract_strided_slice %select_n3A {offsets = [0, 6912], sizes = [256, 128], strides = [1, 1]} : vector<256x8192xf32> to vector<256x128xf32>
    %lt3A_1173 = arith.constant 0 : i32
    %lt3A_1174 = vector.broadcast %lt3A_1173 : i32 to vector<256x16xi32>
    %lt3A_1175 = arith.cmpi slt, %and3A_579, %lt3A_1174 : vector<256x16xi32>
    %add3A_1176 = arith.constant 128 : i32
    %add3A_1177 = vector.broadcast %add3A_1176 : i32 to vector<256x16xi32>
    %add3A_1178 = arith.addi %and3A_579, %add3A_1177 : vector<256x16xi32>
    %select_n3A_1179 = arith.select %lt3A_1175, %add3A_1178, %and3A_579 : vector<256x16xi1>, vector<256x16xi32>
    %reshape3A_1180 = vector.shape_cast %select_n3A_1179 : vector<256x16xi32> to vector<256x16x1xi32>
    %gather3A_1181 = vector.shape_cast %reshape3A_1180 : vector<256x16x1xi32> to vector<256x16xi32>
    %gather3A_1182 = tpu.dynamic_gather %slice3A_1172[%gather3A_1181] in [1] : vector<256x128xf32>, vector<256x16xi32> -> vector<256x16xf32>
    %slice3A_1183 = vector.extract_strided_slice %select_n3A {offsets = [0, 7040], sizes = [256, 128], strides = [1, 1]} : vector<256x8192xf32> to vector<256x128xf32>
    %lt3A_1184 = arith.constant 0 : i32
    %lt3A_1185 = vector.broadcast %lt3A_1184 : i32 to vector<256x16xi32>
    %lt3A_1186 = arith.cmpi slt, %and3A_579, %lt3A_1185 : vector<256x16xi32>
    %add3A_1187 = arith.constant 128 : i32
    %add3A_1188 = vector.broadcast %add3A_1187 : i32 to vector<256x16xi32>
    %add3A_1189 = arith.addi %and3A_579, %add3A_1188 : vector<256x16xi32>
    %select_n3A_1190 = arith.select %lt3A_1186, %add3A_1189, %and3A_579 : vector<256x16xi1>, vector<256x16xi32>
    %reshape3A_1191 = vector.shape_cast %select_n3A_1190 : vector<256x16xi32> to vector<256x16x1xi32>
    %gather3A_1192 = vector.shape_cast %reshape3A_1191 : vector<256x16x1xi32> to vector<256x16xi32>
    %gather3A_1193 = tpu.dynamic_gather %slice3A_1183[%gather3A_1192] in [1] : vector<256x128xf32>, vector<256x16xi32> -> vector<256x16xf32>
    %slice3A_1194 = vector.extract_strided_slice %select_n3A {offsets = [0, 7168], sizes = [256, 128], strides = [1, 1]} : vector<256x8192xf32> to vector<256x128xf32>
    %lt3A_1195 = arith.constant 0 : i32
    %lt3A_1196 = vector.broadcast %lt3A_1195 : i32 to vector<256x16xi32>
    %lt3A_1197 = arith.cmpi slt, %and3A_579, %lt3A_1196 : vector<256x16xi32>
    %add3A_1198 = arith.constant 128 : i32
    %add3A_1199 = vector.broadcast %add3A_1198 : i32 to vector<256x16xi32>
    %add3A_1200 = arith.addi %and3A_579, %add3A_1199 : vector<256x16xi32>
    %select_n3A_1201 = arith.select %lt3A_1197, %add3A_1200, %and3A_579 : vector<256x16xi1>, vector<256x16xi32>
    %reshape3A_1202 = vector.shape_cast %select_n3A_1201 : vector<256x16xi32> to vector<256x16x1xi32>
    %gather3A_1203 = vector.shape_cast %reshape3A_1202 : vector<256x16x1xi32> to vector<256x16xi32>
    %gather3A_1204 = tpu.dynamic_gather %slice3A_1194[%gather3A_1203] in [1] : vector<256x128xf32>, vector<256x16xi32> -> vector<256x16xf32>
    %slice3A_1205 = vector.extract_strided_slice %select_n3A {offsets = [0, 7296], sizes = [256, 128], strides = [1, 1]} : vector<256x8192xf32> to vector<256x128xf32>
    %lt3A_1206 = arith.constant 0 : i32
    %lt3A_1207 = vector.broadcast %lt3A_1206 : i32 to vector<256x16xi32>
    %lt3A_1208 = arith.cmpi slt, %and3A_579, %lt3A_1207 : vector<256x16xi32>
    %add3A_1209 = arith.constant 128 : i32
    %add3A_1210 = vector.broadcast %add3A_1209 : i32 to vector<256x16xi32>
    %add3A_1211 = arith.addi %and3A_579, %add3A_1210 : vector<256x16xi32>
    %select_n3A_1212 = arith.select %lt3A_1208, %add3A_1211, %and3A_579 : vector<256x16xi1>, vector<256x16xi32>
    %reshape3A_1213 = vector.shape_cast %select_n3A_1212 : vector<256x16xi32> to vector<256x16x1xi32>
    %gather3A_1214 = vector.shape_cast %reshape3A_1213 : vector<256x16x1xi32> to vector<256x16xi32>
    %gather3A_1215 = tpu.dynamic_gather %slice3A_1205[%gather3A_1214] in [1] : vector<256x128xf32>, vector<256x16xi32> -> vector<256x16xf32>
    %slice3A_1216 = vector.extract_strided_slice %select_n3A {offsets = [0, 7424], sizes = [256, 128], strides = [1, 1]} : vector<256x8192xf32> to vector<256x128xf32>
    %lt3A_1217 = arith.constant 0 : i32
    %lt3A_1218 = vector.broadcast %lt3A_1217 : i32 to vector<256x16xi32>
    %lt3A_1219 = arith.cmpi slt, %and3A_579, %lt3A_1218 : vector<256x16xi32>
    %add3A_1220 = arith.constant 128 : i32
    %add3A_1221 = vector.broadcast %add3A_1220 : i32 to vector<256x16xi32>
    %add3A_1222 = arith.addi %and3A_579, %add3A_1221 : vector<256x16xi32>
    %select_n3A_1223 = arith.select %lt3A_1219, %add3A_1222, %and3A_579 : vector<256x16xi1>, vector<256x16xi32>
    %reshape3A_1224 = vector.shape_cast %select_n3A_1223 : vector<256x16xi32> to vector<256x16x1xi32>
    %gather3A_1225 = vector.shape_cast %reshape3A_1224 : vector<256x16x1xi32> to vector<256x16xi32>
    %gather3A_1226 = tpu.dynamic_gather %slice3A_1216[%gather3A_1225] in [1] : vector<256x128xf32>, vector<256x16xi32> -> vector<256x16xf32>
    %slice3A_1227 = vector.extract_strided_slice %select_n3A {offsets = [0, 7552], sizes = [256, 128], strides = [1, 1]} : vector<256x8192xf32> to vector<256x128xf32>
    %lt3A_1228 = arith.constant 0 : i32
    %lt3A_1229 = vector.broadcast %lt3A_1228 : i32 to vector<256x16xi32>
    %lt3A_1230 = arith.cmpi slt, %and3A_579, %lt3A_1229 : vector<256x16xi32>
    %add3A_1231 = arith.constant 128 : i32
    %add3A_1232 = vector.broadcast %add3A_1231 : i32 to vector<256x16xi32>
    %add3A_1233 = arith.addi %and3A_579, %add3A_1232 : vector<256x16xi32>
    %select_n3A_1234 = arith.select %lt3A_1230, %add3A_1233, %and3A_579 : vector<256x16xi1>, vector<256x16xi32>
    %reshape3A_1235 = vector.shape_cast %select_n3A_1234 : vector<256x16xi32> to vector<256x16x1xi32>
    %gather3A_1236 = vector.shape_cast %reshape3A_1235 : vector<256x16x1xi32> to vector<256x16xi32>
    %gather3A_1237 = tpu.dynamic_gather %slice3A_1227[%gather3A_1236] in [1] : vector<256x128xf32>, vector<256x16xi32> -> vector<256x16xf32>
    %slice3A_1238 = vector.extract_strided_slice %select_n3A {offsets = [0, 7680], sizes = [256, 128], strides = [1, 1]} : vector<256x8192xf32> to vector<256x128xf32>
    %lt3A_1239 = arith.constant 0 : i32
    %lt3A_1240 = vector.broadcast %lt3A_1239 : i32 to vector<256x16xi32>
    %lt3A_1241 = arith.cmpi slt, %and3A_579, %lt3A_1240 : vector<256x16xi32>
    %add3A_1242 = arith.constant 128 : i32
    %add3A_1243 = vector.broadcast %add3A_1242 : i32 to vector<256x16xi32>
    %add3A_1244 = arith.addi %and3A_579, %add3A_1243 : vector<256x16xi32>
    %select_n3A_1245 = arith.select %lt3A_1241, %add3A_1244, %and3A_579 : vector<256x16xi1>, vector<256x16xi32>
    %reshape3A_1246 = vector.shape_cast %select_n3A_1245 : vector<256x16xi32> to vector<256x16x1xi32>
    %gather3A_1247 = vector.shape_cast %reshape3A_1246 : vector<256x16x1xi32> to vector<256x16xi32>
    %gather3A_1248 = tpu.dynamic_gather %slice3A_1238[%gather3A_1247] in [1] : vector<256x128xf32>, vector<256x16xi32> -> vector<256x16xf32>
    %slice3A_1249 = vector.extract_strided_slice %select_n3A {offsets = [0, 7808], sizes = [256, 128], strides = [1, 1]} : vector<256x8192xf32> to vector<256x128xf32>
    %lt3A_1250 = arith.constant 0 : i32
    %lt3A_1251 = vector.broadcast %lt3A_1250 : i32 to vector<256x16xi32>
    %lt3A_1252 = arith.cmpi slt, %and3A_579, %lt3A_1251 : vector<256x16xi32>
    %add3A_1253 = arith.constant 128 : i32
    %add3A_1254 = vector.broadcast %add3A_1253 : i32 to vector<256x16xi32>
    %add3A_1255 = arith.addi %and3A_579, %add3A_1254 : vector<256x16xi32>
    %select_n3A_1256 = arith.select %lt3A_1252, %add3A_1255, %and3A_579 : vector<256x16xi1>, vector<256x16xi32>
    %reshape3A_1257 = vector.shape_cast %select_n3A_1256 : vector<256x16xi32> to vector<256x16x1xi32>
    %gather3A_1258 = vector.shape_cast %reshape3A_1257 : vector<256x16x1xi32> to vector<256x16xi32>
    %gather3A_1259 = tpu.dynamic_gather %slice3A_1249[%gather3A_1258] in [1] : vector<256x128xf32>, vector<256x16xi32> -> vector<256x16xf32>
    %slice3A_1260 = vector.extract_strided_slice %select_n3A {offsets = [0, 7936], sizes = [256, 128], strides = [1, 1]} : vector<256x8192xf32> to vector<256x128xf32>
    %lt3A_1261 = arith.constant 0 : i32
    %lt3A_1262 = vector.broadcast %lt3A_1261 : i32 to vector<256x16xi32>
    %lt3A_1263 = arith.cmpi slt, %and3A_579, %lt3A_1262 : vector<256x16xi32>
    %add3A_1264 = arith.constant 128 : i32
    %add3A_1265 = vector.broadcast %add3A_1264 : i32 to vector<256x16xi32>
    %add3A_1266 = arith.addi %and3A_579, %add3A_1265 : vector<256x16xi32>
    %select_n3A_1267 = arith.select %lt3A_1263, %add3A_1266, %and3A_579 : vector<256x16xi1>, vector<256x16xi32>
    %reshape3A_1268 = vector.shape_cast %select_n3A_1267 : vector<256x16xi32> to vector<256x16x1xi32>
    %gather3A_1269 = vector.shape_cast %reshape3A_1268 : vector<256x16x1xi32> to vector<256x16xi32>
    %gather3A_1270 = tpu.dynamic_gather %slice3A_1260[%gather3A_1269] in [1] : vector<256x128xf32>, vector<256x16xi32> -> vector<256x16xf32>
    %slice3A_1271 = vector.extract_strided_slice %select_n3A {offsets = [0, 8064], sizes = [256, 128], strides = [1, 1]} : vector<256x8192xf32> to vector<256x128xf32>
    %lt3A_1272 = arith.constant 0 : i32
    %lt3A_1273 = vector.broadcast %lt3A_1272 : i32 to vector<256x16xi32>
    %lt3A_1274 = arith.cmpi slt, %and3A_579, %lt3A_1273 : vector<256x16xi32>
    %add3A_1275 = arith.constant 128 : i32
    %add3A_1276 = vector.broadcast %add3A_1275 : i32 to vector<256x16xi32>
    %add3A_1277 = arith.addi %and3A_579, %add3A_1276 : vector<256x16xi32>
    %select_n3A_1278 = arith.select %lt3A_1274, %add3A_1277, %and3A_579 : vector<256x16xi1>, vector<256x16xi32>
    %reshape3A_1279 = vector.shape_cast %select_n3A_1278 : vector<256x16xi32> to vector<256x16x1xi32>
    %gather3A_1280 = vector.shape_cast %reshape3A_1279 : vector<256x16x1xi32> to vector<256x16xi32>
    %gather3A_1281 = tpu.dynamic_gather %slice3A_1271[%gather3A_1280] in [1] : vector<256x128xf32>, vector<256x16xi32> -> vector<256x16xf32>
    %concatenate3A_1282 = tpu.concatenate %gather3A_588, %gather3A_599, %gather3A_610, %gather3A_621, %gather3A_632, %gather3A_643, %gather3A_654, %gather3A_665, %gather3A_676, %gather3A_687, %gather3A_698, %gather3A_709, %gather3A_720, %gather3A_731, %gather3A_742, %gather3A_753, %gather3A_764, %gather3A_775, %gather3A_786, %gather3A_797, %gather3A_808, %gather3A_819, %gather3A_830, %gather3A_841, %gather3A_852, %gather3A_863, %gather3A_874, %gather3A_885, %gather3A_896, %gather3A_907, %gather3A_918, %gather3A_929, %gather3A_940, %gather3A_951, %gather3A_962, %gather3A_973, %gather3A_984, %gather3A_995, %gather3A_1006, %gather3A_1017, %gather3A_1028, %gather3A_1039, %gather3A_1050, %gather3A_1061, %gather3A_1072, %gather3A_1083, %gather3A_1094, %gather3A_1105, %gather3A_1116, %gather3A_1127, %gather3A_1138, %gather3A_1149, %gather3A_1160, %gather3A_1171, %gather3A_1182, %gather3A_1193, %gather3A_1204, %gather3A_1215, %gather3A_1226, %gather3A_1237, %gather3A_1248, %gather3A_1259, %gather3A_1270, %gather3A_1281 in 1 : vector<256x16xf32>, vector<256x16xf32>, vector<256x16xf32>, vector<256x16xf32>, vector<256x16xf32>, vector<256x16xf32>, vector<256x16xf32>, vector<256x16xf32>, vector<256x16xf32>, vector<256x16xf32>, vector<256x16xf32>, vector<256x16xf32>, vector<256x16xf32>, vector<256x16xf32>, vector<256x16xf32>, vector<256x16xf32>, vector<256x16xf32>, vector<256x16xf32>, vector<256x16xf32>, vector<256x16xf32>, vector<256x16xf32>, vector<256x16xf32>, vector<256x16xf32>, vector<256x16xf32>, vector<256x16xf32>, vector<256x16xf32>, vector<256x16xf32>, vector<256x16xf32>, vector<256x16xf32>, vector<256x16xf32>, vector<256x16xf32>, vector<256x16xf32>, vector<256x16xf32>, vector<256x16xf32>, vector<256x16xf32>, vector<256x16xf32>, vector<256x16xf32>, vector<256x16xf32>, vector<256x16xf32>, vector<256x16xf32>, vector<256x16xf32>, vector<256x16xf32>, vector<256x16xf32>, vector<256x16xf32>, vector<256x16xf32>, vector<256x16xf32>, vector<256x16xf32>, vector<256x16xf32>, vector<256x16xf32>, vector<256x16xf32>, vector<256x16xf32>, vector<256x16xf32>, vector<256x16xf32>, vector<256x16xf32>, vector<256x16xf32>, vector<256x16xf32>, vector<256x16xf32>, vector<256x16xf32>, vector<256x16xf32>, vector<256x16xf32>, vector<256x16xf32>, vector<256x16xf32>, vector<256x16xf32>, vector<256x16xf32> -> vector<256x1024xf32>
    %iota3A_1283 = tpu.iota {dimensions = array<i32: 1>} : vector<256x1024xi32>
    %shift_right_arithmetic3A = arith.constant 4 : i32
    %shift_right_arithmetic3A_1284 = vector.broadcast %shift_right_arithmetic3A : i32 to vector<256x1024xi32>
    %shift_right_arithmetic3A_1285 = arith.shrsi %iota3A_1283, %shift_right_arithmetic3A_1284 : vector<256x1024xi32>
    %shift_left3A = arith.constant 7 : i32
    %shift_left3A_1286 = vector.broadcast %shift_left3A : i32 to vector<256x1024xi32>
    %shift_left3A_1287 = arith.shli %shift_right_arithmetic3A_1285, %shift_left3A_1286 : vector<256x1024xi32>
    %tile3A = tpu.concatenate %and3A_579, %and3A_579, %and3A_579, %and3A_579, %and3A_579, %and3A_579, %and3A_579, %and3A_579, %and3A_579, %and3A_579, %and3A_579, %and3A_579, %and3A_579, %and3A_579, %and3A_579, %and3A_579, %and3A_579, %and3A_579, %and3A_579, %and3A_579, %and3A_579, %and3A_579, %and3A_579, %and3A_579, %and3A_579, %and3A_579, %and3A_579, %and3A_579, %and3A_579, %and3A_579, %and3A_579, %and3A_579, %and3A_579, %and3A_579, %and3A_579, %and3A_579, %and3A_579, %and3A_579, %and3A_579, %and3A_579, %and3A_579, %and3A_579, %and3A_579, %and3A_579, %and3A_579, %and3A_579, %and3A_579, %and3A_579, %and3A_579, %and3A_579, %and3A_579, %and3A_579, %and3A_579, %and3A_579, %and3A_579, %and3A_579, %and3A_579, %and3A_579, %and3A_579, %and3A_579, %and3A_579, %and3A_579, %and3A_579, %and3A_579 in 1 : vector<256x16xi32>, vector<256x16xi32>, vector<256x16xi32>, vector<256x16xi32>, vector<256x16xi32>, vector<256x16xi32>, vector<256x16xi32>, vector<256x16xi32>, vector<256x16xi32>, vector<256x16xi32>, vector<256x16xi32>, vector<256x16xi32>, vector<256x16xi32>, vector<256x16xi32>, vector<256x16xi32>, vector<256x16xi32>, vector<256x16xi32>, vector<256x16xi32>, vector<256x16xi32>, vector<256x16xi32>, vector<256x16xi32>, vector<256x16xi32>, vector<256x16xi32>, vector<256x16xi32>, vector<256x16xi32>, vector<256x16xi32>, vector<256x16xi32>, vector<256x16xi32>, vector<256x16xi32>, vector<256x16xi32>, vector<256x16xi32>, vector<256x16xi32>, vector<256x16xi32>, vector<256x16xi32>, vector<256x16xi32>, vector<256x16xi32>, vector<256x16xi32>, vector<256x16xi32>, vector<256x16xi32>, vector<256x16xi32>, vector<256x16xi32>, vector<256x16xi32>, vector<256x16xi32>, vector<256x16xi32>, vector<256x16xi32>, vector<256x16xi32>, vector<256x16xi32>, vector<256x16xi32>, vector<256x16xi32>, vector<256x16xi32>, vector<256x16xi32>, vector<256x16xi32>, vector<256x16xi32>, vector<256x16xi32>, vector<256x16xi32>, vector<256x16xi32>, vector<256x16xi32>, vector<256x16xi32>, vector<256x16xi32>, vector<256x16xi32>, vector<256x16xi32>, vector<256x16xi32>, vector<256x16xi32>, vector<256x16xi32> -> vector<256x1024xi32>
    %add3A_1288 = arith.addi %shift_left3A_1287, %tile3A : vector<256x1024xi32>
    %mul3A_1289 = arith.constant 8192 : i32
    %mul3A_1290 = arith.muli %arg1, %mul3A_1289 : i32
    %add3A_1291 = vector.broadcast %mul3A_1290 : i32 to vector<256x1024xi32>
    %add3A_1292 = arith.addi %add3A_1291, %add3A_1288 : vector<256x1024xi32>
    %get3A_1293 = arith.constant 0 : index
    %get3A_1294 = arith.constant 0 : index
    %get3A_1295 = vector.load %arg5[%get3A_1293, %get3A_1294] : memref<256x16xf32, #tpu.memory_space<vmem>>, vector<256x16xf32>
    %concatenate3A_1296 = tpu.concatenate %get3A_1295, %concatenate3A_1282 in 1 : vector<256x16xf32>, vector<256x1024xf32> -> vector<256x1040xf32>
    %get3A_1297 = arith.constant 0 : index
    %get3A_1298 = arith.constant 0 : index
    %get3A_1299 = vector.load %arg6[%get3A_1297, %get3A_1298] : memref<256x16xi32, #tpu.memory_space<vmem>>, vector<256x16xi32>
    %convert_element_type3A_1300 = arith.sitofp %get3A_1299 : vector<256x16xi32> to vector<256x16xf32>
    %convert_element_type3A_1301 = arith.sitofp %add3A_1292 : vector<256x1024xi32> to vector<256x1024xf32>
    %concatenate3A_1302 = tpu.concatenate %convert_element_type3A_1300, %convert_element_type3A_1301 in 1 : vector<256x16xf32>, vector<256x1024xf32> -> vector<256x1040xf32>
    %reduce_max3A_1303 = arith.constant dense<0xFF800000> : vector<256xf32>
    %reduce_max3A_1304 = vector.multi_reduction <maximumf>, %concatenate3A_1296, %reduce_max3A_1303 [1] : vector<256x1040xf32> to vector<256xf32>
    %broadcast_in_dim3A_1305 = vector.shape_cast %reduce_max3A_1304 : vector<256xf32> to vector<256x1xf32>
    %eq3A_1306 = vector.broadcast %broadcast_in_dim3A_1305 : vector<256x1xf32> to vector<256x1040xf32>
    %eq3A_1307 = arith.cmpf oeq, %concatenate3A_1296, %eq3A_1306 : vector<256x1040xf32>
    %jit3A_1308 = arith.constant 1.07374182E+9 : f32
    %broadcast_in_dim3A_1309 = vector.broadcast %jit3A_1308 : f32 to vector<256x1040xf32>
    %select_n3A_1310 = arith.select %eq3A_1307, %concatenate3A_1302, %broadcast_in_dim3A_1309 : vector<256x1040xi1>, vector<256x1040xf32>
    %reduce_min3A_1311 = arith.constant dense<0x7F800000> : vector<256xf32>
    %reduce_min3A_1312 = vector.multi_reduction <minimumf>, %select_n3A_1310, %reduce_min3A_1311 [1] : vector<256x1040xf32> to vector<256xf32>
    %broadcast_in_dim3A_1313 = vector.shape_cast %reduce_min3A_1312 : vector<256xf32> to vector<256x1xf32>
    %eq3A_1314 = vector.broadcast %broadcast_in_dim3A_1313 : vector<256x1xf32> to vector<256x1040xf32>
    %eq3A_1315 = arith.cmpf oeq, %concatenate3A_1302, %eq3A_1314 : vector<256x1040xf32>
    %jit3A_1316 = arith.constant 0xFF800000 : f32
    %broadcast_in_dim3A_1317 = vector.broadcast %jit3A_1316 : f32 to vector<256x1040xf32>
    %select_n3A_1318 = arith.select %eq3A_1315, %broadcast_in_dim3A_1317, %concatenate3A_1296 : vector<256x1040xi1>, vector<256x1040xf32>
    %reduce_max3A_1319 = arith.constant dense<0xFF800000> : vector<256xf32>
    %reduce_max3A_1320 = vector.multi_reduction <maximumf>, %select_n3A_1318, %reduce_max3A_1319 [1] : vector<256x1040xf32> to vector<256xf32>
    %broadcast_in_dim3A_1321 = vector.shape_cast %reduce_max3A_1320 : vector<256xf32> to vector<256x1xf32>
    %eq3A_1322 = vector.broadcast %broadcast_in_dim3A_1321 : vector<256x1xf32> to vector<256x1040xf32>
    %eq3A_1323 = arith.cmpf oeq, %select_n3A_1318, %eq3A_1322 : vector<256x1040xf32>
    %jit3A_1324 = arith.constant 1.07374182E+9 : f32
    %broadcast_in_dim3A_1325 = vector.broadcast %jit3A_1324 : f32 to vector<256x1040xf32>
    %select_n3A_1326 = arith.select %eq3A_1323, %concatenate3A_1302, %broadcast_in_dim3A_1325 : vector<256x1040xi1>, vector<256x1040xf32>
    %reduce_min3A_1327 = arith.constant dense<0x7F800000> : vector<256xf32>
    %reduce_min3A_1328 = vector.multi_reduction <minimumf>, %select_n3A_1326, %reduce_min3A_1327 [1] : vector<256x1040xf32> to vector<256xf32>
    %broadcast_in_dim3A_1329 = vector.shape_cast %reduce_min3A_1328 : vector<256xf32> to vector<256x1xf32>
    %eq3A_1330 = vector.broadcast %broadcast_in_dim3A_1329 : vector<256x1xf32> to vector<256x1040xf32>
    %eq3A_1331 = arith.cmpf oeq, %concatenate3A_1302, %eq3A_1330 : vector<256x1040xf32>
    %jit3A_1332 = arith.constant 0xFF800000 : f32
    %broadcast_in_dim3A_1333 = vector.broadcast %jit3A_1332 : f32 to vector<256x1040xf32>
    %select_n3A_1334 = arith.select %eq3A_1331, %broadcast_in_dim3A_1333, %select_n3A_1318 : vector<256x1040xi1>, vector<256x1040xf32>
    %reduce_max3A_1335 = arith.constant dense<0xFF800000> : vector<256xf32>
    %reduce_max3A_1336 = vector.multi_reduction <maximumf>, %select_n3A_1334, %reduce_max3A_1335 [1] : vector<256x1040xf32> to vector<256xf32>
    %broadcast_in_dim3A_1337 = vector.shape_cast %reduce_max3A_1336 : vector<256xf32> to vector<256x1xf32>
    %eq3A_1338 = vector.broadcast %broadcast_in_dim3A_1337 : vector<256x1xf32> to vector<256x1040xf32>
    %eq3A_1339 = arith.cmpf oeq, %select_n3A_1334, %eq3A_1338 : vector<256x1040xf32>
    %jit3A_1340 = arith.constant 1.07374182E+9 : f32
    %broadcast_in_dim3A_1341 = vector.broadcast %jit3A_1340 : f32 to vector<256x1040xf32>
    %select_n3A_1342 = arith.select %eq3A_1339, %concatenate3A_1302, %broadcast_in_dim3A_1341 : vector<256x1040xi1>, vector<256x1040xf32>
    %reduce_min3A_1343 = arith.constant dense<0x7F800000> : vector<256xf32>
    %reduce_min3A_1344 = vector.multi_reduction <minimumf>, %select_n3A_1342, %reduce_min3A_1343 [1] : vector<256x1040xf32> to vector<256xf32>
    %broadcast_in_dim3A_1345 = vector.shape_cast %reduce_min3A_1344 : vector<256xf32> to vector<256x1xf32>
    %eq3A_1346 = vector.broadcast %broadcast_in_dim3A_1345 : vector<256x1xf32> to vector<256x1040xf32>
    %eq3A_1347 = arith.cmpf oeq, %concatenate3A_1302, %eq3A_1346 : vector<256x1040xf32>
    %jit3A_1348 = arith.constant 0xFF800000 : f32
    %broadcast_in_dim3A_1349 = vector.broadcast %jit3A_1348 : f32 to vector<256x1040xf32>
    %select_n3A_1350 = arith.select %eq3A_1347, %broadcast_in_dim3A_1349, %select_n3A_1334 : vector<256x1040xi1>, vector<256x1040xf32>
    %reduce_max3A_1351 = arith.constant dense<0xFF800000> : vector<256xf32>
    %reduce_max3A_1352 = vector.multi_reduction <maximumf>, %select_n3A_1350, %reduce_max3A_1351 [1] : vector<256x1040xf32> to vector<256xf32>
    %broadcast_in_dim3A_1353 = vector.shape_cast %reduce_max3A_1352 : vector<256xf32> to vector<256x1xf32>
    %eq3A_1354 = vector.broadcast %broadcast_in_dim3A_1353 : vector<256x1xf32> to vector<256x1040xf32>
    %eq3A_1355 = arith.cmpf oeq, %select_n3A_1350, %eq3A_1354 : vector<256x1040xf32>
    %jit3A_1356 = arith.constant 1.07374182E+9 : f32
    %broadcast_in_dim3A_1357 = vector.broadcast %jit3A_1356 : f32 to vector<256x1040xf32>
    %select_n3A_1358 = arith.select %eq3A_1355, %concatenate3A_1302, %broadcast_in_dim3A_1357 : vector<256x1040xi1>, vector<256x1040xf32>
    %reduce_min3A_1359 = arith.constant dense<0x7F800000> : vector<256xf32>
    %reduce_min3A_1360 = vector.multi_reduction <minimumf>, %select_n3A_1358, %reduce_min3A_1359 [1] : vector<256x1040xf32> to vector<256xf32>
    %broadcast_in_dim3A_1361 = vector.shape_cast %reduce_min3A_1360 : vector<256xf32> to vector<256x1xf32>
    %eq3A_1362 = vector.broadcast %broadcast_in_dim3A_1361 : vector<256x1xf32> to vector<256x1040xf32>
    %eq3A_1363 = arith.cmpf oeq, %concatenate3A_1302, %eq3A_1362 : vector<256x1040xf32>
    %jit3A_1364 = arith.constant 0xFF800000 : f32
    %broadcast_in_dim3A_1365 = vector.broadcast %jit3A_1364 : f32 to vector<256x1040xf32>
    %select_n3A_1366 = arith.select %eq3A_1363, %broadcast_in_dim3A_1365, %select_n3A_1350 : vector<256x1040xi1>, vector<256x1040xf32>
    %reduce_max3A_1367 = arith.constant dense<0xFF800000> : vector<256xf32>
    %reduce_max3A_1368 = vector.multi_reduction <maximumf>, %select_n3A_1366, %reduce_max3A_1367 [1] : vector<256x1040xf32> to vector<256xf32>
    %broadcast_in_dim3A_1369 = vector.shape_cast %reduce_max3A_1368 : vector<256xf32> to vector<256x1xf32>
    %eq3A_1370 = vector.broadcast %broadcast_in_dim3A_1369 : vector<256x1xf32> to vector<256x1040xf32>
    %eq3A_1371 = arith.cmpf oeq, %select_n3A_1366, %eq3A_1370 : vector<256x1040xf32>
    %jit3A_1372 = arith.constant 1.07374182E+9 : f32
    %broadcast_in_dim3A_1373 = vector.broadcast %jit3A_1372 : f32 to vector<256x1040xf32>
    %select_n3A_1374 = arith.select %eq3A_1371, %concatenate3A_1302, %broadcast_in_dim3A_1373 : vector<256x1040xi1>, vector<256x1040xf32>
    %reduce_min3A_1375 = arith.constant dense<0x7F800000> : vector<256xf32>
    %reduce_min3A_1376 = vector.multi_reduction <minimumf>, %select_n3A_1374, %reduce_min3A_1375 [1] : vector<256x1040xf32> to vector<256xf32>
    %broadcast_in_dim3A_1377 = vector.shape_cast %reduce_min3A_1376 : vector<256xf32> to vector<256x1xf32>
    %eq3A_1378 = vector.broadcast %broadcast_in_dim3A_1377 : vector<256x1xf32> to vector<256x1040xf32>
    %eq3A_1379 = arith.cmpf oeq, %concatenate3A_1302, %eq3A_1378 : vector<256x1040xf32>
    %jit3A_1380 = arith.constant 0xFF800000 : f32
    %broadcast_in_dim3A_1381 = vector.broadcast %jit3A_1380 : f32 to vector<256x1040xf32>
    %select_n3A_1382 = arith.select %eq3A_1379, %broadcast_in_dim3A_1381, %select_n3A_1366 : vector<256x1040xi1>, vector<256x1040xf32>
    %reduce_max3A_1383 = arith.constant dense<0xFF800000> : vector<256xf32>
    %reduce_max3A_1384 = vector.multi_reduction <maximumf>, %select_n3A_1382, %reduce_max3A_1383 [1] : vector<256x1040xf32> to vector<256xf32>
    %broadcast_in_dim3A_1385 = vector.shape_cast %reduce_max3A_1384 : vector<256xf32> to vector<256x1xf32>
    %eq3A_1386 = vector.broadcast %broadcast_in_dim3A_1385 : vector<256x1xf32> to vector<256x1040xf32>
    %eq3A_1387 = arith.cmpf oeq, %select_n3A_1382, %eq3A_1386 : vector<256x1040xf32>
    %jit3A_1388 = arith.constant 1.07374182E+9 : f32
    %broadcast_in_dim3A_1389 = vector.broadcast %jit3A_1388 : f32 to vector<256x1040xf32>
    %select_n3A_1390 = arith.select %eq3A_1387, %concatenate3A_1302, %broadcast_in_dim3A_1389 : vector<256x1040xi1>, vector<256x1040xf32>
    %reduce_min3A_1391 = arith.constant dense<0x7F800000> : vector<256xf32>
    %reduce_min3A_1392 = vector.multi_reduction <minimumf>, %select_n3A_1390, %reduce_min3A_1391 [1] : vector<256x1040xf32> to vector<256xf32>
    %broadcast_in_dim3A_1393 = vector.shape_cast %reduce_min3A_1392 : vector<256xf32> to vector<256x1xf32>
    %eq3A_1394 = vector.broadcast %broadcast_in_dim3A_1393 : vector<256x1xf32> to vector<256x1040xf32>
    %eq3A_1395 = arith.cmpf oeq, %concatenate3A_1302, %eq3A_1394 : vector<256x1040xf32>
    %jit3A_1396 = arith.constant 0xFF800000 : f32
    %broadcast_in_dim3A_1397 = vector.broadcast %jit3A_1396 : f32 to vector<256x1040xf32>
    %select_n3A_1398 = arith.select %eq3A_1395, %broadcast_in_dim3A_1397, %select_n3A_1382 : vector<256x1040xi1>, vector<256x1040xf32>
    %reduce_max3A_1399 = arith.constant dense<0xFF800000> : vector<256xf32>
    %reduce_max3A_1400 = vector.multi_reduction <maximumf>, %select_n3A_1398, %reduce_max3A_1399 [1] : vector<256x1040xf32> to vector<256xf32>
    %broadcast_in_dim3A_1401 = vector.shape_cast %reduce_max3A_1400 : vector<256xf32> to vector<256x1xf32>
    %eq3A_1402 = vector.broadcast %broadcast_in_dim3A_1401 : vector<256x1xf32> to vector<256x1040xf32>
    %eq3A_1403 = arith.cmpf oeq, %select_n3A_1398, %eq3A_1402 : vector<256x1040xf32>
    %jit3A_1404 = arith.constant 1.07374182E+9 : f32
    %broadcast_in_dim3A_1405 = vector.broadcast %jit3A_1404 : f32 to vector<256x1040xf32>
    %select_n3A_1406 = arith.select %eq3A_1403, %concatenate3A_1302, %broadcast_in_dim3A_1405 : vector<256x1040xi1>, vector<256x1040xf32>
    %reduce_min3A_1407 = arith.constant dense<0x7F800000> : vector<256xf32>
    %reduce_min3A_1408 = vector.multi_reduction <minimumf>, %select_n3A_1406, %reduce_min3A_1407 [1] : vector<256x1040xf32> to vector<256xf32>
    %broadcast_in_dim3A_1409 = vector.shape_cast %reduce_min3A_1408 : vector<256xf32> to vector<256x1xf32>
    %eq3A_1410 = vector.broadcast %broadcast_in_dim3A_1409 : vector<256x1xf32> to vector<256x1040xf32>
    %eq3A_1411 = arith.cmpf oeq, %concatenate3A_1302, %eq3A_1410 : vector<256x1040xf32>
    %jit3A_1412 = arith.constant 0xFF800000 : f32
    %broadcast_in_dim3A_1413 = vector.broadcast %jit3A_1412 : f32 to vector<256x1040xf32>
    %select_n3A_1414 = arith.select %eq3A_1411, %broadcast_in_dim3A_1413, %select_n3A_1398 : vector<256x1040xi1>, vector<256x1040xf32>
    %reduce_max3A_1415 = arith.constant dense<0xFF800000> : vector<256xf32>
    %reduce_max3A_1416 = vector.multi_reduction <maximumf>, %select_n3A_1414, %reduce_max3A_1415 [1] : vector<256x1040xf32> to vector<256xf32>
    %broadcast_in_dim3A_1417 = vector.shape_cast %reduce_max3A_1416 : vector<256xf32> to vector<256x1xf32>
    %eq3A_1418 = vector.broadcast %broadcast_in_dim3A_1417 : vector<256x1xf32> to vector<256x1040xf32>
    %eq3A_1419 = arith.cmpf oeq, %select_n3A_1414, %eq3A_1418 : vector<256x1040xf32>
    %jit3A_1420 = arith.constant 1.07374182E+9 : f32
    %broadcast_in_dim3A_1421 = vector.broadcast %jit3A_1420 : f32 to vector<256x1040xf32>
    %select_n3A_1422 = arith.select %eq3A_1419, %concatenate3A_1302, %broadcast_in_dim3A_1421 : vector<256x1040xi1>, vector<256x1040xf32>
    %reduce_min3A_1423 = arith.constant dense<0x7F800000> : vector<256xf32>
    %reduce_min3A_1424 = vector.multi_reduction <minimumf>, %select_n3A_1422, %reduce_min3A_1423 [1] : vector<256x1040xf32> to vector<256xf32>
    %broadcast_in_dim3A_1425 = vector.shape_cast %reduce_min3A_1424 : vector<256xf32> to vector<256x1xf32>
    %eq3A_1426 = vector.broadcast %broadcast_in_dim3A_1425 : vector<256x1xf32> to vector<256x1040xf32>
    %eq3A_1427 = arith.cmpf oeq, %concatenate3A_1302, %eq3A_1426 : vector<256x1040xf32>
    %jit3A_1428 = arith.constant 0xFF800000 : f32
    %broadcast_in_dim3A_1429 = vector.broadcast %jit3A_1428 : f32 to vector<256x1040xf32>
    %select_n3A_1430 = arith.select %eq3A_1427, %broadcast_in_dim3A_1429, %select_n3A_1414 : vector<256x1040xi1>, vector<256x1040xf32>
    %reduce_max3A_1431 = arith.constant dense<0xFF800000> : vector<256xf32>
    %reduce_max3A_1432 = vector.multi_reduction <maximumf>, %select_n3A_1430, %reduce_max3A_1431 [1] : vector<256x1040xf32> to vector<256xf32>
    %broadcast_in_dim3A_1433 = vector.shape_cast %reduce_max3A_1432 : vector<256xf32> to vector<256x1xf32>
    %eq3A_1434 = vector.broadcast %broadcast_in_dim3A_1433 : vector<256x1xf32> to vector<256x1040xf32>
    %eq3A_1435 = arith.cmpf oeq, %select_n3A_1430, %eq3A_1434 : vector<256x1040xf32>
    %jit3A_1436 = arith.constant 1.07374182E+9 : f32
    %broadcast_in_dim3A_1437 = vector.broadcast %jit3A_1436 : f32 to vector<256x1040xf32>
    %select_n3A_1438 = arith.select %eq3A_1435, %concatenate3A_1302, %broadcast_in_dim3A_1437 : vector<256x1040xi1>, vector<256x1040xf32>
    %reduce_min3A_1439 = arith.constant dense<0x7F800000> : vector<256xf32>
    %reduce_min3A_1440 = vector.multi_reduction <minimumf>, %select_n3A_1438, %reduce_min3A_1439 [1] : vector<256x1040xf32> to vector<256xf32>
    %broadcast_in_dim3A_1441 = vector.shape_cast %reduce_min3A_1440 : vector<256xf32> to vector<256x1xf32>
    %eq3A_1442 = vector.broadcast %broadcast_in_dim3A_1441 : vector<256x1xf32> to vector<256x1040xf32>
    %eq3A_1443 = arith.cmpf oeq, %concatenate3A_1302, %eq3A_1442 : vector<256x1040xf32>
    %jit3A_1444 = arith.constant 0xFF800000 : f32
    %broadcast_in_dim3A_1445 = vector.broadcast %jit3A_1444 : f32 to vector<256x1040xf32>
    %select_n3A_1446 = arith.select %eq3A_1443, %broadcast_in_dim3A_1445, %select_n3A_1430 : vector<256x1040xi1>, vector<256x1040xf32>
    %reduce_max3A_1447 = arith.constant dense<0xFF800000> : vector<256xf32>
    %reduce_max3A_1448 = vector.multi_reduction <maximumf>, %select_n3A_1446, %reduce_max3A_1447 [1] : vector<256x1040xf32> to vector<256xf32>
    %broadcast_in_dim3A_1449 = vector.shape_cast %reduce_max3A_1448 : vector<256xf32> to vector<256x1xf32>
    %eq3A_1450 = vector.broadcast %broadcast_in_dim3A_1449 : vector<256x1xf32> to vector<256x1040xf32>
    %eq3A_1451 = arith.cmpf oeq, %select_n3A_1446, %eq3A_1450 : vector<256x1040xf32>
    %jit3A_1452 = arith.constant 1.07374182E+9 : f32
    %broadcast_in_dim3A_1453 = vector.broadcast %jit3A_1452 : f32 to vector<256x1040xf32>
    %select_n3A_1454 = arith.select %eq3A_1451, %concatenate3A_1302, %broadcast_in_dim3A_1453 : vector<256x1040xi1>, vector<256x1040xf32>
    %reduce_min3A_1455 = arith.constant dense<0x7F800000> : vector<256xf32>
    %reduce_min3A_1456 = vector.multi_reduction <minimumf>, %select_n3A_1454, %reduce_min3A_1455 [1] : vector<256x1040xf32> to vector<256xf32>
    %broadcast_in_dim3A_1457 = vector.shape_cast %reduce_min3A_1456 : vector<256xf32> to vector<256x1xf32>
    %eq3A_1458 = vector.broadcast %broadcast_in_dim3A_1457 : vector<256x1xf32> to vector<256x1040xf32>
    %eq3A_1459 = arith.cmpf oeq, %concatenate3A_1302, %eq3A_1458 : vector<256x1040xf32>
    %jit3A_1460 = arith.constant 0xFF800000 : f32
    %broadcast_in_dim3A_1461 = vector.broadcast %jit3A_1460 : f32 to vector<256x1040xf32>
    %select_n3A_1462 = arith.select %eq3A_1459, %broadcast_in_dim3A_1461, %select_n3A_1446 : vector<256x1040xi1>, vector<256x1040xf32>
    %reduce_max3A_1463 = arith.constant dense<0xFF800000> : vector<256xf32>
    %reduce_max3A_1464 = vector.multi_reduction <maximumf>, %select_n3A_1462, %reduce_max3A_1463 [1] : vector<256x1040xf32> to vector<256xf32>
    %broadcast_in_dim3A_1465 = vector.shape_cast %reduce_max3A_1464 : vector<256xf32> to vector<256x1xf32>
    %eq3A_1466 = vector.broadcast %broadcast_in_dim3A_1465 : vector<256x1xf32> to vector<256x1040xf32>
    %eq3A_1467 = arith.cmpf oeq, %select_n3A_1462, %eq3A_1466 : vector<256x1040xf32>
    %jit3A_1468 = arith.constant 1.07374182E+9 : f32
    %broadcast_in_dim3A_1469 = vector.broadcast %jit3A_1468 : f32 to vector<256x1040xf32>
    %select_n3A_1470 = arith.select %eq3A_1467, %concatenate3A_1302, %broadcast_in_dim3A_1469 : vector<256x1040xi1>, vector<256x1040xf32>
    %reduce_min3A_1471 = arith.constant dense<0x7F800000> : vector<256xf32>
    %reduce_min3A_1472 = vector.multi_reduction <minimumf>, %select_n3A_1470, %reduce_min3A_1471 [1] : vector<256x1040xf32> to vector<256xf32>
    %broadcast_in_dim3A_1473 = vector.shape_cast %reduce_min3A_1472 : vector<256xf32> to vector<256x1xf32>
    %eq3A_1474 = vector.broadcast %broadcast_in_dim3A_1473 : vector<256x1xf32> to vector<256x1040xf32>
    %eq3A_1475 = arith.cmpf oeq, %concatenate3A_1302, %eq3A_1474 : vector<256x1040xf32>
    %jit3A_1476 = arith.constant 0xFF800000 : f32
    %broadcast_in_dim3A_1477 = vector.broadcast %jit3A_1476 : f32 to vector<256x1040xf32>
    %select_n3A_1478 = arith.select %eq3A_1475, %broadcast_in_dim3A_1477, %select_n3A_1462 : vector<256x1040xi1>, vector<256x1040xf32>
    %reduce_max3A_1479 = arith.constant dense<0xFF800000> : vector<256xf32>
    %reduce_max3A_1480 = vector.multi_reduction <maximumf>, %select_n3A_1478, %reduce_max3A_1479 [1] : vector<256x1040xf32> to vector<256xf32>
    %broadcast_in_dim3A_1481 = vector.shape_cast %reduce_max3A_1480 : vector<256xf32> to vector<256x1xf32>
    %eq3A_1482 = vector.broadcast %broadcast_in_dim3A_1481 : vector<256x1xf32> to vector<256x1040xf32>
    %eq3A_1483 = arith.cmpf oeq, %select_n3A_1478, %eq3A_1482 : vector<256x1040xf32>
    %jit3A_1484 = arith.constant 1.07374182E+9 : f32
    %broadcast_in_dim3A_1485 = vector.broadcast %jit3A_1484 : f32 to vector<256x1040xf32>
    %select_n3A_1486 = arith.select %eq3A_1483, %concatenate3A_1302, %broadcast_in_dim3A_1485 : vector<256x1040xi1>, vector<256x1040xf32>
    %reduce_min3A_1487 = arith.constant dense<0x7F800000> : vector<256xf32>
    %reduce_min3A_1488 = vector.multi_reduction <minimumf>, %select_n3A_1486, %reduce_min3A_1487 [1] : vector<256x1040xf32> to vector<256xf32>
    %broadcast_in_dim3A_1489 = vector.shape_cast %reduce_min3A_1488 : vector<256xf32> to vector<256x1xf32>
    %eq3A_1490 = vector.broadcast %broadcast_in_dim3A_1489 : vector<256x1xf32> to vector<256x1040xf32>
    %eq3A_1491 = arith.cmpf oeq, %concatenate3A_1302, %eq3A_1490 : vector<256x1040xf32>
    %jit3A_1492 = arith.constant 0xFF800000 : f32
    %broadcast_in_dim3A_1493 = vector.broadcast %jit3A_1492 : f32 to vector<256x1040xf32>
    %select_n3A_1494 = arith.select %eq3A_1491, %broadcast_in_dim3A_1493, %select_n3A_1478 : vector<256x1040xi1>, vector<256x1040xf32>
    %reduce_max3A_1495 = arith.constant dense<0xFF800000> : vector<256xf32>
    %reduce_max3A_1496 = vector.multi_reduction <maximumf>, %select_n3A_1494, %reduce_max3A_1495 [1] : vector<256x1040xf32> to vector<256xf32>
    %broadcast_in_dim3A_1497 = vector.shape_cast %reduce_max3A_1496 : vector<256xf32> to vector<256x1xf32>
    %eq3A_1498 = vector.broadcast %broadcast_in_dim3A_1497 : vector<256x1xf32> to vector<256x1040xf32>
    %eq3A_1499 = arith.cmpf oeq, %select_n3A_1494, %eq3A_1498 : vector<256x1040xf32>
    %jit3A_1500 = arith.constant 1.07374182E+9 : f32
    %broadcast_in_dim3A_1501 = vector.broadcast %jit3A_1500 : f32 to vector<256x1040xf32>
    %select_n3A_1502 = arith.select %eq3A_1499, %concatenate3A_1302, %broadcast_in_dim3A_1501 : vector<256x1040xi1>, vector<256x1040xf32>
    %reduce_min3A_1503 = arith.constant dense<0x7F800000> : vector<256xf32>
    %reduce_min3A_1504 = vector.multi_reduction <minimumf>, %select_n3A_1502, %reduce_min3A_1503 [1] : vector<256x1040xf32> to vector<256xf32>
    %broadcast_in_dim3A_1505 = vector.shape_cast %reduce_min3A_1504 : vector<256xf32> to vector<256x1xf32>
    %eq3A_1506 = vector.broadcast %broadcast_in_dim3A_1505 : vector<256x1xf32> to vector<256x1040xf32>
    %eq3A_1507 = arith.cmpf oeq, %concatenate3A_1302, %eq3A_1506 : vector<256x1040xf32>
    %jit3A_1508 = arith.constant 0xFF800000 : f32
    %broadcast_in_dim3A_1509 = vector.broadcast %jit3A_1508 : f32 to vector<256x1040xf32>
    %select_n3A_1510 = arith.select %eq3A_1507, %broadcast_in_dim3A_1509, %select_n3A_1494 : vector<256x1040xi1>, vector<256x1040xf32>
    %reduce_max3A_1511 = arith.constant dense<0xFF800000> : vector<256xf32>
    %reduce_max3A_1512 = vector.multi_reduction <maximumf>, %select_n3A_1510, %reduce_max3A_1511 [1] : vector<256x1040xf32> to vector<256xf32>
    %broadcast_in_dim3A_1513 = vector.shape_cast %reduce_max3A_1512 : vector<256xf32> to vector<256x1xf32>
    %eq3A_1514 = vector.broadcast %broadcast_in_dim3A_1513 : vector<256x1xf32> to vector<256x1040xf32>
    %eq3A_1515 = arith.cmpf oeq, %select_n3A_1510, %eq3A_1514 : vector<256x1040xf32>
    %jit3A_1516 = arith.constant 1.07374182E+9 : f32
    %broadcast_in_dim3A_1517 = vector.broadcast %jit3A_1516 : f32 to vector<256x1040xf32>
    %select_n3A_1518 = arith.select %eq3A_1515, %concatenate3A_1302, %broadcast_in_dim3A_1517 : vector<256x1040xi1>, vector<256x1040xf32>
    %reduce_min3A_1519 = arith.constant dense<0x7F800000> : vector<256xf32>
    %reduce_min3A_1520 = vector.multi_reduction <minimumf>, %select_n3A_1518, %reduce_min3A_1519 [1] : vector<256x1040xf32> to vector<256xf32>
    %broadcast_in_dim3A_1521 = vector.shape_cast %reduce_min3A_1520 : vector<256xf32> to vector<256x1xf32>
    %eq3A_1522 = vector.broadcast %broadcast_in_dim3A_1521 : vector<256x1xf32> to vector<256x1040xf32>
    %eq3A_1523 = arith.cmpf oeq, %concatenate3A_1302, %eq3A_1522 : vector<256x1040xf32>
    %jit3A_1524 = arith.constant 0xFF800000 : f32
    %broadcast_in_dim3A_1525 = vector.broadcast %jit3A_1524 : f32 to vector<256x1040xf32>
    %select_n3A_1526 = arith.select %eq3A_1523, %broadcast_in_dim3A_1525, %select_n3A_1510 : vector<256x1040xi1>, vector<256x1040xf32>
    %reduce_max3A_1527 = arith.constant dense<0xFF800000> : vector<256xf32>
    %reduce_max3A_1528 = vector.multi_reduction <maximumf>, %select_n3A_1526, %reduce_max3A_1527 [1] : vector<256x1040xf32> to vector<256xf32>
    %broadcast_in_dim3A_1529 = vector.shape_cast %reduce_max3A_1528 : vector<256xf32> to vector<256x1xf32>
    %eq3A_1530 = vector.broadcast %broadcast_in_dim3A_1529 : vector<256x1xf32> to vector<256x1040xf32>
    %eq3A_1531 = arith.cmpf oeq, %select_n3A_1526, %eq3A_1530 : vector<256x1040xf32>
    %jit3A_1532 = arith.constant 1.07374182E+9 : f32
    %broadcast_in_dim3A_1533 = vector.broadcast %jit3A_1532 : f32 to vector<256x1040xf32>
    %select_n3A_1534 = arith.select %eq3A_1531, %concatenate3A_1302, %broadcast_in_dim3A_1533 : vector<256x1040xi1>, vector<256x1040xf32>
    %reduce_min3A_1535 = arith.constant dense<0x7F800000> : vector<256xf32>
    %reduce_min3A_1536 = vector.multi_reduction <minimumf>, %select_n3A_1534, %reduce_min3A_1535 [1] : vector<256x1040xf32> to vector<256xf32>
    %broadcast_in_dim3A_1537 = vector.shape_cast %reduce_min3A_1536 : vector<256xf32> to vector<256x1xf32>
    %eq3A_1538 = vector.broadcast %broadcast_in_dim3A_1537 : vector<256x1xf32> to vector<256x1040xf32>
    %eq3A_1539 = arith.cmpf oeq, %concatenate3A_1302, %eq3A_1538 : vector<256x1040xf32>
    %jit3A_1540 = arith.constant 0xFF800000 : f32
    %broadcast_in_dim3A_1541 = vector.broadcast %jit3A_1540 : f32 to vector<256x1040xf32>
    %select_n3A_1542 = arith.select %eq3A_1539, %broadcast_in_dim3A_1541, %select_n3A_1526 : vector<256x1040xi1>, vector<256x1040xf32>
    %reduce_max3A_1543 = arith.constant dense<0xFF800000> : vector<256xf32>
    %reduce_max3A_1544 = vector.multi_reduction <maximumf>, %select_n3A_1542, %reduce_max3A_1543 [1] : vector<256x1040xf32> to vector<256xf32>
    %broadcast_in_dim3A_1545 = vector.shape_cast %reduce_max3A_1544 : vector<256xf32> to vector<256x1xf32>
    %eq3A_1546 = vector.broadcast %broadcast_in_dim3A_1545 : vector<256x1xf32> to vector<256x1040xf32>
    %eq3A_1547 = arith.cmpf oeq, %select_n3A_1542, %eq3A_1546 : vector<256x1040xf32>
    %jit3A_1548 = arith.constant 1.07374182E+9 : f32
    %broadcast_in_dim3A_1549 = vector.broadcast %jit3A_1548 : f32 to vector<256x1040xf32>
    %select_n3A_1550 = arith.select %eq3A_1547, %concatenate3A_1302, %broadcast_in_dim3A_1549 : vector<256x1040xi1>, vector<256x1040xf32>
    %reduce_min3A_1551 = arith.constant dense<0x7F800000> : vector<256xf32>
    %reduce_min3A_1552 = vector.multi_reduction <minimumf>, %select_n3A_1550, %reduce_min3A_1551 [1] : vector<256x1040xf32> to vector<256xf32>
    %broadcast_in_dim3A_1553 = vector.shape_cast %reduce_min3A_1552 : vector<256xf32> to vector<256x1xf32>
    %concatenate3A_1554 = tpu.concatenate %broadcast_in_dim3A_1305, %broadcast_in_dim3A_1321, %broadcast_in_dim3A_1337, %broadcast_in_dim3A_1353, %broadcast_in_dim3A_1369, %broadcast_in_dim3A_1385, %broadcast_in_dim3A_1401, %broadcast_in_dim3A_1417, %broadcast_in_dim3A_1433, %broadcast_in_dim3A_1449, %broadcast_in_dim3A_1465, %broadcast_in_dim3A_1481, %broadcast_in_dim3A_1497, %broadcast_in_dim3A_1513, %broadcast_in_dim3A_1529, %broadcast_in_dim3A_1545 in 1 : vector<256x1xf32>, vector<256x1xf32>, vector<256x1xf32>, vector<256x1xf32>, vector<256x1xf32>, vector<256x1xf32>, vector<256x1xf32>, vector<256x1xf32>, vector<256x1xf32>, vector<256x1xf32>, vector<256x1xf32>, vector<256x1xf32>, vector<256x1xf32>, vector<256x1xf32>, vector<256x1xf32>, vector<256x1xf32> -> vector<256x16xf32>
    %concatenate3A_1555 = tpu.concatenate %broadcast_in_dim3A_1313, %broadcast_in_dim3A_1329, %broadcast_in_dim3A_1345, %broadcast_in_dim3A_1361, %broadcast_in_dim3A_1377, %broadcast_in_dim3A_1393, %broadcast_in_dim3A_1409, %broadcast_in_dim3A_1425, %broadcast_in_dim3A_1441, %broadcast_in_dim3A_1457, %broadcast_in_dim3A_1473, %broadcast_in_dim3A_1489, %broadcast_in_dim3A_1505, %broadcast_in_dim3A_1521, %broadcast_in_dim3A_1537, %broadcast_in_dim3A_1553 in 1 : vector<256x1xf32>, vector<256x1xf32>, vector<256x1xf32>, vector<256x1xf32>, vector<256x1xf32>, vector<256x1xf32>, vector<256x1xf32>, vector<256x1xf32>, vector<256x1xf32>, vector<256x1xf32>, vector<256x1xf32>, vector<256x1xf32>, vector<256x1xf32>, vector<256x1xf32>, vector<256x1xf32>, vector<256x1xf32> -> vector<256x16xf32>
    %convert_element_type3A_1556 = arith.fptosi %concatenate3A_1555 : vector<256x16xf32> to vector<256x16xi32>
    %swap3A = arith.constant 0 : index
    %swap3A_1557 = arith.constant 0 : index
    %swap3A_1558 = vector.load %arg5[%swap3A, %swap3A_1557] : memref<256x16xf32, #tpu.memory_space<vmem>>, vector<256x16xf32>
    tpu.vector_store %arg5[%swap3A, %swap3A_1557], %concatenate3A_1554 {strides = array<i32>} : memref<256x16xf32, #tpu.memory_space<vmem>>, vector<256x16xf32>,
    %swap3A_1559 = arith.constant 0 : index
    %swap3A_1560 = arith.constant 0 : index
    %swap3A_1561 = vector.load %arg6[%swap3A_1559, %swap3A_1560] : memref<256x16xi32, #tpu.memory_space<vmem>>, vector<256x16xi32>
    tpu.vector_store %arg6[%swap3A_1559, %swap3A_1560], %convert_element_type3A_1556 {strides = array<i32>} : memref<256x16xi32, #tpu.memory_space<vmem>>, vector<256x16xi32>,
    %eq3A_1562 = arith.constant 12 : i32
    %eq3A_1563 = arith.cmpi eq, %arg1, %eq3A_1562 : i32
    %convert_element_type3A_1564 = arith.extui %eq3A_1563 : i1 to i32
    %cond3A_1565 = arith.constant 0 : i32
    %cond3A_1566 = arith.cmpi ne, %convert_element_type3A_1564, %cond3A_1565 : i32
    scf.if %cond3A_1566 {
      %swap3A_1567 = arith.constant 0 : index
      %swap3A_1568 = arith.constant 0 : index
      %swap3A_1569 = vector.load %arg4[%swap3A_1567, %swap3A_1568] : memref<256x16xi32, #tpu.memory_space<vmem>>, vector<256x16xi32>
      tpu.vector_store %arg4[%swap3A_1567, %swap3A_1568], %convert_element_type3A_1556 {strides = array<i32>} : memref<256x16xi32, #tpu.memory_space<vmem>>, vector<256x16xi32>,
    } else {
    }
    return
  }
  func.func @transform_0(%arg0: i32, %arg1: i32) -> (i32, i32) {
    %c0_i32 = arith.constant 0 : i32
    %c0_i32_0 = arith.constant 0 : i32
    return %arg0, %c0_i32 : i32, i32
  }
  func.func @transform_1(%arg0: i32, %arg1: i32) -> (i32, i32) {
    %c0_i32 = arith.constant 0 : i32
    %c0_i32_0 = arith.constant 0 : i32
    return %arg1, %c0_i32 : i32, i32
  }
  func.func @transform_2(%arg0: i32, %arg1: i32) -> (i32, i32) {
    %c0_i32 = arith.constant 0 : i32
    %c0_i32_0 = arith.constant 0 : i32
    return %arg0, %c0_i32 : i32, i32
  }
}

</mosaic_0001>

<sc_bundles>
// kernel: kernel.4.cloned.1.call-start
scs
__scs_entry_jumppad:
0x0: {  	(pc) =	sbr.rel $0x88, $3  }
0x1: {  	(tag) =	ssettag $0x0;
	lr =	simm.s32 $0x1  }
0x2: {  	[smem:$0x3F9E] =	sst lr;
	_ =	strace $0xD0000000  }
0x3: {  	_ = 	snop  }
0x4: {  	_ = 	snop  }
0x5: {  	_ = 	snop  }
0x6: {  	_ = 	snop  }
0x7: {  	_ = 	snop  }
__scs_overlays_trampoline_lowered:
0x8: {  	[smem:$0x3FAD] =	sst s0  }
0x9: {  	[smem:$0x3FAE] =	sst s1  }
0xa: {  	[smem:$0x3FAF] =	sst s2  }
0xb: {  	[smem:$0x3FB0] =	sst s3  }
0xc: {  	[smem:$0x3FB1] =	sst s4  }
0xd: {  	[smem:$0x3FB2] =	sst s5  }
0xe: {  	[smem:$0x3FB3] =	sst s6  }
0xf: {  	[smem:$0x3FB4] =	sst s7  }
0x10: {  	[smem:$0x3FB5] =	sst s8  }
0x11: {  	[smem:$0x3FB6] =	sst s9;
	s0 =	simm.s32 @!p0 $0x0  }
0x12: {  	s1 =	sld [smem:$0x3F9C];
	s0 =	simm.s32 @p0 $0x1  }
0x13: {  	[smem:$0x3FB7] =	sst s0;
	s0 =	simm.s32 @!p1 $0x0  }
0x14: {  	s2 =	sld [smem:$0x3F9B];
	s0 =	simm.s32 @p1 $0x1  }
0x15: {  	[smem:$0x3FB8] =	sst s0;
	s0 =	simm.s32 @!p2 $0x0  }
0x16: {  	s3 =	sld [smem:$0x3FDB];
	s0 =	simm.s32 @p2 $0x1  }
0x17: {  	s4 =	simm.s32 $0x1BF5;
	[smem:$0x3FBA] =	sst s0  }
0x18: {  	s0 =	sld [smem:$0x3F9D];
	_ =	swait.ge [sflag:s4], $0x0  }
0x19: {  	s7 =	sld [smem:$0x3F9E]  }
0x1a: {  	s8 =	sadd.s32 $0xFFFFE003, lr  }
0x1b: {  	s9 =	sadd.s32 $0xFFFFFEF7, lr;
	s5 =	simm.s32 $0xFFFFFFFF;
	p2 =	slt.u32 s8, $0xFFFFF086  }
0x1c: {  	p1 =	slt.u32 s9, $0xF7A;
	s5 =	simm.s32 @!p2 $0x0  }
0x1d: {  	s5 =	simm.s32 @p1 $0x1;
	p0 =	seq.s32 s7, s2  }
0x1e: {  	s7 =	smul.u32 @!p0 $0xF7A, s2;
	p2 =	seq.s32 @!p0 s5, $0x0  }
0x1f: {  	s9 =	smul.u32 $0xF7A, s1;
	s8 =	simm.s32 @!p0 $0x1BF5;
	p2 =	por !p2, p0  }
0x20: {  	[sflag:s8] =	ssyncset.s32 @!p0 $0xFFFFF086;
	s6 =	sadd.s32 @!p0 s3, s7;
	s7 =	simm.s32 @!p0 $0x108  }
0x21: {  	s3 =	sadd.s32 s3, s9;
	s6 =	sadd.s32 @!p0 $0x88, s6;
	s7 =	simm.s32 @p2 $0x1082  }
0x22: {  	[simem:s7], [sflag:s8] =	dma.local @!p0 [hbm:s6], $0xF7A  }
0x23: {  	s9 =	sor.u32 $0xD0000000, s2;
	s6 =	simm.s32 $0x108;
	_ =	swait.ge @!p0 [sflag:s8], $0x0  }
0x24: {  	s3 =	sadd.s32 $0x88, s3;
	s6 =	simm.s32 @!p1 $0x1082;
	[sflag:s4] =	ssyncset.s32 $0xFFFFF086  }
0x25: {  	[simem:s6], [sflag:s4] =	dma.local [hbm:s3], $0xF7A  }
0x26: {  	[smem:$0x3F9E] =	sst s1;
	(tag) =	ssettag s2;
	_ =	strace s9  }
0x27: {  	s1 =	sld [smem:$0x3FAE]  }
0x28: {  	s2 =	sld [smem:$0x3FAF]  }
0x29: {  	s4 =	sld [smem:$0x3FB1]  }
0x2a: {  	p0 =	seq.s32 s5, $0x0;
	s5 =	sld [smem:$0x3FB2]  }
0x2b: {  	s6 =	sld [smem:$0x3FB3]  }
0x2c: {  	s7 =	sld [smem:$0x3FB4]  }
0x2d: {  	s3 =	simm.s32 $0x108;
	s8 =	sld [smem:$0x3FB5]  }
0x2e: {  	s3 =	simm.s32 @!p0 $0x1082;
	s9 =	sld [smem:$0x3FB6]  }
0x2f: {  	lr =	sadd.s32 s0, s3;
	s0 =	sld [smem:$0x3FAD]  }
0x30: {  	s3 =	sld [smem:$0x3FB0]  }
0x31: {  	[smem:$0x3FB9] =	sst s10  }
0x32: {  	s10 =	sld [smem:$0x3FB7];
	_ =	sdelay $0x3  }
0x33: {  	p0 =	seq.s32 s10, $0x1;
	s10 =	sld [smem:$0x3FB9];
	_ =	sdelay $0x3  }
0x34: {  	[smem:$0x3FB9] =	sst s10  }
0x35: {  	s10 =	sld [smem:$0x3FB8];
	_ =	sdelay $0x3  }
0x36: {  	p1 =	seq.s32 s10, $0x1;
	s10 =	sld [smem:$0x3FB9];
	_ =	sdelay $0x3  }
0x37: {  	[smem:$0x3FB9] =	sst s10  }
0x38: {  	s10 =	sld [smem:$0x3FBA]  }
0x39: {  	_ = 	snop;
	(pc) =	sbr.ind lr, $3  }
0x3a: {  	_ = 	snop  }
0x3b: {  	_ = 	snop  }
0x3c: {  	p2 =	seq.s32 s10, $0x1;
	s10 =	sld [smem:$0x3FB9]  }
0x3d: {  	_ =	shalt  }
0x3e: {  	_ =	shalt  }
0x3f: {  	_ =	shalt  }
0x40: {  	_ =	shalt  }
0x41: {  	_ =	shalt  }
0x42: {  	_ =	shalt  }
0x43: {  	_ =	shalt  }
0x44: {  	_ =	shalt  }
0x45: {  	_ =	shalt  }
0x46: {  	_ =	shalt  }
0x47: {  	_ =	shalt  }
0x48: {  	_ =	shalt  }
0x49: {  	_ =	shalt  }
0x4a: {  	_ =	shalt  }
0x4b: {  	_ =	shalt  }
0x4c: {  	_ =	shalt  }
0x4d: {  	_ =	shalt  }
0x4e: {  	_ =	shalt  }
0x4f: {  	_ =	shalt  }
0x50: {  	_ =	shalt  }
0x51: {  	_ =	shalt  }
0x52: {  	_ =	shalt  }
0x53: {  	_ =	shalt  }
0x54: {  	_ =	shalt  }
0x55: {  	_ =	shalt  }
0x56: {  	_ =	shalt  }
0x57: {  	_ =	shalt  }
0x58: {  	_ =	shalt  }
0x59: {  	_ =	shalt  }
0x5a: {  	_ =	shalt  }
0x5b: {  	_ =	shalt  }
0x5c: {  	_ =	shalt  }
0x5d: {  	_ =	shalt  }
0x5e: {  	_ =	shalt  }
0x5f: {  	_ =	shalt  }
0x60: {  	_ =	shalt  }
0x61: {  	_ =	shalt  }
0x62: {  	_ =	shalt  }
0x63: {  	_ =	shalt  }
0x64: {  	_ =	shalt  }
0x65: {  	_ =	shalt  }
0x66: {  	_ =	shalt  }
0x67: {  	_ =	shalt  }
0x68: {  	_ =	shalt  }
0x69: {  	_ =	shalt  }
0x6a: {  	_ =	shalt  }
0x6b: {  	_ =	shalt  }
0x6c: {  	_ =	shalt  }
0x6d: {  	_ =	shalt  }
0x6e: {  	_ =	shalt  }
0x6f: {  	_ =	shalt  }
0x70: {  	_ =	shalt  }
0x71: {  	_ =	shalt  }
0x72: {  	_ =	shalt  }
0x73: {  	_ =	shalt  }
0x74: {  	_ =	shalt  }
0x75: {  	_ =	shalt  }
0x76: {  	_ =	shalt  }
0x77: {  	_ =	shalt  }
0x78: {  	_ =	shalt  }
0x79: {  	_ =	shalt  }
0x7a: {  	_ =	shalt  }
0x7b: {  	_ =	shalt  }
0x7c: {  	_ =	shalt  }
0x7d: {  	_ =	shalt  }
0x7e: {  	_ =	shalt  }
0x7f: {  	_ =	shalt  }
0x80: {  	_ =	shalt  }
0x81: {  	_ =	shalt  }
0x82: {  	_ =	shalt  }
0x83: {  	_ =	shalt  }
0x84: {  	_ =	shalt  }
0x85: {  	_ =	shalt  }
0x86: {  	_ =	shalt  }
0x87: {  	_ =	shalt  }
.Lfunc_end0:
.L_simem_size_0:
called_computation_lowered:
.L_overlay_start_0:
0x88: {  	s2 =	sld [smem:$0x3FD9]  }
0x89: {  	s3 =	sld [smem:$0x3FFE];
	_ =	sdelay $0x1  }
0x8a: {  	s1 =	srdreg.scid  }
0x8b: {  	s0 =	sand.u32 $0x1, s1  }
0x8c: {  	s16 =	sshll.u32 s0, $0xA;
	s2 =	sadd.s32 s3, s2  }
0x8d: {  	s2 =	sadd.s32 s2, s16  }
0x8e: {  	[smem:$0x3FC5] =	sst s2  }
0x8f: {  	_ = 	snop  }
0x90: {  	(tm) =	ssettm $0x1  }
0x91: {  	s17 =	sld [smem:$0x3FFB];
	_ =	sdelay $0x3  }
0x92: {  	_ =	strace s17  }
0x93: {  	s2 =	sld [smem:$0x3FFC];
	_ =	sdelay $0x3  }
0x94: {  	_ =	strace s2  }
0x95: {  	s2 =	sld [smem:$0x3FFD];
	_ =	sdelay $0x3  }
0x96: {  	_ =	strace s2  }
0x97: {  	_ =	strace $0x8FFFFFFF  }
0x98: {  	s18 =	sld [smem:$0x3FDB];
	_ =	sdelay $0x1  }
0x99: {  	s19 =	simm.s32 $_scs_section_size  }
0x9a: {  	s4 =	simm.s32 $_size__tile_overlayer_lowered;
	s5 =	simm.s32 $_tile_overlayer_lowered  }
0x9b: {  	s22 =	simm.s32 $0x1BFF;
	s21 =	sshll.u32 s5, $0x1;
	s2 =	sadd.s32 s19, s18  }
0x9c: {  	s6 =	simm.s32 $0x0;
	s20 =	sshll.u32 s4, $0x1;
	s4 =	sadd.s32 s21, s2  }
0x9d: {  	[timem:s6], [sflag:s22] =	dma.local [hbm:s4], s20  }
0x9e: {  	_ =	swait.ge [sflag:s22], s20  }
0x9f: {  	s3 =	ssub.s32 $0x0, s20;
	[sflag:s22] =	ssyncset.done $0x0  }
0xa0: {  	[sflag:s22] =	ssyncadd.s32 s3;
	_ =	sdelay $0x1  }
0xa1: {  	s23 =	simm.s32 $0x1B8B  }
0xa2: {  	_ =	swait.ge [sflag:s23], $0x1  }
0xa3: {  	[sflag:s23] =	ssyncset.done $0x0  }
0xa4: {  	s25 =	simm.s32 $0x1B8E;
	s24 =	sld [smem:$0x3FFE];
	[sflag:s23] =	ssyncadd.s32 $0xFFFFFFFF  }
0xa5: {  	s26 =	simm.s32 $execute0_lowered;
	[smem:$0x3FD2] =	sst s25  }
0xa6: {  	s4 =	sshll.u32 s26, $0x1;
	_ =	strace $0x80000046;
	[dreg:$0x1] =	wrdreg $0xFFFFFFFF  }
0xa7: {  	s28 =	simm.s32 $_size_execute0_lowered;
	s2 =	sadd.s32 s2, s4;
	[dreg:$0x0] =	wrdreg $0x0  }
0xa8: {  	s4 =	sshll.u32 s28, $0x1;
	[dreg:$0x2] =	wrdreg s2  }
0xa9: {  	[dreg:$0x3] =	wrdreg s4  }
0xaa: {  	[dreg:$0x4] =	wrdreg $0xC0  }
0xab: {  	_ =	task [dreg:s6], $0x5FFFF  }
0xac: {  	[dreg:$0x1] =	wrdreg $0xFFFFFFFF  }
0xad: {  	[dreg:$0x0] =	wrdreg $0x60  }
0xae: {  	[dreg:$0x2] =	wrdreg s24  }
0xaf: {  	[dreg:$0x3] =	wrdreg $0x9  }
0xb0: {  	_ =	task.clear_ibuf [dreg:s6], $0x4FFFF;
	_ =	strace $0x90000046  }
0xb1: {  	s29 =	simm.s32 $0x9;
	_ =	strace $0x80000048  }
0xb2: {  	_ =	swait.ge [sflag:s29], $0x1  }
0xb3: {  	[sflag:s29] =	ssyncadd.s32 $0xFFFFFFFF  }
0xb4: {  	_ =	strace $0x90000048  }
0xb5: {  	_ =	sfence  }
0xb6: {  	s30 =	sld [smem:$0x0];
	_ =	sdelay $0x2  }
0xb7: {  	s31 =	sshll.u32 s1, $0xD;
	s1 =	sshrl.u32 s1, $0x2  }
0xb8: {  	s3 =	sand.u32 $0x4000, s31;
	s1 =	sadd.s32 s1, s30  }
0xb9: {  	s0 =	sor.u32 s3, s0;
	s1 =	sshll.u32 s1, $0x11  }
0xba: {  	s0 =	sor.u32 s1, s0  }
0xbb: {  	s0 =	sadd.s32 $0x8F2B, s0  }
0xbc: {  	[sflag:s0] =	ssyncadd.remote.s32 $0x1  }
0xbd: {  	_ =	sfence.sel $0xFFFF  }
0xbe: {  	[dreg:$0x0] =	wrdreg $0xFFFFFFFF;
	(pc) =	sbr.abs _section_cstart, $3  }
0xbf: {  	[dreg:$0x1] =	wrdreg $0xFFFFFFFF  }
0xc0: {  	_ =	task.clear_ibuf [dreg:s6], $0x2FFFF;
	_ =	strace $0x9FFFFFFF  }
0xc1: {  	(tm) =	ssettm $0x7FFFFFFF  }
tec
execute0_lowered:
.L_overlay_start_1:
0x0: {  	(tag) =	ssettag $0x1  }
0x1: {  	s4 =	rddreg [dreg:$0x0]  }
0x2: {  	s0 =	rddreg [dreg:$0x1];
	s2 =	simm.s32 $0x0;
	s3 =	srdreg.scid  }
0x3: {  	s1 =	stileid.u32;
	s9 =	simm.s32 $0x1;
	s10 =	simm.s32 $0x4000  }
0x4: {  	[smem:$0x7FF] =	sst s2;
	s5 =	sand.u32 $0x1, s3;
	s31 =	sshll.u32 s1, $0x1  }
0x5: {  	s3 =	sadd.s32 $0x187000, s4;
	_ =	strace $0x80000047;
	s6 =	sor.u32 s5, s31  }
0x6: {  	s5 =	ssub.s32 $0x2, s5;
	s7 =	sshll.u32 s6, $0xA;
	s6 =	sshll.u32 s6, $0x9  }
0x7: {  	s8 =	sshrl.u32 s5, $0x1;
	s7 =	sadd.s32 s7, s4;
	s6 =	sadd.s32 s6, s4  }
0x8: {  	s8 =	ssub.s32 s5, s8;
	s4 =	sadd.s32 $0x600, s7;
	s5 =	sadd.s32 $0x8600, s6  }
0x9: {  	s6 =	smax.u32 s8, $0x1;
	s7 =	simm.s32 $0x2;
	s8 =	simm.s32 $0x2000  }
.LBB2_1:
0xa: {  	[tilespmem:s2], [sflag:$0x2] =	stream.linear.gather [hbm4b:s4+s2], $0x2000, $0x38;
	[tilespmem:$0x5000] =	vst v63  }
0xb: {  	_ =	swait.ge [sflag:s7], $0x2000  }
0xc: {  	[sflag:s7] =	ssyncset.done $0x0  }
0xd: {  	[sflag:s7] =	ssyncadd.s32 $0xFFFFE000  }
0xe: {  	[tilespmem:s8], [sflag:$0x1] =	stream.indirect.gather [hbm4b:s3+s8], $0x1, s2, s8, $0xb8;
	[tilespmem:$0x5000] =	vst v63  }
0xf: {  	_ =	swait.ge [sflag:s9], $0x2000  }
0x10: {  	[sflag:s9] =	ssyncset.done $0x0  }
0x11: {  	[sflag:s9] =	ssyncadd.s32 $0xFFFFE000  }
0x12: {  	v0 =	vld [tilespmem:$0x2000]  }
0x13: {  	v1 =	vld [tilespmem:$0x2010]  }
0x14: {  	v2 =	vld [tilespmem:$0x2020]  }
0x15: {  	v3 =	vld [tilespmem:$0x2030]  }
0x16: {  	v4 =	vld [tilespmem:$0x2040]  }
0x17: {  	v5 =	vld [tilespmem:$0x2050]  }
0x18: {  	v6 =	vld [tilespmem:$0x2060]  }
0x19: {  	v7 =	vld [tilespmem:$0x2070]  }
0x1a: {  	v8 =	vld [tilespmem:$0x2100]  }
0x1b: {  	v9 =	vld [tilespmem:$0x2110]  }
0x1c: {  	v10 =	vld [tilespmem:$0x2080]  }
0x1d: {  	v11 =	vld [tilespmem:$0x2120]  }
0x1e: {  	v12 =	vld [tilespmem:$0x2090]  }
0x1f: {  	v48 =	vld [tilespmem:$0x2130]  }
0x20: {  	v13 =	vld [tilespmem:$0x20A0]  }
0x21: {  	v49 =	vld [tilespmem:$0x2140]  }
0x22: {  	v50 =	vld [tilespmem:$0x20B0]  }
0x23: {  	v51 =	vld [tilespmem:$0x2150]  }
0x24: {  	v52 =	vld [tilespmem:$0x20C0]  }
0x25: {  	v53 =	vld [tilespmem:$0x2160]  }
0x26: {  	v54 =	vld [tilespmem:$0x20D0]  }
0x27: {  	v55 =	vld [tilespmem:$0x2170]  }
0x28: {  	v56 =	vld [tilespmem:$0x20E0]  }
0x29: {  	v57 =	vld [tilespmem:$0x2180]  }
0x2a: {  	v58 =	vld [tilespmem:$0x20F0]  }
0x2b: {  	v59 =	vld [tilespmem:$0x2190]  }
0x2c: {  	v60 =	vld [tilespmem:$0x21A0]  }
0x2d: {  	v61 =	vld [tilespmem:$0x21B0]  }
0x2e: {  	v62 =	vld [tilespmem:$0x21C0]  }
0x2f: {  	v63 =	vld [tilespmem:$0x21D0]  }
0x30: {  	v16 =	vld [tilespmem:$0x21E0]  }
0x31: {  	v17 =	vld [tilespmem:$0x21F0]  }
0x32: {  	v25 =	vld [tilespmem:$0x2200]  }
0x33: {  	v20 =	vld [tilespmem:$0x2210]  }
0x34: {  	v26 =	vld [tilespmem:$0x2220]  }
0x35: {  	v30 =	vld [tilespmem:$0x2230]  }
0x36: {  	v34 =	vld [tilespmem:$0x2240]  }
0x37: {  	v36 =	vld [tilespmem:$0x2250]  }
0x38: {  	v39 =	vld [tilespmem:$0x2260]  }
0x39: {  	v44 =	vld [tilespmem:$0x2270]  }
0x3a: {  	v47 =	vld [tilespmem:$0x2280]  }
0x3b: {  	v35 =	vld [tilespmem:$0x22B0]  }
0x3c: {  	v37 =	vld [tilespmem:$0x22C0]  }
0x3d: {  	v38 =	vld [tilespmem:$0x22D0]  }
0x3e: {  	v40 =	vld [tilespmem:$0x22E0]  }
0x3f: {  	v41 =	vld [tilespmem:$0x22F0];
	v0 =	vadd.f32 v1, v0  }
0x40: {  	v14 =	vld [tilespmem:$0x2370];
	v8 =	vadd.f32 v9, v8  }
0x41: {  	v19 =	vld [tilespmem:$0x2390];
	v0 =	vadd.f32 v2, v0  }
0x42: {  	v27 =	vld [tilespmem:$0x23A0];
	v8 =	vadd.f32 v11, v8  }
0x43: {  	v33 =	vld [tilespmem:$0x23B0];
	v0 =	vadd.f32 v3, v0  }
0x44: {  	v43 =	vld [tilespmem:$0x23D0];
	v1 =	vadd.f32 v48, v8  }
0x45: {  	v46 =	vld [tilespmem:$0x2410];
	v0 =	vadd.f32 v4, v0  }
0x46: {  	v42 =	vld [tilespmem:$0x2430];
	v1 =	vadd.f32 v49, v1  }
0x47: {  	v45 =	vld [tilespmem:$0x2440];
	v0 =	vadd.f32 v5, v0  }
0x48: {  	v9 =	vld [tilespmem:$0x2350];
	v1 =	vadd.f32 v51, v1  }
0x49: {  	[tilespmem:$0x1EEF0] =	vst v37;
	v37 =	vld [tilespmem:$0x23C0];
	v0 =	vadd.f32 v6, v0  }
0x4a: {  	v2 =	vld [tilespmem:$0x2300];
	v1 =	vadd.f32 v53, v1  }
0x4b: {  	v48 =	vld [tilespmem:$0x2450];
	v0 =	vadd.f32 v7, v0  }
0x4c: {  	v4 =	vld [tilespmem:$0x2320];
	v1 =	vadd.f32 v55, v1  }
0x4d: {  	v49 =	vld [tilespmem:$0x23E0];
	v0 =	vadd.f32 v10, v0  }
0x4e: {  	v51 =	vld [tilespmem:$0x2400];
	v1 =	vadd.f32 v57, v1  }
0x4f: {  	[tilespmem:$0x1EEE0] =	vst v35;
	v6 =	vld [tilespmem:$0x2330];
	v0 =	vadd.f32 v12, v0  }
0x50: {  	[tilespmem:$0x1EF00] =	vst v38;
	v53 =	vld [tilespmem:$0x2480];
	v1 =	vadd.f32 v59, v1  }
0x51: {  	[tilespmem:$0x1EF10] =	vst v40;
	v7 =	vld [tilespmem:$0x2340];
	v0 =	vadd.f32 v13, v0  }
0x52: {  	[tilespmem:$0x1EF20] =	vst v41;
	v55 =	vld [tilespmem:$0x2490];
	v1 =	vadd.f32 v60, v1  }
0x53: {  	[tilespmem:$0x1EF30] =	vst v42;
	v59 =	vld [tilespmem:$0x24A0];
	v0 =	vadd.f32 v50, v0  }
0x54: {  	[tilespmem:$0x1EF40] =	vst v45;
	v60 =	vld [tilespmem:$0x24B0];
	v1 =	vadd.f32 v61, v1  }
0x55: {  	[tilespmem:$0x1EF50] =	vst v48;
	v50 =	vld [tilespmem:$0x2460];
	v0 =	vadd.f32 v52, v0  }
0x56: {  	[tilespmem:$0x1EFA0] =	vst v53;
	v61 =	vld [tilespmem:$0x24C0];
	v1 =	vadd.f32 v62, v1  }
0x57: {  	[tilespmem:$0x1EFC0] =	vst v55;
	v52 =	vld [tilespmem:$0x2470];
	v0 =	vadd.f32 v54, v0  }
0x58: {  	v57 =	vld [tilespmem:$0x23F0];
	[tilespmem:$0x1EFF0] =	vst v59;
	v1 =	vadd.f32 v63, v1  }
0x59: {  	v12 =	vld [tilespmem:$0x2360];
	[tilespmem:$0x1F020] =	vst v60;
	v0 =	vadd.f32 v56, v0  }
0x5a: {  	v62 =	vld [tilespmem:$0x24D0];
	[tilespmem:$0x1EF60] =	vst v50;
	v1 =	vadd.f32 v16, v1  }
0x5b: {  	v54 =	vld [tilespmem:$0x2290];
	[tilespmem:$0x1F050] =	vst v61;
	v0 =	vadd.f32 v58, v0  }
0x5c: {  	v56 =	vld [tilespmem:$0x22A0];
	[tilespmem:$0x1EF80] =	vst v52;
	v1 =	vadd.f32 v17, v1  }
0x5d: {  	v17 =	vld [tilespmem:$0x2380];
	[tilespmem:$0x4000] =	vst v0  }
0x5e: {  	v58 =	vld [tilespmem:$0x2420];
	[tilespmem:$0x4080] =	vst v1  }
0x5f: {  	v0 =	vld [tilespmem:$0x2310];
	[tilespmem:$0x1F090] =	vst v62  }
0x60: {  	v61 =	vld [tilespmem:$0x27E0];
	_ =	sdelay $0x4  }
0x61: {  	[tilespmem:$0x1F140] =	vst v61;
	v61 =	vld [tilespmem:$0x2860];
	_ =	sdelay $0x4  }
0x62: {  	[tilespmem:$0x1F250] =	vst v61;
	v61 =	vld [tilespmem:$0x28E0];
	_ =	sdelay $0x4  }
0x63: {  	[tilespmem:$0x1F450] =	vst v61;
	v61 =	vld [tilespmem:$0x2960];
	_ =	sdelay $0x4  }
0x64: {  	[tilespmem:$0x1F270] =	vst v61;
	v61 =	vld [tilespmem:$0x29E0];
	_ =	sdelay $0x4  }
0x65: {  	[tilespmem:$0x1F470] =	vst v61;
	v61 =	vld [tilespmem:$0x2A60];
	_ =	sdelay $0x4  }
0x66: {  	[tilespmem:$0x1F2A0] =	vst v61;
	v61 =	vld [tilespmem:$0x2AB0];
	_ =	sdelay $0x4  }
0x67: {  	[tilespmem:$0x1F3E0] =	vst v61;
	v61 =	vld [tilespmem:$0x2B50];
	_ =	sdelay $0x4  }
0x68: {  	[tilespmem:$0x1F280] =	vst v61;
	v61 =	vld [tilespmem:$0x2B60];
	_ =	sdelay $0x4  }
0x69: {  	[tilespmem:$0x1F2C0] =	vst v61;
	v61 =	vld [tilespmem:$0x2B70];
	_ =	sdelay $0x4  }
0x6a: {  	[tilespmem:$0x1F300] =	vst v61;
	v61 =	vld [tilespmem:$0x2B80];
	_ =	sdelay $0x4  }
0x6b: {  	[tilespmem:$0x1F340] =	vst v61;
	v61 =	vld [tilespmem:$0x2B90];
	_ =	sdelay $0x4  }
0x6c: {  	[tilespmem:$0x1F380] =	vst v61;
	v61 =	vld [tilespmem:$0x2BA0];
	_ =	sdelay $0x4  }
0x6d: {  	[tilespmem:$0x1F3C0] =	vst v61;
	v61 =	vld [tilespmem:$0x2BB0];
	_ =	sdelay $0x4  }
0x6e: {  	[tilespmem:$0x1F400] =	vst v61;
	v61 =	vld [tilespmem:$0x2BC0];
	_ =	sdelay $0x4  }
0x6f: {  	[tilespmem:$0x1F440] =	vst v61;
	v61 =	vld [tilespmem:$0x2BD0];
	_ =	sdelay $0x4  }
0x70: {  	[tilespmem:$0x1F480] =	vst v61;
	v61 =	vld [tilespmem:$0x2BE0];
	_ =	sdelay $0x4  }
0x71: {  	[tilespmem:$0x1F4C0] =	vst v61;
	v61 =	vld [tilespmem:$0x2BF0];
	_ =	sdelay $0x4  }
0x72: {  	[tilespmem:$0x1F500] =	vst v61;
	v61 =	vld [tilespmem:$0x2C00];
	_ =	sdelay $0x4  }
0x73: {  	[tilespmem:$0x1F4E0] =	vst v61;
	v61 =	vld [tilespmem:$0x2C10];
	_ =	sdelay $0x4  }
0x74: {  	[tilespmem:$0x1F4F0] =	vst v61;
	v61 =	vld [tilespmem:$0x2C20];
	_ =	sdelay $0x4  }
0x75: {  	[tilespmem:$0x1F530] =	vst v61;
	v61 =	vld [tilespmem:$0x2C30];
	_ =	sdelay $0x4  }
0x76: {  	[tilespmem:$0x1F590] =	vst v61;
	v61 =	vld [tilespmem:$0x2C40];
	_ =	sdelay $0x4  }
0x77: {  	[tilespmem:$0x1F5D0] =	vst v61;
	v61 =	vld [tilespmem:$0x2C50];
	_ =	sdelay $0x4  }
0x78: {  	[tilespmem:$0x1F610] =	vst v61;
	v61 =	vld [tilespmem:$0x2C60];
	_ =	sdelay $0x4  }
0x79: {  	[tilespmem:$0x1F650] =	vst v61;
	v61 =	vld [tilespmem:$0x2C70];
	_ =	sdelay $0x4  }
0x7a: {  	[tilespmem:$0x1F690] =	vst v61;
	v61 =	vld [tilespmem:$0x2C80];
	_ =	sdelay $0x4  }
0x7b: {  	[tilespmem:$0x1F6D0] =	vst v61;
	v61 =	vld [tilespmem:$0x2C90];
	_ =	sdelay $0x4  }
0x7c: {  	[tilespmem:$0x1F710] =	vst v61;
	v61 =	vld [tilespmem:$0x2CA0];
	_ =	sdelay $0x4  }
0x7d: {  	[tilespmem:$0x1F750] =	vst v61;
	v61 =	vld [tilespmem:$0x2CB0];
	_ =	sdelay $0x4  }
0x7e: {  	[tilespmem:$0x1F790] =	vst v61;
	v61 =	vld [tilespmem:$0x2CC0];
	_ =	sdelay $0x4  }
0x7f: {  	[tilespmem:$0x1F7D0] =	vst v61;
	v61 =	vld [tilespmem:$0x2CD0];
	_ =	sdelay $0x4  }
0x80: {  	[tilespmem:$0x1F810] =	vst v61;
	v61 =	vld [tilespmem:$0x2CE0];
	_ =	sdelay $0x4  }
0x81: {  	[tilespmem:$0x1F850] =	vst v61;
	v61 =	vld [tilespmem:$0x2CF0];
	_ =	sdelay $0x4  }
0x82: {  	[tilespmem:$0x1F890] =	vst v61;
	v61 =	vld [tilespmem:$0x2D00];
	_ =	sdelay $0x4  }
0x83: {  	[tilespmem:$0x1F510] =	vst v61;
	v61 =	vld [tilespmem:$0x2D10];
	_ =	sdelay $0x4  }
0x84: {  	[tilespmem:$0x1F520] =	vst v61;
	v61 =	vld [tilespmem:$0x2D20];
	_ =	sdelay $0x4  }
0x85: {  	[tilespmem:$0x1F560] =	vst v61;
	v61 =	vld [tilespmem:$0x2D30];
	_ =	sdelay $0x4  }
0x86: {  	[tilespmem:$0x1F5B0] =	vst v61;
	v61 =	vld [tilespmem:$0x2D40];
	_ =	sdelay $0x4  }
0x87: {  	[tilespmem:$0x1F5F0] =	vst v61;
	v61 =	vld [tilespmem:$0x2D50];
	_ =	sdelay $0x4  }
0x88: {  	[tilespmem:$0x1F630] =	vst v61;
	v61 =	vld [tilespmem:$0x2D60];
	_ =	sdelay $0x4  }
0x89: {  	[tilespmem:$0x1F670] =	vst v61;
	v61 =	vld [tilespmem:$0x2D70];
	_ =	sdelay $0x4  }
0x8a: {  	[tilespmem:$0x1F6B0] =	vst v61;
	v61 =	vld [tilespmem:$0x2D80];
	_ =	sdelay $0x4  }
0x8b: {  	[tilespmem:$0x1F6F0] =	vst v61;
	v61 =	vld [tilespmem:$0x2D90];
	_ =	sdelay $0x4  }
0x8c: {  	[tilespmem:$0x1F730] =	vst v61;
	v61 =	vld [tilespmem:$0x2DA0];
	_ =	sdelay $0x4  }
0x8d: {  	[tilespmem:$0x1F770] =	vst v61;
	v61 =	vld [tilespmem:$0x2DB0];
	_ =	sdelay $0x4  }
0x8e: {  	[tilespmem:$0x1F7B0] =	vst v61;
	v61 =	vld [tilespmem:$0x2DC0];
	_ =	sdelay $0x4  }
0x8f: {  	[tilespmem:$0x1F7F0] =	vst v61;
	v61 =	vld [tilespmem:$0x2DD0];
	_ =	sdelay $0x4  }
0x90: {  	[tilespmem:$0x1F830] =	vst v61;
	v61 =	vld [tilespmem:$0x2DE0];
	_ =	sdelay $0x4  }
0x91: {  	[tilespmem:$0x1F870] =	vst v61;
	v61 =	vld [tilespmem:$0x2DF0];
	_ =	sdelay $0x4  }
0x92: {  	[tilespmem:$0x1F8B0] =	vst v61;
	v61 =	vld [tilespmem:$0x2E00];
	_ =	sdelay $0x4  }
0x93: {  	[tilespmem:$0x1F540] =	vst v61;
	v61 =	vld [tilespmem:$0x2E10];
	_ =	sdelay $0x4  }
0x94: {  	[tilespmem:$0x1F550] =	vst v61;
	v61 =	vld [tilespmem:$0x2E20];
	_ =	sdelay $0x4  }
0x95: {  	[tilespmem:$0x1F5A0] =	vst v61;
	v61 =	vld [tilespmem:$0x2E30];
	_ =	sdelay $0x4  }
0x96: {  	[tilespmem:$0x1F5E0] =	vst v61;
	v61 =	vld [tilespmem:$0x2E40];
	_ =	sdelay $0x4  }
0x97: {  	[tilespmem:$0x1F620] =	vst v61;
	v61 =	vld [tilespmem:$0x2E50];
	_ =	sdelay $0x4  }
0x98: {  	[tilespmem:$0x1F660] =	vst v61;
	v61 =	vld [tilespmem:$0x2E60];
	_ =	sdelay $0x4  }
0x99: {  	[tilespmem:$0x1F6A0] =	vst v61;
	v61 =	vld [tilespmem:$0x2E70];
	_ =	sdelay $0x4  }
0x9a: {  	[tilespmem:$0x1F6E0] =	vst v61;
	v61 =	vld [tilespmem:$0x2E80];
	_ =	sdelay $0x4  }
0x9b: {  	[tilespmem:$0x1F720] =	vst v61;
	v61 =	vld [tilespmem:$0x2E90];
	_ =	sdelay $0x4  }
0x9c: {  	[tilespmem:$0x1F760] =	vst v61;
	v61 =	vld [tilespmem:$0x2EA0];
	_ =	sdelay $0x4  }
0x9d: {  	[tilespmem:$0x1F7A0] =	vst v61;
	v61 =	vld [tilespmem:$0x2EB0];
	_ =	sdelay $0x4  }
0x9e: {  	[tilespmem:$0x1F7E0] =	vst v61;
	v61 =	vld [tilespmem:$0x2EC0];
	_ =	sdelay $0x4  }
0x9f: {  	[tilespmem:$0x1F820] =	vst v61;
	v61 =	vld [tilespmem:$0x2ED0];
	_ =	sdelay $0x4  }
0xa0: {  	[tilespmem:$0x1F860] =	vst v61;
	v61 =	vld [tilespmem:$0x2EE0];
	_ =	sdelay $0x4  }
0xa1: {  	[tilespmem:$0x1F8A0] =	vst v61;
	v61 =	vld [tilespmem:$0x2EF0];
	_ =	sdelay $0x4  }
0xa2: {  	[tilespmem:$0x1F8D0] =	vst v61;
	v61 =	vld [tilespmem:$0x2F00];
	_ =	sdelay $0x3  }
0xa3: {  	v1 =	vld [tilespmem:$0x24E0]  }
0xa4: {  	[tilespmem:$0x1F570] =	vst v61;
	v61 =	vld [tilespmem:$0x2F10]  }
0xa5: {  	v63 =	vld [tilespmem:$0x24F0]  }
0xa6: {  	v28 =	vld [tilespmem:$0x2500]  }
0xa7: {  	v22 =	vld [tilespmem:$0x2510]  }
0xa8: {  	v31 =	vld [tilespmem:$0x2520]  }
0xa9: {  	[tilespmem:$0x1F580] =	vst v61;
	v61 =	vld [tilespmem:$0x2F20]  }
0xaa: {  	v40 =	vld [tilespmem:$0x2530]  }
0xab: {  	v53 =	vld [tilespmem:$0x2540]  }
0xac: {  	v62 =	vld [tilespmem:$0x2550]  }
0xad: {  	v5 =	vld [tilespmem:$0x2560]  }
0xae: {  	[tilespmem:$0x1F5C0] =	vst v61;
	v61 =	vld [tilespmem:$0x2F30]  }
0xaf: {  	v8 =	vld [tilespmem:$0x2570]  }
0xb0: {  	v10 =	vld [tilespmem:$0x2580]  }
0xb1: {  	v11 =	vld [tilespmem:$0x2590]  }
0xb2: {  	v13 =	vld [tilespmem:$0x25A0]  }
0xb3: {  	[tilespmem:$0x1F600] =	vst v61;
	v61 =	vld [tilespmem:$0x2F40]  }
0xb4: {  	v15 =	vld [tilespmem:$0x25B0]  }
0xb5: {  	v16 =	vld [tilespmem:$0x25C0]  }
0xb6: {  	v18 =	vld [tilespmem:$0x25D0]  }
0xb7: {  	v21 =	vld [tilespmem:$0x25E0]  }
0xb8: {  	[tilespmem:$0x1F640] =	vst v61;
	v61 =	vld [tilespmem:$0x2F50]  }
0xb9: {  	v23 =	vld [tilespmem:$0x25F0]  }
0xba: {  	v29 =	vld [tilespmem:$0x2640]  }
0xbb: {  	v38 =	vld [tilespmem:$0x2650]  }
0xbc: {  	v45 =	vld [tilespmem:$0x2660]  }
0xbd: {  	[tilespmem:$0x1F680] =	vst v61;
	v61 =	vld [tilespmem:$0x2F60]  }
0xbe: {  	v59 =	vld [tilespmem:$0x2670]  }
0xbf: {  	v24 =	vld [tilespmem:$0x2680]  }
0xc0: {  	v32 =	vld [tilespmem:$0x2690]  }
0xc1: {  	v35 =	vld [tilespmem:$0x26A0]  }
0xc2: {  	[tilespmem:$0x1F6C0] =	vst v61;
	v61 =	vld [tilespmem:$0x2F70]  }
0xc3: {  	v41 =	vld [tilespmem:$0x26B0]  }
0xc4: {  	v42 =	vld [tilespmem:$0x26C0]  }
0xc5: {  	v48 =	vld [tilespmem:$0x26D0]  }
0xc6: {  	v50 =	vld [tilespmem:$0x26E0]  }
0xc7: {  	[tilespmem:$0x1F700] =	vst v61;
	v61 =	vld [tilespmem:$0x2F80]  }
0xc8: {  	v52 =	vld [tilespmem:$0x26F0]  }
0xc9: {  	v3 =	vld [tilespmem:$0x2700]  }
0xca: {  	v55 =	vld [tilespmem:$0x27C0]  }
0xcb: {  	v20 =	vadd.f32 v20, v25;
	v60 =	vld [tilespmem:$0x27D0]  }
0xcc: {  	[tilespmem:$0x1F740] =	vst v61;
	v61 =	vld [tilespmem:$0x2F90]  }
0xcd: {  	v25 =	vadd.f32 v26, v20;
	v26 =	vld [tilespmem:$0x3170]  }
0xce: {  	v20 =	vld [tilespmem:$0x3190]  }
0xcf: {  	v0 =	vadd.f32 v0, v2;
	v2 =	vadd.f32 v30, v25;
	v25 =	vld [tilespmem:$0x31A0]  }
0xd0: {  	v30 =	vld [tilespmem:$0x31C0]  }
0xd1: {  	[tilespmem:$0x1F780] =	vst v61;
	v61 =	vld [tilespmem:$0x2FA0]  }
0xd2: {  	[tilespmem:$0x1EFE0] =	vst v11;
	v11 =	vld [tilespmem:$0x2600]  }
0xd3: {  	[tilespmem:$0x1EFB0] =	vst v10;
	v10 =	vld [tilespmem:$0x2610]  }
0xd4: {  	[tilespmem:$0x1F040] =	vst v15;
	v15 =	vld [tilespmem:$0x2620]  }
0xd5: {  	[tilespmem:$0x1F0B0] =	vst v18;
	v18 =	vld [tilespmem:$0x2630]  }
0xd6: {  	[tilespmem:$0x1F7C0] =	vst v61;
	v61 =	vld [tilespmem:$0x2FB0]  }
0xd7: {  	[tilespmem:$0x1F0D0] =	vst v1;
	v1 =	vld [tilespmem:$0x2710]  }
0xd8: {  	[tilespmem:$0x1EF70] =	vst v5;
	v5 =	vld [tilespmem:$0x2720]  }
0xd9: {  	[tilespmem:$0x1EF90] =	vst v8;
	v8 =	vld [tilespmem:$0x2730]  }
0xda: {  	[tilespmem:$0x1F010] =	vst v13;
	v13 =	vld [tilespmem:$0x2740]  }
0xdb: {  	[tilespmem:$0x1F800] =	vst v61;
	v61 =	vld [tilespmem:$0x2FC0]  }
0xdc: {  	[tilespmem:$0x1F070] =	vst v16;
	v16 =	vld [tilespmem:$0x2750]  }
0xdd: {  	[tilespmem:$0x1F0F0] =	vst v21;
	v21 =	vld [tilespmem:$0x2760]  }
0xde: {  	[tilespmem:$0x1F000] =	vst v32;
	v32 =	vld [tilespmem:$0x2770]  }
0xdf: {  	[tilespmem:$0x1F060] =	vst v41;
	v41 =	vld [tilespmem:$0x2780]  }
0xe0: {  	[tilespmem:$0x1F840] =	vst v61;
	v61 =	vld [tilespmem:$0x2FD0]  }
0xe1: {  	[tilespmem:$0x1F150] =	vst v52;
	v52 =	vld [tilespmem:$0x2790]  }
0xe2: {  	[tilespmem:$0x1F110] =	vst v63;
	v63 =	vld [tilespmem:$0x27A0]  }
0xe3: {  	[tilespmem:$0x1F130] =	vst v23;
	v23 =	vld [tilespmem:$0x27B0]  }
0xe4: {  	[tilespmem:$0x1EFD0] =	vst v24;
	v24 =	vld [tilespmem:$0x27F0]  }
0xe5: {  	[tilespmem:$0x1F880] =	vst v61;
	v61 =	vld [tilespmem:$0x2FE0]  }
0xe6: {  	[tilespmem:$0x1F030] =	vst v35;
	v35 =	vld [tilespmem:$0x2800]  }
0xe7: {  	[tilespmem:$0x1F0A0] =	vst v42;
	v42 =	vld [tilespmem:$0x2810]  }
0xe8: {  	[tilespmem:$0x1F0E0] =	vst v48;
	v48 =	vld [tilespmem:$0x2820]  }
0xe9: {  	[tilespmem:$0x1F120] =	vst v50;
	v50 =	vld [tilespmem:$0x2830]  }
0xea: {  	[tilespmem:$0x1F8C0] =	vst v61;
	v61 =	vld [tilespmem:$0x2FF0]  }
0xeb: {  	[tilespmem:$0x1F0C0] =	vst v55;
	v55 =	vld [tilespmem:$0x2840]  }
0xec: {  	[tilespmem:$0x1F100] =	vst v60;
	v60 =	vld [tilespmem:$0x2850]  }
0xed: {  	[tilespmem:$0x1FA10] =	vst v26;
	v26 =	vld [tilespmem:$0x31B0]  }
0xee: {  	[tilespmem:$0x1FA70] =	vst v20;
	v20 =	vld [tilespmem:$0x3270]  }
0xef: {  	v2 =	vadd.f32 v34, v2;
	[tilespmem:$0x1F900] =	vst v61;
	v61 =	vld [tilespmem:$0x3000]  }
0xf0: {  	v34 =	vld [tilespmem:$0x31D0]  }
0xf1: {  	v2 =	vadd.f32 v36, v2;
	v36 =	vld [tilespmem:$0x31E0]  }
0xf2: {  	[tilespmem:$0x1FAF0] =	vst v30;
	v30 =	vld [tilespmem:$0x3240]  }
0xf3: {  	[tilespmem:$0x1FAA0] =	vst v25;
	v25 =	vld [tilespmem:$0x3280]  }
0xf4: {  	[tilespmem:$0x1F8E0] =	vst v61;
	v61 =	vld [tilespmem:$0x3010]  }
0xf5: {  	[tilespmem:$0x1F180] =	vst v24;
	v24 =	vld [tilespmem:$0x2870]  }
0xf6: {  	[tilespmem:$0x1F160] =	vst v35;
	v35 =	vld [tilespmem:$0x2880]  }
0xf7: {  	[tilespmem:$0x1F170] =	vst v42;
	v42 =	vld [tilespmem:$0x2890]  }
0xf8: {  	[tilespmem:$0x1F1B0] =	vst v48;
	v48 =	vld [tilespmem:$0x28A0]  }
0xf9: {  	[tilespmem:$0x1F8F0] =	vst v61;
	v61 =	vld [tilespmem:$0x3020]  }
0xfa: {  	[tilespmem:$0x1F1D0] =	vst v50;
	v50 =	vld [tilespmem:$0x28B0]  }
0xfb: {  	[tilespmem:$0x1F1F0] =	vst v55;
	v55 =	vld [tilespmem:$0x28C0]  }
0xfc: {  	[tilespmem:$0x1F220] =	vst v60;
	v60 =	vld [tilespmem:$0x28D0]  }
0xfd: {  	[tilespmem:$0x1F080] =	vst v23;
	v23 =	vld [tilespmem:$0x2B10]  }
0xfe: {  	[tilespmem:$0x1F930] =	vst v61;
	v61 =	vld [tilespmem:$0x3030]  }
0xff: {  	v0 =	vadd.f32 v4, v0;
	[tilespmem:$0x1FAC0] =	vst v26;
	v26 =	vld [tilespmem:$0x3220]  }
0x100: {  	v2 =	vadd.f32 v39, v2;
	v39 =	vld [tilespmem:$0x32B0]  }
0x101: {  	v0 =	vadd.f32 v6, v0;
	[tilespmem:$0x1FA30] =	vst v20;
	v20 =	vld [tilespmem:$0x1EF20]  }
0x102: {  	v1 =	vadd.f32 v1, v3;
	v3 =	vld [tilespmem:$0x3360]  }
0x103: {  	v0 =	vadd.f32 v7, v0;
	[tilespmem:$0x1F970] =	vst v61;
	v61 =	vld [tilespmem:$0x3040]  }
0x104: {  	[tilespmem:$0x1FB10] =	vst v34;
	v34 =	vld [tilespmem:$0x3290]  }
0x105: {  	v0 =	vadd.f32 v9, v0;
	v9 =	vld [tilespmem:$0x3200]  }
0x106: {  	v2 =	vadd.f32 v44, v2;
	v44 =	vld [tilespmem:$0x3260]  }
0x107: {  	[tilespmem:$0x1FB30] =	vst v36;
	v36 =	vld [tilespmem:$0x1EEF0]  }
0x108: {  	[tilespmem:$0x1F990] =	vst v61;
	v61 =	vld [tilespmem:$0x3050]  }
0x109: {  	v1 =	vadd.f32 v5, v1;
	v0 =	vadd.f32 v12, v0;
	v12 =	vld [tilespmem:$0x3210]  }
0x10a: {  	v2 =	vadd.f32 v47, v2;
	v47 =	vld [tilespmem:$0x1EF00]  }
0x10b: {  	v8 =	vadd.f32 v8, v1;
	v1 =	vld [tilespmem:$0x3380]  }
0x10c: {  	[tilespmem:$0x1FA60] =	vst v25;
	v25 =	vadd.f32 v46, v51;
	v46 =	vld [tilespmem:$0x1EF70]  }
0x10d: {  	[tilespmem:$0x1F9B0] =	vst v61;
	v61 =	vld [tilespmem:$0x3060]  }
0x10e: {  	v51 =	vld [tilespmem:$0x1EFA0]  }
0x10f: {  	[tilespmem:$0x1F290] =	vst v24;
	v24 =	vld [tilespmem:$0x28F0]  }
0x110: {  	[tilespmem:$0x1F2D0] =	vst v35;
	v35 =	vld [tilespmem:$0x2900]  }
0x111: {  	[tilespmem:$0x1F310] =	vst v42;
	v42 =	vld [tilespmem:$0x2910]  }
0x112: {  	[tilespmem:$0x1F9D0] =	vst v61;
	v61 =	vld [tilespmem:$0x3070]  }
0x113: {  	[tilespmem:$0x1F350] =	vst v48;
	v48 =	vld [tilespmem:$0x2920]  }
0x114: {  	[tilespmem:$0x1F390] =	vst v50;
	v50 =	vld [tilespmem:$0x2930]  }
0x115: {  	[tilespmem:$0x1F3D0] =	vst v55;
	v55 =	vld [tilespmem:$0x2940]  }
0x116: {  	[tilespmem:$0x1F410] =	vst v60;
	v60 =	vld [tilespmem:$0x2950]  }
0x117: {  	[tilespmem:$0x1FA00] =	vst v61;
	v61 =	vld [tilespmem:$0x3080]  }
0x118: {  	[tilespmem:$0x1FAE0] =	vst v39;
	v39 =	vld [tilespmem:$0x1EF50]  }
0x119: {  	v2 =	vadd.f32 v54, v2;
	v54 =	vld [tilespmem:$0x32A0]  }
0x11a: {  	v0 =	vadd.f32 v14, v0;
	v14 =	vld [tilespmem:$0x32C0]  }
0x11b: {  	[tilespmem:$0x1FA90] =	vst v34;
	v34 =	vld [tilespmem:$0x1EF30]  }
0x11c: {  	[tilespmem:$0x1FA20] =	vst v61;
	v61 =	vld [tilespmem:$0x3090]  }
0x11d: {  	v8 =	vadd.f32 v13, v8;
	v13 =	vld [tilespmem:$0x33B0]  }
0x11e: {  	v0 =	vadd.f32 v17, v0;
	v17 =	vld [tilespmem:$0x3250]  }
0x11f: {  	v2 =	vadd.f32 v56, v2;
	v56 =	vld [tilespmem:$0x32E0]  }
0x120: {  	v8 =	vadd.f32 v16, v8;
	v16 =	vld [tilespmem:$0x3410]  }
0x121: {  	[tilespmem:$0x1FA50] =	vst v61;
	v61 =	vld [tilespmem:$0x30A0]  }
0x122: {  	[tilespmem:$0x1F950] =	vst v12;
	v12 =	vld [tilespmem:$0x3230]  }
0x123: {  	[tilespmem:$0x1F490] =	vst v24;
	v24 =	vld [tilespmem:$0x2970]  }
0x124: {  	[tilespmem:$0x1F190] =	vst v35;
	v35 =	vld [tilespmem:$0x2980]  }
0x125: {  	[tilespmem:$0x1F1A0] =	vst v42;
	v42 =	vld [tilespmem:$0x2990]  }
0x126: {  	[tilespmem:$0x1FA80] =	vst v61;
	v61 =	vld [tilespmem:$0x30B0]  }
0x127: {  	[tilespmem:$0x1F1C0] =	vst v48;
	v48 =	vld [tilespmem:$0x29A0]  }
0x128: {  	[tilespmem:$0x1F1E0] =	vst v50;
	v50 =	vld [tilespmem:$0x29B0]  }
0x129: {  	[tilespmem:$0x1F210] =	vst v55;
	v55 =	vld [tilespmem:$0x29C0]  }
0x12a: {  	[tilespmem:$0x1F240] =	vst v60;
	v60 =	vld [tilespmem:$0x29D0]  }
0x12b: {  	[tilespmem:$0x1FAB0] =	vst v61;
	v61 =	vld [tilespmem:$0x30C0]  }
0x12c: {  	v0 =	vadd.f32 v19, v0;
	v19 =	vld [tilespmem:$0x32F0]  }
0x12d: {  	v8 =	vadd.f32 v21, v8;
	v21 =	vld [tilespmem:$0x33F0]  }
0x12e: {  	v0 =	vadd.f32 v27, v0;
	v27 =	vld [tilespmem:$0x1EEE0]  }
0x12f: {  	v8 =	vadd.f32 v32, v8;
	v32 =	vld [tilespmem:$0x3440]  }
0x130: {  	[tilespmem:$0x1FAD0] =	vst v61;
	v61 =	vld [tilespmem:$0x30D0]  }
0x131: {  	[tilespmem:$0x1F9E0] =	vst v17;
	v17 =	vld [tilespmem:$0x32D0]  }
0x132: {  	[tilespmem:$0x1FB50] =	vst v56;
	v56 =	vld [tilespmem:$0x3370]  }
0x133: {  	[tilespmem:$0x1FB80] =	vst v16;
	v16 =	vld [tilespmem:$0x34B0]  }
0x134: {  	v0 =	vadd.f32 v33, v0;
	v33 =	vadd.f32 v10, v11;
	v10 =	vld [tilespmem:$0x3390]  }
0x135: {  	[tilespmem:$0x1FB00] =	vst v61;
	v61 =	vld [tilespmem:$0x30E0]  }
0x136: {  	v11 =	vld [tilespmem:$0x33A0]  }
0x137: {  	v8 =	vadd.f32 v41, v8;
	v41 =	vld [tilespmem:$0x3470]  }
0x138: {  	[tilespmem:$0x1F2B0] =	vst v24;
	v24 =	vld [tilespmem:$0x29F0]  }
0x139: {  	[tilespmem:$0x1F3B0] =	vst v50;
	v50 =	vld [tilespmem:$0x2A00]  }
0x13a: {  	[tilespmem:$0x1FB20] =	vst v61;
	v61 =	vld [tilespmem:$0x30F0]  }
0x13b: {  	[tilespmem:$0x1F370] =	vst v48;
	v48 =	vld [tilespmem:$0x2A10]  }
0x13c: {  	[tilespmem:$0x1F430] =	vst v60;
	v60 =	vld [tilespmem:$0x2A20]  }
0x13d: {  	[tilespmem:$0x1F2F0] =	vst v35;
	v35 =	vld [tilespmem:$0x2A30]  }
0x13e: {  	[tilespmem:$0x1F330] =	vst v42;
	v42 =	vld [tilespmem:$0x2A40]  }
0x13f: {  	[tilespmem:$0x1FB40] =	vst v61;
	v61 =	vld [tilespmem:$0x3100]  }
0x140: {  	[tilespmem:$0x1F3F0] =	vst v55;
	v55 =	vld [tilespmem:$0x2A50]  }
0x141: {  	v8 =	vadd.f32 v52, v8;
	v52 =	vld [tilespmem:$0x3490];
	v2 =	vadd.f32 v27, v2  }
0x142: {  	v27 =	vadd.f32 v22, v28;
	v28 =	vadd.f32 v58, v25;
	v58 =	vld [tilespmem:$0x3350]  }
0x143: {  	v22 =	vld [tilespmem:$0x33D0]  }
0x144: {  	[tilespmem:$0x1F910] =	vst v61;
	v61 =	vld [tilespmem:$0x3110]  }
0x145: {  	v0 =	vadd.f32 v37, v0;
	v25 =	vld [tilespmem:$0x3420]  }
0x146: {  	[tilespmem:$0x1FBF0] =	vst v32;
	v32 =	vld [tilespmem:$0x1F130]  }
0x147: {  	v0 =	vadd.f32 v43, v0;
	v43 =	vld [tilespmem:$0x3320]  }
0x148: {  	v8 =	vadd.f32 v63, v8;
	v63 =	vld [tilespmem:$0x1F0E0]  }
0x149: {  	[tilespmem:$0x1F920] =	vst v61;
	v61 =	vld [tilespmem:$0x3120]  }
0x14a: {  	v2 =	vadd.f32 v36, v2;
	v36 =	vld [tilespmem:$0x1EF40]  }
0x14b: {  	v7 =	vadd.f32 v34, v28;
	v28 =	vld [tilespmem:$0x1F000]  }
0x14c: {  	v34 =	vld [tilespmem:$0x1F030]  }
0x14d: {  	[tilespmem:$0x1F4B0] =	vst v24;
	v24 =	vld [tilespmem:$0x2A70]  }
0x14e: {  	[tilespmem:$0x1F960] =	vst v61;
	v61 =	vld [tilespmem:$0x3130]  }
0x14f: {  	[tilespmem:$0x1F200] =	vst v35;
	v35 =	vld [tilespmem:$0x2A80]  }
0x150: {  	[tilespmem:$0x1F230] =	vst v42;
	v42 =	vld [tilespmem:$0x2A90]  }
0x151: {  	[tilespmem:$0x1F260] =	vst v55;
	v55 =	vld [tilespmem:$0x2AA0]  }
0x152: {  	[tilespmem:$0x1F940] =	vst v9;
	v9 =	vadd.f32 v49, v0;
	v49 =	vld [tilespmem:$0x1EF90]  }
0x153: {  	[tilespmem:$0x1F980] =	vst v61;
	v61 =	vld [tilespmem:$0x3140]  }
0x154: {  	v2 =	vadd.f32 v47, v2;
	v47 =	vld [tilespmem:$0x1EF80]  }
0x155: {  	v6 =	vadd.f32 v57, v9;
	v9 =	vadd.f32 v15, v33;
	v15 =	vld [tilespmem:$0x33C0]  }
0x156: {  	v57 =	vld [tilespmem:$0x3400]  }
0x157: {  	v33 =	vld [tilespmem:$0x1F020]  }
0x158: {  	[tilespmem:$0x1F9A0] =	vst v61;
	v61 =	vld [tilespmem:$0x3150]  }
0x159: {  	[tilespmem:$0x1FBB0] =	vst v25;
	v25 =	vld [tilespmem:$0x1F100]  }
0x15a: {  	v37 =	vadd.f32 v18, v9;
	v18 =	vld [tilespmem:$0x33E0]  }
0x15b: {  	[tilespmem:$0x1FEF0] =	vst v6;
	v6 =	vadd.f32 v31, v27;
	v27 =	vld [tilespmem:$0x1EFF0]  }
0x15c: {  	v31 =	vld [tilespmem:$0x1F010]  }
0x15d: {  	[tilespmem:$0x1F9C0] =	vst v61;
	v61 =	vld [tilespmem:$0x3160]  }
0x15e: {  	v5 =	vadd.f32 v36, v7;
	v36 =	vld [tilespmem:$0x3450]  }
0x15f: {  	[tilespmem:$0x1F2E0] =	vst v24;
	v24 =	vld [tilespmem:$0x2AC0]  }
0x160: {  	[tilespmem:$0x1F320] =	vst v35;
	v35 =	vld [tilespmem:$0x2AD0]  }
0x161: {  	[tilespmem:$0x1F360] =	vst v42;
	v42 =	vld [tilespmem:$0x2AE0]  }
0x162: {  	[tilespmem:$0x1F9F0] =	vst v61;
	v61 =	vld [tilespmem:$0x3180]  }
0x163: {  	[tilespmem:$0x1F3A0] =	vst v55;
	v55 =	vld [tilespmem:$0x2AF0]  }
0x164: {  	v6 =	vadd.f32 v40, v6;
	v40 =	vld [tilespmem:$0x1EF60]  }
0x165: {  	v7 =	vadd.f32 v29, v37;
	v29 =	vld [tilespmem:$0x3430]  }
0x166: {  	v37 =	vld [tilespmem:$0x1F040]  }
0x167: {  	[tilespmem:$0x1FA40] =	vst v61;
	v61 =	vld [tilespmem:$0x31F0]  }
0x168: {  	v5 =	vadd.f32 v39, v5;
	v39 =	vld [tilespmem:$0x1F050]  }
0x169: {  	[tilespmem:$0x1FB70] =	vst v57;
	v57 =	vld [tilespmem:$0x1F0C0]  }
0x16a: {  	v6 =	vadd.f32 v53, v6;
	v53 =	vld [tilespmem:$0x1EFB0]  }
0x16b: {  	v7 =	vadd.f32 v38, v7;
	v38 =	vld [tilespmem:$0x3460]  }
0x16c: {  	[tilespmem:$0x1FB60] =	vst v61;
	v61 =	vld [tilespmem:$0x1EF10]  }
0x16d: {  	[tilespmem:$0x1F420] =	vst v24;
	v24 =	vld [tilespmem:$0x2B00]  }
0x16e: {  	[tilespmem:$0x1F460] =	vst v35;
	v35 =	vld [tilespmem:$0x2B20];
	v7 =	vadd.f32 v45, v7  }
0x16f: {  	[tilespmem:$0x1F4A0] =	vst v42;
	v42 =	vld [tilespmem:$0x2B30];
	v5 =	vadd.f32 v40, v5  }
0x170: {  	v6 =	vadd.f32 v62, v6;
	v7 =	vadd.f32 v59, v7;
	v59 =	vld [tilespmem:$0x1EFC0]  }
0x171: {  	[tilespmem:$0x1F4D0] =	vst v55;
	v55 =	vld [tilespmem:$0x2B40];
	v5 =	vadd.f32 v47, v5;
	v4 =	vadd.f32 v61, v2  }
0x172: {  	v62 =	vld [tilespmem:$0x1EFD0];
	v6 =	vadd.f32 v46, v6  }
0x173: {  	v5 =	vadd.f32 v51, v5;
	v0 =	vadd.f32 v20, v4;
	v20 =	vld [tilespmem:$0x1EFE0]  }
0x174: {  	v45 =	vld [tilespmem:$0x1F070];
	v6 =	vadd.f32 v49, v6  }
0x175: {  	v40 =	vld [tilespmem:$0x1F060];
	v5 =	vadd.f32 v59, v5  }
0x176: {  	v47 =	vld [tilespmem:$0x3480];
	v6 =	vadd.f32 v53, v6  }
0x177: {  	v49 =	vld [tilespmem:$0x1F090];
	v5 =	vadd.f32 v27, v5  }
0x178: {  	v7 =	vadd.f32 v62, v7;
	v62 =	vld [tilespmem:$0x1F0D0];
	v6 =	vadd.f32 v20, v6  }
0x179: {  	v53 =	vld [tilespmem:$0x1F0B0];
	v5 =	vadd.f32 v33, v5  }
0x17a: {  	[tilespmem:$0x1FD10] =	vst v16;
	v59 =	vld [tilespmem:$0x34A0];
	v6 =	vadd.f32 v31, v6  }
0x17b: {  	[tilespmem:$0x1FC60] =	vst v41;
	v7 =	vadd.f32 v28, v7;
	v28 =	vld [tilespmem:$0x1F110];
	v5 =	vadd.f32 v39, v5  }
0x17c: {  	[tilespmem:$0x1FCB0] =	vst v52;
	v27 =	vld [tilespmem:$0x34C0];
	v6 =	vadd.f32 v37, v6  }
0x17d: {  	[tilespmem:$0x1FC10] =	vst v36;
	v5 =	vadd.f32 v49, v5;
	v20 =	vld [tilespmem:$0x1F0F0]  }
0x17e: {  	[tilespmem:$0x1FBD0] =	vst v29;
	v29 =	vld [tilespmem:$0x1F120];
	v6 =	vadd.f32 v45, v6  }
0x17f: {  	[tilespmem:$0x1FC30] =	vst v38;
	v51 =	vld [tilespmem:$0x1F0A0];
	v5 =	vadd.f32 v62, v5  }
0x180: {  	[tilespmem:$0x1FC80] =	vst v47;
	v7 =	vadd.f32 v34, v7;
	v31 =	vld [tilespmem:$0x34D0];
	v6 =	vadd.f32 v53, v6  }
0x181: {  	v46 =	vld [tilespmem:$0x1F080];
	[tilespmem:$0x1FCE0] =	vst v59;
	v5 =	vadd.f32 v28, v5  }
0x182: {  	v34 =	vld [tilespmem:$0x34E0];
	v7 =	vadd.f32 v40, v7;
	[tilespmem:$0x1FD40] =	vst v27;
	v6 =	vadd.f32 v20, v6  }
0x183: {  	v33 =	vld [tilespmem:$0x1F140];
	[tilespmem:$0x1FF00] =	vst v5  }
0x184: {  	v7 =	vadd.f32 v51, v7;
	v2 =	vld [tilespmem:$0x3300];
	[tilespmem:$0x1FEE0] =	vst v0;
	v6 =	vadd.f32 v32, v6  }
0x185: {  	v61 =	vld [tilespmem:$0x3340];
	[tilespmem:$0x1FD70] =	vst v31  }
0x186: {  	v7 =	vadd.f32 v63, v7;
	v4 =	vld [tilespmem:$0x3330];
	[tilespmem:$0x1FF10] =	vst v6  }
0x187: {  	v0 =	vld [tilespmem:$0x3310];
	[tilespmem:$0x1FDA0] =	vst v34  }
0x188: {  	v5 =	vadd.f32 v29, v7;
	v7 =	vld [tilespmem:$0x1F150]  }
0x189: {  	v36 =	vld [tilespmem:$0x1F160]  }
0x18a: {  	v37 =	vld [tilespmem:$0x1F170]  }
0x18b: {  	v38 =	vld [tilespmem:$0x34F0]  }
0x18c: {  	v39 =	vld [tilespmem:$0x1F180]  }
0x18d: {  	v40 =	vld [tilespmem:$0x1F190]  }
0x18e: {  	v41 =	vld [tilespmem:$0x1F1A0]  }
0x18f: {  	v45 =	vld [tilespmem:$0x3500]  }
0x190: {  	v8 =	vadd.f32 v46, v8;
	v46 =	vld [tilespmem:$0x1F1B0]  }
0x191: {  	v47 =	vadd.f32 v48, v50;
	v48 =	vld [tilespmem:$0x3510]  }
0x192: {  	v49 =	vld [tilespmem:$0x1F1C0]  }
0x193: {  	v51 =	vld [tilespmem:$0x3520]  }
0x194: {  	v52 =	vld [tilespmem:$0x1F1D0]  }
0x195: {  	v53 =	vld [tilespmem:$0x3530]  }
0x196: {  	v8 =	vadd.f32 v57, v8;
	v57 =	vld [tilespmem:$0x1F1E0]  }
0x197: {  	v59 =	vld [tilespmem:$0x3540]  }
0x198: {  	v62 =	vld [tilespmem:$0x1F200]  }
0x199: {  	v63 =	vld [tilespmem:$0x3550]  }
0x19a: {  	v16 =	vld [tilespmem:$0x1F210]  }
0x19b: {  	v20 =	vld [tilespmem:$0x3560]  }
0x19c: {  	v50 =	vadd.f32 v23, v24;
	v23 =	vld [tilespmem:$0x1F220]  }
0x19d: {  	v24 =	vld [tilespmem:$0x1F230]  }
0x19e: {  	v8 =	vadd.f32 v25, v8;
	v25 =	vld [tilespmem:$0x3570]  }
0x19f: {  	v0 =	vadd.f32 v0, v2;
	v27 =	vld [tilespmem:$0x1F240]  }
0x1a0: {  	v28 =	vld [tilespmem:$0x3580]  }
0x1a1: {  	v0 =	vadd.f32 v43, v0;
	v29 =	vld [tilespmem:$0x1F250]  }
0x1a2: {  	v31 =	vld [tilespmem:$0x1F260]  }
0x1a3: {  	v0 =	vadd.f32 v4, v0;
	v32 =	vld [tilespmem:$0x3590]  }
0x1a4: {  	v6 =	vadd.f32 v33, v8;
	v33 =	vld [tilespmem:$0x1F270]  }
0x1a5: {  	v0 =	vadd.f32 v61, v0;
	v34 =	vld [tilespmem:$0x1F280]  }
0x1a6: {  	v8 =	vadd.f32 v35, v50;
	v35 =	vld [tilespmem:$0x35A0]  }
0x1a7: {  	v0 =	vadd.f32 v58, v0;
	v50 =	vld [tilespmem:$0x1F310]  }
0x1a8: {  	v9 =	vld [tilespmem:$0x36D0]  }
0x1a9: {  	v0 =	vadd.f32 v3, v0;
	v43 =	vld [tilespmem:$0x1F9B0]  }
0x1aa: {  	v61 =	vld [tilespmem:$0x1F9E0]  }
0x1ab: {  	v0 =	vadd.f32 v56, v0;
	v56 =	vld [tilespmem:$0x1FA60]  }
0x1ac: {  	v58 =	vld [tilespmem:$0x1FA70];
	v8 =	vadd.f32 v42, v8  }
0x1ad: {  	v42 =	vld [tilespmem:$0x1F2D0];
	v0 =	vadd.f32 v1, v0  }
0x1ae: {  	v8 =	vadd.f32 v55, v8;
	v55 =	vld [tilespmem:$0x1F340]  }
0x1af: {  	v0 =	vadd.f32 v10, v0;
	v10 =	vld [tilespmem:$0x1FAF0]  }
0x1b0: {  	v5 =	vadd.f32 v7, v5;
	v7 =	vadd.f32 v60, v47;
	v60 =	vld [tilespmem:$0x1F1F0]  }
0x1b1: {  	[tilespmem:$0x1FDD0] =	vst v38;
	v38 =	vld [tilespmem:$0x35B0]  }
0x1b2: {  	v6 =	vadd.f32 v39, v6;
	v39 =	vld [tilespmem:$0x1F2B0]  }
0x1b3: {  	[tilespmem:$0x1FB90] =	vst v45;
	v45 =	vld [tilespmem:$0x1F2E0]  }
0x1b4: {  	v47 =	vld [tilespmem:$0x1F2F0]  }
0x1b5: {  	[tilespmem:$0x1FBA0] =	vst v48;
	v48 =	vld [tilespmem:$0x1F300]  }
0x1b6: {  	[tilespmem:$0x1FBC0] =	vst v51;
	v51 =	vld [tilespmem:$0x1F320]  }
0x1b7: {  	[tilespmem:$0x1FBE0] =	vst v53;
	v53 =	vld [tilespmem:$0x1F330]  }
0x1b8: {  	[tilespmem:$0x1FC00] =	vst v59;
	v59 =	vld [tilespmem:$0x1F360]  }
0x1b9: {  	[tilespmem:$0x1FC20] =	vst v63;
	v63 =	vld [tilespmem:$0x1F390]  }
0x1ba: {  	[tilespmem:$0x1FC50] =	vst v20;
	v20 =	vld [tilespmem:$0x1F3B0]  }
0x1bb: {  	[tilespmem:$0x1FC70] =	vst v25;
	v25 =	vld [tilespmem:$0x1F3E0]  }
0x1bc: {  	[tilespmem:$0x1FCA0] =	vst v28;
	v28 =	vld [tilespmem:$0x1F3F0]  }
0x1bd: {  	[tilespmem:$0x1FCD0] =	vst v32;
	v32 =	vld [tilespmem:$0x1F420]  }
0x1be: {  	v8 =	vadd.f32 v34, v8;
	v34 =	vld [tilespmem:$0x3670]  }
0x1bf: {  	[tilespmem:$0x1FD00] =	vst v35;
	v35 =	vld [tilespmem:$0x1F430]  }
0x1c0: {  	v0 =	vadd.f32 v11, v0;
	v11 =	vld [tilespmem:$0x3A10]  }
0x1c1: {  	[tilespmem:$0x1FF20] =	vst v5;
	v5 =	vadd.f32 v37, v36;
	v36 =	vld [tilespmem:$0x1F290]  }
0x1c2: {  	v37 =	vld [tilespmem:$0x1F2A0]  }
0x1c3: {  	[tilespmem:$0x1FF30] =	vst v6;
	v6 =	vadd.f32 v41, v40;
	v40 =	vld [tilespmem:$0x1F2C0]  }
0x1c4: {  	v41 =	vld [tilespmem:$0x35C0]  }
0x1c5: {  	v7 =	vadd.f32 v62, v7;
	v62 =	vld [tilespmem:$0x1F380]  }
0x1c6: {  	v0 =	vadd.f32 v13, v0;
	v13 =	vld [tilespmem:$0x3A20]  }
0x1c7: {  	v5 =	vadd.f32 v46, v5;
	v46 =	vld [tilespmem:$0x35D0]  }
0x1c8: {  	v6 =	vadd.f32 v49, v6;
	v49 =	vld [tilespmem:$0x35E0]  }
0x1c9: {  	v7 =	vadd.f32 v24, v7;
	v24 =	vld [tilespmem:$0x1F3D0]  }
0x1ca: {  	[tilespmem:$0x1FD30] =	vst v38;
	v38 =	vld [tilespmem:$0x3680]  }
0x1cb: {  	[tilespmem:$0x1FC90] =	vst v34;
	v34 =	vld [tilespmem:$0x1F580]  }
0x1cc: {  	v5 =	vadd.f32 v52, v5;
	v52 =	vld [tilespmem:$0x35F0]  }
0x1cd: {  	v6 =	vadd.f32 v57, v6;
	v57 =	vld [tilespmem:$0x1F350]  }
0x1ce: {  	v7 =	vadd.f32 v31, v7;
	v31 =	vld [tilespmem:$0x1F410]  }
0x1cf: {  	v8 =	vadd.f32 v40, v8;
	v40 =	vld [tilespmem:$0x1F460]  }
0x1d0: {  	[tilespmem:$0x1FD60] =	vst v41;
	v41 =	vld [tilespmem:$0x3690]  }
0x1d1: {  	v5 =	vadd.f32 v60, v5;
	v60 =	vld [tilespmem:$0x1F370]  }
0x1d2: {  	v6 =	vadd.f32 v16, v6;
	v16 =	vld [tilespmem:$0x1F3A0]  }
0x1d3: {  	v7 =	vadd.f32 v37, v7;
	v37 =	vld [tilespmem:$0x1F440]  }
0x1d4: {  	[tilespmem:$0x1FD90] =	vst v46;
	v46 =	vld [tilespmem:$0x36A0]  }
0x1d5: {  	v8 =	vadd.f32 v48, v8;
	v48 =	vld [tilespmem:$0x1F4A0]  }
0x1d6: {  	[tilespmem:$0x1FDC0] =	vst v49;
	v49 =	vld [tilespmem:$0x36B0]  }
0x1d7: {  	v5 =	vadd.f32 v23, v5;
	v23 =	vld [tilespmem:$0x1F3C0]  }
0x1d8: {  	v6 =	vadd.f32 v27, v6;
	v27 =	vld [tilespmem:$0x3650]  }
0x1d9: {  	v7 =	vadd.f32 v45, v7;
	v45 =	vld [tilespmem:$0x1F480]  }
0x1da: {  	[tilespmem:$0x1FCC0] =	vst v38;
	v38 =	vld [tilespmem:$0x1F5B0]  }
0x1db: {  	[tilespmem:$0x1FDF0] =	vst v52;
	v52 =	vld [tilespmem:$0x1F4C0]  }
0x1dc: {  	v8 =	vadd.f32 v55, v8;
	v55 =	vld [tilespmem:$0x1F4D0]  }
0x1dd: {  	v6 =	vadd.f32 v33, v6;
	v33 =	vld [tilespmem:$0x3610]  }
0x1de: {  	v5 =	vadd.f32 v29, v5;
	v29 =	vld [tilespmem:$0x1F400]  }
0x1df: {  	v7 =	vadd.f32 v51, v7;
	v51 =	vld [tilespmem:$0x1F4B0]  }
0x1e0: {  	[tilespmem:$0x1FCF0] =	vst v41;
	v41 =	vld [tilespmem:$0x1F5E0]  }
0x1e1: {  	v8 =	vadd.f32 v62, v8;
	v62 =	vld [tilespmem:$0x3620]  }
0x1e2: {  	v5 =	vadd.f32 v36, v5;
	v36 =	vld [tilespmem:$0x3600]  }
0x1e3: {  	v7 =	vadd.f32 v59, v7;
	v59 =	vld [tilespmem:$0x3630]  }
0x1e4: {  	v6 =	vadd.f32 v39, v6;
	v39 =	vld [tilespmem:$0x1F450]  }
0x1e5: {  	[tilespmem:$0x1FD20] =	vst v46;
	v46 =	vld [tilespmem:$0x1F610]  }
0x1e6: {  	[tilespmem:$0x1FD50] =	vst v49;
	v49 =	vld [tilespmem:$0x1F640]  }
0x1e7: {  	v8 =	vadd.f32 v23, v8;
	v23 =	vld [tilespmem:$0x1F520]  }
0x1e8: {  	[tilespmem:$0x1FC40] =	vst v27;
	v27 =	vld [tilespmem:$0x1F540]  }
0x1e9: {  	v5 =	vadd.f32 v42, v5;
	v42 =	vld [tilespmem:$0x1F470]  }
0x1ea: {  	v6 =	vadd.f32 v47, v6;
	v47 =	vld [tilespmem:$0x1F490]  }
0x1eb: {  	v7 =	vadd.f32 v16, v7;
	v16 =	vld [tilespmem:$0x1F500]  }
0x1ec: {  	v8 =	vadd.f32 v29, v8;
	v29 =	vld [tilespmem:$0x36F0]  }
0x1ed: {  	v5 =	vadd.f32 v50, v5;
	v50 =	vld [tilespmem:$0x3640]  }
0x1ee: {  	v6 =	vadd.f32 v53, v6;
	v53 =	vld [tilespmem:$0x36C0]  }
0x1ef: {  	v7 =	vadd.f32 v25, v7;
	v25 =	vld [tilespmem:$0x1F530]  }
0x1f0: {  	v8 =	vadd.f32 v37, v8;
	v37 =	vld [tilespmem:$0x1F5A0]  }
0x1f1: {  	v33 =	vadd.f32 v33, v36;
	v36 =	vld [tilespmem:$0x3AB0]  }
0x1f2: {  	v5 =	vadd.f32 v57, v5;
	v57 =	vld [tilespmem:$0x3660]  }
0x1f3: {  	v6 =	vadd.f32 v60, v6;
	v60 =	vld [tilespmem:$0x1F4E0]  }
0x1f4: {  	v7 =	vadd.f32 v32, v7;
	v32 =	vld [tilespmem:$0x1F570]  }
0x1f5: {  	v8 =	vadd.f32 v45, v8;
	v45 =	vld [tilespmem:$0x1F600]  }
0x1f6: {  	v33 =	vadd.f32 v62, v33;
	v62 =	vld [tilespmem:$0x3AE0]  }
0x1f7: {  	v5 =	vadd.f32 v63, v5;
	v63 =	vld [tilespmem:$0x1F4F0]  }
0x1f8: {  	v6 =	vadd.f32 v20, v6;
	v20 =	vld [tilespmem:$0x1F510]  }
0x1f9: {  	v7 =	vadd.f32 v40, v7;
	v40 =	vld [tilespmem:$0x1F5D0]  }
0x1fa: {  	[tilespmem:$0x1FE00] =	vst v29;
	v29 =	vld [tilespmem:$0x3750]  }
0x1fb: {  	[tilespmem:$0x1FD80] =	vst v53;
	v53 =	vld [tilespmem:$0x1F670]  }
0x1fc: {  	v5 =	vadd.f32 v24, v5;
	v24 =	vld [tilespmem:$0x36E0]  }
0x1fd: {  	v6 =	vadd.f32 v28, v6;
	v28 =	vld [tilespmem:$0x1F550]  }
0x1fe: {  	[tilespmem:$0x1FDB0] =	vst v9;
	v9 =	vadd.f32 v34, v32;
	v32 =	vld [tilespmem:$0x3760]  }
0x1ff: {  	v34 =	vld [tilespmem:$0x3770]  }
0x200: {  	v5 =	vadd.f32 v31, v5;
	v31 =	vld [tilespmem:$0x1F560]  }
0x201: {  	v6 =	vadd.f32 v35, v6;
	v35 =	vld [tilespmem:$0x1F590]  }
0x202: {  	v5 =	vadd.f32 v39, v5;
	v39 =	vld [tilespmem:$0x1F5C0]  }
0x203: {  	v6 =	vadd.f32 v42, v6;
	v42 =	vld [tilespmem:$0x1F5F0]  }
0x204: {  	[tilespmem:$0x1FDE0] =	vst v24;
	v24 =	vld [tilespmem:$0x3700]  }
0x205: {  	v5 =	vadd.f32 v47, v5;
	v47 =	vld [tilespmem:$0x1F620]  }
0x206: {  	v6 =	vadd.f32 v51, v6;
	v51 =	vld [tilespmem:$0x1F650]  }
0x207: {  	[tilespmem:$0x1FF40] =	vst v5;
	v5 =	vadd.f32 v48, v7;
	v7 =	vadd.f32 v28, v27;
	v27 =	vld [tilespmem:$0x3740]  }
0x208: {  	v48 =	vld [tilespmem:$0x1F630]  }
0x209: {  	[tilespmem:$0x1FF50] =	vst v6;
	v6 =	vadd.f32 v52, v8;
	v52 =	vld [tilespmem:$0x1F660]  }
0x20a: {  	v28 =	vld [tilespmem:$0x1F6C0]  }
0x20b: {  	v8 =	vld [tilespmem:$0x1FA80]  }
0x20c: {  	v9 =	vadd.f32 v39, v9;
	v39 =	vld [tilespmem:$0x37A0]  }
0x20d: {  	v5 =	vadd.f32 v55, v5;
	v55 =	vld [tilespmem:$0x1F680]  }
0x20e: {  	v6 =	vadd.f32 v16, v6;
	v16 =	vld [tilespmem:$0x1F6A0]  }
0x20f: {  	v7 =	vadd.f32 v37, v7;
	v37 =	vld [tilespmem:$0x3790]  }
0x210: {  	v9 =	vadd.f32 v45, v9;
	v45 =	vld [tilespmem:$0x1F710]  }
0x211: {  	[tilespmem:$0x1FF60] =	vst v5;
	v5 =	vadd.f32 v63, v60;
	v63 =	vld [tilespmem:$0x3710]  }
0x212: {  	[tilespmem:$0x1FF70] =	vst v6;
	v6 =	vadd.f32 v23, v20;
	v20 =	vld [tilespmem:$0x3720]  }
0x213: {  	v60 =	vld [tilespmem:$0x1F690]  }
0x214: {  	v23 =	vld [tilespmem:$0x1F6B0]  }
0x215: {  	v7 =	vadd.f32 v41, v7;
	v41 =	vld [tilespmem:$0x37B0]  }
0x216: {  	v9 =	vadd.f32 v49, v9;
	v49 =	vld [tilespmem:$0x1F740]  }
0x217: {  	v5 =	vadd.f32 v25, v5;
	v25 =	vld [tilespmem:$0x3730]  }
0x218: {  	v6 =	vadd.f32 v31, v6;
	v31 =	vld [tilespmem:$0x1F6D0]  }
0x219: {  	v7 =	vadd.f32 v47, v7;
	v47 =	vld [tilespmem:$0x1F720]  }
0x21a: {  	v9 =	vadd.f32 v55, v9;
	v55 =	vld [tilespmem:$0x37E0]  }
0x21b: {  	v5 =	vadd.f32 v35, v5;
	v35 =	vld [tilespmem:$0x3780]  }
0x21c: {  	v6 =	vadd.f32 v38, v6;
	v38 =	vld [tilespmem:$0x1F6E0]  }
0x21d: {  	v7 =	vadd.f32 v52, v7;
	v52 =	vld [tilespmem:$0x1F760]  }
0x21e: {  	v9 =	vadd.f32 v28, v9;
	v28 =	vld [tilespmem:$0x1F7A0]  }
0x21f: {  	v5 =	vadd.f32 v40, v5;
	v40 =	vld [tilespmem:$0x1F6F0]  }
0x220: {  	v6 =	vadd.f32 v42, v6;
	v42 =	vld [tilespmem:$0x1F700]  }
0x221: {  	v7 =	vadd.f32 v16, v7;
	v16 =	vld [tilespmem:$0x1F780]  }
0x222: {  	v5 =	vadd.f32 v46, v5;
	v46 =	vld [tilespmem:$0x37C0]  }
0x223: {  	v6 =	vadd.f32 v48, v6;
	v48 =	vld [tilespmem:$0x1F730]  }
0x224: {  	v7 =	vadd.f32 v38, v7;
	v38 =	vld [tilespmem:$0x1F7C0]  }
0x225: {  	v5 =	vadd.f32 v51, v5;
	v51 =	vld [tilespmem:$0x1F750]  }
0x226: {  	v6 =	vadd.f32 v53, v6;
	v53 =	vld [tilespmem:$0x37F0]  }
0x227: {  	v7 =	vadd.f32 v47, v7;
	v47 =	vld [tilespmem:$0x37D0]  }
0x228: {  	v9 =	vadd.f32 v42, v9;
	v42 =	vld [tilespmem:$0x1F7E0]  }
0x229: {  	v5 =	vadd.f32 v60, v5;
	v60 =	vld [tilespmem:$0x1F770]  }
0x22a: {  	v6 =	vadd.f32 v23, v6;
	v23 =	vld [tilespmem:$0x1F790]  }
0x22b: {  	v9 =	vadd.f32 v49, v9;
	v49 =	vld [tilespmem:$0x3800]  }
0x22c: {  	v7 =	vadd.f32 v52, v7;
	v52 =	vld [tilespmem:$0x3840]  }
0x22d: {  	v5 =	vadd.f32 v31, v5;
	v31 =	vld [tilespmem:$0x1F7B0]  }
0x22e: {  	v6 =	vadd.f32 v40, v6;
	v40 =	vld [tilespmem:$0x1F7D0]  }
0x22f: {  	[tilespmem:$0x1FE10] =	vst v53;
	v53 =	vld [tilespmem:$0x3820]  }
0x230: {  	v9 =	vadd.f32 v16, v9;
	v16 =	vld [tilespmem:$0x1F810]  }
0x231: {  	v7 =	vadd.f32 v28, v7;
	v28 =	vld [tilespmem:$0x3850]  }
0x232: {  	v5 =	vadd.f32 v45, v5;
	v45 =	vld [tilespmem:$0x3810]  }
0x233: {  	v6 =	vadd.f32 v48, v6;
	v48 =	vld [tilespmem:$0x1F7F0]  }
0x234: {  	v9 =	vadd.f32 v38, v9;
	v38 =	vld [tilespmem:$0x1F840]  }
0x235: {  	v7 =	vadd.f32 v42, v7;
	v42 =	vld [tilespmem:$0x1F850]  }
0x236: {  	v6 =	vadd.f32 v60, v6;
	v60 =	vld [tilespmem:$0x3830]  }
0x237: {  	v5 =	vadd.f32 v51, v5;
	v51 =	vld [tilespmem:$0x1F800]  }
0x238: {  	[tilespmem:$0x1FE20] =	vst v52;
	v52 =	vld [tilespmem:$0x1F870]  }
0x239: {  	v5 =	vadd.f32 v23, v5;
	v23 =	vld [tilespmem:$0x1F820]  }
0x23a: {  	v6 =	vadd.f32 v31, v6;
	v31 =	vld [tilespmem:$0x1F830]  }
0x23b: {  	[tilespmem:$0x1FE30] =	vst v28;
	v28 =	vld [tilespmem:$0x1F890]  }
0x23c: {  	v5 =	vadd.f32 v40, v5;
	v40 =	vld [tilespmem:$0x3860]  }
0x23d: {  	v6 =	vadd.f32 v48, v6;
	v48 =	vld [tilespmem:$0x1F860]  }
0x23e: {  	v9 =	vadd.f32 v51, v9;
	v51 =	vld [tilespmem:$0x3870]  }
0x23f: {  	v5 =	vadd.f32 v16, v5;
	v16 =	vld [tilespmem:$0x1F880]  }
0x240: {  	v7 =	vadd.f32 v23, v7;
	v23 =	vld [tilespmem:$0x3880]  }
0x241: {  	v6 =	vadd.f32 v31, v6;
	v31 =	vld [tilespmem:$0x1F8A0]  }
0x242: {  	v9 =	vadd.f32 v38, v9;
	v38 =	vld [tilespmem:$0x3890]  }
0x243: {  	v5 =	vadd.f32 v42, v5;
	v42 =	vld [tilespmem:$0x1F8C0]  }
0x244: {  	[tilespmem:$0x1FE40] =	vst v40;
	v40 =	vld [tilespmem:$0x1F8B0]  }
0x245: {  	v7 =	vadd.f32 v48, v7;
	v48 =	vld [tilespmem:$0x38A0]  }
0x246: {  	v6 =	vadd.f32 v52, v6;
	v52 =	vld [tilespmem:$0x1F8E0]  }
0x247: {  	[tilespmem:$0x1FE50] =	vst v51;
	v51 =	vld [tilespmem:$0x1F8D0]  }
0x248: {  	v5 =	vadd.f32 v28, v5;
	v28 =	vld [tilespmem:$0x1F910]  }
0x249: {  	v9 =	vadd.f32 v16, v9;
	v16 =	vld [tilespmem:$0x38B0]  }
0x24a: {  	[tilespmem:$0x1FE60] =	vst v23;
	v23 =	vld [tilespmem:$0x1F900]  }
0x24b: {  	[tilespmem:$0x1FF80] =	vst v5;
	v5 =	vadd.f32 v31, v7;
	v31 =	vld [tilespmem:$0x1F920]  }
0x24c: {  	[tilespmem:$0x1FE70] =	vst v38;
	v38 =	vld [tilespmem:$0x38C0]  }
0x24d: {  	v6 =	vadd.f32 v40, v6;
	v40 =	vld [tilespmem:$0x1F930]  }
0x24e: {  	[tilespmem:$0x1FE80] =	vst v48;
	v48 =	vld [tilespmem:$0x1F950]  }
0x24f: {  	v5 =	vadd.f32 v51, v5;
	v51 =	vld [tilespmem:$0x38D0]  }
0x250: {  	[tilespmem:$0x1FF90] =	vst v6;
	v6 =	vadd.f32 v42, v9;
	v9 =	vld [tilespmem:$0x1F8F0]  }
0x251: {  	v42 =	vld [tilespmem:$0x1F940]  }
0x252: {  	[tilespmem:$0x1FE90] =	vst v16;
	v16 =	vld [tilespmem:$0x38E0]  }
0x253: {  	[tilespmem:$0x1FEA0] =	vst v38;
	v38 =	vld [tilespmem:$0x1F990];
	v6 =	vadd.f32 v23, v6  }
0x254: {  	v23 =	vld [tilespmem:$0x1F970]  }
0x255: {  	[tilespmem:$0x1FFB0] =	vst v6;
	v6 =	vadd.f32 v31, v28;
	v28 =	vld [tilespmem:$0x38F0]  }
0x256: {  	v31 =	vld [tilespmem:$0x1F980]  }
0x257: {  	[tilespmem:$0x1FEB0] =	vst v51;
	v51 =	vld [tilespmem:$0x1F9C0]  }
0x258: {  	[tilespmem:$0x1FFA0] =	vst v5;
	v5 =	vadd.f32 v9, v52;
	v52 =	vld [tilespmem:$0x1F960]  }
0x259: {  	v9 =	vld [tilespmem:$0x1F9F0]  }
0x25a: {  	v7 =	vadd.f32 v48, v42;
	[tilespmem:$0x1FEC0] =	vst v16;
	v16 =	vld [tilespmem:$0x1FA10]  }
0x25b: {  	v5 =	vadd.f32 v40, v5;
	v40 =	vld [tilespmem:$0x1F9A0]  }
0x25c: {  	v26 =	vadd.f32 v26, v7;
	[tilespmem:$0x1FED0] =	vst v28;
	v28 =	vld [tilespmem:$0x3900]  }
0x25d: {  	v2 =	vadd.f32 v23, v5;
	v23 =	vld [tilespmem:$0x3910]  }
0x25e: {  	v5 =	vadd.f32 v12, v26;
	v26 =	vld [tilespmem:$0x3920]  }
0x25f: {  	v12 =	vld [tilespmem:$0x1FA00]  }
0x260: {  	v6 =	vadd.f32 v52, v6;
	v52 =	vld [tilespmem:$0x1F9D0]  }
0x261: {  	v48 =	vadd.f32 v30, v5;
	v30 =	vld [tilespmem:$0x3930]  }
0x262: {  	v2 =	vadd.f32 v38, v2;
	v38 =	vld [tilespmem:$0x3950]  }
0x263: {  	v7 =	vadd.f32 v31, v6;
	v31 =	vld [tilespmem:$0x3940]  }
0x264: {  	v6 =	vld [tilespmem:$0x1FB50]  }
0x265: {  	v2 =	vadd.f32 v43, v2;
	v43 =	vld [tilespmem:$0x1FA20]  }
0x266: {  	v4 =	vadd.f32 v61, v48;
	v48 =	vld [tilespmem:$0x1FA30]  }
0x267: {  	v61 =	vld [tilespmem:$0x39B0]  }
0x268: {  	v42 =	vadd.f32 v40, v7;
	v40 =	vld [tilespmem:$0x3960]  }
0x269: {  	v4 =	vadd.f32 v44, v4;
	v44 =	vld [tilespmem:$0x3980]  }
0x26a: {  	v2 =	vadd.f32 v52, v2;
	v52 =	vld [tilespmem:$0x1FA50]  }
0x26b: {  	v5 =	vadd.f32 v51, v42;
	v42 =	vld [tilespmem:$0x3970]  }
0x26c: {  	v51 =	vld [tilespmem:$0x1FA40]  }
0x26d: {  	v2 =	vadd.f32 v12, v2;
	v12 =	vld [tilespmem:$0x1FAA0]  }
0x26e: {  	v3 =	vadd.f32 v48, v4;
	v48 =	vld [tilespmem:$0x3990]  }
0x26f: {  	v5 =	vadd.f32 v9, v5;
	v9 =	vld [tilespmem:$0x1FA90]  }
0x270: {  	v2 =	vadd.f32 v43, v2;
	v43 =	vld [tilespmem:$0x1FAC0]  }
0x271: {  	v3 =	vadd.f32 v56, v3;
	v56 =	vld [tilespmem:$0x39D0]  }
0x272: {  	v5 =	vadd.f32 v16, v5;
	v16 =	vld [tilespmem:$0x1FAB0]  }
0x273: {  	v2 =	vadd.f32 v52, v2;
	v52 =	vld [tilespmem:$0x39E0]  }
0x274: {  	v4 =	vadd.f32 v51, v5;
	v51 =	vld [tilespmem:$0x39A0]  }
0x275: {  	v5 =	vadd.f32 v15, v0;
	v15 =	vld [tilespmem:$0x3A40]  }
0x276: {  	v1 =	vadd.f32 v8, v2;
	v8 =	vld [tilespmem:$0x1FAD0]  }
0x277: {  	v2 =	vadd.f32 v9, v3;
	v9 =	vld [tilespmem:$0x1FAE0]  }
0x278: {  	v4 =	vadd.f32 v58, v4;
	v58 =	vld [tilespmem:$0x39C0]  }
0x279: {  	v2 =	vadd.f32 v54, v2;
	v54 =	vld [tilespmem:$0x39F0]  }
0x27a: {  	v1 =	vadd.f32 v16, v1;
	v16 =	vld [tilespmem:$0x1FB00]  }
0x27b: {  	v3 =	vadd.f32 v12, v4;
	v12 =	vld [tilespmem:$0x3A00]  }
0x27c: {  	v4 =	vld [tilespmem:$0x1FB30]  }
0x27d: {  	v3 =	vadd.f32 v43, v3;
	v1 =	vadd.f32 v8, v1;
	v43 =	vld [tilespmem:$0x1FB10]  }
0x27e: {  	v2 =	vadd.f32 v9, v2;
	v8 =	vadd.f32 v22, v5;
	v5 =	vld [tilespmem:$0x1FB40]  }
0x27f: {  	v22 =	vld [tilespmem:$0x1FB60]  }
0x280: {  	v2 =	vadd.f32 v14, v2;
	v14 =	vld [tilespmem:$0x3A30]  }
0x281: {  	v1 =	vadd.f32 v16, v1;
	v16 =	vld [tilespmem:$0x1FB20]  }
0x282: {  	v3 =	vadd.f32 v10, v3;
	v10 =	vld [tilespmem:$0x3A70]  }
0x283: {  	v11 =	vadd.f32 v11, v12;
	v12 =	vld [tilespmem:$0x3CB0]  }
0x284: {  	v3 =	vadd.f32 v43, v3;
	v43 =	vadd.f32 v17, v2;
	v17 =	vld [tilespmem:$0x3A60]  }
0x285: {  	v11 =	vadd.f32 v13, v11;
	v13 =	vld [tilespmem:$0x3CE0]  }
0x286: {  	v9 =	vadd.f32 v16, v1;
	v16 =	vld [tilespmem:$0x3A50]  }
0x287: {  	v7 =	vadd.f32 v6, v43;
	v43 =	vadd.f32 v18, v8;
	v18 =	vld [tilespmem:$0x3A80]  }
0x288: {  	v6 =	vld [tilespmem:$0x1FB80]  }
0x289: {  	v8 =	vld [tilespmem:$0x1FBA0]  }
0x28a: {  	v0 =	vadd.f32 v4, v3;
	v3 =	vld [tilespmem:$0x3B30]  }
0x28b: {  	v14 =	vadd.f32 v14, v11;
	v11 =	vld [tilespmem:$0x3CD0]  }
0x28c: {  	v1 =	vadd.f32 v5, v9;
	v5 =	vld [tilespmem:$0x1FB70]  }
0x28d: {  	v4 =	vadd.f32 v19, v7;
	v19 =	vld [tilespmem:$0x3A90]  }
0x28e: {  	v7 =	vld [tilespmem:$0x1FB90]  }
0x28f: {  	v0 =	vadd.f32 v22, v0;
	v9 =	vld [tilespmem:$0x1FBB0]  }
0x290: {  	v22 =	vld [tilespmem:$0x1FBC0]  }
0x291: {  	[tilespmem:$0x1FFD0] =	vst v0;
	v0 =	vadd.f32 v21, v43;
	v21 =	vld [tilespmem:$0x3AA0]  }
0x292: {  	v43 =	vadd.f32 v63, v24;
	v63 =	vld [tilespmem:$0x3AD0]  }
0x293: {  	v14 =	vadd.f32 v15, v14;
	v24 =	vld [tilespmem:$0x1FC00]  }
0x294: {  	[tilespmem:$0x1FFE0] =	vst v4;
	v4 =	vld [tilespmem:$0x3B90]  }
0x295: {  	v14 =	vadd.f32 v16, v14;
	v16 =	vld [tilespmem:$0x3D10]  }
0x296: {  	v2 =	vadd.f32 v20, v43;
	v43 =	vld [tilespmem:$0x1FC10]  }
0x297: {  	[tilespmem:$0x1FFC0] =	vst v1;
	v1 =	vadd.f32 v6, v5;
	v6 =	vld [tilespmem:$0x1FBD0]  }
0x298: {  	[tilespmem:$0x1FFF0] =	vst v0;
	v0 =	vadd.f32 v8, v7;
	v7 =	vld [tilespmem:$0x1FBE0]  }
0x299: {  	v8 =	vld [tilespmem:$0x1FBF0]  }
0x29a: {  	v5 =	vld [tilespmem:$0x3BB0]  }
0x29b: {  	v14 =	vadd.f32 v17, v14;
	v17 =	vld [tilespmem:$0x3D30]  }
0x29c: {  	v2 =	vadd.f32 v25, v2;
	v25 =	vld [tilespmem:$0x1FC60]  }
0x29d: {  	v0 =	vadd.f32 v22, v0;
	v22 =	vld [tilespmem:$0x3AC0]  }
0x29e: {  	v1 =	vadd.f32 v9, v1;
	v9 =	vadd.f32 v59, v33;
	v33 =	vld [tilespmem:$0x3AF0]  }
0x29f: {  	v59 =	vld [tilespmem:$0x3B00]  }
0x2a0: {  	v10 =	vadd.f32 v10, v14;
	v14 =	vld [tilespmem:$0x3D50]  }
0x2a1: {  	v2 =	vadd.f32 v27, v2;
	v27 =	vld [tilespmem:$0x3B40]  }
0x2a2: {  	v20 =	vadd.f32 v50, v9;
	v50 =	vld [tilespmem:$0x3B10]  }
0x2a3: {  	v9 =	vld [tilespmem:$0x1FC50]  }
0x2a4: {  	v10 =	vadd.f32 v18, v10;
	v18 =	vld [tilespmem:$0x3D70]  }
0x2a5: {  	v1 =	vadd.f32 v6, v1;
	v6 =	vld [tilespmem:$0x1FC20]  }
0x2a6: {  	v0 =	vadd.f32 v7, v0;
	v7 =	vld [tilespmem:$0x1FC30]  }
0x2a7: {  	v2 =	vadd.f32 v29, v2;
	v29 =	vld [tilespmem:$0x1FC70]  }
0x2a8: {  	v10 =	vadd.f32 v19, v10;
	v19 =	vld [tilespmem:$0x3D90]  }
0x2a9: {  	v0 =	vadd.f32 v24, v0;
	v24 =	vld [tilespmem:$0x3B20]  }
0x2aa: {  	v1 =	vadd.f32 v8, v1;
	v8 =	vld [tilespmem:$0x1FC40]  }
0x2ab: {  	v2 =	vadd.f32 v32, v2;
	v32 =	vld [tilespmem:$0x1FC80]  }
0x2ac: {  	v10 =	vadd.f32 v21, v10;
	v21 =	vld [tilespmem:$0x3DB0]  }
0x2ad: {  	v1 =	vadd.f32 v43, v1;
	v43 =	vld [tilespmem:$0x1FC90]  }
0x2ae: {  	v2 =	vadd.f32 v34, v2;
	v34 =	vld [tilespmem:$0x1FCC0]  }
0x2af: {  	v50 =	vadd.f32 v50, v59;
	v59 =	vld [tilespmem:$0x1FE20]  }
0x2b0: {  	v0 =	vadd.f32 v6, v0;
	v6 =	vld [tilespmem:$0x3C10]  }
0x2b1: {  	v10 =	vadd.f32 v36, v10;
	v36 =	vld [tilespmem:$0x1FF80]  }
0x2b2: {  	v2 =	vadd.f32 v35, v2;
	v35 =	vld [tilespmem:$0x1FD00]  }
0x2b3: {  	v1 =	vadd.f32 v7, v1;
	v7 =	vld [tilespmem:$0x3BD0]  }
0x2b4: {  	v20 =	vadd.f32 v8, v20;
	v8 =	vld [tilespmem:$0x1FCA0]  }
0x2b5: {  	v0 =	vadd.f32 v9, v0;
	v9 =	vld [tilespmem:$0x1FCB0]  }
0x2b6: {  	v10 =	vadd.f32 v22, v10;
	v22 =	vld [tilespmem:$0x3DF0];
	v20 =	vadd.f32 v57, v20  }
0x2b7: {  	v1 =	vadd.f32 v25, v1;
	v25 =	vld [tilespmem:$0x3B70]  }
0x2b8: {  	v20 =	vadd.f32 v43, v20;
	v43 =	vld [tilespmem:$0x1FCD0]  }
0x2b9: {  	v2 =	vadd.f32 v37, v2;
	v37 =	vld [tilespmem:$0x1FD30];
	v0 =	vadd.f32 v29, v0  }
0x2ba: {  	v57 =	vld [tilespmem:$0x3B50]  }
0x2bb: {  	v0 =	vadd.f32 v8, v0;
	v8 =	vld [tilespmem:$0x1FCE0]  }
0x2bc: {  	v29 =	vld [tilespmem:$0x3B60];
	v1 =	vadd.f32 v32, v1  }
0x2bd: {  	v0 =	vadd.f32 v43, v0;
	v43 =	vld [tilespmem:$0x1FD10]  }
0x2be: {  	v10 =	vadd.f32 v63, v10;
	v63 =	vld [tilespmem:$0x3E40];
	v1 =	vadd.f32 v9, v1  }
0x2bf: {  	v32 =	vld [tilespmem:$0x3B80]  }
0x2c0: {  	v2 =	vadd.f32 v39, v2;
	v39 =	vld [tilespmem:$0x1FD60];
	v1 =	vadd.f32 v8, v1  }
0x2c1: {  	v10 =	vadd.f32 v62, v10;
	v62 =	vld [tilespmem:$0x3F30]  }
0x2c2: {  	v1 =	vadd.f32 v43, v1;
	v43 =	vld [tilespmem:$0x1FD40]  }
0x2c3: {  	v9 =	vld [tilespmem:$0x1FCF0]  }
0x2c4: {  	v2 =	vadd.f32 v41, v2;
	v41 =	vld [tilespmem:$0x1FD90]  }
0x2c5: {  	v20 =	vadd.f32 v34, v20;
	v34 =	vld [tilespmem:$0x3BA0]  }
0x2c6: {  	v10 =	vadd.f32 v33, v10;
	v33 =	vld [tilespmem:$0x1FF70]  }
0x2c7: {  	v1 =	vadd.f32 v43, v1;
	v43 =	vld [tilespmem:$0x1FD70]  }
0x2c8: {  	v2 =	vadd.f32 v46, v2;
	v20 =	vadd.f32 v9, v20;
	v9 =	vld [tilespmem:$0x1FD20]  }
0x2c9: {  	v46 =	vld [tilespmem:$0x3C20]  }
0x2ca: {  	v2 =	vadd.f32 v47, v2;
	v47 =	vld [tilespmem:$0x1FDD0];
	v0 =	vadd.f32 v35, v0  }
0x2cb: {  	v8 =	vld [tilespmem:$0x3BF0]  }
0x2cc: {  	v0 =	vadd.f32 v37, v0;
	v1 =	vadd.f32 v43, v1;
	v43 =	vld [tilespmem:$0x1FDA0]  }
0x2cd: {  	v20 =	vadd.f32 v9, v20;
	v9 =	vld [tilespmem:$0x1FD50]  }
0x2ce: {  	v0 =	vadd.f32 v39, v0;
	v39 =	vld [tilespmem:$0x3C00]  }
0x2cf: {  	v35 =	vld [tilespmem:$0x3BC0]  }
0x2d0: {  	v2 =	vadd.f32 v55, v2;
	v55 =	vld [tilespmem:$0x1FE00]  }
0x2d1: {  	v1 =	vadd.f32 v43, v1;
	v43 =	vld [tilespmem:$0x1FDC0]  }
0x2d2: {  	v20 =	vadd.f32 v9, v20;
	v9 =	vld [tilespmem:$0x1FD80]  }
0x2d3: {  	v37 =	vld [tilespmem:$0x3BE0];
	v6 =	vadd.f32 v6, v39  }
0x2d4: {  	v0 =	vadd.f32 v41, v0;
	v41 =	vld [tilespmem:$0x1FDB0]  }
0x2d5: {  	v6 =	vadd.f32 v46, v6;
	v46 =	vld [tilespmem:$0x1FF00]  }
0x2d6: {  	v0 =	vadd.f32 v43, v0;
	v43 =	vld [tilespmem:$0x1FDE0]  }
0x2d7: {  	v39 =	vld [tilespmem:$0x3EA0];
	v20 =	vadd.f32 v9, v20  }
0x2d8: {  	v9 =	vld [tilespmem:$0x3C40]  }
0x2d9: {  	v20 =	vadd.f32 v41, v20;
	v41 =	vld [tilespmem:$0x3C30]  }
0x2da: {  	[tilespmem:$0x4200] =	vst v46;
	v46 =	vld [tilespmem:$0x1FFC0]  }
0x2db: {  	v47 =	vadd.f32 v47, v1;
	v1 =	vld [tilespmem:$0x3C50];
	v20 =	vadd.f32 v43, v20  }
0x2dc: {  	v43 =	vld [tilespmem:$0x1FDF0]  }
0x2dd: {  	v55 =	vadd.f32 v55, v20;
	v20 =	vadd.f32 v45, v49;
	v45 =	vld [tilespmem:$0x1FE10]  }
0x2de: {  	v6 =	vadd.f32 v41, v6;
	v41 =	vld [tilespmem:$0x3F40]  }
0x2df: {  	v49 =	vld [tilespmem:$0x3C70]  }
0x2e0: {  	v53 =	vadd.f32 v53, v20;
	v20 =	vld [tilespmem:$0x3C90]  }
0x2e1: {  	v6 =	vadd.f32 v9, v6;
	v43 =	vadd.f32 v43, v0;
	v0 =	vld [tilespmem:$0x3C60]  }
0x2e2: {  	v45 =	vadd.f32 v45, v2;
	v2 =	vadd.f32 v23, v28;
	v23 =	vld [tilespmem:$0x3C80]  }
0x2e3: {  	v28 =	vadd.f32 v60, v53;
	v53 =	vadd.f32 v24, v50;
	v24 =	vld [tilespmem:$0x3CC0]  }
0x2e4: {  	v26 =	vadd.f32 v26, v2;
	v2 =	vld [tilespmem:$0x3CA0]  }
0x2e5: {  	v1 =	vadd.f32 v1, v6;
	v28 =	vadd.f32 v59, v28;
	v59 =	vld [tilespmem:$0x1FE60]  }
0x2e6: {  	v60 =	vadd.f32 v30, v26;
	v26 =	vadd.f32 v3, v53;
	v3 =	vld [tilespmem:$0x3CF0]  }
0x2e7: {  	v0 =	vadd.f32 v0, v1;
	v53 =	vld [tilespmem:$0x1FE40]  }
0x2e8: {  	v30 =	vld [tilespmem:$0x3D20]  }
0x2e9: {  	v0 =	vadd.f32 v49, v0;
	v49 =	vld [tilespmem:$0x1FFD0]  }
0x2ea: {  	v60 =	vadd.f32 v31, v60;
	v31 =	vld [tilespmem:$0x1FE30];
	v26 =	vadd.f32 v27, v26  }
0x2eb: {  	v27 =	vld [tilespmem:$0x3D00]  }
0x2ec: {  	v26 =	vadd.f32 v57, v26;
	v57 =	vld [tilespmem:$0x1FE50]  }
0x2ed: {  	v50 =	vadd.f32 v38, v60;
	v60 =	vld [tilespmem:$0x1FE70]  }
0x2ee: {  	v38 =	vld [tilespmem:$0x1FE80]  }
0x2ef: {  	v26 =	vadd.f32 v29, v26;
	v29 =	vld [tilespmem:$0x3D40]  }
0x2f0: {  	v15 =	vadd.f32 v40, v50;
	v40 =	vld [tilespmem:$0x1FE90]  }
0x2f1: {  	v50 =	vld [tilespmem:$0x1FEC0]  }
0x2f2: {  	v28 =	vadd.f32 v31, v28;
	v31 =	vld [tilespmem:$0x3D80]  }
0x2f3: {  	v25 =	vadd.f32 v25, v26;
	v26 =	vld [tilespmem:$0x3D60]  }
0x2f4: {  	v15 =	vadd.f32 v42, v15;
	v42 =	vld [tilespmem:$0x1FEA0]  }
0x2f5: {  	v28 =	vadd.f32 v53, v28;
	v53 =	vld [tilespmem:$0x1FED0]  }
0x2f6: {  	v25 =	vadd.f32 v32, v25;
	v32 =	vld [tilespmem:$0x3DC0]  }
0x2f7: {  	v15 =	vadd.f32 v44, v15;
	v44 =	vld [tilespmem:$0x1FEB0]  }
0x2f8: {  	v28 =	vadd.f32 v57, v28;
	v57 =	vld [tilespmem:$0x3E20]  }
0x2f9: {  	v4 =	vadd.f32 v4, v25;
	v25 =	vld [tilespmem:$0x3DA0]  }
0x2fa: {  	v15 =	vadd.f32 v48, v15;
	v48 =	vld [tilespmem:$0x3E00]  }
0x2fb: {  	v28 =	vadd.f32 v59, v28;
	v4 =	vadd.f32 v34, v4;
	v34 =	vld [tilespmem:$0x3DD0]  }
0x2fc: {  	v15 =	vadd.f32 v51, v15;
	v51 =	vld [tilespmem:$0x3E10]  }
0x2fd: {  	v28 =	vadd.f32 v60, v28;
	v60 =	vld [tilespmem:$0x3E30]  }
0x2fe: {  	v15 =	vadd.f32 v61, v15;
	v4 =	vadd.f32 v5, v4;
	v5 =	vld [tilespmem:$0x3DE0]  }
0x2ff: {  	v28 =	vadd.f32 v38, v28;
	v38 =	vld [tilespmem:$0x1FF90]  }
0x300: {  	v15 =	vadd.f32 v58, v15;
	v58 =	vld [tilespmem:$0x3F20]  }
0x301: {  	v4 =	vadd.f32 v35, v4;
	v35 =	vld [tilespmem:$0x3E90]  }
0x302: {  	v28 =	vadd.f32 v40, v28;
	v40 =	vld [tilespmem:$0x1FEE0]  }
0x303: {  	v0 =	vadd.f32 v23, v0;
	v61 =	vadd.f32 v51, v48;
	v51 =	vld [tilespmem:$0x1FF10]  }
0x304: {  	v15 =	vadd.f32 v56, v15;
	v56 =	vld [tilespmem:$0x3F10]  }
0x305: {  	v0 =	vadd.f32 v20, v0;
	v28 =	vadd.f32 v42, v28;
	v42 =	vld [tilespmem:$0x1FEF0]  }
0x306: {  	v59 =	vadd.f32 v16, v27;
	v27 =	vadd.f32 v57, v61;
	v57 =	vld [tilespmem:$0x1FF30]  }
0x307: {  	v4 =	vadd.f32 v7, v4;
	v15 =	vadd.f32 v52, v15;
	v52 =	vld [tilespmem:$0x3F00]  }
0x308: {  	v0 =	vadd.f32 v2, v0;
	v61 =	vld [tilespmem:$0x3F70]  }
0x309: {  	v4 =	vadd.f32 v37, v4;
	v37 =	vld [tilespmem:$0x3F90]  }
0x30a: {  	v0 =	vadd.f32 v12, v0;
	v28 =	vadd.f32 v44, v28;
	v44 =	vld [tilespmem:$0x3E50]  }
0x30b: {  	v4 =	vadd.f32 v8, v4;
	v8 =	vadd.f32 v30, v59;
	v59 =	vld [tilespmem:$0x1FF40]  }
0x30c: {  	v30 =	vld [tilespmem:$0x3F80];
	v7 =	vadd.f32 v56, v52  }
0x30d: {  	v0 =	vadd.f32 v24, v0;
	[tilespmem:$0x4100] =	vst v40;
	v40 =	vld [tilespmem:$0x1FFA0]  }
0x30e: {  	[tilespmem:$0x4280] =	vst v51;
	v51 =	vld [tilespmem:$0x1FFE0];
	v8 =	vadd.f32 v17, v8;
	v7 =	vadd.f32 v58, v7  }
0x30f: {  	v48 =	vadd.f32 v60, v27;
	v28 =	vadd.f32 v50, v28;
	v50 =	vld [tilespmem:$0x3F50]  }
0x310: {  	[tilespmem:$0x4600] =	vst v36;
	v52 =	vld [tilespmem:$0x3E60];
	v8 =	vadd.f32 v29, v8;
	v7 =	vadd.f32 v62, v7  }
0x311: {  	[tilespmem:$0x4D00] =	vst v10;
	v15 =	vadd.f32 v54, v15;
	v54 =	vadd.f32 v63, v48;
	v56 =	vld [tilespmem:$0x3F60]  }
0x312: {  	[tilespmem:$0x4580] =	vst v33;
	v58 =	vld [tilespmem:$0x3E70];
	v8 =	vadd.f32 v14, v8;
	v7 =	vadd.f32 v41, v7  }
0x313: {  	[tilespmem:$0x4800] =	vst v46;
	v0 =	vadd.f32 v11, v0;
	v63 =	vld [tilespmem:$0x3E80];
	v60 =	vadd.f32 v44, v54  }
0x314: {  	[tilespmem:$0x4A00] =	vst v47;
	v48 =	vld [tilespmem:$0x3FB0];
	v8 =	vadd.f32 v26, v8;
	v7 =	vadd.f32 v50, v7  }
0x315: {  	v0 =	vadd.f32 v13, v0;
	[tilespmem:$0x4180] =	vst v42;
	v42 =	vld [tilespmem:$0x1FFB0];
	v1 =	vadd.f32 v52, v60  }
0x316: {  	[tilespmem:$0x4380] =	vst v57;
	v57 =	vld [tilespmem:$0x3EE0];
	v8 =	vadd.f32 v18, v8;
	v7 =	vadd.f32 v56, v7  }
0x317: {  	[tilespmem:$0x4B00] =	vst v55;
	v28 =	vadd.f32 v53, v28;
	v53 =	vld [tilespmem:$0x1FF20];
	v1 =	vadd.f32 v58, v1  }
0x318: {  	[tilespmem:$0x4A80] =	vst v43;
	v29 =	vld [tilespmem:$0x1FF60];
	v8 =	vadd.f32 v31, v8;
	v6 =	vadd.f32 v61, v7  }
0x319: {  	[tilespmem:$0x4B80] =	vst v45;
	v0 =	vadd.f32 v3, v0;
	v41 =	vld [tilespmem:$0x3FA0];
	v1 =	vadd.f32 v63, v1  }
0x31a: {  	[tilespmem:$0x4880] =	vst v49;
	v44 =	vld [tilespmem:$0x3EB0];
	v8 =	vadd.f32 v19, v8;
	v6 =	vadd.f32 v30, v6  }
0x31b: {  	[tilespmem:$0x4E00] =	vst v0;
	v54 =	vld [tilespmem:$0x3ED0];
	v1 =	vadd.f32 v35, v1  }
0x31c: {  	[tilespmem:$0x4680] =	vst v38;
	v50 =	vld [tilespmem:$0x3EC0];
	v8 =	vadd.f32 v25, v8;
	v6 =	vadd.f32 v37, v6  }
0x31d: {  	[tilespmem:$0x4C80] =	vst v15;
	v52 =	vld [tilespmem:$0x3FC0];
	v1 =	vadd.f32 v39, v1  }
0x31e: {  	[tilespmem:$0x4400] =	vst v59;
	v59 =	vld [tilespmem:$0x3EF0];
	v8 =	vadd.f32 v21, v8;
	v6 =	vadd.f32 v41, v6  }
0x31f: {  	[tilespmem:$0x4D80] =	vst v4;
	v56 =	vld [tilespmem:$0x3FD0];
	v1 =	vadd.f32 v44, v1  }
0x320: {  	[tilespmem:$0x4700] =	vst v40;
	v62 =	vld [tilespmem:$0x1FF50];
	v8 =	vadd.f32 v32, v8;
	v2 =	vadd.f32 v48, v6  }
0x321: {  	[tilespmem:$0x4900] =	vst v51;
	v58 =	vld [tilespmem:$0x3FE0];
	v1 =	vadd.f32 v50, v1  }
0x322: {  	[tilespmem:$0x4300] =	vst v53;
	v53 =	vld [tilespmem:$0x1FFF0];
	v8 =	vadd.f32 v34, v8;
	v2 =	vadd.f32 v52, v2  }
0x323: {  	[tilespmem:$0x4C00] =	vst v28;
	v60 =	vld [tilespmem:$0x3FF0];
	v1 =	vadd.f32 v54, v1  }
0x324: {  	[tilespmem:$0x4780] =	vst v42;
	v5 =	vadd.f32 v5, v8;
	v2 =	vadd.f32 v56, v2  }
0x325: {  	[tilespmem:$0x4500] =	vst v29;
	v1 =	vadd.f32 v57, v1  }
0x326: {  	[tilespmem:$0x4480] =	vst v62;
	v61 =	vadd.f32 v22, v5;
	v2 =	vadd.f32 v58, v2  }
0x327: {  	[tilespmem:$0x4980] =	vst v53;
	v62 =	vadd.f32 v59, v1  }
0x328: {  	[tilespmem:$0x4E80] =	vst v61;
	v63 =	vadd.f32 v60, v2  }
0x329: {  	p0 =	sne.s32 s6, $0x1;
	[tilespmem:$0x4F00] =	vst v62  }
.Ltmp0:
0x32a: {  	[tilespmem:$0x4F80] =	vst v63;
	(pc) =	sbr.rel @p0 .LBB2_1-.Ltmp0, $4  }
0x32b: {  	[hbm4b:s5+s2] =	stream.linear.scatter [tilespmem:s10], [sflag:$0x2], $0x1000, $0x38;
	[tilespmem:$0x5000] =	vst v63  }
0x32c: {  	_ =	swait.ge [sflag:s7], $0x1000  }
0x32d: {  	[sflag:s7] =	ssyncset.done $0x0  }
0x32e: {  	s6 =	sadd.s32 $0xFFFFFFFF, s6;
	[sflag:s7] =	ssyncadd.s32 $0xFFFFF000  }
0x32f: {  	_ =	sfence.sel $0x180000  }
0x330: {  	[bflag:$0x0] =	sbarrier.arrive $0xFFFF  }
0x331: {  	p0 =	sne.s32 s1, $0x0;
	_ =	strace $0x90000047  }
0x332: {  	s0 =	sadd.s32 @!p0 $0x100000, s0;
	[bflag:$0x2] =	sbarrier.arrive $0xFFFF  }
0x333: {  	[sflag:s0] =	ssyncadd.tile.s32 @!p0 $0x1;
	_ =	shalt  }
.Lfunc_end2:
_tile_overlayer_lowered:
.L_overlay_start_2:
0x334: {  	(tag) =	ssettag $0x2  }
0x335: {  	s0 =	rddreg [dreg:$0x0];
	s2 =	stileid.u32  }
0x336: {  	s1 =	rddreg [dreg:$0x1];
	p0 =	sne.s32 s2, $0x0  }
0x337: {  	s3 =	rddreg [dreg:$0x2];
	[bflag:$0x3] =	sbarrier.arrive $0xFFFF;
	s2 =	simm.s32 @!p0 $0x1C02  }
0x338: {  	[timem:s3], [sflag:s2] =	dma.local @!p0 [hbm:s0], s1  }
0x339: {  	s0 =	simm.s32 @!p0 $0x2  }
0x33a: {  	_ =	swait.ge @!p0 [sflag:s0], s1  }
0x33b: {  	s1 =	ssub.s32 @!p0 $0x0, s1;
	[sflag:s0] =	ssyncset.done @!p0 $0x0  }
0x33c: {  	[sflag:s0] =	ssyncadd.s32 @!p0 s1  }
0x33d: {  	[bflag:$0x3] =	sbarrier.arrive $0xFFFF  }
0x33e: {  	_ =	shalt  }

</sc_bundles>
